<compile_context>
chip_gen: v7x
topology: tpu7x:2x2x1
jax: 0.10.2.dev20260603
libtpu: 0.0.44.dev20260713+nightly
codegen_flags: <defaults>
</compile_context>

<pallas_src>
import functools

import jax
import jax.numpy as jnp
from jax import lax
from jax.experimental import pallas as pl
from jax.experimental.pallas import tpu as pltpu
from jax.experimental.pallas import tpu_sc as plsc


def _make_sc_gather(total, dim, chunkp, s_chunks):
    info = plsc.get_sparse_core_info()
    nc, ns = info.num_cores, info.num_subcores
    nw = nc * ns
    half = total // 2
    per_w = half // nw
    n_iter = per_w // chunkp
    n_super = n_iter // s_chunks
    assert n_iter % s_chunks == 0 and n_iter % 2 == 0
    scm = s_chunks * chunkp
    dim2 = 2 * dim
    mesh = plsc.VectorSubcoreMesh(core_axis_name="c", subcore_axis_name="s")

    @functools.partial(
        pl.kernel,
        mesh=mesh,
        out_type=jax.ShapeDtypeStruct((half, dim2), jnp.float32),
        compiler_params=pltpu.CompilerParams(needs_layout_passes=False),
        scratch_types=[
            pltpu.VMEM((2 * scm,), jnp.int32),
            pltpu.VMEM((2 * scm,), jnp.int32),
            pltpu.VMEM((2 * scm,), jnp.int32),
            pltpu.VMEM((2 * scm,), jnp.int32),
            pltpu.VMEM((2, chunkp, dim2), jnp.float32),
            pltpu.VMEM((2, chunkp, dim2), jnp.float32),
            pltpu.VMEM((2, chunkp, dim2), jnp.float32),
            pltpu.SemaphoreType.DMA,
            pltpu.SemaphoreType.DMA,
            pltpu.SemaphoreType.DMA,
            pltpu.SemaphoreType.DMA,
            pltpu.SemaphoreType.DMA,
            pltpu.SemaphoreType.DMA,
            pltpu.SemaphoreType.DMA,
        ],
    )
    def gather(i2a_hbm, i2b_hbm, ofa_hbm, ofb_hbm, table2_hbm, emb2_hbm,
               ia, ib, oab, obb, rowsa, rowsb, outv,
               sga0, sga1, sgb0, sgb1, swb0, swb1, semm):
        wid = lax.axis_index("s") * nc + lax.axis_index("c")
        w_base = wid * per_w
        sga = (sga0, sga1)
        sgb = (sgb0, sgb1)
        swb = (swb0, swb1)

        def mpos(i):
            return ((i // s_chunks) % 2) * scm + (i % s_chunks) * chunkp

        def meta_fire(s):
            reg = (s % 2) * scm
            base = w_base + s * scm
            pltpu.async_copy(i2a_hbm.at[pl.ds(base, scm)], ia.at[pl.ds(reg, scm)], semm)
            pltpu.async_copy(i2b_hbm.at[pl.ds(base, scm)], ib.at[pl.ds(reg, scm)], semm)
            pltpu.async_copy(ofa_hbm.at[pl.ds(base, scm)], oab.at[pl.ds(reg, scm)], semm)
            pltpu.async_copy(ofb_hbm.at[pl.ds(base, scm)], obb.at[pl.ds(reg, scm)], semm)

        def meta_wait(s):
            reg = (s % 2) * scm
            base = w_base + s * scm
            pltpu.make_async_copy(i2a_hbm.at[pl.ds(base, scm)], ia.at[pl.ds(reg, scm)], semm).wait()
            pltpu.make_async_copy(i2b_hbm.at[pl.ds(base, scm)], ib.at[pl.ds(reg, scm)], semm).wait()
            pltpu.make_async_copy(ofa_hbm.at[pl.ds(base, scm)], oab.at[pl.ds(reg, scm)], semm).wait()
            pltpu.make_async_copy(ofb_hbm.at[pl.ds(base, scm)], obb.at[pl.ds(reg, scm)], semm).wait()

        def gather_fire(b, j):
            @pl.when(jnp.logical_and(j % s_chunks == 0, j > 0))
            def _():
                meta_wait(j // s_chunks)
            mp = mpos(j)
            pltpu.async_copy(table2_hbm.at[ia.at[pl.ds(mp, chunkp)]], rowsa.at[b], sga[b])
            pltpu.async_copy(table2_hbm.at[ib.at[pl.ds(mp, chunkp)]], rowsb.at[b], sgb[b])

        def consume(b, i):
            pltpu.make_async_copy(
                table2_hbm.at[ia.at[pl.ds(0, chunkp)]], rowsa.at[b], sga[b]).wait()
            pltpu.make_async_copy(
                table2_hbm.at[ib.at[pl.ds(0, chunkp)]], rowsb.at[b], sgb[b]).wait()

            @pl.when(i >= 2)
            def _():
                pltpu.make_async_copy(
                    outv.at[b], emb2_hbm.at[pl.ds(w_base, chunkp)], swb[b]).wait()

            mp = mpos(i)

            def sel(g, c2):
                oavec = oab[pl.ds(mp + g * 16, 16)]
                obvec = obb[pl.ds(mp + g * 16, 16)]
                for j16 in range(16):
                    r = g * 16 + j16
                    oa = oavec[j16]
                    ob = obvec[j16]
                    for k in range(dim // 16):
                        outv[b, r, pl.ds(k * 16, 16)] = rowsa[b, r, pl.ds(oa + k * 16, 16)]
                        outv[b, r, pl.ds(dim + k * 16, 16)] = rowsb[b, r, pl.ds(ob + k * 16, 16)]
                return c2

            lax.fori_loop(0, chunkp // 16, sel, 0)
            pltpu.async_copy(
                outv.at[b], emb2_hbm.at[pl.ds(w_base + i * chunkp, chunkp)], swb[b])

            @pl.when(jnp.logical_and(i % s_chunks == 0, i + s_chunks < n_iter))
            def _():
                meta_fire(i // s_chunks + 1)

            @pl.when(i + 2 < n_iter)
            def _():
                gather_fire(b, i + 2)

        meta_fire(0)
        meta_wait(0)
        gather_fire(0, 0)
        gather_fire(1, 1)

        def body(k, carry):
            for b in range(2):
                consume(b, 2 * k + b)
            return carry

        lax.fori_loop(0, n_iter // 2, body, 0)
        pltpu.make_async_copy(
            outv.at[0], emb2_hbm.at[pl.ds(w_base, chunkp)], swb0).wait()
        pltpu.make_async_copy(
            outv.at[1], emb2_hbm.at[pl.ds(w_base, chunkp)], swb1).wait()

    return gather


def _mm_body(emb_ref, w_ref, b_ref, out_ref):
    out_ref[...] = (
        jnp.dot(emb_ref[...], w_ref[0], preferred_element_type=jnp.float32)
        + b_ref[...]
    )


def _project(emb2, w3, b2, block_m):
    half, dim2 = emb2.shape
    out_dim = w3.shape[2]
    g2 = half // block_m
    return pl.pallas_call(
        _mm_body,
        grid=(g2, 2),
        in_specs=[
            pl.BlockSpec((block_m, dim2), lambda i, s: (i, 0)),
            pl.BlockSpec((1, dim2, out_dim), lambda i, s: (s, 0, 0)),
            pl.BlockSpec((1, out_dim), lambda i, s: (0, 0)),
        ],
        out_specs=pl.BlockSpec((block_m, out_dim), lambda i, s: (s * g2 + i, 0)),
        out_shape=jax.ShapeDtypeStruct((2 * half, out_dim), jnp.float32),
    )(emb2, w3, b2)


def kernel(x, table, W, b):
    batch, hist = x.shape
    vocab, dim = table.shape
    out_dim = W.shape[0]
    total = batch * hist
    half = total // 2

    idx = x.reshape(-1).astype(jnp.int32)
    idx2 = idx >> 1
    off = (idx & 1) << 6
    table2 = table.reshape(vocab // 2, 2 * dim)

    scale = jnp.sqrt(jnp.float32(dim))
    wt = (W * scale).T
    zero = jnp.zeros((dim, out_dim), jnp.float32)
    w_lo = jnp.concatenate([wt, zero], axis=0)
    w_hi = jnp.concatenate([zero, wt], axis=0)
    w3 = jnp.stack([w_lo, w_hi], axis=0)
    b2 = b.reshape(1, out_dim)

    gather = _make_sc_gather(total, dim, chunkp=128, s_chunks=10)
    emb2 = gather(idx2[:half], idx2[half:], off[:half], off[half:], table2)

    out = _project(emb2, w3, b2, block_m=2048)
    return out.reshape(batch, hist, out_dim)

# --- scband reference (transcript-rebuilt; emitter-appended) ---
"""Pipeline reference for scband-pretrained-embeddings-70093866270939 (READ-ONLY COPY).

The authoritative reference and input builder live on the scoring server;
editing this copy changes nothing except your own understanding.
"""

import jax, jax.numpy as jnp
import numpy as np

VOCAB = 1000000
EMBED_DIM = 64
D_MODEL = 128
BATCH = 16384
HIST = 50


def setup_inputs(seed: int = 0) -> dict:
    key = jax.random.key(seed)
    k1, k2, k3 = jax.random.split(key, 3)
    x = jax.random.randint(k1, (BATCH, HIST), 0, VOCAB, dtype=jnp.int64)
    table = jax.random.normal(k2, (VOCAB, EMBED_DIM), dtype=jnp.float32)
    W = jax.random.normal(k3, (D_MODEL, EMBED_DIM), dtype=jnp.float32) * 0.05
    b = jnp.zeros((D_MODEL,), dtype=jnp.float32)
    return {"x": x, "table": table, "W": W, "b": b}


def reference(x, table, W, b):
    # Embeddings.forward: lut(x) * sqrt(embedding_dim)
    emb = jnp.take(table, x, axis=0) * np.sqrt(float(EMBED_DIM)).astype(np.float32)
    # PretrainedEmbeddings.forward: fc(emb)
    out = jnp.einsum('bld,od->blo', emb, W) + b
    return out

if __name__ == "__main__":
    import jax
    _d = setup_inputs()
    print(jax.jit(kernel)(*tuple(_d.values())))

</pallas_src>

<mosaic_0001>
#map = affine_map<(d0, d1) -> (0)>
#map1 = affine_map<(d0, d1) -> (0, 0)>
module attributes {stable_mosaic.version = 14 : i64} {
  func.func @gather(%arg0: i32, %arg1: i32, %arg2: memref<409600xi32, #tpu.memory_space<hbm>>, %arg3: memref<409600xi32, #tpu.memory_space<hbm>>, %arg4: memref<409600xi32, #tpu.memory_space<hbm>>, %arg5: memref<409600xi32, #tpu.memory_space<hbm>>, %arg6: memref<500000x128xf32, #tpu.memory_space<hbm>>, %arg7: memref<409600x128xf32, #tpu.memory_space<hbm>>, %arg8: memref<2560xi32, #tpu.memory_space<vmem>>, %arg9: memref<2560xi32, #tpu.memory_space<vmem>>, %arg10: memref<2560xi32, #tpu.memory_space<vmem>>, %arg11: memref<2560xi32, #tpu.memory_space<vmem>>, %arg12: memref<2x128x128xf32, #tpu.memory_space<vmem>>, %arg13: memref<2x128x128xf32, #tpu.memory_space<vmem>>, %arg14: memref<2x128x128xf32, #tpu.memory_space<vmem>>, %arg15: memref<!tpu.dma_semaphore, #tpu.memory_space<semaphore_mem>>, %arg16: memref<!tpu.dma_semaphore, #tpu.memory_space<semaphore_mem>>, %arg17: memref<!tpu.dma_semaphore, #tpu.memory_space<semaphore_mem>>, %arg18: memref<!tpu.dma_semaphore, #tpu.memory_space<semaphore_mem>>, %arg19: memref<!tpu.dma_semaphore, #tpu.memory_space<semaphore_mem>>, %arg20: memref<!tpu.dma_semaphore, #tpu.memory_space<semaphore_mem>>, %arg21: memref<!tpu.dma_semaphore, #tpu.memory_space<semaphore_mem>>) attributes {dimension_semantics = [#tpu.dimension_semantics<core_parallel>, #tpu.dimension_semantics<subcore_parallel>], iteration_bounds = array<i64: 2, 16>, scalar_prefetch = 0 : i64, scratch_operands = 14 : i64, tpu.core_type = #tpu.core_type<sc_vector_subcore>, window_params = [{transform_indices = #map}, {transform_indices = #map}, {transform_indices = #map}, {transform_indices = #map}, {transform_indices = #map1}, {transform_indices = #map1}]} {
    %mul3A = arith.constant 2 : i32
    %mul3A_0 = arith.muli %arg1, %mul3A : i32
    %add3A = arith.addi %mul3A_0, %arg0 : i32
    %mul3A_1 = arith.constant 12800 : i32
    %mul3A_2 = arith.muli %add3A, %mul3A_1 : i32
    %add3A_3 = arith.constant 0 : i32
    %add3A_4 = arith.addi %mul3A_2, %add3A_3 : i32
    %dma_start3A = arith.constant 0 : i32
    %dma_start3A_5 = tpu.memref_slice %arg8[%dma_start3A] : memref<2560xi32, #tpu.memory_space<vmem>> -> memref<1280xi32, #tpu.memory_space<vmem>>
    %dma_start3A_6 = tpu.memref_slice %arg2[%add3A_4] : memref<409600xi32, #tpu.memory_space<hbm>> -> memref<1280xi32, #tpu.memory_space<hbm>>
    %dma_start3A_7 = arith.constant 0 : i32
    %dma_start3A_8 = tpu.memref_slice %arg8[%dma_start3A_7] : memref<2560xi32, #tpu.memory_space<vmem>> -> memref<1280xi32, #tpu.memory_space<vmem>>
    %dma_start3A_9 = tpu.memref_slice %arg2[%add3A_4] : memref<409600xi32, #tpu.memory_space<hbm>> -> memref<1280xi32, #tpu.memory_space<hbm>>
    tpu.enqueue_dma source(%dma_start3A_9 : memref<1280xi32, #tpu.memory_space<hbm>>) target(%dma_start3A_8 : memref<1280xi32, #tpu.memory_space<vmem>>) target_semaphore(%arg21 : memref<!tpu.dma_semaphore, #tpu.memory_space<semaphore_mem>>)
    %dma_start3A_10 = arith.constant 0 : i32
    %dma_start3A_11 = tpu.memref_slice %arg9[%dma_start3A_10] : memref<2560xi32, #tpu.memory_space<vmem>> -> memref<1280xi32, #tpu.memory_space<vmem>>
    %dma_start3A_12 = tpu.memref_slice %arg3[%add3A_4] : memref<409600xi32, #tpu.memory_space<hbm>> -> memref<1280xi32, #tpu.memory_space<hbm>>
    %dma_start3A_13 = arith.constant 0 : i32
    %dma_start3A_14 = tpu.memref_slice %arg9[%dma_start3A_13] : memref<2560xi32, #tpu.memory_space<vmem>> -> memref<1280xi32, #tpu.memory_space<vmem>>
    %dma_start3A_15 = tpu.memref_slice %arg3[%add3A_4] : memref<409600xi32, #tpu.memory_space<hbm>> -> memref<1280xi32, #tpu.memory_space<hbm>>
    tpu.enqueue_dma source(%dma_start3A_15 : memref<1280xi32, #tpu.memory_space<hbm>>) target(%dma_start3A_14 : memref<1280xi32, #tpu.memory_space<vmem>>) target_semaphore(%arg21 : memref<!tpu.dma_semaphore, #tpu.memory_space<semaphore_mem>>)
    %dma_start3A_16 = arith.constant 0 : i32
    %dma_start3A_17 = tpu.memref_slice %arg10[%dma_start3A_16] : memref<2560xi32, #tpu.memory_space<vmem>> -> memref<1280xi32, #tpu.memory_space<vmem>>
    %dma_start3A_18 = tpu.memref_slice %arg4[%add3A_4] : memref<409600xi32, #tpu.memory_space<hbm>> -> memref<1280xi32, #tpu.memory_space<hbm>>
    %dma_start3A_19 = arith.constant 0 : i32
    %dma_start3A_20 = tpu.memref_slice %arg10[%dma_start3A_19] : memref<2560xi32, #tpu.memory_space<vmem>> -> memref<1280xi32, #tpu.memory_space<vmem>>
    %dma_start3A_21 = tpu.memref_slice %arg4[%add3A_4] : memref<409600xi32, #tpu.memory_space<hbm>> -> memref<1280xi32, #tpu.memory_space<hbm>>
    tpu.enqueue_dma source(%dma_start3A_21 : memref<1280xi32, #tpu.memory_space<hbm>>) target(%dma_start3A_20 : memref<1280xi32, #tpu.memory_space<vmem>>) target_semaphore(%arg21 : memref<!tpu.dma_semaphore, #tpu.memory_space<semaphore_mem>>)
    %dma_start3A_22 = arith.constant 0 : i32
    %dma_start3A_23 = tpu.memref_slice %arg11[%dma_start3A_22] : memref<2560xi32, #tpu.memory_space<vmem>> -> memref<1280xi32, #tpu.memory_space<vmem>>
    %dma_start3A_24 = tpu.memref_slice %arg5[%add3A_4] : memref<409600xi32, #tpu.memory_space<hbm>> -> memref<1280xi32, #tpu.memory_space<hbm>>
    %dma_start3A_25 = arith.constant 0 : i32
    %dma_start3A_26 = tpu.memref_slice %arg11[%dma_start3A_25] : memref<2560xi32, #tpu.memory_space<vmem>> -> memref<1280xi32, #tpu.memory_space<vmem>>
    %dma_start3A_27 = tpu.memref_slice %arg5[%add3A_4] : memref<409600xi32, #tpu.memory_space<hbm>> -> memref<1280xi32, #tpu.memory_space<hbm>>
    tpu.enqueue_dma source(%dma_start3A_27 : memref<1280xi32, #tpu.memory_space<hbm>>) target(%dma_start3A_26 : memref<1280xi32, #tpu.memory_space<vmem>>) target_semaphore(%arg21 : memref<!tpu.dma_semaphore, #tpu.memory_space<semaphore_mem>>)
    %add3A_28 = arith.constant 0 : i32
    %add3A_29 = arith.addi %mul3A_2, %add3A_28 : i32
    %dma_wait3A = arith.constant 0 : i32
    %dma_wait3A_30 = tpu.memref_slice %arg8[%dma_wait3A] : memref<2560xi32, #tpu.memory_space<vmem>> -> memref<1280xi32, #tpu.memory_space<vmem>>
    %dma_wait3A_31 = tpu.memref_slice %arg2[%add3A_29] : memref<409600xi32, #tpu.memory_space<hbm>> -> memref<1280xi32, #tpu.memory_space<hbm>>
    %dma_wait3A_32 = arith.constant 0 : i32
    %dma_wait3A_33 = tpu.memref_slice %arg8[%dma_wait3A_32] : memref<2560xi32, #tpu.memory_space<vmem>> -> memref<1280xi32, #tpu.memory_space<vmem>>
    %dma_wait3A_34 = tpu.memref_slice %arg2[%add3A_29] : memref<409600xi32, #tpu.memory_space<hbm>> -> memref<1280xi32, #tpu.memory_space<hbm>>
    tpu.wait_dma2 semaphore(%arg21 : memref<!tpu.dma_semaphore, #tpu.memory_space<semaphore_mem>>) src(%dma_wait3A_34 : memref<1280xi32, #tpu.memory_space<hbm>>) dst(%dma_wait3A_33 : memref<1280xi32, #tpu.memory_space<vmem>>)
    %dma_wait3A_35 = arith.constant 0 : i32
    %dma_wait3A_36 = tpu.memref_slice %arg9[%dma_wait3A_35] : memref<2560xi32, #tpu.memory_space<vmem>> -> memref<1280xi32, #tpu.memory_space<vmem>>
    %dma_wait3A_37 = tpu.memref_slice %arg3[%add3A_29] : memref<409600xi32, #tpu.memory_space<hbm>> -> memref<1280xi32, #tpu.memory_space<hbm>>
    %dma_wait3A_38 = arith.constant 0 : i32
    %dma_wait3A_39 = tpu.memref_slice %arg9[%dma_wait3A_38] : memref<2560xi32, #tpu.memory_space<vmem>> -> memref<1280xi32, #tpu.memory_space<vmem>>
    %dma_wait3A_40 = tpu.memref_slice %arg3[%add3A_29] : memref<409600xi32, #tpu.memory_space<hbm>> -> memref<1280xi32, #tpu.memory_space<hbm>>
    tpu.wait_dma2 semaphore(%arg21 : memref<!tpu.dma_semaphore, #tpu.memory_space<semaphore_mem>>) src(%dma_wait3A_40 : memref<1280xi32, #tpu.memory_space<hbm>>) dst(%dma_wait3A_39 : memref<1280xi32, #tpu.memory_space<vmem>>)
    %dma_wait3A_41 = arith.constant 0 : i32
    %dma_wait3A_42 = tpu.memref_slice %arg10[%dma_wait3A_41] : memref<2560xi32, #tpu.memory_space<vmem>> -> memref<1280xi32, #tpu.memory_space<vmem>>
    %dma_wait3A_43 = tpu.memref_slice %arg4[%add3A_29] : memref<409600xi32, #tpu.memory_space<hbm>> -> memref<1280xi32, #tpu.memory_space<hbm>>
    %dma_wait3A_44 = arith.constant 0 : i32
    %dma_wait3A_45 = tpu.memref_slice %arg10[%dma_wait3A_44] : memref<2560xi32, #tpu.memory_space<vmem>> -> memref<1280xi32, #tpu.memory_space<vmem>>
    %dma_wait3A_46 = tpu.memref_slice %arg4[%add3A_29] : memref<409600xi32, #tpu.memory_space<hbm>> -> memref<1280xi32, #tpu.memory_space<hbm>>
    tpu.wait_dma2 semaphore(%arg21 : memref<!tpu.dma_semaphore, #tpu.memory_space<semaphore_mem>>) src(%dma_wait3A_46 : memref<1280xi32, #tpu.memory_space<hbm>>) dst(%dma_wait3A_45 : memref<1280xi32, #tpu.memory_space<vmem>>)
    %dma_wait3A_47 = arith.constant 0 : i32
    %dma_wait3A_48 = tpu.memref_slice %arg11[%dma_wait3A_47] : memref<2560xi32, #tpu.memory_space<vmem>> -> memref<1280xi32, #tpu.memory_space<vmem>>
    %dma_wait3A_49 = tpu.memref_slice %arg5[%add3A_29] : memref<409600xi32, #tpu.memory_space<hbm>> -> memref<1280xi32, #tpu.memory_space<hbm>>
    %dma_wait3A_50 = arith.constant 0 : i32
    %dma_wait3A_51 = tpu.memref_slice %arg11[%dma_wait3A_50] : memref<2560xi32, #tpu.memory_space<vmem>> -> memref<1280xi32, #tpu.memory_space<vmem>>
    %dma_wait3A_52 = tpu.memref_slice %arg5[%add3A_29] : memref<409600xi32, #tpu.memory_space<hbm>> -> memref<1280xi32, #tpu.memory_space<hbm>>
    tpu.wait_dma2 semaphore(%arg21 : memref<!tpu.dma_semaphore, #tpu.memory_space<semaphore_mem>>) src(%dma_wait3A_52 : memref<1280xi32, #tpu.memory_space<hbm>>) dst(%dma_wait3A_51 : memref<1280xi32, #tpu.memory_space<vmem>>)
    %and3A = arith.constant true
    %and3A_53 = arith.constant false
    %and3A_54 = arith.andi %and3A, %and3A_53 : i1
    %convert_element_type3A = arith.extui %and3A_54 : i1 to i32
    %cond3A = arith.constant 0 : i32
    %cond3A_55 = arith.cmpi ne, %convert_element_type3A, %cond3A : i32
    scf.if %cond3A_55 {
      %add3A_133 = arith.constant 0 : i32
      %add3A_134 = arith.addi %mul3A_2, %add3A_133 : i32
      %dma_wait3A_135 = arith.constant 0 : i32
      %dma_wait3A_136 = tpu.memref_slice %arg8[%dma_wait3A_135] : memref<2560xi32, #tpu.memory_space<vmem>> -> memref<1280xi32, #tpu.memory_space<vmem>>
      %dma_wait3A_137 = tpu.memref_slice %arg2[%add3A_134] : memref<409600xi32, #tpu.memory_space<hbm>> -> memref<1280xi32, #tpu.memory_space<hbm>>
      %dma_wait3A_138 = arith.constant 0 : i32
      %dma_wait3A_139 = tpu.memref_slice %arg8[%dma_wait3A_138] : memref<2560xi32, #tpu.memory_space<vmem>> -> memref<1280xi32, #tpu.memory_space<vmem>>
      %dma_wait3A_140 = tpu.memref_slice %arg2[%add3A_134] : memref<409600xi32, #tpu.memory_space<hbm>> -> memref<1280xi32, #tpu.memory_space<hbm>>
      tpu.wait_dma2 semaphore(%arg21 : memref<!tpu.dma_semaphore, #tpu.memory_space<semaphore_mem>>) src(%dma_wait3A_140 : memref<1280xi32, #tpu.memory_space<hbm>>) dst(%dma_wait3A_139 : memref<1280xi32, #tpu.memory_space<vmem>>)
      %dma_wait3A_141 = arith.constant 0 : i32
      %dma_wait3A_142 = tpu.memref_slice %arg9[%dma_wait3A_141] : memref<2560xi32, #tpu.memory_space<vmem>> -> memref<1280xi32, #tpu.memory_space<vmem>>
      %dma_wait3A_143 = tpu.memref_slice %arg3[%add3A_134] : memref<409600xi32, #tpu.memory_space<hbm>> -> memref<1280xi32, #tpu.memory_space<hbm>>
      %dma_wait3A_144 = arith.constant 0 : i32
      %dma_wait3A_145 = tpu.memref_slice %arg9[%dma_wait3A_144] : memref<2560xi32, #tpu.memory_space<vmem>> -> memref<1280xi32, #tpu.memory_space<vmem>>
      %dma_wait3A_146 = tpu.memref_slice %arg3[%add3A_134] : memref<409600xi32, #tpu.memory_space<hbm>> -> memref<1280xi32, #tpu.memory_space<hbm>>
      tpu.wait_dma2 semaphore(%arg21 : memref<!tpu.dma_semaphore, #tpu.memory_space<semaphore_mem>>) src(%dma_wait3A_146 : memref<1280xi32, #tpu.memory_space<hbm>>) dst(%dma_wait3A_145 : memref<1280xi32, #tpu.memory_space<vmem>>)
      %dma_wait3A_147 = arith.constant 0 : i32
      %dma_wait3A_148 = tpu.memref_slice %arg10[%dma_wait3A_147] : memref<2560xi32, #tpu.memory_space<vmem>> -> memref<1280xi32, #tpu.memory_space<vmem>>
      %dma_wait3A_149 = tpu.memref_slice %arg4[%add3A_134] : memref<409600xi32, #tpu.memory_space<hbm>> -> memref<1280xi32, #tpu.memory_space<hbm>>
      %dma_wait3A_150 = arith.constant 0 : i32
      %dma_wait3A_151 = tpu.memref_slice %arg10[%dma_wait3A_150] : memref<2560xi32, #tpu.memory_space<vmem>> -> memref<1280xi32, #tpu.memory_space<vmem>>
      %dma_wait3A_152 = tpu.memref_slice %arg4[%add3A_134] : memref<409600xi32, #tpu.memory_space<hbm>> -> memref<1280xi32, #tpu.memory_space<hbm>>
      tpu.wait_dma2 semaphore(%arg21 : memref<!tpu.dma_semaphore, #tpu.memory_space<semaphore_mem>>) src(%dma_wait3A_152 : memref<1280xi32, #tpu.memory_space<hbm>>) dst(%dma_wait3A_151 : memref<1280xi32, #tpu.memory_space<vmem>>)
      %dma_wait3A_153 = arith.constant 0 : i32
      %dma_wait3A_154 = tpu.memref_slice %arg11[%dma_wait3A_153] : memref<2560xi32, #tpu.memory_space<vmem>> -> memref<1280xi32, #tpu.memory_space<vmem>>
      %dma_wait3A_155 = tpu.memref_slice %arg5[%add3A_134] : memref<409600xi32, #tpu.memory_space<hbm>> -> memref<1280xi32, #tpu.memory_space<hbm>>
      %dma_wait3A_156 = arith.constant 0 : i32
      %dma_wait3A_157 = tpu.memref_slice %arg11[%dma_wait3A_156] : memref<2560xi32, #tpu.memory_space<vmem>> -> memref<1280xi32, #tpu.memory_space<vmem>>
      %dma_wait3A_158 = tpu.memref_slice %arg5[%add3A_134] : memref<409600xi32, #tpu.memory_space<hbm>> -> memref<1280xi32, #tpu.memory_space<hbm>>
      tpu.wait_dma2 semaphore(%arg21 : memref<!tpu.dma_semaphore, #tpu.memory_space<semaphore_mem>>) src(%dma_wait3A_158 : memref<1280xi32, #tpu.memory_space<hbm>>) dst(%dma_wait3A_157 : memref<1280xi32, #tpu.memory_space<vmem>>)
    } else {
    }
    %dma_start3A_56 = arith.constant 0 : i32
    %dma_start3A_57 = arith.constant 0 : i32
    %dma_start3A_58 = arith.constant 0 : i32
    %dma_start3A_59 = tpu.memref_slice %arg12[%dma_start3A_56, %dma_start3A_57, %dma_start3A_58] : memref<2x128x128xf32, #tpu.memory_space<vmem>> -> memref<1x128x128xf32, #tpu.memory_space<vmem>>
    %dma_start3A_60 = tpu.memref_squeeze %dma_start3A_59 : memref<1x128x128xf32, #tpu.memory_space<vmem>> -> memref<128x128xf32, #tpu.memory_space<vmem>>
    %dma_start3A_61 = arith.constant 0 : i32
    %dma_start3A_62 = tpu.memref_slice %arg8[%dma_start3A_61] : memref<2560xi32, #tpu.memory_space<vmem>> -> memref<128xi32, #tpu.memory_space<vmem>>
    %dma_start3A_63 = arith.constant 0 : i32
    %dma_start3A_64 = arith.constant 0 : i32
    %dma_start3A_65 = tpu.memref_slice %arg6[%dma_start3A_63, %dma_start3A_64] : memref<500000x128xf32, #tpu.memory_space<hbm>> -> memref<500000x128xf32, #tpu.memory_space<hbm>>
    tpu.enqueue_indirect_dma source(%dma_start3A_65 : memref<500000x128xf32, #tpu.memory_space<hbm>>) target(%dma_start3A_60 : memref<128x128xf32, #tpu.memory_space<vmem>>) offsets(%dma_start3A_62 : memref<128xi32, #tpu.memory_space<vmem>>) semaphore(%arg15 : memref<!tpu.dma_semaphore, #tpu.memory_space<semaphore_mem>>)
    %dma_start3A_66 = arith.constant 0 : i32
    %dma_start3A_67 = arith.constant 0 : i32
    %dma_start3A_68 = arith.constant 0 : i32
    %dma_start3A_69 = tpu.memref_slice %arg13[%dma_start3A_66, %dma_start3A_67, %dma_start3A_68] : memref<2x128x128xf32, #tpu.memory_space<vmem>> -> memref<1x128x128xf32, #tpu.memory_space<vmem>>
    %dma_start3A_70 = tpu.memref_squeeze %dma_start3A_69 : memref<1x128x128xf32, #tpu.memory_space<vmem>> -> memref<128x128xf32, #tpu.memory_space<vmem>>
    %dma_start3A_71 = arith.constant 0 : i32
    %dma_start3A_72 = tpu.memref_slice %arg9[%dma_start3A_71] : memref<2560xi32, #tpu.memory_space<vmem>> -> memref<128xi32, #tpu.memory_space<vmem>>
    %dma_start3A_73 = arith.constant 0 : i32
    %dma_start3A_74 = arith.constant 0 : i32
    %dma_start3A_75 = tpu.memref_slice %arg6[%dma_start3A_73, %dma_start3A_74] : memref<500000x128xf32, #tpu.memory_space<hbm>> -> memref<500000x128xf32, #tpu.memory_space<hbm>>
    tpu.enqueue_indirect_dma source(%dma_start3A_75 : memref<500000x128xf32, #tpu.memory_space<hbm>>) target(%dma_start3A_70 : memref<128x128xf32, #tpu.memory_space<vmem>>) offsets(%dma_start3A_72 : memref<128xi32, #tpu.memory_space<vmem>>) semaphore(%arg17 : memref<!tpu.dma_semaphore, #tpu.memory_space<semaphore_mem>>)
    %and3A_76 = arith.constant false
    %and3A_77 = arith.constant true
    %and3A_78 = arith.andi %and3A_76, %and3A_77 : i1
    %convert_element_type3A_79 = arith.extui %and3A_78 : i1 to i32
    %cond3A_80 = arith.constant 0 : i32
    %cond3A_81 = arith.cmpi ne, %convert_element_type3A_79, %cond3A_80 : i32
    scf.if %cond3A_81 {
      %add3A_133 = arith.constant 0 : i32
      %add3A_134 = arith.addi %mul3A_2, %add3A_133 : i32
      %dma_wait3A_135 = arith.constant 0 : i32
      %dma_wait3A_136 = tpu.memref_slice %arg8[%dma_wait3A_135] : memref<2560xi32, #tpu.memory_space<vmem>> -> memref<1280xi32, #tpu.memory_space<vmem>>
      %dma_wait3A_137 = tpu.memref_slice %arg2[%add3A_134] : memref<409600xi32, #tpu.memory_space<hbm>> -> memref<1280xi32, #tpu.memory_space<hbm>>
      %dma_wait3A_138 = arith.constant 0 : i32
      %dma_wait3A_139 = tpu.memref_slice %arg8[%dma_wait3A_138] : memref<2560xi32, #tpu.memory_space<vmem>> -> memref<1280xi32, #tpu.memory_space<vmem>>
      %dma_wait3A_140 = tpu.memref_slice %arg2[%add3A_134] : memref<409600xi32, #tpu.memory_space<hbm>> -> memref<1280xi32, #tpu.memory_space<hbm>>
      tpu.wait_dma2 semaphore(%arg21 : memref<!tpu.dma_semaphore, #tpu.memory_space<semaphore_mem>>) src(%dma_wait3A_140 : memref<1280xi32, #tpu.memory_space<hbm>>) dst(%dma_wait3A_139 : memref<1280xi32, #tpu.memory_space<vmem>>)
      %dma_wait3A_141 = arith.constant 0 : i32
      %dma_wait3A_142 = tpu.memref_slice %arg9[%dma_wait3A_141] : memref<2560xi32, #tpu.memory_space<vmem>> -> memref<1280xi32, #tpu.memory_space<vmem>>
      %dma_wait3A_143 = tpu.memref_slice %arg3[%add3A_134] : memref<409600xi32, #tpu.memory_space<hbm>> -> memref<1280xi32, #tpu.memory_space<hbm>>
      %dma_wait3A_144 = arith.constant 0 : i32
      %dma_wait3A_145 = tpu.memref_slice %arg9[%dma_wait3A_144] : memref<2560xi32, #tpu.memory_space<vmem>> -> memref<1280xi32, #tpu.memory_space<vmem>>
      %dma_wait3A_146 = tpu.memref_slice %arg3[%add3A_134] : memref<409600xi32, #tpu.memory_space<hbm>> -> memref<1280xi32, #tpu.memory_space<hbm>>
      tpu.wait_dma2 semaphore(%arg21 : memref<!tpu.dma_semaphore, #tpu.memory_space<semaphore_mem>>) src(%dma_wait3A_146 : memref<1280xi32, #tpu.memory_space<hbm>>) dst(%dma_wait3A_145 : memref<1280xi32, #tpu.memory_space<vmem>>)
      %dma_wait3A_147 = arith.constant 0 : i32
      %dma_wait3A_148 = tpu.memref_slice %arg10[%dma_wait3A_147] : memref<2560xi32, #tpu.memory_space<vmem>> -> memref<1280xi32, #tpu.memory_space<vmem>>
      %dma_wait3A_149 = tpu.memref_slice %arg4[%add3A_134] : memref<409600xi32, #tpu.memory_space<hbm>> -> memref<1280xi32, #tpu.memory_space<hbm>>
      %dma_wait3A_150 = arith.constant 0 : i32
      %dma_wait3A_151 = tpu.memref_slice %arg10[%dma_wait3A_150] : memref<2560xi32, #tpu.memory_space<vmem>> -> memref<1280xi32, #tpu.memory_space<vmem>>
      %dma_wait3A_152 = tpu.memref_slice %arg4[%add3A_134] : memref<409600xi32, #tpu.memory_space<hbm>> -> memref<1280xi32, #tpu.memory_space<hbm>>
      tpu.wait_dma2 semaphore(%arg21 : memref<!tpu.dma_semaphore, #tpu.memory_space<semaphore_mem>>) src(%dma_wait3A_152 : memref<1280xi32, #tpu.memory_space<hbm>>) dst(%dma_wait3A_151 : memref<1280xi32, #tpu.memory_space<vmem>>)
      %dma_wait3A_153 = arith.constant 0 : i32
      %dma_wait3A_154 = tpu.memref_slice %arg11[%dma_wait3A_153] : memref<2560xi32, #tpu.memory_space<vmem>> -> memref<1280xi32, #tpu.memory_space<vmem>>
      %dma_wait3A_155 = tpu.memref_slice %arg5[%add3A_134] : memref<409600xi32, #tpu.memory_space<hbm>> -> memref<1280xi32, #tpu.memory_space<hbm>>
      %dma_wait3A_156 = arith.constant 0 : i32
      %dma_wait3A_157 = tpu.memref_slice %arg11[%dma_wait3A_156] : memref<2560xi32, #tpu.memory_space<vmem>> -> memref<1280xi32, #tpu.memory_space<vmem>>
      %dma_wait3A_158 = tpu.memref_slice %arg5[%add3A_134] : memref<409600xi32, #tpu.memory_space<hbm>> -> memref<1280xi32, #tpu.memory_space<hbm>>
      tpu.wait_dma2 semaphore(%arg21 : memref<!tpu.dma_semaphore, #tpu.memory_space<semaphore_mem>>) src(%dma_wait3A_158 : memref<1280xi32, #tpu.memory_space<hbm>>) dst(%dma_wait3A_157 : memref<1280xi32, #tpu.memory_space<vmem>>)
    } else {
    }
    %dma_start3A_82 = arith.constant 1 : i32
    %dma_start3A_83 = arith.constant 0 : i32
    %dma_start3A_84 = arith.constant 0 : i32
    %dma_start3A_85 = tpu.memref_slice %arg12[%dma_start3A_82, %dma_start3A_83, %dma_start3A_84] : memref<2x128x128xf32, #tpu.memory_space<vmem>> -> memref<1x128x128xf32, #tpu.memory_space<vmem>>
    %dma_start3A_86 = tpu.memref_squeeze %dma_start3A_85 : memref<1x128x128xf32, #tpu.memory_space<vmem>> -> memref<128x128xf32, #tpu.memory_space<vmem>>
    %dma_start3A_87 = arith.constant 128 : i32
    %dma_start3A_88 = tpu.memref_slice %arg8[%dma_start3A_87] : memref<2560xi32, #tpu.memory_space<vmem>> -> memref<128xi32, #tpu.memory_space<vmem>>
    %dma_start3A_89 = arith.constant 0 : i32
    %dma_start3A_90 = arith.constant 0 : i32
    %dma_start3A_91 = tpu.memref_slice %arg6[%dma_start3A_89, %dma_start3A_90] : memref<500000x128xf32, #tpu.memory_space<hbm>> -> memref<500000x128xf32, #tpu.memory_space<hbm>>
    tpu.enqueue_indirect_dma source(%dma_start3A_91 : memref<500000x128xf32, #tpu.memory_space<hbm>>) target(%dma_start3A_86 : memref<128x128xf32, #tpu.memory_space<vmem>>) offsets(%dma_start3A_88 : memref<128xi32, #tpu.memory_space<vmem>>) semaphore(%arg16 : memref<!tpu.dma_semaphore, #tpu.memory_space<semaphore_mem>>)
    %dma_start3A_92 = arith.constant 1 : i32
    %dma_start3A_93 = arith.constant 0 : i32
    %dma_start3A_94 = arith.constant 0 : i32
    %dma_start3A_95 = tpu.memref_slice %arg13[%dma_start3A_92, %dma_start3A_93, %dma_start3A_94] : memref<2x128x128xf32, #tpu.memory_space<vmem>> -> memref<1x128x128xf32, #tpu.memory_space<vmem>>
    %dma_start3A_96 = tpu.memref_squeeze %dma_start3A_95 : memref<1x128x128xf32, #tpu.memory_space<vmem>> -> memref<128x128xf32, #tpu.memory_space<vmem>>
    %dma_start3A_97 = arith.constant 128 : i32
    %dma_start3A_98 = tpu.memref_slice %arg9[%dma_start3A_97] : memref<2560xi32, #tpu.memory_space<vmem>> -> memref<128xi32, #tpu.memory_space<vmem>>
    %dma_start3A_99 = arith.constant 0 : i32
    %dma_start3A_100 = arith.constant 0 : i32
    %dma_start3A_101 = tpu.memref_slice %arg6[%dma_start3A_99, %dma_start3A_100] : memref<500000x128xf32, #tpu.memory_space<hbm>> -> memref<500000x128xf32, #tpu.memory_space<hbm>>
    tpu.enqueue_indirect_dma source(%dma_start3A_101 : memref<500000x128xf32, #tpu.memory_space<hbm>>) target(%dma_start3A_96 : memref<128x128xf32, #tpu.memory_space<vmem>>) offsets(%dma_start3A_98 : memref<128xi32, #tpu.memory_space<vmem>>) semaphore(%arg18 : memref<!tpu.dma_semaphore, #tpu.memory_space<semaphore_mem>>)
    %scan3A = arith.constant 0 : i32
    %scan3A_102 = arith.constant 0 : i32
    %scan3A_103 = arith.constant 50 : i32
    %scan3A_104 = arith.addi %scan3A_102, %scan3A_103 : i32
    %scan3A_105 = arith.constant 1 : i32
    scf.for %scan3A_133 = %scan3A_102 to %scan3A_104 step %scan3A_105  : i32 {
      %mul3A_134 = arith.constant 2 : i32
      %mul3A_135 = arith.muli %mul3A_134, %scan3A_133 : i32
      %add3A_136 = arith.constant 0 : i32
      %add3A_137 = arith.addi %mul3A_135, %add3A_136 : i32
      %dma_wait3A_138 = arith.constant 0 : i32
      %dma_wait3A_139 = arith.constant 0 : i32
      %dma_wait3A_140 = arith.constant 0 : i32
      %dma_wait3A_141 = tpu.memref_slice %arg12[%dma_wait3A_138, %dma_wait3A_139, %dma_wait3A_140] : memref<2x128x128xf32, #tpu.memory_space<vmem>> -> memref<1x128x128xf32, #tpu.memory_space<vmem>>
      %dma_wait3A_142 = tpu.memref_squeeze %dma_wait3A_141 : memref<1x128x128xf32, #tpu.memory_space<vmem>> -> memref<128x128xf32, #tpu.memory_space<vmem>>
      %dma_wait3A_143 = arith.constant 0 : i32
      %dma_wait3A_144 = tpu.memref_slice %arg8[%dma_wait3A_143] : memref<2560xi32, #tpu.memory_space<vmem>> -> memref<128xi32, #tpu.memory_space<vmem>>
      %dma_wait3A_145 = arith.constant 0 : i32
      %dma_wait3A_146 = arith.constant 0 : i32
      %dma_wait3A_147 = tpu.memref_slice %arg6[%dma_wait3A_145, %dma_wait3A_146] : memref<500000x128xf32, #tpu.memory_space<hbm>> -> memref<500000x128xf32, #tpu.memory_space<hbm>>
      tpu.wait_indirect_dma semaphore(%arg15 : memref<!tpu.dma_semaphore, #tpu.memory_space<semaphore_mem>>) src(%dma_wait3A_147 : memref<500000x128xf32, #tpu.memory_space<hbm>>) dst(%dma_wait3A_142 : memref<128x128xf32, #tpu.memory_space<vmem>>)
      %dma_wait3A_148 = arith.constant 0 : i32
      %dma_wait3A_149 = arith.constant 0 : i32
      %dma_wait3A_150 = arith.constant 0 : i32
      %dma_wait3A_151 = tpu.memref_slice %arg13[%dma_wait3A_148, %dma_wait3A_149, %dma_wait3A_150] : memref<2x128x128xf32, #tpu.memory_space<vmem>> -> memref<1x128x128xf32, #tpu.memory_space<vmem>>
      %dma_wait3A_152 = tpu.memref_squeeze %dma_wait3A_151 : memref<1x128x128xf32, #tpu.memory_space<vmem>> -> memref<128x128xf32, #tpu.memory_space<vmem>>
      %dma_wait3A_153 = arith.constant 0 : i32
      %dma_wait3A_154 = tpu.memref_slice %arg9[%dma_wait3A_153] : memref<2560xi32, #tpu.memory_space<vmem>> -> memref<128xi32, #tpu.memory_space<vmem>>
      %dma_wait3A_155 = arith.constant 0 : i32
      %dma_wait3A_156 = arith.constant 0 : i32
      %dma_wait3A_157 = tpu.memref_slice %arg6[%dma_wait3A_155, %dma_wait3A_156] : memref<500000x128xf32, #tpu.memory_space<hbm>> -> memref<500000x128xf32, #tpu.memory_space<hbm>>
      tpu.wait_indirect_dma semaphore(%arg17 : memref<!tpu.dma_semaphore, #tpu.memory_space<semaphore_mem>>) src(%dma_wait3A_157 : memref<500000x128xf32, #tpu.memory_space<hbm>>) dst(%dma_wait3A_152 : memref<128x128xf32, #tpu.memory_space<vmem>>)
      %ge3A = arith.constant 2 : i32
      %ge3A_158 = arith.cmpi sge, %add3A_137, %ge3A : i32
      %convert_element_type3A_159 = arith.extui %ge3A_158 : i1 to i32
      %cond3A_160 = arith.constant 0 : i32
      %cond3A_161 = arith.cmpi ne, %convert_element_type3A_159, %cond3A_160 : i32
      scf.if %cond3A_161 {
        %dma_wait3A_414 = arith.constant 0 : i32
        %dma_wait3A_415 = arith.constant 0 : i32
        %dma_wait3A_416 = arith.constant 0 : i32
        %dma_wait3A_417 = tpu.memref_slice %arg14[%dma_wait3A_414, %dma_wait3A_415, %dma_wait3A_416] : memref<2x128x128xf32, #tpu.memory_space<vmem>> -> memref<1x128x128xf32, #tpu.memory_space<vmem>>
        %dma_wait3A_418 = tpu.memref_squeeze %dma_wait3A_417 : memref<1x128x128xf32, #tpu.memory_space<vmem>> -> memref<128x128xf32, #tpu.memory_space<vmem>>
        %dma_wait3A_419 = arith.constant 0 : i32
        %dma_wait3A_420 = tpu.memref_slice %arg7[%mul3A_2, %dma_wait3A_419] : memref<409600x128xf32, #tpu.memory_space<hbm>> -> memref<128x128xf32, #tpu.memory_space<hbm>>
        %dma_wait3A_421 = arith.constant 0 : i32
        %dma_wait3A_422 = tpu.memref_slice %arg7[%mul3A_2, %dma_wait3A_421] : memref<409600x128xf32, #tpu.memory_space<hbm>> -> memref<128x128xf32, #tpu.memory_space<hbm>>
        %dma_wait3A_423 = arith.constant 0 : i32
        %dma_wait3A_424 = arith.constant 0 : i32
        %dma_wait3A_425 = tpu.memref_slice %arg14[%dma_wait3A_414, %dma_wait3A_423, %dma_wait3A_424] : memref<2x128x128xf32, #tpu.memory_space<vmem>> -> memref<1x128x128xf32, #tpu.memory_space<vmem>>
        %dma_wait3A_426 = tpu.memref_squeeze %dma_wait3A_425 : memref<1x128x128xf32, #tpu.memory_space<vmem>> -> memref<128x128xf32, #tpu.memory_space<vmem>>
        tpu.wait_dma2 semaphore(%arg19 : memref<!tpu.dma_semaphore, #tpu.memory_space<semaphore_mem>>) src(%dma_wait3A_426 : memref<128x128xf32, #tpu.memory_space<vmem>>) dst(%dma_wait3A_422 : memref<128x128xf32, #tpu.memory_space<hbm>>)
      } else {
      }
      %jit3A = arith.constant 10 : i32
      %div3A = arith.divsi %add3A_137, %jit3A : i32
      %sign3A = arith.constant 0 : i32
      %sign3A_162 = arith.cmpi sgt, %add3A_137, %sign3A : i32
      %sign3A_163 = arith.extui %sign3A_162 : i1 to i32
      %sign3A_164 = arith.constant 0 : i32
      %sign3A_165 = arith.cmpi slt, %add3A_137, %sign3A_164 : i32
      %sign3A_166 = arith.extui %sign3A_165 : i1 to i32
      %sign3A_167 = arith.subi %sign3A_163, %sign3A_166 : i32
      %sign3A_168 = arith.constant 0 : i32
      %sign3A_169 = arith.cmpi sgt, %jit3A, %sign3A_168 : i32
      %sign3A_170 = arith.extui %sign3A_169 : i1 to i32
      %sign3A_171 = arith.constant 0 : i32
      %sign3A_172 = arith.cmpi slt, %jit3A, %sign3A_171 : i32
      %sign3A_173 = arith.extui %sign3A_172 : i1 to i32
      %sign3A_174 = arith.subi %sign3A_170, %sign3A_173 : i32
      %ne3A = arith.cmpi ne, %sign3A_167, %sign3A_174 : i32
      %rem3A = arith.remsi %add3A_137, %jit3A : i32
      %ne3A_175 = arith.constant 0 : i32
      %ne3A_176 = arith.cmpi ne, %rem3A, %ne3A_175 : i32
      %and3A_177 = arith.andi %ne3A, %ne3A_176 : i1
      %sub3A = arith.constant 1 : i32
      %sub3A_178 = arith.subi %div3A, %sub3A : i32
      %select_n3A = arith.select %and3A_177, %sub3A_178, %div3A : i32
      %jit3A_179 = arith.constant 2 : i32
      %eq3A = arith.constant 0 : i32
      %eq3A_180 = arith.cmpi eq, %jit3A_179, %eq3A : i32
      %jit3A_181 = arith.constant 1 : i32
      %select_n3A_182 = arith.select %eq3A_180, %jit3A_181, %jit3A_179 : i32
      %rem3A_183 = arith.remsi %select_n3A, %select_n3A_182 : i32
      %ne3A_184 = arith.constant 0 : i32
      %ne3A_185 = arith.cmpi ne, %rem3A_183, %ne3A_184 : i32
      %lt3A = arith.constant 0 : i32
      %lt3A_186 = arith.cmpi slt, %rem3A_183, %lt3A : i32
      %lt3A_187 = arith.constant 0 : i32
      %lt3A_188 = arith.cmpi slt, %select_n3A_182, %lt3A_187 : i32
      %ne3A_189 = arith.xori %lt3A_186, %lt3A_188 : i1
      %and3A_190 = arith.andi %ne3A_189, %ne3A_185 : i1
      %add3A_191 = arith.addi %rem3A_183, %select_n3A_182 : i32
      %select_n3A_192 = arith.select %and3A_190, %add3A_191, %rem3A_183 : i32
      %mul3A_193 = arith.constant 1280 : i32
      %mul3A_194 = arith.muli %select_n3A_192, %mul3A_193 : i32
      %jit3A_195 = arith.constant 10 : i32
      %eq3A_196 = arith.constant 0 : i32
      %eq3A_197 = arith.cmpi eq, %jit3A_195, %eq3A_196 : i32
      %jit3A_198 = arith.constant 1 : i32
      %select_n3A_199 = arith.select %eq3A_197, %jit3A_198, %jit3A_195 : i32
      %rem3A_200 = arith.remsi %add3A_137, %select_n3A_199 : i32
      %ne3A_201 = arith.constant 0 : i32
      %ne3A_202 = arith.cmpi ne, %rem3A_200, %ne3A_201 : i32
      %lt3A_203 = arith.constant 0 : i32
      %lt3A_204 = arith.cmpi slt, %rem3A_200, %lt3A_203 : i32
      %lt3A_205 = arith.constant 0 : i32
      %lt3A_206 = arith.cmpi slt, %select_n3A_199, %lt3A_205 : i32
      %ne3A_207 = arith.xori %lt3A_204, %lt3A_206 : i1
      %and3A_208 = arith.andi %ne3A_207, %ne3A_202 : i1
      %add3A_209 = arith.addi %rem3A_200, %select_n3A_199 : i32
      %select_n3A_210 = arith.select %and3A_208, %add3A_209, %rem3A_200 : i32
      %mul3A_211 = arith.constant 128 : i32
      %mul3A_212 = arith.muli %select_n3A_210, %mul3A_211 : i32
      %add3A_213 = arith.addi %mul3A_194, %mul3A_212 : i32
      %scan3A_214 = arith.constant 0 : i32
      %scan3A_215 = arith.constant 0 : i32
      %scan3A_216 = arith.constant 8 : i32
      %scan3A_217 = arith.addi %scan3A_215, %scan3A_216 : i32
      %scan3A_218 = arith.constant 1 : i32
      scf.for %scan3A_414 = %scan3A_215 to %scan3A_217 step %scan3A_218  : i32 {
        %mul3A_415 = arith.constant 16 : i32
        %mul3A_416 = arith.muli %scan3A_414, %mul3A_415 : i32
        %add3A_417 = arith.addi %add3A_213, %mul3A_416 : i32
        %get3A = arith.index_cast %add3A_417 : i32 to index
        %get3A_418 = tpu.vector_load %arg10[%get3A] {strides = array<i32>} : memref<2560xi32, #tpu.memory_space<vmem>>, vector<16xi32>,
        %mul3A_419 = arith.constant 16 : i32
        %mul3A_420 = arith.muli %scan3A_414, %mul3A_419 : i32
        %add3A_421 = arith.addi %add3A_213, %mul3A_420 : i32
        %get3A_422 = arith.index_cast %add3A_421 : i32 to index
        %get3A_423 = tpu.vector_load %arg11[%get3A_422] {strides = array<i32>} : memref<2560xi32, #tpu.memory_space<vmem>>, vector<16xi32>,
        %mul3A_424 = arith.constant 16 : i32
        %mul3A_425 = arith.muli %scan3A_414, %mul3A_424 : i32
        %add3A_426 = arith.constant 0 : i32
        %add3A_427 = arith.addi %mul3A_425, %add3A_426 : i32
        %slice3A = vector.extract_strided_slice %get3A_418 {offsets = [0], sizes = [1], strides = [1]} : vector<16xi32> to vector<1xi32>
        %squeeze3A = vector.extract %slice3A[0] : i32 from vector<1xi32>
        %slice3A_428 = vector.extract_strided_slice %get3A_423 {offsets = [0], sizes = [1], strides = [1]} : vector<16xi32> to vector<1xi32>
        %squeeze3A_429 = vector.extract %slice3A_428[0] : i32 from vector<1xi32>
        %add3A_430 = arith.constant 0 : i32
        %add3A_431 = arith.addi %squeeze3A, %add3A_430 : i32
        %get3A_432 = arith.constant 0 : i32
        %get3A_433 = arith.index_cast %get3A_432 : i32 to index
        %get3A_434 = arith.index_cast %add3A_427 : i32 to index
        %get3A_435 = arith.index_cast %add3A_431 : i32 to index
        %get3A_436 = tpu.vector_load %arg12[%get3A_433, %get3A_434, %get3A_435] {strides = array<i32>} : memref<2x128x128xf32, #tpu.memory_space<vmem>>, vector<16xf32>,
        %swap3A = arith.constant 0 : i32
        %swap3A_437 = arith.index_cast %swap3A : i32 to index
        %swap3A_438 = arith.index_cast %add3A_427 : i32 to index
        %swap3A_439 = arith.constant 0 : index
        %swap3A_440 = tpu.vector_load %arg14[%swap3A_437, %swap3A_438, %swap3A_439] {strides = array<i32>} : memref<2x128x128xf32, #tpu.memory_space<vmem>>, vector<16xf32>,
        tpu.vector_store %arg14[%swap3A_437, %swap3A_438, %swap3A_439], %get3A_436 {strides = array<i32>} : memref<2x128x128xf32, #tpu.memory_space<vmem>>, vector<16xf32>,
        %add3A_441 = arith.constant 0 : i32
        %add3A_442 = arith.addi %squeeze3A_429, %add3A_441 : i32
        %get3A_443 = arith.constant 0 : i32
        %get3A_444 = arith.index_cast %get3A_443 : i32 to index
        %get3A_445 = arith.index_cast %add3A_427 : i32 to index
        %get3A_446 = arith.index_cast %add3A_442 : i32 to index
        %get3A_447 = tpu.vector_load %arg13[%get3A_444, %get3A_445, %get3A_446] {strides = array<i32>} : memref<2x128x128xf32, #tpu.memory_space<vmem>>, vector<16xf32>,
        %swap3A_448 = arith.constant 0 : i32
        %swap3A_449 = arith.index_cast %swap3A_448 : i32 to index
        %swap3A_450 = arith.index_cast %add3A_427 : i32 to index
        %swap3A_451 = arith.constant 64 : index
        %swap3A_452 = tpu.vector_load %arg14[%swap3A_449, %swap3A_450, %swap3A_451] {strides = array<i32>} : memref<2x128x128xf32, #tpu.memory_space<vmem>>, vector<16xf32>,
        tpu.vector_store %arg14[%swap3A_449, %swap3A_450, %swap3A_451], %get3A_447 {strides = array<i32>} : memref<2x128x128xf32, #tpu.memory_space<vmem>>, vector<16xf32>,
        %add3A_453 = arith.constant 16 : i32
        %add3A_454 = arith.addi %squeeze3A, %add3A_453 : i32
        %get3A_455 = arith.constant 0 : i32
        %get3A_456 = arith.index_cast %get3A_455 : i32 to index
        %get3A_457 = arith.index_cast %add3A_427 : i32 to index
        %get3A_458 = arith.index_cast %add3A_454 : i32 to index
        %get3A_459 = tpu.vector_load %arg12[%get3A_456, %get3A_457, %get3A_458] {strides = array<i32>} : memref<2x128x128xf32, #tpu.memory_space<vmem>>, vector<16xf32>,
        %swap3A_460 = arith.constant 0 : i32
        %swap3A_461 = arith.index_cast %swap3A_460 : i32 to index
        %swap3A_462 = arith.index_cast %add3A_427 : i32 to index
        %swap3A_463 = arith.constant 16 : index
        %swap3A_464 = tpu.vector_load %arg14[%swap3A_461, %swap3A_462, %swap3A_463] {strides = array<i32>} : memref<2x128x128xf32, #tpu.memory_space<vmem>>, vector<16xf32>,
        tpu.vector_store %arg14[%swap3A_461, %swap3A_462, %swap3A_463], %get3A_459 {strides = array<i32>} : memref<2x128x128xf32, #tpu.memory_space<vmem>>, vector<16xf32>,
        %add3A_465 = arith.constant 16 : i32
        %add3A_466 = arith.addi %squeeze3A_429, %add3A_465 : i32
        %get3A_467 = arith.constant 0 : i32
        %get3A_468 = arith.index_cast %get3A_467 : i32 to index
        %get3A_469 = arith.index_cast %add3A_427 : i32 to index
        %get3A_470 = arith.index_cast %add3A_466 : i32 to index
        %get3A_471 = tpu.vector_load %arg13[%get3A_468, %get3A_469, %get3A_470] {strides = array<i32>} : memref<2x128x128xf32, #tpu.memory_space<vmem>>, vector<16xf32>,
        %swap3A_472 = arith.constant 0 : i32
        %swap3A_473 = arith.index_cast %swap3A_472 : i32 to index
        %swap3A_474 = arith.index_cast %add3A_427 : i32 to index
        %swap3A_475 = arith.constant 80 : index
        %swap3A_476 = tpu.vector_load %arg14[%swap3A_473, %swap3A_474, %swap3A_475] {strides = array<i32>} : memref<2x128x128xf32, #tpu.memory_space<vmem>>, vector<16xf32>,
        tpu.vector_store %arg14[%swap3A_473, %swap3A_474, %swap3A_475], %get3A_471 {strides = array<i32>} : memref<2x128x128xf32, #tpu.memory_space<vmem>>, vector<16xf32>,
        %add3A_477 = arith.constant 32 : i32
        %add3A_478 = arith.addi %squeeze3A, %add3A_477 : i32
        %get3A_479 = arith.constant 0 : i32
        %get3A_480 = arith.index_cast %get3A_479 : i32 to index
        %get3A_481 = arith.index_cast %add3A_427 : i32 to index
        %get3A_482 = arith.index_cast %add3A_478 : i32 to index
        %get3A_483 = tpu.vector_load %arg12[%get3A_480, %get3A_481, %get3A_482] {strides = array<i32>} : memref<2x128x128xf32, #tpu.memory_space<vmem>>, vector<16xf32>,
        %swap3A_484 = arith.constant 0 : i32
        %swap3A_485 = arith.index_cast %swap3A_484 : i32 to index
        %swap3A_486 = arith.index_cast %add3A_427 : i32 to index
        %swap3A_487 = arith.constant 32 : index
        %swap3A_488 = tpu.vector_load %arg14[%swap3A_485, %swap3A_486, %swap3A_487] {strides = array<i32>} : memref<2x128x128xf32, #tpu.memory_space<vmem>>, vector<16xf32>,
        tpu.vector_store %arg14[%swap3A_485, %swap3A_486, %swap3A_487], %get3A_483 {strides = array<i32>} : memref<2x128x128xf32, #tpu.memory_space<vmem>>, vector<16xf32>,
        %add3A_489 = arith.constant 32 : i32
        %add3A_490 = arith.addi %squeeze3A_429, %add3A_489 : i32
        %get3A_491 = arith.constant 0 : i32
        %get3A_492 = arith.index_cast %get3A_491 : i32 to index
        %get3A_493 = arith.index_cast %add3A_427 : i32 to index
        %get3A_494 = arith.index_cast %add3A_490 : i32 to index
        %get3A_495 = tpu.vector_load %arg13[%get3A_492, %get3A_493, %get3A_494] {strides = array<i32>} : memref<2x128x128xf32, #tpu.memory_space<vmem>>, vector<16xf32>,
        %swap3A_496 = arith.constant 0 : i32
        %swap3A_497 = arith.index_cast %swap3A_496 : i32 to index
        %swap3A_498 = arith.index_cast %add3A_427 : i32 to index
        %swap3A_499 = arith.constant 96 : index
        %swap3A_500 = tpu.vector_load %arg14[%swap3A_497, %swap3A_498, %swap3A_499] {strides = array<i32>} : memref<2x128x128xf32, #tpu.memory_space<vmem>>, vector<16xf32>,
        tpu.vector_store %arg14[%swap3A_497, %swap3A_498, %swap3A_499], %get3A_495 {strides = array<i32>} : memref<2x128x128xf32, #tpu.memory_space<vmem>>, vector<16xf32>,
        %add3A_501 = arith.constant 48 : i32
        %add3A_502 = arith.addi %squeeze3A, %add3A_501 : i32
        %get3A_503 = arith.constant 0 : i32
        %get3A_504 = arith.index_cast %get3A_503 : i32 to index
        %get3A_505 = arith.index_cast %add3A_427 : i32 to index
        %get3A_506 = arith.index_cast %add3A_502 : i32 to index
        %get3A_507 = tpu.vector_load %arg12[%get3A_504, %get3A_505, %get3A_506] {strides = array<i32>} : memref<2x128x128xf32, #tpu.memory_space<vmem>>, vector<16xf32>,
        %swap3A_508 = arith.constant 0 : i32
        %swap3A_509 = arith.index_cast %swap3A_508 : i32 to index
        %swap3A_510 = arith.index_cast %add3A_427 : i32 to index
        %swap3A_511 = arith.constant 48 : index
        %swap3A_512 = tpu.vector_load %arg14[%swap3A_509, %swap3A_510, %swap3A_511] {strides = array<i32>} : memref<2x128x128xf32, #tpu.memory_space<vmem>>, vector<16xf32>,
        tpu.vector_store %arg14[%swap3A_509, %swap3A_510, %swap3A_511], %get3A_507 {strides = array<i32>} : memref<2x128x128xf32, #tpu.memory_space<vmem>>, vector<16xf32>,
        %add3A_513 = arith.constant 48 : i32
        %add3A_514 = arith.addi %squeeze3A_429, %add3A_513 : i32
        %get3A_515 = arith.constant 0 : i32
        %get3A_516 = arith.index_cast %get3A_515 : i32 to index
        %get3A_517 = arith.index_cast %add3A_427 : i32 to index
        %get3A_518 = arith.index_cast %add3A_514 : i32 to index
        %get3A_519 = tpu.vector_load %arg13[%get3A_516, %get3A_517, %get3A_518] {strides = array<i32>} : memref<2x128x128xf32, #tpu.memory_space<vmem>>, vector<16xf32>,
        %swap3A_520 = arith.constant 0 : i32
        %swap3A_521 = arith.index_cast %swap3A_520 : i32 to index
        %swap3A_522 = arith.index_cast %add3A_427 : i32 to index
        %swap3A_523 = arith.constant 112 : index
        %swap3A_524 = tpu.vector_load %arg14[%swap3A_521, %swap3A_522, %swap3A_523] {strides = array<i32>} : memref<2x128x128xf32, #tpu.memory_space<vmem>>, vector<16xf32>,
        tpu.vector_store %arg14[%swap3A_521, %swap3A_522, %swap3A_523], %get3A_519 {strides = array<i32>} : memref<2x128x128xf32, #tpu.memory_space<vmem>>, vector<16xf32>,
        %mul3A_525 = arith.constant 16 : i32
        %mul3A_526 = arith.muli %scan3A_414, %mul3A_525 : i32
        %add3A_527 = arith.constant 1 : i32
        %add3A_528 = arith.addi %mul3A_526, %add3A_527 : i32
        %slice3A_529 = vector.extract_strided_slice %get3A_418 {offsets = [1], sizes = [1], strides = [1]} : vector<16xi32> to vector<1xi32>
        %squeeze3A_530 = vector.extract %slice3A_529[0] : i32 from vector<1xi32>
        %slice3A_531 = vector.extract_strided_slice %get3A_423 {offsets = [1], sizes = [1], strides = [1]} : vector<16xi32> to vector<1xi32>
        %squeeze3A_532 = vector.extract %slice3A_531[0] : i32 from vector<1xi32>
        %add3A_533 = arith.constant 0 : i32
        %add3A_534 = arith.addi %squeeze3A_530, %add3A_533 : i32
        %get3A_535 = arith.constant 0 : i32
        %get3A_536 = arith.index_cast %get3A_535 : i32 to index
        %get3A_537 = arith.index_cast %add3A_528 : i32 to index
        %get3A_538 = arith.index_cast %add3A_534 : i32 to index
        %get3A_539 = tpu.vector_load %arg12[%get3A_536, %get3A_537, %get3A_538] {strides = array<i32>} : memref<2x128x128xf32, #tpu.memory_space<vmem>>, vector<16xf32>,
        %swap3A_540 = arith.constant 0 : i32
        %swap3A_541 = arith.index_cast %swap3A_540 : i32 to index
        %swap3A_542 = arith.index_cast %add3A_528 : i32 to index
        %swap3A_543 = arith.constant 0 : index
        %swap3A_544 = tpu.vector_load %arg14[%swap3A_541, %swap3A_542, %swap3A_543] {strides = array<i32>} : memref<2x128x128xf32, #tpu.memory_space<vmem>>, vector<16xf32>,
        tpu.vector_store %arg14[%swap3A_541, %swap3A_542, %swap3A_543], %get3A_539 {strides = array<i32>} : memref<2x128x128xf32, #tpu.memory_space<vmem>>, vector<16xf32>,
        %add3A_545 = arith.constant 0 : i32
        %add3A_546 = arith.addi %squeeze3A_532, %add3A_545 : i32
        %get3A_547 = arith.constant 0 : i32
        %get3A_548 = arith.index_cast %get3A_547 : i32 to index
        %get3A_549 = arith.index_cast %add3A_528 : i32 to index
        %get3A_550 = arith.index_cast %add3A_546 : i32 to index
        %get3A_551 = tpu.vector_load %arg13[%get3A_548, %get3A_549, %get3A_550] {strides = array<i32>} : memref<2x128x128xf32, #tpu.memory_space<vmem>>, vector<16xf32>,
        %swap3A_552 = arith.constant 0 : i32
        %swap3A_553 = arith.index_cast %swap3A_552 : i32 to index
        %swap3A_554 = arith.index_cast %add3A_528 : i32 to index
        %swap3A_555 = arith.constant 64 : index
        %swap3A_556 = tpu.vector_load %arg14[%swap3A_553, %swap3A_554, %swap3A_555] {strides = array<i32>} : memref<2x128x128xf32, #tpu.memory_space<vmem>>, vector<16xf32>,
        tpu.vector_store %arg14[%swap3A_553, %swap3A_554, %swap3A_555], %get3A_551 {strides = array<i32>} : memref<2x128x128xf32, #tpu.memory_space<vmem>>, vector<16xf32>,
        %add3A_557 = arith.constant 16 : i32
        %add3A_558 = arith.addi %squeeze3A_530, %add3A_557 : i32
        %get3A_559 = arith.constant 0 : i32
        %get3A_560 = arith.index_cast %get3A_559 : i32 to index
        %get3A_561 = arith.index_cast %add3A_528 : i32 to index
        %get3A_562 = arith.index_cast %add3A_558 : i32 to index
        %get3A_563 = tpu.vector_load %arg12[%get3A_560, %get3A_561, %get3A_562] {strides = array<i32>} : memref<2x128x128xf32, #tpu.memory_space<vmem>>, vector<16xf32>,
        %swap3A_564 = arith.constant 0 : i32
        %swap3A_565 = arith.index_cast %swap3A_564 : i32 to index
        %swap3A_566 = arith.index_cast %add3A_528 : i32 to index
        %swap3A_567 = arith.constant 16 : index
        %swap3A_568 = tpu.vector_load %arg14[%swap3A_565, %swap3A_566, %swap3A_567] {strides = array<i32>} : memref<2x128x128xf32, #tpu.memory_space<vmem>>, vector<16xf32>,
        tpu.vector_store %arg14[%swap3A_565, %swap3A_566, %swap3A_567], %get3A_563 {strides = array<i32>} : memref<2x128x128xf32, #tpu.memory_space<vmem>>, vector<16xf32>,
        %add3A_569 = arith.constant 16 : i32
        %add3A_570 = arith.addi %squeeze3A_532, %add3A_569 : i32
        %get3A_571 = arith.constant 0 : i32
        %get3A_572 = arith.index_cast %get3A_571 : i32 to index
        %get3A_573 = arith.index_cast %add3A_528 : i32 to index
        %get3A_574 = arith.index_cast %add3A_570 : i32 to index
        %get3A_575 = tpu.vector_load %arg13[%get3A_572, %get3A_573, %get3A_574] {strides = array<i32>} : memref<2x128x128xf32, #tpu.memory_space<vmem>>, vector<16xf32>,
        %swap3A_576 = arith.constant 0 : i32
        %swap3A_577 = arith.index_cast %swap3A_576 : i32 to index
        %swap3A_578 = arith.index_cast %add3A_528 : i32 to index
        %swap3A_579 = arith.constant 80 : index
        %swap3A_580 = tpu.vector_load %arg14[%swap3A_577, %swap3A_578, %swap3A_579] {strides = array<i32>} : memref<2x128x128xf32, #tpu.memory_space<vmem>>, vector<16xf32>,
        tpu.vector_store %arg14[%swap3A_577, %swap3A_578, %swap3A_579], %get3A_575 {strides = array<i32>} : memref<2x128x128xf32, #tpu.memory_space<vmem>>, vector<16xf32>,
        %add3A_581 = arith.constant 32 : i32
        %add3A_582 = arith.addi %squeeze3A_530, %add3A_581 : i32
        %get3A_583 = arith.constant 0 : i32
        %get3A_584 = arith.index_cast %get3A_583 : i32 to index
        %get3A_585 = arith.index_cast %add3A_528 : i32 to index
        %get3A_586 = arith.index_cast %add3A_582 : i32 to index
        %get3A_587 = tpu.vector_load %arg12[%get3A_584, %get3A_585, %get3A_586] {strides = array<i32>} : memref<2x128x128xf32, #tpu.memory_space<vmem>>, vector<16xf32>,
        %swap3A_588 = arith.constant 0 : i32
        %swap3A_589 = arith.index_cast %swap3A_588 : i32 to index
        %swap3A_590 = arith.index_cast %add3A_528 : i32 to index
        %swap3A_591 = arith.constant 32 : index
        %swap3A_592 = tpu.vector_load %arg14[%swap3A_589, %swap3A_590, %swap3A_591] {strides = array<i32>} : memref<2x128x128xf32, #tpu.memory_space<vmem>>, vector<16xf32>,
        tpu.vector_store %arg14[%swap3A_589, %swap3A_590, %swap3A_591], %get3A_587 {strides = array<i32>} : memref<2x128x128xf32, #tpu.memory_space<vmem>>, vector<16xf32>,
        %add3A_593 = arith.constant 32 : i32
        %add3A_594 = arith.addi %squeeze3A_532, %add3A_593 : i32
        %get3A_595 = arith.constant 0 : i32
        %get3A_596 = arith.index_cast %get3A_595 : i32 to index
        %get3A_597 = arith.index_cast %add3A_528 : i32 to index
        %get3A_598 = arith.index_cast %add3A_594 : i32 to index
        %get3A_599 = tpu.vector_load %arg13[%get3A_596, %get3A_597, %get3A_598] {strides = array<i32>} : memref<2x128x128xf32, #tpu.memory_space<vmem>>, vector<16xf32>,
        %swap3A_600 = arith.constant 0 : i32
        %swap3A_601 = arith.index_cast %swap3A_600 : i32 to index
        %swap3A_602 = arith.index_cast %add3A_528 : i32 to index
        %swap3A_603 = arith.constant 96 : index
        %swap3A_604 = tpu.vector_load %arg14[%swap3A_601, %swap3A_602, %swap3A_603] {strides = array<i32>} : memref<2x128x128xf32, #tpu.memory_space<vmem>>, vector<16xf32>,
        tpu.vector_store %arg14[%swap3A_601, %swap3A_602, %swap3A_603], %get3A_599 {strides = array<i32>} : memref<2x128x128xf32, #tpu.memory_space<vmem>>, vector<16xf32>,
        %add3A_605 = arith.constant 48 : i32
        %add3A_606 = arith.addi %squeeze3A_530, %add3A_605 : i32
        %get3A_607 = arith.constant 0 : i32
        %get3A_608 = arith.index_cast %get3A_607 : i32 to index
        %get3A_609 = arith.index_cast %add3A_528 : i32 to index
        %get3A_610 = arith.index_cast %add3A_606 : i32 to index
        %get3A_611 = tpu.vector_load %arg12[%get3A_608, %get3A_609, %get3A_610] {strides = array<i32>} : memref<2x128x128xf32, #tpu.memory_space<vmem>>, vector<16xf32>,
        %swap3A_612 = arith.constant 0 : i32
        %swap3A_613 = arith.index_cast %swap3A_612 : i32 to index
        %swap3A_614 = arith.index_cast %add3A_528 : i32 to index
        %swap3A_615 = arith.constant 48 : index
        %swap3A_616 = tpu.vector_load %arg14[%swap3A_613, %swap3A_614, %swap3A_615] {strides = array<i32>} : memref<2x128x128xf32, #tpu.memory_space<vmem>>, vector<16xf32>,
        tpu.vector_store %arg14[%swap3A_613, %swap3A_614, %swap3A_615], %get3A_611 {strides = array<i32>} : memref<2x128x128xf32, #tpu.memory_space<vmem>>, vector<16xf32>,
        %add3A_617 = arith.constant 48 : i32
        %add3A_618 = arith.addi %squeeze3A_532, %add3A_617 : i32
        %get3A_619 = arith.constant 0 : i32
        %get3A_620 = arith.index_cast %get3A_619 : i32 to index
        %get3A_621 = arith.index_cast %add3A_528 : i32 to index
        %get3A_622 = arith.index_cast %add3A_618 : i32 to index
        %get3A_623 = tpu.vector_load %arg13[%get3A_620, %get3A_621, %get3A_622] {strides = array<i32>} : memref<2x128x128xf32, #tpu.memory_space<vmem>>, vector<16xf32>,
        %swap3A_624 = arith.constant 0 : i32
        %swap3A_625 = arith.index_cast %swap3A_624 : i32 to index
        %swap3A_626 = arith.index_cast %add3A_528 : i32 to index
        %swap3A_627 = arith.constant 112 : index
        %swap3A_628 = tpu.vector_load %arg14[%swap3A_625, %swap3A_626, %swap3A_627] {strides = array<i32>} : memref<2x128x128xf32, #tpu.memory_space<vmem>>, vector<16xf32>,
        tpu.vector_store %arg14[%swap3A_625, %swap3A_626, %swap3A_627], %get3A_623 {strides = array<i32>} : memref<2x128x128xf32, #tpu.memory_space<vmem>>, vector<16xf32>,
        %mul3A_629 = arith.constant 16 : i32
        %mul3A_630 = arith.muli %scan3A_414, %mul3A_629 : i32
        %add3A_631 = arith.constant 2 : i32
        %add3A_632 = arith.addi %mul3A_630, %add3A_631 : i32
        %slice3A_633 = vector.extract_strided_slice %get3A_418 {offsets = [2], sizes = [1], strides = [1]} : vector<16xi32> to vector<1xi32>
        %squeeze3A_634 = vector.extract %slice3A_633[0] : i32 from vector<1xi32>
        %slice3A_635 = vector.extract_strided_slice %get3A_423 {offsets = [2], sizes = [1], strides = [1]} : vector<16xi32> to vector<1xi32>
        %squeeze3A_636 = vector.extract %slice3A_635[0] : i32 from vector<1xi32>
        %add3A_637 = arith.constant 0 : i32
        %add3A_638 = arith.addi %squeeze3A_634, %add3A_637 : i32
        %get3A_639 = arith.constant 0 : i32
        %get3A_640 = arith.index_cast %get3A_639 : i32 to index
        %get3A_641 = arith.index_cast %add3A_632 : i32 to index
        %get3A_642 = arith.index_cast %add3A_638 : i32 to index
        %get3A_643 = tpu.vector_load %arg12[%get3A_640, %get3A_641, %get3A_642] {strides = array<i32>} : memref<2x128x128xf32, #tpu.memory_space<vmem>>, vector<16xf32>,
        %swap3A_644 = arith.constant 0 : i32
        %swap3A_645 = arith.index_cast %swap3A_644 : i32 to index
        %swap3A_646 = arith.index_cast %add3A_632 : i32 to index
        %swap3A_647 = arith.constant 0 : index
        %swap3A_648 = tpu.vector_load %arg14[%swap3A_645, %swap3A_646, %swap3A_647] {strides = array<i32>} : memref<2x128x128xf32, #tpu.memory_space<vmem>>, vector<16xf32>,
        tpu.vector_store %arg14[%swap3A_645, %swap3A_646, %swap3A_647], %get3A_643 {strides = array<i32>} : memref<2x128x128xf32, #tpu.memory_space<vmem>>, vector<16xf32>,
        %add3A_649 = arith.constant 0 : i32
        %add3A_650 = arith.addi %squeeze3A_636, %add3A_649 : i32
        %get3A_651 = arith.constant 0 : i32
        %get3A_652 = arith.index_cast %get3A_651 : i32 to index
        %get3A_653 = arith.index_cast %add3A_632 : i32 to index
        %get3A_654 = arith.index_cast %add3A_650 : i32 to index
        %get3A_655 = tpu.vector_load %arg13[%get3A_652, %get3A_653, %get3A_654] {strides = array<i32>} : memref<2x128x128xf32, #tpu.memory_space<vmem>>, vector<16xf32>,
        %swap3A_656 = arith.constant 0 : i32
        %swap3A_657 = arith.index_cast %swap3A_656 : i32 to index
        %swap3A_658 = arith.index_cast %add3A_632 : i32 to index
        %swap3A_659 = arith.constant 64 : index
        %swap3A_660 = tpu.vector_load %arg14[%swap3A_657, %swap3A_658, %swap3A_659] {strides = array<i32>} : memref<2x128x128xf32, #tpu.memory_space<vmem>>, vector<16xf32>,
        tpu.vector_store %arg14[%swap3A_657, %swap3A_658, %swap3A_659], %get3A_655 {strides = array<i32>} : memref<2x128x128xf32, #tpu.memory_space<vmem>>, vector<16xf32>,
        %add3A_661 = arith.constant 16 : i32
        %add3A_662 = arith.addi %squeeze3A_634, %add3A_661 : i32
        %get3A_663 = arith.constant 0 : i32
        %get3A_664 = arith.index_cast %get3A_663 : i32 to index
        %get3A_665 = arith.index_cast %add3A_632 : i32 to index
        %get3A_666 = arith.index_cast %add3A_662 : i32 to index
        %get3A_667 = tpu.vector_load %arg12[%get3A_664, %get3A_665, %get3A_666] {strides = array<i32>} : memref<2x128x128xf32, #tpu.memory_space<vmem>>, vector<16xf32>,
        %swap3A_668 = arith.constant 0 : i32
        %swap3A_669 = arith.index_cast %swap3A_668 : i32 to index
        %swap3A_670 = arith.index_cast %add3A_632 : i32 to index
        %swap3A_671 = arith.constant 16 : index
        %swap3A_672 = tpu.vector_load %arg14[%swap3A_669, %swap3A_670, %swap3A_671] {strides = array<i32>} : memref<2x128x128xf32, #tpu.memory_space<vmem>>, vector<16xf32>,
        tpu.vector_store %arg14[%swap3A_669, %swap3A_670, %swap3A_671], %get3A_667 {strides = array<i32>} : memref<2x128x128xf32, #tpu.memory_space<vmem>>, vector<16xf32>,
        %add3A_673 = arith.constant 16 : i32
        %add3A_674 = arith.addi %squeeze3A_636, %add3A_673 : i32
        %get3A_675 = arith.constant 0 : i32
        %get3A_676 = arith.index_cast %get3A_675 : i32 to index
        %get3A_677 = arith.index_cast %add3A_632 : i32 to index
        %get3A_678 = arith.index_cast %add3A_674 : i32 to index
        %get3A_679 = tpu.vector_load %arg13[%get3A_676, %get3A_677, %get3A_678] {strides = array<i32>} : memref<2x128x128xf32, #tpu.memory_space<vmem>>, vector<16xf32>,
        %swap3A_680 = arith.constant 0 : i32
        %swap3A_681 = arith.index_cast %swap3A_680 : i32 to index
        %swap3A_682 = arith.index_cast %add3A_632 : i32 to index
        %swap3A_683 = arith.constant 80 : index
        %swap3A_684 = tpu.vector_load %arg14[%swap3A_681, %swap3A_682, %swap3A_683] {strides = array<i32>} : memref<2x128x128xf32, #tpu.memory_space<vmem>>, vector<16xf32>,
        tpu.vector_store %arg14[%swap3A_681, %swap3A_682, %swap3A_683], %get3A_679 {strides = array<i32>} : memref<2x128x128xf32, #tpu.memory_space<vmem>>, vector<16xf32>,
        %add3A_685 = arith.constant 32 : i32
        %add3A_686 = arith.addi %squeeze3A_634, %add3A_685 : i32
        %get3A_687 = arith.constant 0 : i32
        %get3A_688 = arith.index_cast %get3A_687 : i32 to index
        %get3A_689 = arith.index_cast %add3A_632 : i32 to index
        %get3A_690 = arith.index_cast %add3A_686 : i32 to index
        %get3A_691 = tpu.vector_load %arg12[%get3A_688, %get3A_689, %get3A_690] {strides = array<i32>} : memref<2x128x128xf32, #tpu.memory_space<vmem>>, vector<16xf32>,
        %swap3A_692 = arith.constant 0 : i32
        %swap3A_693 = arith.index_cast %swap3A_692 : i32 to index
        %swap3A_694 = arith.index_cast %add3A_632 : i32 to index
        %swap3A_695 = arith.constant 32 : index
        %swap3A_696 = tpu.vector_load %arg14[%swap3A_693, %swap3A_694, %swap3A_695] {strides = array<i32>} : memref<2x128x128xf32, #tpu.memory_space<vmem>>, vector<16xf32>,
        tpu.vector_store %arg14[%swap3A_693, %swap3A_694, %swap3A_695], %get3A_691 {strides = array<i32>} : memref<2x128x128xf32, #tpu.memory_space<vmem>>, vector<16xf32>,
        %add3A_697 = arith.constant 32 : i32
        %add3A_698 = arith.addi %squeeze3A_636, %add3A_697 : i32
        %get3A_699 = arith.constant 0 : i32
        %get3A_700 = arith.index_cast %get3A_699 : i32 to index
        %get3A_701 = arith.index_cast %add3A_632 : i32 to index
        %get3A_702 = arith.index_cast %add3A_698 : i32 to index
        %get3A_703 = tpu.vector_load %arg13[%get3A_700, %get3A_701, %get3A_702] {strides = array<i32>} : memref<2x128x128xf32, #tpu.memory_space<vmem>>, vector<16xf32>,
        %swap3A_704 = arith.constant 0 : i32
        %swap3A_705 = arith.index_cast %swap3A_704 : i32 to index
        %swap3A_706 = arith.index_cast %add3A_632 : i32 to index
        %swap3A_707 = arith.constant 96 : index
        %swap3A_708 = tpu.vector_load %arg14[%swap3A_705, %swap3A_706, %swap3A_707] {strides = array<i32>} : memref<2x128x128xf32, #tpu.memory_space<vmem>>, vector<16xf32>,
        tpu.vector_store %arg14[%swap3A_705, %swap3A_706, %swap3A_707], %get3A_703 {strides = array<i32>} : memref<2x128x128xf32, #tpu.memory_space<vmem>>, vector<16xf32>,
        %add3A_709 = arith.constant 48 : i32
        %add3A_710 = arith.addi %squeeze3A_634, %add3A_709 : i32
        %get3A_711 = arith.constant 0 : i32
        %get3A_712 = arith.index_cast %get3A_711 : i32 to index
        %get3A_713 = arith.index_cast %add3A_632 : i32 to index
        %get3A_714 = arith.index_cast %add3A_710 : i32 to index
        %get3A_715 = tpu.vector_load %arg12[%get3A_712, %get3A_713, %get3A_714] {strides = array<i32>} : memref<2x128x128xf32, #tpu.memory_space<vmem>>, vector<16xf32>,
        %swap3A_716 = arith.constant 0 : i32
        %swap3A_717 = arith.index_cast %swap3A_716 : i32 to index
        %swap3A_718 = arith.index_cast %add3A_632 : i32 to index
        %swap3A_719 = arith.constant 48 : index
        %swap3A_720 = tpu.vector_load %arg14[%swap3A_717, %swap3A_718, %swap3A_719] {strides = array<i32>} : memref<2x128x128xf32, #tpu.memory_space<vmem>>, vector<16xf32>,
        tpu.vector_store %arg14[%swap3A_717, %swap3A_718, %swap3A_719], %get3A_715 {strides = array<i32>} : memref<2x128x128xf32, #tpu.memory_space<vmem>>, vector<16xf32>,
        %add3A_721 = arith.constant 48 : i32
        %add3A_722 = arith.addi %squeeze3A_636, %add3A_721 : i32
        %get3A_723 = arith.constant 0 : i32
        %get3A_724 = arith.index_cast %get3A_723 : i32 to index
        %get3A_725 = arith.index_cast %add3A_632 : i32 to index
        %get3A_726 = arith.index_cast %add3A_722 : i32 to index
        %get3A_727 = tpu.vector_load %arg13[%get3A_724, %get3A_725, %get3A_726] {strides = array<i32>} : memref<2x128x128xf32, #tpu.memory_space<vmem>>, vector<16xf32>,
        %swap3A_728 = arith.constant 0 : i32
        %swap3A_729 = arith.index_cast %swap3A_728 : i32 to index
        %swap3A_730 = arith.index_cast %add3A_632 : i32 to index
        %swap3A_731 = arith.constant 112 : index
        %swap3A_732 = tpu.vector_load %arg14[%swap3A_729, %swap3A_730, %swap3A_731] {strides = array<i32>} : memref<2x128x128xf32, #tpu.memory_space<vmem>>, vector<16xf32>,
        tpu.vector_store %arg14[%swap3A_729, %swap3A_730, %swap3A_731], %get3A_727 {strides = array<i32>} : memref<2x128x128xf32, #tpu.memory_space<vmem>>, vector<16xf32>,
        %mul3A_733 = arith.constant 16 : i32
        %mul3A_734 = arith.muli %scan3A_414, %mul3A_733 : i32
        %add3A_735 = arith.constant 3 : i32
        %add3A_736 = arith.addi %mul3A_734, %add3A_735 : i32
        %slice3A_737 = vector.extract_strided_slice %get3A_418 {offsets = [3], sizes = [1], strides = [1]} : vector<16xi32> to vector<1xi32>
        %squeeze3A_738 = vector.extract %slice3A_737[0] : i32 from vector<1xi32>
        %slice3A_739 = vector.extract_strided_slice %get3A_423 {offsets = [3], sizes = [1], strides = [1]} : vector<16xi32> to vector<1xi32>
        %squeeze3A_740 = vector.extract %slice3A_739[0] : i32 from vector<1xi32>
        %add3A_741 = arith.constant 0 : i32
        %add3A_742 = arith.addi %squeeze3A_738, %add3A_741 : i32
        %get3A_743 = arith.constant 0 : i32
        %get3A_744 = arith.index_cast %get3A_743 : i32 to index
        %get3A_745 = arith.index_cast %add3A_736 : i32 to index
        %get3A_746 = arith.index_cast %add3A_742 : i32 to index
        %get3A_747 = tpu.vector_load %arg12[%get3A_744, %get3A_745, %get3A_746] {strides = array<i32>} : memref<2x128x128xf32, #tpu.memory_space<vmem>>, vector<16xf32>,
        %swap3A_748 = arith.constant 0 : i32
        %swap3A_749 = arith.index_cast %swap3A_748 : i32 to index
        %swap3A_750 = arith.index_cast %add3A_736 : i32 to index
        %swap3A_751 = arith.constant 0 : index
        %swap3A_752 = tpu.vector_load %arg14[%swap3A_749, %swap3A_750, %swap3A_751] {strides = array<i32>} : memref<2x128x128xf32, #tpu.memory_space<vmem>>, vector<16xf32>,
        tpu.vector_store %arg14[%swap3A_749, %swap3A_750, %swap3A_751], %get3A_747 {strides = array<i32>} : memref<2x128x128xf32, #tpu.memory_space<vmem>>, vector<16xf32>,
        %add3A_753 = arith.constant 0 : i32
        %add3A_754 = arith.addi %squeeze3A_740, %add3A_753 : i32
        %get3A_755 = arith.constant 0 : i32
        %get3A_756 = arith.index_cast %get3A_755 : i32 to index
        %get3A_757 = arith.index_cast %add3A_736 : i32 to index
        %get3A_758 = arith.index_cast %add3A_754 : i32 to index
        %get3A_759 = tpu.vector_load %arg13[%get3A_756, %get3A_757, %get3A_758] {strides = array<i32>} : memref<2x128x128xf32, #tpu.memory_space<vmem>>, vector<16xf32>,
        %swap3A_760 = arith.constant 0 : i32
        %swap3A_761 = arith.index_cast %swap3A_760 : i32 to index
        %swap3A_762 = arith.index_cast %add3A_736 : i32 to index
        %swap3A_763 = arith.constant 64 : index
        %swap3A_764 = tpu.vector_load %arg14[%swap3A_761, %swap3A_762, %swap3A_763] {strides = array<i32>} : memref<2x128x128xf32, #tpu.memory_space<vmem>>, vector<16xf32>,
        tpu.vector_store %arg14[%swap3A_761, %swap3A_762, %swap3A_763], %get3A_759 {strides = array<i32>} : memref<2x128x128xf32, #tpu.memory_space<vmem>>, vector<16xf32>,
        %add3A_765 = arith.constant 16 : i32
        %add3A_766 = arith.addi %squeeze3A_738, %add3A_765 : i32
        %get3A_767 = arith.constant 0 : i32
        %get3A_768 = arith.index_cast %get3A_767 : i32 to index
        %get3A_769 = arith.index_cast %add3A_736 : i32 to index
        %get3A_770 = arith.index_cast %add3A_766 : i32 to index
        %get3A_771 = tpu.vector_load %arg12[%get3A_768, %get3A_769, %get3A_770] {strides = array<i32>} : memref<2x128x128xf32, #tpu.memory_space<vmem>>, vector<16xf32>,
        %swap3A_772 = arith.constant 0 : i32
        %swap3A_773 = arith.index_cast %swap3A_772 : i32 to index
        %swap3A_774 = arith.index_cast %add3A_736 : i32 to index
        %swap3A_775 = arith.constant 16 : index
        %swap3A_776 = tpu.vector_load %arg14[%swap3A_773, %swap3A_774, %swap3A_775] {strides = array<i32>} : memref<2x128x128xf32, #tpu.memory_space<vmem>>, vector<16xf32>,
        tpu.vector_store %arg14[%swap3A_773, %swap3A_774, %swap3A_775], %get3A_771 {strides = array<i32>} : memref<2x128x128xf32, #tpu.memory_space<vmem>>, vector<16xf32>,
        %add3A_777 = arith.constant 16 : i32
        %add3A_778 = arith.addi %squeeze3A_740, %add3A_777 : i32
        %get3A_779 = arith.constant 0 : i32
        %get3A_780 = arith.index_cast %get3A_779 : i32 to index
        %get3A_781 = arith.index_cast %add3A_736 : i32 to index
        %get3A_782 = arith.index_cast %add3A_778 : i32 to index
        %get3A_783 = tpu.vector_load %arg13[%get3A_780, %get3A_781, %get3A_782] {strides = array<i32>} : memref<2x128x128xf32, #tpu.memory_space<vmem>>, vector<16xf32>,
        %swap3A_784 = arith.constant 0 : i32
        %swap3A_785 = arith.index_cast %swap3A_784 : i32 to index
        %swap3A_786 = arith.index_cast %add3A_736 : i32 to index
        %swap3A_787 = arith.constant 80 : index
        %swap3A_788 = tpu.vector_load %arg14[%swap3A_785, %swap3A_786, %swap3A_787] {strides = array<i32>} : memref<2x128x128xf32, #tpu.memory_space<vmem>>, vector<16xf32>,
        tpu.vector_store %arg14[%swap3A_785, %swap3A_786, %swap3A_787], %get3A_783 {strides = array<i32>} : memref<2x128x128xf32, #tpu.memory_space<vmem>>, vector<16xf32>,
        %add3A_789 = arith.constant 32 : i32
        %add3A_790 = arith.addi %squeeze3A_738, %add3A_789 : i32
        %get3A_791 = arith.constant 0 : i32
        %get3A_792 = arith.index_cast %get3A_791 : i32 to index
        %get3A_793 = arith.index_cast %add3A_736 : i32 to index
        %get3A_794 = arith.index_cast %add3A_790 : i32 to index
        %get3A_795 = tpu.vector_load %arg12[%get3A_792, %get3A_793, %get3A_794] {strides = array<i32>} : memref<2x128x128xf32, #tpu.memory_space<vmem>>, vector<16xf32>,
        %swap3A_796 = arith.constant 0 : i32
        %swap3A_797 = arith.index_cast %swap3A_796 : i32 to index
        %swap3A_798 = arith.index_cast %add3A_736 : i32 to index
        %swap3A_799 = arith.constant 32 : index
        %swap3A_800 = tpu.vector_load %arg14[%swap3A_797, %swap3A_798, %swap3A_799] {strides = array<i32>} : memref<2x128x128xf32, #tpu.memory_space<vmem>>, vector<16xf32>,
        tpu.vector_store %arg14[%swap3A_797, %swap3A_798, %swap3A_799], %get3A_795 {strides = array<i32>} : memref<2x128x128xf32, #tpu.memory_space<vmem>>, vector<16xf32>,
        %add3A_801 = arith.constant 32 : i32
        %add3A_802 = arith.addi %squeeze3A_740, %add3A_801 : i32
        %get3A_803 = arith.constant 0 : i32
        %get3A_804 = arith.index_cast %get3A_803 : i32 to index
        %get3A_805 = arith.index_cast %add3A_736 : i32 to index
        %get3A_806 = arith.index_cast %add3A_802 : i32 to index
        %get3A_807 = tpu.vector_load %arg13[%get3A_804, %get3A_805, %get3A_806] {strides = array<i32>} : memref<2x128x128xf32, #tpu.memory_space<vmem>>, vector<16xf32>,
        %swap3A_808 = arith.constant 0 : i32
        %swap3A_809 = arith.index_cast %swap3A_808 : i32 to index
        %swap3A_810 = arith.index_cast %add3A_736 : i32 to index
        %swap3A_811 = arith.constant 96 : index
        %swap3A_812 = tpu.vector_load %arg14[%swap3A_809, %swap3A_810, %swap3A_811] {strides = array<i32>} : memref<2x128x128xf32, #tpu.memory_space<vmem>>, vector<16xf32>,
        tpu.vector_store %arg14[%swap3A_809, %swap3A_810, %swap3A_811], %get3A_807 {strides = array<i32>} : memref<2x128x128xf32, #tpu.memory_space<vmem>>, vector<16xf32>,
        %add3A_813 = arith.constant 48 : i32
        %add3A_814 = arith.addi %squeeze3A_738, %add3A_813 : i32
        %get3A_815 = arith.constant 0 : i32
        %get3A_816 = arith.index_cast %get3A_815 : i32 to index
        %get3A_817 = arith.index_cast %add3A_736 : i32 to index
        %get3A_818 = arith.index_cast %add3A_814 : i32 to index
        %get3A_819 = tpu.vector_load %arg12[%get3A_816, %get3A_817, %get3A_818] {strides = array<i32>} : memref<2x128x128xf32, #tpu.memory_space<vmem>>, vector<16xf32>,
        %swap3A_820 = arith.constant 0 : i32
        %swap3A_821 = arith.index_cast %swap3A_820 : i32 to index
        %swap3A_822 = arith.index_cast %add3A_736 : i32 to index
        %swap3A_823 = arith.constant 48 : index
        %swap3A_824 = tpu.vector_load %arg14[%swap3A_821, %swap3A_822, %swap3A_823] {strides = array<i32>} : memref<2x128x128xf32, #tpu.memory_space<vmem>>, vector<16xf32>,
        tpu.vector_store %arg14[%swap3A_821, %swap3A_822, %swap3A_823], %get3A_819 {strides = array<i32>} : memref<2x128x128xf32, #tpu.memory_space<vmem>>, vector<16xf32>,
        %add3A_825 = arith.constant 48 : i32
        %add3A_826 = arith.addi %squeeze3A_740, %add3A_825 : i32
        %get3A_827 = arith.constant 0 : i32
        %get3A_828 = arith.index_cast %get3A_827 : i32 to index
        %get3A_829 = arith.index_cast %add3A_736 : i32 to index
        %get3A_830 = arith.index_cast %add3A_826 : i32 to index
        %get3A_831 = tpu.vector_load %arg13[%get3A_828, %get3A_829, %get3A_830] {strides = array<i32>} : memref<2x128x128xf32, #tpu.memory_space<vmem>>, vector<16xf32>,
        %swap3A_832 = arith.constant 0 : i32
        %swap3A_833 = arith.index_cast %swap3A_832 : i32 to index
        %swap3A_834 = arith.index_cast %add3A_736 : i32 to index
        %swap3A_835 = arith.constant 112 : index
        %swap3A_836 = tpu.vector_load %arg14[%swap3A_833, %swap3A_834, %swap3A_835] {strides = array<i32>} : memref<2x128x128xf32, #tpu.memory_space<vmem>>, vector<16xf32>,
        tpu.vector_store %arg14[%swap3A_833, %swap3A_834, %swap3A_835], %get3A_831 {strides = array<i32>} : memref<2x128x128xf32, #tpu.memory_space<vmem>>, vector<16xf32>,
        %mul3A_837 = arith.constant 16 : i32
        %mul3A_838 = arith.muli %scan3A_414, %mul3A_837 : i32
        %add3A_839 = arith.constant 4 : i32
        %add3A_840 = arith.addi %mul3A_838, %add3A_839 : i32
        %slice3A_841 = vector.extract_strided_slice %get3A_418 {offsets = [4], sizes = [1], strides = [1]} : vector<16xi32> to vector<1xi32>
        %squeeze3A_842 = vector.extract %slice3A_841[0] : i32 from vector<1xi32>
        %slice3A_843 = vector.extract_strided_slice %get3A_423 {offsets = [4], sizes = [1], strides = [1]} : vector<16xi32> to vector<1xi32>
        %squeeze3A_844 = vector.extract %slice3A_843[0] : i32 from vector<1xi32>
        %add3A_845 = arith.constant 0 : i32
        %add3A_846 = arith.addi %squeeze3A_842, %add3A_845 : i32
        %get3A_847 = arith.constant 0 : i32
        %get3A_848 = arith.index_cast %get3A_847 : i32 to index
        %get3A_849 = arith.index_cast %add3A_840 : i32 to index
        %get3A_850 = arith.index_cast %add3A_846 : i32 to index
        %get3A_851 = tpu.vector_load %arg12[%get3A_848, %get3A_849, %get3A_850] {strides = array<i32>} : memref<2x128x128xf32, #tpu.memory_space<vmem>>, vector<16xf32>,
        %swap3A_852 = arith.constant 0 : i32
        %swap3A_853 = arith.index_cast %swap3A_852 : i32 to index
        %swap3A_854 = arith.index_cast %add3A_840 : i32 to index
        %swap3A_855 = arith.constant 0 : index
        %swap3A_856 = tpu.vector_load %arg14[%swap3A_853, %swap3A_854, %swap3A_855] {strides = array<i32>} : memref<2x128x128xf32, #tpu.memory_space<vmem>>, vector<16xf32>,
        tpu.vector_store %arg14[%swap3A_853, %swap3A_854, %swap3A_855], %get3A_851 {strides = array<i32>} : memref<2x128x128xf32, #tpu.memory_space<vmem>>, vector<16xf32>,
        %add3A_857 = arith.constant 0 : i32
        %add3A_858 = arith.addi %squeeze3A_844, %add3A_857 : i32
        %get3A_859 = arith.constant 0 : i32
        %get3A_860 = arith.index_cast %get3A_859 : i32 to index
        %get3A_861 = arith.index_cast %add3A_840 : i32 to index
        %get3A_862 = arith.index_cast %add3A_858 : i32 to index
        %get3A_863 = tpu.vector_load %arg13[%get3A_860, %get3A_861, %get3A_862] {strides = array<i32>} : memref<2x128x128xf32, #tpu.memory_space<vmem>>, vector<16xf32>,
        %swap3A_864 = arith.constant 0 : i32
        %swap3A_865 = arith.index_cast %swap3A_864 : i32 to index
        %swap3A_866 = arith.index_cast %add3A_840 : i32 to index
        %swap3A_867 = arith.constant 64 : index
        %swap3A_868 = tpu.vector_load %arg14[%swap3A_865, %swap3A_866, %swap3A_867] {strides = array<i32>} : memref<2x128x128xf32, #tpu.memory_space<vmem>>, vector<16xf32>,
        tpu.vector_store %arg14[%swap3A_865, %swap3A_866, %swap3A_867], %get3A_863 {strides = array<i32>} : memref<2x128x128xf32, #tpu.memory_space<vmem>>, vector<16xf32>,
        %add3A_869 = arith.constant 16 : i32
        %add3A_870 = arith.addi %squeeze3A_842, %add3A_869 : i32
        %get3A_871 = arith.constant 0 : i32
        %get3A_872 = arith.index_cast %get3A_871 : i32 to index
        %get3A_873 = arith.index_cast %add3A_840 : i32 to index
        %get3A_874 = arith.index_cast %add3A_870 : i32 to index
        %get3A_875 = tpu.vector_load %arg12[%get3A_872, %get3A_873, %get3A_874] {strides = array<i32>} : memref<2x128x128xf32, #tpu.memory_space<vmem>>, vector<16xf32>,
        %swap3A_876 = arith.constant 0 : i32
        %swap3A_877 = arith.index_cast %swap3A_876 : i32 to index
        %swap3A_878 = arith.index_cast %add3A_840 : i32 to index
        %swap3A_879 = arith.constant 16 : index
        %swap3A_880 = tpu.vector_load %arg14[%swap3A_877, %swap3A_878, %swap3A_879] {strides = array<i32>} : memref<2x128x128xf32, #tpu.memory_space<vmem>>, vector<16xf32>,
        tpu.vector_store %arg14[%swap3A_877, %swap3A_878, %swap3A_879], %get3A_875 {strides = array<i32>} : memref<2x128x128xf32, #tpu.memory_space<vmem>>, vector<16xf32>,
        %add3A_881 = arith.constant 16 : i32
        %add3A_882 = arith.addi %squeeze3A_844, %add3A_881 : i32
        %get3A_883 = arith.constant 0 : i32
        %get3A_884 = arith.index_cast %get3A_883 : i32 to index
        %get3A_885 = arith.index_cast %add3A_840 : i32 to index
        %get3A_886 = arith.index_cast %add3A_882 : i32 to index
        %get3A_887 = tpu.vector_load %arg13[%get3A_884, %get3A_885, %get3A_886] {strides = array<i32>} : memref<2x128x128xf32, #tpu.memory_space<vmem>>, vector<16xf32>,
        %swap3A_888 = arith.constant 0 : i32
        %swap3A_889 = arith.index_cast %swap3A_888 : i32 to index
        %swap3A_890 = arith.index_cast %add3A_840 : i32 to index
        %swap3A_891 = arith.constant 80 : index
        %swap3A_892 = tpu.vector_load %arg14[%swap3A_889, %swap3A_890, %swap3A_891] {strides = array<i32>} : memref<2x128x128xf32, #tpu.memory_space<vmem>>, vector<16xf32>,
        tpu.vector_store %arg14[%swap3A_889, %swap3A_890, %swap3A_891], %get3A_887 {strides = array<i32>} : memref<2x128x128xf32, #tpu.memory_space<vmem>>, vector<16xf32>,
        %add3A_893 = arith.constant 32 : i32
        %add3A_894 = arith.addi %squeeze3A_842, %add3A_893 : i32
        %get3A_895 = arith.constant 0 : i32
        %get3A_896 = arith.index_cast %get3A_895 : i32 to index
        %get3A_897 = arith.index_cast %add3A_840 : i32 to index
        %get3A_898 = arith.index_cast %add3A_894 : i32 to index
        %get3A_899 = tpu.vector_load %arg12[%get3A_896, %get3A_897, %get3A_898] {strides = array<i32>} : memref<2x128x128xf32, #tpu.memory_space<vmem>>, vector<16xf32>,
        %swap3A_900 = arith.constant 0 : i32
        %swap3A_901 = arith.index_cast %swap3A_900 : i32 to index
        %swap3A_902 = arith.index_cast %add3A_840 : i32 to index
        %swap3A_903 = arith.constant 32 : index
        %swap3A_904 = tpu.vector_load %arg14[%swap3A_901, %swap3A_902, %swap3A_903] {strides = array<i32>} : memref<2x128x128xf32, #tpu.memory_space<vmem>>, vector<16xf32>,
        tpu.vector_store %arg14[%swap3A_901, %swap3A_902, %swap3A_903], %get3A_899 {strides = array<i32>} : memref<2x128x128xf32, #tpu.memory_space<vmem>>, vector<16xf32>,
        %add3A_905 = arith.constant 32 : i32
        %add3A_906 = arith.addi %squeeze3A_844, %add3A_905 : i32
        %get3A_907 = arith.constant 0 : i32
        %get3A_908 = arith.index_cast %get3A_907 : i32 to index
        %get3A_909 = arith.index_cast %add3A_840 : i32 to index
        %get3A_910 = arith.index_cast %add3A_906 : i32 to index
        %get3A_911 = tpu.vector_load %arg13[%get3A_908, %get3A_909, %get3A_910] {strides = array<i32>} : memref<2x128x128xf32, #tpu.memory_space<vmem>>, vector<16xf32>,
        %swap3A_912 = arith.constant 0 : i32
        %swap3A_913 = arith.index_cast %swap3A_912 : i32 to index
        %swap3A_914 = arith.index_cast %add3A_840 : i32 to index
        %swap3A_915 = arith.constant 96 : index
        %swap3A_916 = tpu.vector_load %arg14[%swap3A_913, %swap3A_914, %swap3A_915] {strides = array<i32>} : memref<2x128x128xf32, #tpu.memory_space<vmem>>, vector<16xf32>,
        tpu.vector_store %arg14[%swap3A_913, %swap3A_914, %swap3A_915], %get3A_911 {strides = array<i32>} : memref<2x128x128xf32, #tpu.memory_space<vmem>>, vector<16xf32>,
        %add3A_917 = arith.constant 48 : i32
        %add3A_918 = arith.addi %squeeze3A_842, %add3A_917 : i32
        %get3A_919 = arith.constant 0 : i32
        %get3A_920 = arith.index_cast %get3A_919 : i32 to index
        %get3A_921 = arith.index_cast %add3A_840 : i32 to index
        %get3A_922 = arith.index_cast %add3A_918 : i32 to index
        %get3A_923 = tpu.vector_load %arg12[%get3A_920, %get3A_921, %get3A_922] {strides = array<i32>} : memref<2x128x128xf32, #tpu.memory_space<vmem>>, vector<16xf32>,
        %swap3A_924 = arith.constant 0 : i32
        %swap3A_925 = arith.index_cast %swap3A_924 : i32 to index
        %swap3A_926 = arith.index_cast %add3A_840 : i32 to index
        %swap3A_927 = arith.constant 48 : index
        %swap3A_928 = tpu.vector_load %arg14[%swap3A_925, %swap3A_926, %swap3A_927] {strides = array<i32>} : memref<2x128x128xf32, #tpu.memory_space<vmem>>, vector<16xf32>,
        tpu.vector_store %arg14[%swap3A_925, %swap3A_926, %swap3A_927], %get3A_923 {strides = array<i32>} : memref<2x128x128xf32, #tpu.memory_space<vmem>>, vector<16xf32>,
        %add3A_929 = arith.constant 48 : i32
        %add3A_930 = arith.addi %squeeze3A_844, %add3A_929 : i32
        %get3A_931 = arith.constant 0 : i32
        %get3A_932 = arith.index_cast %get3A_931 : i32 to index
        %get3A_933 = arith.index_cast %add3A_840 : i32 to index
        %get3A_934 = arith.index_cast %add3A_930 : i32 to index
        %get3A_935 = tpu.vector_load %arg13[%get3A_932, %get3A_933, %get3A_934] {strides = array<i32>} : memref<2x128x128xf32, #tpu.memory_space<vmem>>, vector<16xf32>,
        %swap3A_936 = arith.constant 0 : i32
        %swap3A_937 = arith.index_cast %swap3A_936 : i32 to index
        %swap3A_938 = arith.index_cast %add3A_840 : i32 to index
        %swap3A_939 = arith.constant 112 : index
        %swap3A_940 = tpu.vector_load %arg14[%swap3A_937, %swap3A_938, %swap3A_939] {strides = array<i32>} : memref<2x128x128xf32, #tpu.memory_space<vmem>>, vector<16xf32>,
        tpu.vector_store %arg14[%swap3A_937, %swap3A_938, %swap3A_939], %get3A_935 {strides = array<i32>} : memref<2x128x128xf32, #tpu.memory_space<vmem>>, vector<16xf32>,
        %mul3A_941 = arith.constant 16 : i32
        %mul3A_942 = arith.muli %scan3A_414, %mul3A_941 : i32
        %add3A_943 = arith.constant 5 : i32
        %add3A_944 = arith.addi %mul3A_942, %add3A_943 : i32
        %slice3A_945 = vector.extract_strided_slice %get3A_418 {offsets = [5], sizes = [1], strides = [1]} : vector<16xi32> to vector<1xi32>
        %squeeze3A_946 = vector.extract %slice3A_945[0] : i32 from vector<1xi32>
        %slice3A_947 = vector.extract_strided_slice %get3A_423 {offsets = [5], sizes = [1], strides = [1]} : vector<16xi32> to vector<1xi32>
        %squeeze3A_948 = vector.extract %slice3A_947[0] : i32 from vector<1xi32>
        %add3A_949 = arith.constant 0 : i32
        %add3A_950 = arith.addi %squeeze3A_946, %add3A_949 : i32
        %get3A_951 = arith.constant 0 : i32
        %get3A_952 = arith.index_cast %get3A_951 : i32 to index
        %get3A_953 = arith.index_cast %add3A_944 : i32 to index
        %get3A_954 = arith.index_cast %add3A_950 : i32 to index
        %get3A_955 = tpu.vector_load %arg12[%get3A_952, %get3A_953, %get3A_954] {strides = array<i32>} : memref<2x128x128xf32, #tpu.memory_space<vmem>>, vector<16xf32>,
        %swap3A_956 = arith.constant 0 : i32
        %swap3A_957 = arith.index_cast %swap3A_956 : i32 to index
        %swap3A_958 = arith.index_cast %add3A_944 : i32 to index
        %swap3A_959 = arith.constant 0 : index
        %swap3A_960 = tpu.vector_load %arg14[%swap3A_957, %swap3A_958, %swap3A_959] {strides = array<i32>} : memref<2x128x128xf32, #tpu.memory_space<vmem>>, vector<16xf32>,
        tpu.vector_store %arg14[%swap3A_957, %swap3A_958, %swap3A_959], %get3A_955 {strides = array<i32>} : memref<2x128x128xf32, #tpu.memory_space<vmem>>, vector<16xf32>,
        %add3A_961 = arith.constant 0 : i32
        %add3A_962 = arith.addi %squeeze3A_948, %add3A_961 : i32
        %get3A_963 = arith.constant 0 : i32
        %get3A_964 = arith.index_cast %get3A_963 : i32 to index
        %get3A_965 = arith.index_cast %add3A_944 : i32 to index
        %get3A_966 = arith.index_cast %add3A_962 : i32 to index
        %get3A_967 = tpu.vector_load %arg13[%get3A_964, %get3A_965, %get3A_966] {strides = array<i32>} : memref<2x128x128xf32, #tpu.memory_space<vmem>>, vector<16xf32>,
        %swap3A_968 = arith.constant 0 : i32
        %swap3A_969 = arith.index_cast %swap3A_968 : i32 to index
        %swap3A_970 = arith.index_cast %add3A_944 : i32 to index
        %swap3A_971 = arith.constant 64 : index
        %swap3A_972 = tpu.vector_load %arg14[%swap3A_969, %swap3A_970, %swap3A_971] {strides = array<i32>} : memref<2x128x128xf32, #tpu.memory_space<vmem>>, vector<16xf32>,
        tpu.vector_store %arg14[%swap3A_969, %swap3A_970, %swap3A_971], %get3A_967 {strides = array<i32>} : memref<2x128x128xf32, #tpu.memory_space<vmem>>, vector<16xf32>,
        %add3A_973 = arith.constant 16 : i32
        %add3A_974 = arith.addi %squeeze3A_946, %add3A_973 : i32
        %get3A_975 = arith.constant 0 : i32
        %get3A_976 = arith.index_cast %get3A_975 : i32 to index
        %get3A_977 = arith.index_cast %add3A_944 : i32 to index
        %get3A_978 = arith.index_cast %add3A_974 : i32 to index
        %get3A_979 = tpu.vector_load %arg12[%get3A_976, %get3A_977, %get3A_978] {strides = array<i32>} : memref<2x128x128xf32, #tpu.memory_space<vmem>>, vector<16xf32>,
        %swap3A_980 = arith.constant 0 : i32
        %swap3A_981 = arith.index_cast %swap3A_980 : i32 to index
        %swap3A_982 = arith.index_cast %add3A_944 : i32 to index
        %swap3A_983 = arith.constant 16 : index
        %swap3A_984 = tpu.vector_load %arg14[%swap3A_981, %swap3A_982, %swap3A_983] {strides = array<i32>} : memref<2x128x128xf32, #tpu.memory_space<vmem>>, vector<16xf32>,
        tpu.vector_store %arg14[%swap3A_981, %swap3A_982, %swap3A_983], %get3A_979 {strides = array<i32>} : memref<2x128x128xf32, #tpu.memory_space<vmem>>, vector<16xf32>,
        %add3A_985 = arith.constant 16 : i32
        %add3A_986 = arith.addi %squeeze3A_948, %add3A_985 : i32
        %get3A_987 = arith.constant 0 : i32
        %get3A_988 = arith.index_cast %get3A_987 : i32 to index
        %get3A_989 = arith.index_cast %add3A_944 : i32 to index
        %get3A_990 = arith.index_cast %add3A_986 : i32 to index
        %get3A_991 = tpu.vector_load %arg13[%get3A_988, %get3A_989, %get3A_990] {strides = array<i32>} : memref<2x128x128xf32, #tpu.memory_space<vmem>>, vector<16xf32>,
        %swap3A_992 = arith.constant 0 : i32
        %swap3A_993 = arith.index_cast %swap3A_992 : i32 to index
        %swap3A_994 = arith.index_cast %add3A_944 : i32 to index
        %swap3A_995 = arith.constant 80 : index
        %swap3A_996 = tpu.vector_load %arg14[%swap3A_993, %swap3A_994, %swap3A_995] {strides = array<i32>} : memref<2x128x128xf32, #tpu.memory_space<vmem>>, vector<16xf32>,
        tpu.vector_store %arg14[%swap3A_993, %swap3A_994, %swap3A_995], %get3A_991 {strides = array<i32>} : memref<2x128x128xf32, #tpu.memory_space<vmem>>, vector<16xf32>,
        %add3A_997 = arith.constant 32 : i32
        %add3A_998 = arith.addi %squeeze3A_946, %add3A_997 : i32
        %get3A_999 = arith.constant 0 : i32
        %get3A_1000 = arith.index_cast %get3A_999 : i32 to index
        %get3A_1001 = arith.index_cast %add3A_944 : i32 to index
        %get3A_1002 = arith.index_cast %add3A_998 : i32 to index
        %get3A_1003 = tpu.vector_load %arg12[%get3A_1000, %get3A_1001, %get3A_1002] {strides = array<i32>} : memref<2x128x128xf32, #tpu.memory_space<vmem>>, vector<16xf32>,
        %swap3A_1004 = arith.constant 0 : i32
        %swap3A_1005 = arith.index_cast %swap3A_1004 : i32 to index
        %swap3A_1006 = arith.index_cast %add3A_944 : i32 to index
        %swap3A_1007 = arith.constant 32 : index
        %swap3A_1008 = tpu.vector_load %arg14[%swap3A_1005, %swap3A_1006, %swap3A_1007] {strides = array<i32>} : memref<2x128x128xf32, #tpu.memory_space<vmem>>, vector<16xf32>,
        tpu.vector_store %arg14[%swap3A_1005, %swap3A_1006, %swap3A_1007], %get3A_1003 {strides = array<i32>} : memref<2x128x128xf32, #tpu.memory_space<vmem>>, vector<16xf32>,
        %add3A_1009 = arith.constant 32 : i32
        %add3A_1010 = arith.addi %squeeze3A_948, %add3A_1009 : i32
        %get3A_1011 = arith.constant 0 : i32
        %get3A_1012 = arith.index_cast %get3A_1011 : i32 to index
        %get3A_1013 = arith.index_cast %add3A_944 : i32 to index
        %get3A_1014 = arith.index_cast %add3A_1010 : i32 to index
        %get3A_1015 = tpu.vector_load %arg13[%get3A_1012, %get3A_1013, %get3A_1014] {strides = array<i32>} : memref<2x128x128xf32, #tpu.memory_space<vmem>>, vector<16xf32>,
        %swap3A_1016 = arith.constant 0 : i32
        %swap3A_1017 = arith.index_cast %swap3A_1016 : i32 to index
        %swap3A_1018 = arith.index_cast %add3A_944 : i32 to index
        %swap3A_1019 = arith.constant 96 : index
        %swap3A_1020 = tpu.vector_load %arg14[%swap3A_1017, %swap3A_1018, %swap3A_1019] {strides = array<i32>} : memref<2x128x128xf32, #tpu.memory_space<vmem>>, vector<16xf32>,
        tpu.vector_store %arg14[%swap3A_1017, %swap3A_1018, %swap3A_1019], %get3A_1015 {strides = array<i32>} : memref<2x128x128xf32, #tpu.memory_space<vmem>>, vector<16xf32>,
        %add3A_1021 = arith.constant 48 : i32
        %add3A_1022 = arith.addi %squeeze3A_946, %add3A_1021 : i32
        %get3A_1023 = arith.constant 0 : i32
        %get3A_1024 = arith.index_cast %get3A_1023 : i32 to index
        %get3A_1025 = arith.index_cast %add3A_944 : i32 to index
        %get3A_1026 = arith.index_cast %add3A_1022 : i32 to index
        %get3A_1027 = tpu.vector_load %arg12[%get3A_1024, %get3A_1025, %get3A_1026] {strides = array<i32>} : memref<2x128x128xf32, #tpu.memory_space<vmem>>, vector<16xf32>,
        %swap3A_1028 = arith.constant 0 : i32
        %swap3A_1029 = arith.index_cast %swap3A_1028 : i32 to index
        %swap3A_1030 = arith.index_cast %add3A_944 : i32 to index
        %swap3A_1031 = arith.constant 48 : index
        %swap3A_1032 = tpu.vector_load %arg14[%swap3A_1029, %swap3A_1030, %swap3A_1031] {strides = array<i32>} : memref<2x128x128xf32, #tpu.memory_space<vmem>>, vector<16xf32>,
        tpu.vector_store %arg14[%swap3A_1029, %swap3A_1030, %swap3A_1031], %get3A_1027 {strides = array<i32>} : memref<2x128x128xf32, #tpu.memory_space<vmem>>, vector<16xf32>,
        %add3A_1033 = arith.constant 48 : i32
        %add3A_1034 = arith.addi %squeeze3A_948, %add3A_1033 : i32
        %get3A_1035 = arith.constant 0 : i32
        %get3A_1036 = arith.index_cast %get3A_1035 : i32 to index
        %get3A_1037 = arith.index_cast %add3A_944 : i32 to index
        %get3A_1038 = arith.index_cast %add3A_1034 : i32 to index
        %get3A_1039 = tpu.vector_load %arg13[%get3A_1036, %get3A_1037, %get3A_1038] {strides = array<i32>} : memref<2x128x128xf32, #tpu.memory_space<vmem>>, vector<16xf32>,
        %swap3A_1040 = arith.constant 0 : i32
        %swap3A_1041 = arith.index_cast %swap3A_1040 : i32 to index
        %swap3A_1042 = arith.index_cast %add3A_944 : i32 to index
        %swap3A_1043 = arith.constant 112 : index
        %swap3A_1044 = tpu.vector_load %arg14[%swap3A_1041, %swap3A_1042, %swap3A_1043] {strides = array<i32>} : memref<2x128x128xf32, #tpu.memory_space<vmem>>, vector<16xf32>,
        tpu.vector_store %arg14[%swap3A_1041, %swap3A_1042, %swap3A_1043], %get3A_1039 {strides = array<i32>} : memref<2x128x128xf32, #tpu.memory_space<vmem>>, vector<16xf32>,
        %mul3A_1045 = arith.constant 16 : i32
        %mul3A_1046 = arith.muli %scan3A_414, %mul3A_1045 : i32
        %add3A_1047 = arith.constant 6 : i32
        %add3A_1048 = arith.addi %mul3A_1046, %add3A_1047 : i32
        %slice3A_1049 = vector.extract_strided_slice %get3A_418 {offsets = [6], sizes = [1], strides = [1]} : vector<16xi32> to vector<1xi32>
        %squeeze3A_1050 = vector.extract %slice3A_1049[0] : i32 from vector<1xi32>
        %slice3A_1051 = vector.extract_strided_slice %get3A_423 {offsets = [6], sizes = [1], strides = [1]} : vector<16xi32> to vector<1xi32>
        %squeeze3A_1052 = vector.extract %slice3A_1051[0] : i32 from vector<1xi32>
        %add3A_1053 = arith.constant 0 : i32
        %add3A_1054 = arith.addi %squeeze3A_1050, %add3A_1053 : i32
        %get3A_1055 = arith.constant 0 : i32
        %get3A_1056 = arith.index_cast %get3A_1055 : i32 to index
        %get3A_1057 = arith.index_cast %add3A_1048 : i32 to index
        %get3A_1058 = arith.index_cast %add3A_1054 : i32 to index
        %get3A_1059 = tpu.vector_load %arg12[%get3A_1056, %get3A_1057, %get3A_1058] {strides = array<i32>} : memref<2x128x128xf32, #tpu.memory_space<vmem>>, vector<16xf32>,
        %swap3A_1060 = arith.constant 0 : i32
        %swap3A_1061 = arith.index_cast %swap3A_1060 : i32 to index
        %swap3A_1062 = arith.index_cast %add3A_1048 : i32 to index
        %swap3A_1063 = arith.constant 0 : index
        %swap3A_1064 = tpu.vector_load %arg14[%swap3A_1061, %swap3A_1062, %swap3A_1063] {strides = array<i32>} : memref<2x128x128xf32, #tpu.memory_space<vmem>>, vector<16xf32>,
        tpu.vector_store %arg14[%swap3A_1061, %swap3A_1062, %swap3A_1063], %get3A_1059 {strides = array<i32>} : memref<2x128x128xf32, #tpu.memory_space<vmem>>, vector<16xf32>,
        %add3A_1065 = arith.constant 0 : i32
        %add3A_1066 = arith.addi %squeeze3A_1052, %add3A_1065 : i32
        %get3A_1067 = arith.constant 0 : i32
        %get3A_1068 = arith.index_cast %get3A_1067 : i32 to index
        %get3A_1069 = arith.index_cast %add3A_1048 : i32 to index
        %get3A_1070 = arith.index_cast %add3A_1066 : i32 to index
        %get3A_1071 = tpu.vector_load %arg13[%get3A_1068, %get3A_1069, %get3A_1070] {strides = array<i32>} : memref<2x128x128xf32, #tpu.memory_space<vmem>>, vector<16xf32>,
        %swap3A_1072 = arith.constant 0 : i32
        %swap3A_1073 = arith.index_cast %swap3A_1072 : i32 to index
        %swap3A_1074 = arith.index_cast %add3A_1048 : i32 to index
        %swap3A_1075 = arith.constant 64 : index
        %swap3A_1076 = tpu.vector_load %arg14[%swap3A_1073, %swap3A_1074, %swap3A_1075] {strides = array<i32>} : memref<2x128x128xf32, #tpu.memory_space<vmem>>, vector<16xf32>,
        tpu.vector_store %arg14[%swap3A_1073, %swap3A_1074, %swap3A_1075], %get3A_1071 {strides = array<i32>} : memref<2x128x128xf32, #tpu.memory_space<vmem>>, vector<16xf32>,
        %add3A_1077 = arith.constant 16 : i32
        %add3A_1078 = arith.addi %squeeze3A_1050, %add3A_1077 : i32
        %get3A_1079 = arith.constant 0 : i32
        %get3A_1080 = arith.index_cast %get3A_1079 : i32 to index
        %get3A_1081 = arith.index_cast %add3A_1048 : i32 to index
        %get3A_1082 = arith.index_cast %add3A_1078 : i32 to index
        %get3A_1083 = tpu.vector_load %arg12[%get3A_1080, %get3A_1081, %get3A_1082] {strides = array<i32>} : memref<2x128x128xf32, #tpu.memory_space<vmem>>, vector<16xf32>,
        %swap3A_1084 = arith.constant 0 : i32
        %swap3A_1085 = arith.index_cast %swap3A_1084 : i32 to index
        %swap3A_1086 = arith.index_cast %add3A_1048 : i32 to index
        %swap3A_1087 = arith.constant 16 : index
        %swap3A_1088 = tpu.vector_load %arg14[%swap3A_1085, %swap3A_1086, %swap3A_1087] {strides = array<i32>} : memref<2x128x128xf32, #tpu.memory_space<vmem>>, vector<16xf32>,
        tpu.vector_store %arg14[%swap3A_1085, %swap3A_1086, %swap3A_1087], %get3A_1083 {strides = array<i32>} : memref<2x128x128xf32, #tpu.memory_space<vmem>>, vector<16xf32>,
        %add3A_1089 = arith.constant 16 : i32
        %add3A_1090 = arith.addi %squeeze3A_1052, %add3A_1089 : i32
        %get3A_1091 = arith.constant 0 : i32
        %get3A_1092 = arith.index_cast %get3A_1091 : i32 to index
        %get3A_1093 = arith.index_cast %add3A_1048 : i32 to index
        %get3A_1094 = arith.index_cast %add3A_1090 : i32 to index
        %get3A_1095 = tpu.vector_load %arg13[%get3A_1092, %get3A_1093, %get3A_1094] {strides = array<i32>} : memref<2x128x128xf32, #tpu.memory_space<vmem>>, vector<16xf32>,
        %swap3A_1096 = arith.constant 0 : i32
        %swap3A_1097 = arith.index_cast %swap3A_1096 : i32 to index
        %swap3A_1098 = arith.index_cast %add3A_1048 : i32 to index
        %swap3A_1099 = arith.constant 80 : index
        %swap3A_1100 = tpu.vector_load %arg14[%swap3A_1097, %swap3A_1098, %swap3A_1099] {strides = array<i32>} : memref<2x128x128xf32, #tpu.memory_space<vmem>>, vector<16xf32>,
        tpu.vector_store %arg14[%swap3A_1097, %swap3A_1098, %swap3A_1099], %get3A_1095 {strides = array<i32>} : memref<2x128x128xf32, #tpu.memory_space<vmem>>, vector<16xf32>,
        %add3A_1101 = arith.constant 32 : i32
        %add3A_1102 = arith.addi %squeeze3A_1050, %add3A_1101 : i32
        %get3A_1103 = arith.constant 0 : i32
        %get3A_1104 = arith.index_cast %get3A_1103 : i32 to index
        %get3A_1105 = arith.index_cast %add3A_1048 : i32 to index
        %get3A_1106 = arith.index_cast %add3A_1102 : i32 to index
        %get3A_1107 = tpu.vector_load %arg12[%get3A_1104, %get3A_1105, %get3A_1106] {strides = array<i32>} : memref<2x128x128xf32, #tpu.memory_space<vmem>>, vector<16xf32>,
        %swap3A_1108 = arith.constant 0 : i32
        %swap3A_1109 = arith.index_cast %swap3A_1108 : i32 to index
        %swap3A_1110 = arith.index_cast %add3A_1048 : i32 to index
        %swap3A_1111 = arith.constant 32 : index
        %swap3A_1112 = tpu.vector_load %arg14[%swap3A_1109, %swap3A_1110, %swap3A_1111] {strides = array<i32>} : memref<2x128x128xf32, #tpu.memory_space<vmem>>, vector<16xf32>,
        tpu.vector_store %arg14[%swap3A_1109, %swap3A_1110, %swap3A_1111], %get3A_1107 {strides = array<i32>} : memref<2x128x128xf32, #tpu.memory_space<vmem>>, vector<16xf32>,
        %add3A_1113 = arith.constant 32 : i32
        %add3A_1114 = arith.addi %squeeze3A_1052, %add3A_1113 : i32
        %get3A_1115 = arith.constant 0 : i32
        %get3A_1116 = arith.index_cast %get3A_1115 : i32 to index
        %get3A_1117 = arith.index_cast %add3A_1048 : i32 to index
        %get3A_1118 = arith.index_cast %add3A_1114 : i32 to index
        %get3A_1119 = tpu.vector_load %arg13[%get3A_1116, %get3A_1117, %get3A_1118] {strides = array<i32>} : memref<2x128x128xf32, #tpu.memory_space<vmem>>, vector<16xf32>,
        %swap3A_1120 = arith.constant 0 : i32
        %swap3A_1121 = arith.index_cast %swap3A_1120 : i32 to index
        %swap3A_1122 = arith.index_cast %add3A_1048 : i32 to index
        %swap3A_1123 = arith.constant 96 : index
        %swap3A_1124 = tpu.vector_load %arg14[%swap3A_1121, %swap3A_1122, %swap3A_1123] {strides = array<i32>} : memref<2x128x128xf32, #tpu.memory_space<vmem>>, vector<16xf32>,
        tpu.vector_store %arg14[%swap3A_1121, %swap3A_1122, %swap3A_1123], %get3A_1119 {strides = array<i32>} : memref<2x128x128xf32, #tpu.memory_space<vmem>>, vector<16xf32>,
        %add3A_1125 = arith.constant 48 : i32
        %add3A_1126 = arith.addi %squeeze3A_1050, %add3A_1125 : i32
        %get3A_1127 = arith.constant 0 : i32
        %get3A_1128 = arith.index_cast %get3A_1127 : i32 to index
        %get3A_1129 = arith.index_cast %add3A_1048 : i32 to index
        %get3A_1130 = arith.index_cast %add3A_1126 : i32 to index
        %get3A_1131 = tpu.vector_load %arg12[%get3A_1128, %get3A_1129, %get3A_1130] {strides = array<i32>} : memref<2x128x128xf32, #tpu.memory_space<vmem>>, vector<16xf32>,
        %swap3A_1132 = arith.constant 0 : i32
        %swap3A_1133 = arith.index_cast %swap3A_1132 : i32 to index
        %swap3A_1134 = arith.index_cast %add3A_1048 : i32 to index
        %swap3A_1135 = arith.constant 48 : index
        %swap3A_1136 = tpu.vector_load %arg14[%swap3A_1133, %swap3A_1134, %swap3A_1135] {strides = array<i32>} : memref<2x128x128xf32, #tpu.memory_space<vmem>>, vector<16xf32>,
        tpu.vector_store %arg14[%swap3A_1133, %swap3A_1134, %swap3A_1135], %get3A_1131 {strides = array<i32>} : memref<2x128x128xf32, #tpu.memory_space<vmem>>, vector<16xf32>,
        %add3A_1137 = arith.constant 48 : i32
        %add3A_1138 = arith.addi %squeeze3A_1052, %add3A_1137 : i32
        %get3A_1139 = arith.constant 0 : i32
        %get3A_1140 = arith.index_cast %get3A_1139 : i32 to index
        %get3A_1141 = arith.index_cast %add3A_1048 : i32 to index
        %get3A_1142 = arith.index_cast %add3A_1138 : i32 to index
        %get3A_1143 = tpu.vector_load %arg13[%get3A_1140, %get3A_1141, %get3A_1142] {strides = array<i32>} : memref<2x128x128xf32, #tpu.memory_space<vmem>>, vector<16xf32>,
        %swap3A_1144 = arith.constant 0 : i32
        %swap3A_1145 = arith.index_cast %swap3A_1144 : i32 to index
        %swap3A_1146 = arith.index_cast %add3A_1048 : i32 to index
        %swap3A_1147 = arith.constant 112 : index
        %swap3A_1148 = tpu.vector_load %arg14[%swap3A_1145, %swap3A_1146, %swap3A_1147] {strides = array<i32>} : memref<2x128x128xf32, #tpu.memory_space<vmem>>, vector<16xf32>,
        tpu.vector_store %arg14[%swap3A_1145, %swap3A_1146, %swap3A_1147], %get3A_1143 {strides = array<i32>} : memref<2x128x128xf32, #tpu.memory_space<vmem>>, vector<16xf32>,
        %mul3A_1149 = arith.constant 16 : i32
        %mul3A_1150 = arith.muli %scan3A_414, %mul3A_1149 : i32
        %add3A_1151 = arith.constant 7 : i32
        %add3A_1152 = arith.addi %mul3A_1150, %add3A_1151 : i32
        %slice3A_1153 = vector.extract_strided_slice %get3A_418 {offsets = [7], sizes = [1], strides = [1]} : vector<16xi32> to vector<1xi32>
        %squeeze3A_1154 = vector.extract %slice3A_1153[0] : i32 from vector<1xi32>
        %slice3A_1155 = vector.extract_strided_slice %get3A_423 {offsets = [7], sizes = [1], strides = [1]} : vector<16xi32> to vector<1xi32>
        %squeeze3A_1156 = vector.extract %slice3A_1155[0] : i32 from vector<1xi32>
        %add3A_1157 = arith.constant 0 : i32
        %add3A_1158 = arith.addi %squeeze3A_1154, %add3A_1157 : i32
        %get3A_1159 = arith.constant 0 : i32
        %get3A_1160 = arith.index_cast %get3A_1159 : i32 to index
        %get3A_1161 = arith.index_cast %add3A_1152 : i32 to index
        %get3A_1162 = arith.index_cast %add3A_1158 : i32 to index
        %get3A_1163 = tpu.vector_load %arg12[%get3A_1160, %get3A_1161, %get3A_1162] {strides = array<i32>} : memref<2x128x128xf32, #tpu.memory_space<vmem>>, vector<16xf32>,
        %swap3A_1164 = arith.constant 0 : i32
        %swap3A_1165 = arith.index_cast %swap3A_1164 : i32 to index
        %swap3A_1166 = arith.index_cast %add3A_1152 : i32 to index
        %swap3A_1167 = arith.constant 0 : index
        %swap3A_1168 = tpu.vector_load %arg14[%swap3A_1165, %swap3A_1166, %swap3A_1167] {strides = array<i32>} : memref<2x128x128xf32, #tpu.memory_space<vmem>>, vector<16xf32>,
        tpu.vector_store %arg14[%swap3A_1165, %swap3A_1166, %swap3A_1167], %get3A_1163 {strides = array<i32>} : memref<2x128x128xf32, #tpu.memory_space<vmem>>, vector<16xf32>,
        %add3A_1169 = arith.constant 0 : i32
        %add3A_1170 = arith.addi %squeeze3A_1156, %add3A_1169 : i32
        %get3A_1171 = arith.constant 0 : i32
        %get3A_1172 = arith.index_cast %get3A_1171 : i32 to index
        %get3A_1173 = arith.index_cast %add3A_1152 : i32 to index
        %get3A_1174 = arith.index_cast %add3A_1170 : i32 to index
        %get3A_1175 = tpu.vector_load %arg13[%get3A_1172, %get3A_1173, %get3A_1174] {strides = array<i32>} : memref<2x128x128xf32, #tpu.memory_space<vmem>>, vector<16xf32>,
        %swap3A_1176 = arith.constant 0 : i32
        %swap3A_1177 = arith.index_cast %swap3A_1176 : i32 to index
        %swap3A_1178 = arith.index_cast %add3A_1152 : i32 to index
        %swap3A_1179 = arith.constant 64 : index
        %swap3A_1180 = tpu.vector_load %arg14[%swap3A_1177, %swap3A_1178, %swap3A_1179] {strides = array<i32>} : memref<2x128x128xf32, #tpu.memory_space<vmem>>, vector<16xf32>,
        tpu.vector_store %arg14[%swap3A_1177, %swap3A_1178, %swap3A_1179], %get3A_1175 {strides = array<i32>} : memref<2x128x128xf32, #tpu.memory_space<vmem>>, vector<16xf32>,
        %add3A_1181 = arith.constant 16 : i32
        %add3A_1182 = arith.addi %squeeze3A_1154, %add3A_1181 : i32
        %get3A_1183 = arith.constant 0 : i32
        %get3A_1184 = arith.index_cast %get3A_1183 : i32 to index
        %get3A_1185 = arith.index_cast %add3A_1152 : i32 to index
        %get3A_1186 = arith.index_cast %add3A_1182 : i32 to index
        %get3A_1187 = tpu.vector_load %arg12[%get3A_1184, %get3A_1185, %get3A_1186] {strides = array<i32>} : memref<2x128x128xf32, #tpu.memory_space<vmem>>, vector<16xf32>,
        %swap3A_1188 = arith.constant 0 : i32
        %swap3A_1189 = arith.index_cast %swap3A_1188 : i32 to index
        %swap3A_1190 = arith.index_cast %add3A_1152 : i32 to index
        %swap3A_1191 = arith.constant 16 : index
        %swap3A_1192 = tpu.vector_load %arg14[%swap3A_1189, %swap3A_1190, %swap3A_1191] {strides = array<i32>} : memref<2x128x128xf32, #tpu.memory_space<vmem>>, vector<16xf32>,
        tpu.vector_store %arg14[%swap3A_1189, %swap3A_1190, %swap3A_1191], %get3A_1187 {strides = array<i32>} : memref<2x128x128xf32, #tpu.memory_space<vmem>>, vector<16xf32>,
        %add3A_1193 = arith.constant 16 : i32
        %add3A_1194 = arith.addi %squeeze3A_1156, %add3A_1193 : i32
        %get3A_1195 = arith.constant 0 : i32
        %get3A_1196 = arith.index_cast %get3A_1195 : i32 to index
        %get3A_1197 = arith.index_cast %add3A_1152 : i32 to index
        %get3A_1198 = arith.index_cast %add3A_1194 : i32 to index
        %get3A_1199 = tpu.vector_load %arg13[%get3A_1196, %get3A_1197, %get3A_1198] {strides = array<i32>} : memref<2x128x128xf32, #tpu.memory_space<vmem>>, vector<16xf32>,
        %swap3A_1200 = arith.constant 0 : i32
        %swap3A_1201 = arith.index_cast %swap3A_1200 : i32 to index
        %swap3A_1202 = arith.index_cast %add3A_1152 : i32 to index
        %swap3A_1203 = arith.constant 80 : index
        %swap3A_1204 = tpu.vector_load %arg14[%swap3A_1201, %swap3A_1202, %swap3A_1203] {strides = array<i32>} : memref<2x128x128xf32, #tpu.memory_space<vmem>>, vector<16xf32>,
        tpu.vector_store %arg14[%swap3A_1201, %swap3A_1202, %swap3A_1203], %get3A_1199 {strides = array<i32>} : memref<2x128x128xf32, #tpu.memory_space<vmem>>, vector<16xf32>,
        %add3A_1205 = arith.constant 32 : i32
        %add3A_1206 = arith.addi %squeeze3A_1154, %add3A_1205 : i32
        %get3A_1207 = arith.constant 0 : i32
        %get3A_1208 = arith.index_cast %get3A_1207 : i32 to index
        %get3A_1209 = arith.index_cast %add3A_1152 : i32 to index
        %get3A_1210 = arith.index_cast %add3A_1206 : i32 to index
        %get3A_1211 = tpu.vector_load %arg12[%get3A_1208, %get3A_1209, %get3A_1210] {strides = array<i32>} : memref<2x128x128xf32, #tpu.memory_space<vmem>>, vector<16xf32>,
        %swap3A_1212 = arith.constant 0 : i32
        %swap3A_1213 = arith.index_cast %swap3A_1212 : i32 to index
        %swap3A_1214 = arith.index_cast %add3A_1152 : i32 to index
        %swap3A_1215 = arith.constant 32 : index
        %swap3A_1216 = tpu.vector_load %arg14[%swap3A_1213, %swap3A_1214, %swap3A_1215] {strides = array<i32>} : memref<2x128x128xf32, #tpu.memory_space<vmem>>, vector<16xf32>,
        tpu.vector_store %arg14[%swap3A_1213, %swap3A_1214, %swap3A_1215], %get3A_1211 {strides = array<i32>} : memref<2x128x128xf32, #tpu.memory_space<vmem>>, vector<16xf32>,
        %add3A_1217 = arith.constant 32 : i32
        %add3A_1218 = arith.addi %squeeze3A_1156, %add3A_1217 : i32
        %get3A_1219 = arith.constant 0 : i32
        %get3A_1220 = arith.index_cast %get3A_1219 : i32 to index
        %get3A_1221 = arith.index_cast %add3A_1152 : i32 to index
        %get3A_1222 = arith.index_cast %add3A_1218 : i32 to index
        %get3A_1223 = tpu.vector_load %arg13[%get3A_1220, %get3A_1221, %get3A_1222] {strides = array<i32>} : memref<2x128x128xf32, #tpu.memory_space<vmem>>, vector<16xf32>,
        %swap3A_1224 = arith.constant 0 : i32
        %swap3A_1225 = arith.index_cast %swap3A_1224 : i32 to index
        %swap3A_1226 = arith.index_cast %add3A_1152 : i32 to index
        %swap3A_1227 = arith.constant 96 : index
        %swap3A_1228 = tpu.vector_load %arg14[%swap3A_1225, %swap3A_1226, %swap3A_1227] {strides = array<i32>} : memref<2x128x128xf32, #tpu.memory_space<vmem>>, vector<16xf32>,
        tpu.vector_store %arg14[%swap3A_1225, %swap3A_1226, %swap3A_1227], %get3A_1223 {strides = array<i32>} : memref<2x128x128xf32, #tpu.memory_space<vmem>>, vector<16xf32>,
        %add3A_1229 = arith.constant 48 : i32
        %add3A_1230 = arith.addi %squeeze3A_1154, %add3A_1229 : i32
        %get3A_1231 = arith.constant 0 : i32
        %get3A_1232 = arith.index_cast %get3A_1231 : i32 to index
        %get3A_1233 = arith.index_cast %add3A_1152 : i32 to index
        %get3A_1234 = arith.index_cast %add3A_1230 : i32 to index
        %get3A_1235 = tpu.vector_load %arg12[%get3A_1232, %get3A_1233, %get3A_1234] {strides = array<i32>} : memref<2x128x128xf32, #tpu.memory_space<vmem>>, vector<16xf32>,
        %swap3A_1236 = arith.constant 0 : i32
        %swap3A_1237 = arith.index_cast %swap3A_1236 : i32 to index
        %swap3A_1238 = arith.index_cast %add3A_1152 : i32 to index
        %swap3A_1239 = arith.constant 48 : index
        %swap3A_1240 = tpu.vector_load %arg14[%swap3A_1237, %swap3A_1238, %swap3A_1239] {strides = array<i32>} : memref<2x128x128xf32, #tpu.memory_space<vmem>>, vector<16xf32>,
        tpu.vector_store %arg14[%swap3A_1237, %swap3A_1238, %swap3A_1239], %get3A_1235 {strides = array<i32>} : memref<2x128x128xf32, #tpu.memory_space<vmem>>, vector<16xf32>,
        %add3A_1241 = arith.constant 48 : i32
        %add3A_1242 = arith.addi %squeeze3A_1156, %add3A_1241 : i32
        %get3A_1243 = arith.constant 0 : i32
        %get3A_1244 = arith.index_cast %get3A_1243 : i32 to index
        %get3A_1245 = arith.index_cast %add3A_1152 : i32 to index
        %get3A_1246 = arith.index_cast %add3A_1242 : i32 to index
        %get3A_1247 = tpu.vector_load %arg13[%get3A_1244, %get3A_1245, %get3A_1246] {strides = array<i32>} : memref<2x128x128xf32, #tpu.memory_space<vmem>>, vector<16xf32>,
        %swap3A_1248 = arith.constant 0 : i32
        %swap3A_1249 = arith.index_cast %swap3A_1248 : i32 to index
        %swap3A_1250 = arith.index_cast %add3A_1152 : i32 to index
        %swap3A_1251 = arith.constant 112 : index
        %swap3A_1252 = tpu.vector_load %arg14[%swap3A_1249, %swap3A_1250, %swap3A_1251] {strides = array<i32>} : memref<2x128x128xf32, #tpu.memory_space<vmem>>, vector<16xf32>,
        tpu.vector_store %arg14[%swap3A_1249, %swap3A_1250, %swap3A_1251], %get3A_1247 {strides = array<i32>} : memref<2x128x128xf32, #tpu.memory_space<vmem>>, vector<16xf32>,
        %mul3A_1253 = arith.constant 16 : i32
        %mul3A_1254 = arith.muli %scan3A_414, %mul3A_1253 : i32
        %add3A_1255 = arith.constant 8 : i32
        %add3A_1256 = arith.addi %mul3A_1254, %add3A_1255 : i32
        %slice3A_1257 = vector.extract_strided_slice %get3A_418 {offsets = [8], sizes = [1], strides = [1]} : vector<16xi32> to vector<1xi32>
        %squeeze3A_1258 = vector.extract %slice3A_1257[0] : i32 from vector<1xi32>
        %slice3A_1259 = vector.extract_strided_slice %get3A_423 {offsets = [8], sizes = [1], strides = [1]} : vector<16xi32> to vector<1xi32>
        %squeeze3A_1260 = vector.extract %slice3A_1259[0] : i32 from vector<1xi32>
        %add3A_1261 = arith.constant 0 : i32
        %add3A_1262 = arith.addi %squeeze3A_1258, %add3A_1261 : i32
        %get3A_1263 = arith.constant 0 : i32
        %get3A_1264 = arith.index_cast %get3A_1263 : i32 to index
        %get3A_1265 = arith.index_cast %add3A_1256 : i32 to index
        %get3A_1266 = arith.index_cast %add3A_1262 : i32 to index
        %get3A_1267 = tpu.vector_load %arg12[%get3A_1264, %get3A_1265, %get3A_1266] {strides = array<i32>} : memref<2x128x128xf32, #tpu.memory_space<vmem>>, vector<16xf32>,
        %swap3A_1268 = arith.constant 0 : i32
        %swap3A_1269 = arith.index_cast %swap3A_1268 : i32 to index
        %swap3A_1270 = arith.index_cast %add3A_1256 : i32 to index
        %swap3A_1271 = arith.constant 0 : index
        %swap3A_1272 = tpu.vector_load %arg14[%swap3A_1269, %swap3A_1270, %swap3A_1271] {strides = array<i32>} : memref<2x128x128xf32, #tpu.memory_space<vmem>>, vector<16xf32>,
        tpu.vector_store %arg14[%swap3A_1269, %swap3A_1270, %swap3A_1271], %get3A_1267 {strides = array<i32>} : memref<2x128x128xf32, #tpu.memory_space<vmem>>, vector<16xf32>,
        %add3A_1273 = arith.constant 0 : i32
        %add3A_1274 = arith.addi %squeeze3A_1260, %add3A_1273 : i32
        %get3A_1275 = arith.constant 0 : i32
        %get3A_1276 = arith.index_cast %get3A_1275 : i32 to index
        %get3A_1277 = arith.index_cast %add3A_1256 : i32 to index
        %get3A_1278 = arith.index_cast %add3A_1274 : i32 to index
        %get3A_1279 = tpu.vector_load %arg13[%get3A_1276, %get3A_1277, %get3A_1278] {strides = array<i32>} : memref<2x128x128xf32, #tpu.memory_space<vmem>>, vector<16xf32>,
        %swap3A_1280 = arith.constant 0 : i32
        %swap3A_1281 = arith.index_cast %swap3A_1280 : i32 to index
        %swap3A_1282 = arith.index_cast %add3A_1256 : i32 to index
        %swap3A_1283 = arith.constant 64 : index
        %swap3A_1284 = tpu.vector_load %arg14[%swap3A_1281, %swap3A_1282, %swap3A_1283] {strides = array<i32>} : memref<2x128x128xf32, #tpu.memory_space<vmem>>, vector<16xf32>,
        tpu.vector_store %arg14[%swap3A_1281, %swap3A_1282, %swap3A_1283], %get3A_1279 {strides = array<i32>} : memref<2x128x128xf32, #tpu.memory_space<vmem>>, vector<16xf32>,
        %add3A_1285 = arith.constant 16 : i32
        %add3A_1286 = arith.addi %squeeze3A_1258, %add3A_1285 : i32
        %get3A_1287 = arith.constant 0 : i32
        %get3A_1288 = arith.index_cast %get3A_1287 : i32 to index
        %get3A_1289 = arith.index_cast %add3A_1256 : i32 to index
        %get3A_1290 = arith.index_cast %add3A_1286 : i32 to index
        %get3A_1291 = tpu.vector_load %arg12[%get3A_1288, %get3A_1289, %get3A_1290] {strides = array<i32>} : memref<2x128x128xf32, #tpu.memory_space<vmem>>, vector<16xf32>,
        %swap3A_1292 = arith.constant 0 : i32
        %swap3A_1293 = arith.index_cast %swap3A_1292 : i32 to index
        %swap3A_1294 = arith.index_cast %add3A_1256 : i32 to index
        %swap3A_1295 = arith.constant 16 : index
        %swap3A_1296 = tpu.vector_load %arg14[%swap3A_1293, %swap3A_1294, %swap3A_1295] {strides = array<i32>} : memref<2x128x128xf32, #tpu.memory_space<vmem>>, vector<16xf32>,
        tpu.vector_store %arg14[%swap3A_1293, %swap3A_1294, %swap3A_1295], %get3A_1291 {strides = array<i32>} : memref<2x128x128xf32, #tpu.memory_space<vmem>>, vector<16xf32>,
        %add3A_1297 = arith.constant 16 : i32
        %add3A_1298 = arith.addi %squeeze3A_1260, %add3A_1297 : i32
        %get3A_1299 = arith.constant 0 : i32
        %get3A_1300 = arith.index_cast %get3A_1299 : i32 to index
        %get3A_1301 = arith.index_cast %add3A_1256 : i32 to index
        %get3A_1302 = arith.index_cast %add3A_1298 : i32 to index
        %get3A_1303 = tpu.vector_load %arg13[%get3A_1300, %get3A_1301, %get3A_1302] {strides = array<i32>} : memref<2x128x128xf32, #tpu.memory_space<vmem>>, vector<16xf32>,
        %swap3A_1304 = arith.constant 0 : i32
        %swap3A_1305 = arith.index_cast %swap3A_1304 : i32 to index
        %swap3A_1306 = arith.index_cast %add3A_1256 : i32 to index
        %swap3A_1307 = arith.constant 80 : index
        %swap3A_1308 = tpu.vector_load %arg14[%swap3A_1305, %swap3A_1306, %swap3A_1307] {strides = array<i32>} : memref<2x128x128xf32, #tpu.memory_space<vmem>>, vector<16xf32>,
        tpu.vector_store %arg14[%swap3A_1305, %swap3A_1306, %swap3A_1307], %get3A_1303 {strides = array<i32>} : memref<2x128x128xf32, #tpu.memory_space<vmem>>, vector<16xf32>,
        %add3A_1309 = arith.constant 32 : i32
        %add3A_1310 = arith.addi %squeeze3A_1258, %add3A_1309 : i32
        %get3A_1311 = arith.constant 0 : i32
        %get3A_1312 = arith.index_cast %get3A_1311 : i32 to index
        %get3A_1313 = arith.index_cast %add3A_1256 : i32 to index
        %get3A_1314 = arith.index_cast %add3A_1310 : i32 to index
        %get3A_1315 = tpu.vector_load %arg12[%get3A_1312, %get3A_1313, %get3A_1314] {strides = array<i32>} : memref<2x128x128xf32, #tpu.memory_space<vmem>>, vector<16xf32>,
        %swap3A_1316 = arith.constant 0 : i32
        %swap3A_1317 = arith.index_cast %swap3A_1316 : i32 to index
        %swap3A_1318 = arith.index_cast %add3A_1256 : i32 to index
        %swap3A_1319 = arith.constant 32 : index
        %swap3A_1320 = tpu.vector_load %arg14[%swap3A_1317, %swap3A_1318, %swap3A_1319] {strides = array<i32>} : memref<2x128x128xf32, #tpu.memory_space<vmem>>, vector<16xf32>,
        tpu.vector_store %arg14[%swap3A_1317, %swap3A_1318, %swap3A_1319], %get3A_1315 {strides = array<i32>} : memref<2x128x128xf32, #tpu.memory_space<vmem>>, vector<16xf32>,
        %add3A_1321 = arith.constant 32 : i32
        %add3A_1322 = arith.addi %squeeze3A_1260, %add3A_1321 : i32
        %get3A_1323 = arith.constant 0 : i32
        %get3A_1324 = arith.index_cast %get3A_1323 : i32 to index
        %get3A_1325 = arith.index_cast %add3A_1256 : i32 to index
        %get3A_1326 = arith.index_cast %add3A_1322 : i32 to index
        %get3A_1327 = tpu.vector_load %arg13[%get3A_1324, %get3A_1325, %get3A_1326] {strides = array<i32>} : memref<2x128x128xf32, #tpu.memory_space<vmem>>, vector<16xf32>,
        %swap3A_1328 = arith.constant 0 : i32
        %swap3A_1329 = arith.index_cast %swap3A_1328 : i32 to index
        %swap3A_1330 = arith.index_cast %add3A_1256 : i32 to index
        %swap3A_1331 = arith.constant 96 : index
        %swap3A_1332 = tpu.vector_load %arg14[%swap3A_1329, %swap3A_1330, %swap3A_1331] {strides = array<i32>} : memref<2x128x128xf32, #tpu.memory_space<vmem>>, vector<16xf32>,
        tpu.vector_store %arg14[%swap3A_1329, %swap3A_1330, %swap3A_1331], %get3A_1327 {strides = array<i32>} : memref<2x128x128xf32, #tpu.memory_space<vmem>>, vector<16xf32>,
        %add3A_1333 = arith.constant 48 : i32
        %add3A_1334 = arith.addi %squeeze3A_1258, %add3A_1333 : i32
        %get3A_1335 = arith.constant 0 : i32
        %get3A_1336 = arith.index_cast %get3A_1335 : i32 to index
        %get3A_1337 = arith.index_cast %add3A_1256 : i32 to index
        %get3A_1338 = arith.index_cast %add3A_1334 : i32 to index
        %get3A_1339 = tpu.vector_load %arg12[%get3A_1336, %get3A_1337, %get3A_1338] {strides = array<i32>} : memref<2x128x128xf32, #tpu.memory_space<vmem>>, vector<16xf32>,
        %swap3A_1340 = arith.constant 0 : i32
        %swap3A_1341 = arith.index_cast %swap3A_1340 : i32 to index
        %swap3A_1342 = arith.index_cast %add3A_1256 : i32 to index
        %swap3A_1343 = arith.constant 48 : index
        %swap3A_1344 = tpu.vector_load %arg14[%swap3A_1341, %swap3A_1342, %swap3A_1343] {strides = array<i32>} : memref<2x128x128xf32, #tpu.memory_space<vmem>>, vector<16xf32>,
        tpu.vector_store %arg14[%swap3A_1341, %swap3A_1342, %swap3A_1343], %get3A_1339 {strides = array<i32>} : memref<2x128x128xf32, #tpu.memory_space<vmem>>, vector<16xf32>,
        %add3A_1345 = arith.constant 48 : i32
        %add3A_1346 = arith.addi %squeeze3A_1260, %add3A_1345 : i32
        %get3A_1347 = arith.constant 0 : i32
        %get3A_1348 = arith.index_cast %get3A_1347 : i32 to index
        %get3A_1349 = arith.index_cast %add3A_1256 : i32 to index
        %get3A_1350 = arith.index_cast %add3A_1346 : i32 to index
        %get3A_1351 = tpu.vector_load %arg13[%get3A_1348, %get3A_1349, %get3A_1350] {strides = array<i32>} : memref<2x128x128xf32, #tpu.memory_space<vmem>>, vector<16xf32>,
        %swap3A_1352 = arith.constant 0 : i32
        %swap3A_1353 = arith.index_cast %swap3A_1352 : i32 to index
        %swap3A_1354 = arith.index_cast %add3A_1256 : i32 to index
        %swap3A_1355 = arith.constant 112 : index
        %swap3A_1356 = tpu.vector_load %arg14[%swap3A_1353, %swap3A_1354, %swap3A_1355] {strides = array<i32>} : memref<2x128x128xf32, #tpu.memory_space<vmem>>, vector<16xf32>,
        tpu.vector_store %arg14[%swap3A_1353, %swap3A_1354, %swap3A_1355], %get3A_1351 {strides = array<i32>} : memref<2x128x128xf32, #tpu.memory_space<vmem>>, vector<16xf32>,
        %mul3A_1357 = arith.constant 16 : i32
        %mul3A_1358 = arith.muli %scan3A_414, %mul3A_1357 : i32
        %add3A_1359 = arith.constant 9 : i32
        %add3A_1360 = arith.addi %mul3A_1358, %add3A_1359 : i32
        %slice3A_1361 = vector.extract_strided_slice %get3A_418 {offsets = [9], sizes = [1], strides = [1]} : vector<16xi32> to vector<1xi32>
        %squeeze3A_1362 = vector.extract %slice3A_1361[0] : i32 from vector<1xi32>
        %slice3A_1363 = vector.extract_strided_slice %get3A_423 {offsets = [9], sizes = [1], strides = [1]} : vector<16xi32> to vector<1xi32>
        %squeeze3A_1364 = vector.extract %slice3A_1363[0] : i32 from vector<1xi32>
        %add3A_1365 = arith.constant 0 : i32
        %add3A_1366 = arith.addi %squeeze3A_1362, %add3A_1365 : i32
        %get3A_1367 = arith.constant 0 : i32
        %get3A_1368 = arith.index_cast %get3A_1367 : i32 to index
        %get3A_1369 = arith.index_cast %add3A_1360 : i32 to index
        %get3A_1370 = arith.index_cast %add3A_1366 : i32 to index
        %get3A_1371 = tpu.vector_load %arg12[%get3A_1368, %get3A_1369, %get3A_1370] {strides = array<i32>} : memref<2x128x128xf32, #tpu.memory_space<vmem>>, vector<16xf32>,
        %swap3A_1372 = arith.constant 0 : i32
        %swap3A_1373 = arith.index_cast %swap3A_1372 : i32 to index
        %swap3A_1374 = arith.index_cast %add3A_1360 : i32 to index
        %swap3A_1375 = arith.constant 0 : index
        %swap3A_1376 = tpu.vector_load %arg14[%swap3A_1373, %swap3A_1374, %swap3A_1375] {strides = array<i32>} : memref<2x128x128xf32, #tpu.memory_space<vmem>>, vector<16xf32>,
        tpu.vector_store %arg14[%swap3A_1373, %swap3A_1374, %swap3A_1375], %get3A_1371 {strides = array<i32>} : memref<2x128x128xf32, #tpu.memory_space<vmem>>, vector<16xf32>,
        %add3A_1377 = arith.constant 0 : i32
        %add3A_1378 = arith.addi %squeeze3A_1364, %add3A_1377 : i32
        %get3A_1379 = arith.constant 0 : i32
        %get3A_1380 = arith.index_cast %get3A_1379 : i32 to index
        %get3A_1381 = arith.index_cast %add3A_1360 : i32 to index
        %get3A_1382 = arith.index_cast %add3A_1378 : i32 to index
        %get3A_1383 = tpu.vector_load %arg13[%get3A_1380, %get3A_1381, %get3A_1382] {strides = array<i32>} : memref<2x128x128xf32, #tpu.memory_space<vmem>>, vector<16xf32>,
        %swap3A_1384 = arith.constant 0 : i32
        %swap3A_1385 = arith.index_cast %swap3A_1384 : i32 to index
        %swap3A_1386 = arith.index_cast %add3A_1360 : i32 to index
        %swap3A_1387 = arith.constant 64 : index
        %swap3A_1388 = tpu.vector_load %arg14[%swap3A_1385, %swap3A_1386, %swap3A_1387] {strides = array<i32>} : memref<2x128x128xf32, #tpu.memory_space<vmem>>, vector<16xf32>,
        tpu.vector_store %arg14[%swap3A_1385, %swap3A_1386, %swap3A_1387], %get3A_1383 {strides = array<i32>} : memref<2x128x128xf32, #tpu.memory_space<vmem>>, vector<16xf32>,
        %add3A_1389 = arith.constant 16 : i32
        %add3A_1390 = arith.addi %squeeze3A_1362, %add3A_1389 : i32
        %get3A_1391 = arith.constant 0 : i32
        %get3A_1392 = arith.index_cast %get3A_1391 : i32 to index
        %get3A_1393 = arith.index_cast %add3A_1360 : i32 to index
        %get3A_1394 = arith.index_cast %add3A_1390 : i32 to index
        %get3A_1395 = tpu.vector_load %arg12[%get3A_1392, %get3A_1393, %get3A_1394] {strides = array<i32>} : memref<2x128x128xf32, #tpu.memory_space<vmem>>, vector<16xf32>,
        %swap3A_1396 = arith.constant 0 : i32
        %swap3A_1397 = arith.index_cast %swap3A_1396 : i32 to index
        %swap3A_1398 = arith.index_cast %add3A_1360 : i32 to index
        %swap3A_1399 = arith.constant 16 : index
        %swap3A_1400 = tpu.vector_load %arg14[%swap3A_1397, %swap3A_1398, %swap3A_1399] {strides = array<i32>} : memref<2x128x128xf32, #tpu.memory_space<vmem>>, vector<16xf32>,
        tpu.vector_store %arg14[%swap3A_1397, %swap3A_1398, %swap3A_1399], %get3A_1395 {strides = array<i32>} : memref<2x128x128xf32, #tpu.memory_space<vmem>>, vector<16xf32>,
        %add3A_1401 = arith.constant 16 : i32
        %add3A_1402 = arith.addi %squeeze3A_1364, %add3A_1401 : i32
        %get3A_1403 = arith.constant 0 : i32
        %get3A_1404 = arith.index_cast %get3A_1403 : i32 to index
        %get3A_1405 = arith.index_cast %add3A_1360 : i32 to index
        %get3A_1406 = arith.index_cast %add3A_1402 : i32 to index
        %get3A_1407 = tpu.vector_load %arg13[%get3A_1404, %get3A_1405, %get3A_1406] {strides = array<i32>} : memref<2x128x128xf32, #tpu.memory_space<vmem>>, vector<16xf32>,
        %swap3A_1408 = arith.constant 0 : i32
        %swap3A_1409 = arith.index_cast %swap3A_1408 : i32 to index
        %swap3A_1410 = arith.index_cast %add3A_1360 : i32 to index
        %swap3A_1411 = arith.constant 80 : index
        %swap3A_1412 = tpu.vector_load %arg14[%swap3A_1409, %swap3A_1410, %swap3A_1411] {strides = array<i32>} : memref<2x128x128xf32, #tpu.memory_space<vmem>>, vector<16xf32>,
        tpu.vector_store %arg14[%swap3A_1409, %swap3A_1410, %swap3A_1411], %get3A_1407 {strides = array<i32>} : memref<2x128x128xf32, #tpu.memory_space<vmem>>, vector<16xf32>,
        %add3A_1413 = arith.constant 32 : i32
        %add3A_1414 = arith.addi %squeeze3A_1362, %add3A_1413 : i32
        %get3A_1415 = arith.constant 0 : i32
        %get3A_1416 = arith.index_cast %get3A_1415 : i32 to index
        %get3A_1417 = arith.index_cast %add3A_1360 : i32 to index
        %get3A_1418 = arith.index_cast %add3A_1414 : i32 to index
        %get3A_1419 = tpu.vector_load %arg12[%get3A_1416, %get3A_1417, %get3A_1418] {strides = array<i32>} : memref<2x128x128xf32, #tpu.memory_space<vmem>>, vector<16xf32>,
        %swap3A_1420 = arith.constant 0 : i32
        %swap3A_1421 = arith.index_cast %swap3A_1420 : i32 to index
        %swap3A_1422 = arith.index_cast %add3A_1360 : i32 to index
        %swap3A_1423 = arith.constant 32 : index
        %swap3A_1424 = tpu.vector_load %arg14[%swap3A_1421, %swap3A_1422, %swap3A_1423] {strides = array<i32>} : memref<2x128x128xf32, #tpu.memory_space<vmem>>, vector<16xf32>,
        tpu.vector_store %arg14[%swap3A_1421, %swap3A_1422, %swap3A_1423], %get3A_1419 {strides = array<i32>} : memref<2x128x128xf32, #tpu.memory_space<vmem>>, vector<16xf32>,
        %add3A_1425 = arith.constant 32 : i32
        %add3A_1426 = arith.addi %squeeze3A_1364, %add3A_1425 : i32
        %get3A_1427 = arith.constant 0 : i32
        %get3A_1428 = arith.index_cast %get3A_1427 : i32 to index
        %get3A_1429 = arith.index_cast %add3A_1360 : i32 to index
        %get3A_1430 = arith.index_cast %add3A_1426 : i32 to index
        %get3A_1431 = tpu.vector_load %arg13[%get3A_1428, %get3A_1429, %get3A_1430] {strides = array<i32>} : memref<2x128x128xf32, #tpu.memory_space<vmem>>, vector<16xf32>,
        %swap3A_1432 = arith.constant 0 : i32
        %swap3A_1433 = arith.index_cast %swap3A_1432 : i32 to index
        %swap3A_1434 = arith.index_cast %add3A_1360 : i32 to index
        %swap3A_1435 = arith.constant 96 : index
        %swap3A_1436 = tpu.vector_load %arg14[%swap3A_1433, %swap3A_1434, %swap3A_1435] {strides = array<i32>} : memref<2x128x128xf32, #tpu.memory_space<vmem>>, vector<16xf32>,
        tpu.vector_store %arg14[%swap3A_1433, %swap3A_1434, %swap3A_1435], %get3A_1431 {strides = array<i32>} : memref<2x128x128xf32, #tpu.memory_space<vmem>>, vector<16xf32>,
        %add3A_1437 = arith.constant 48 : i32
        %add3A_1438 = arith.addi %squeeze3A_1362, %add3A_1437 : i32
        %get3A_1439 = arith.constant 0 : i32
        %get3A_1440 = arith.index_cast %get3A_1439 : i32 to index
        %get3A_1441 = arith.index_cast %add3A_1360 : i32 to index
        %get3A_1442 = arith.index_cast %add3A_1438 : i32 to index
        %get3A_1443 = tpu.vector_load %arg12[%get3A_1440, %get3A_1441, %get3A_1442] {strides = array<i32>} : memref<2x128x128xf32, #tpu.memory_space<vmem>>, vector<16xf32>,
        %swap3A_1444 = arith.constant 0 : i32
        %swap3A_1445 = arith.index_cast %swap3A_1444 : i32 to index
        %swap3A_1446 = arith.index_cast %add3A_1360 : i32 to index
        %swap3A_1447 = arith.constant 48 : index
        %swap3A_1448 = tpu.vector_load %arg14[%swap3A_1445, %swap3A_1446, %swap3A_1447] {strides = array<i32>} : memref<2x128x128xf32, #tpu.memory_space<vmem>>, vector<16xf32>,
        tpu.vector_store %arg14[%swap3A_1445, %swap3A_1446, %swap3A_1447], %get3A_1443 {strides = array<i32>} : memref<2x128x128xf32, #tpu.memory_space<vmem>>, vector<16xf32>,
        %add3A_1449 = arith.constant 48 : i32
        %add3A_1450 = arith.addi %squeeze3A_1364, %add3A_1449 : i32
        %get3A_1451 = arith.constant 0 : i32
        %get3A_1452 = arith.index_cast %get3A_1451 : i32 to index
        %get3A_1453 = arith.index_cast %add3A_1360 : i32 to index
        %get3A_1454 = arith.index_cast %add3A_1450 : i32 to index
        %get3A_1455 = tpu.vector_load %arg13[%get3A_1452, %get3A_1453, %get3A_1454] {strides = array<i32>} : memref<2x128x128xf32, #tpu.memory_space<vmem>>, vector<16xf32>,
        %swap3A_1456 = arith.constant 0 : i32
        %swap3A_1457 = arith.index_cast %swap3A_1456 : i32 to index
        %swap3A_1458 = arith.index_cast %add3A_1360 : i32 to index
        %swap3A_1459 = arith.constant 112 : index
        %swap3A_1460 = tpu.vector_load %arg14[%swap3A_1457, %swap3A_1458, %swap3A_1459] {strides = array<i32>} : memref<2x128x128xf32, #tpu.memory_space<vmem>>, vector<16xf32>,
        tpu.vector_store %arg14[%swap3A_1457, %swap3A_1458, %swap3A_1459], %get3A_1455 {strides = array<i32>} : memref<2x128x128xf32, #tpu.memory_space<vmem>>, vector<16xf32>,
        %mul3A_1461 = arith.constant 16 : i32
        %mul3A_1462 = arith.muli %scan3A_414, %mul3A_1461 : i32
        %add3A_1463 = arith.constant 10 : i32
        %add3A_1464 = arith.addi %mul3A_1462, %add3A_1463 : i32
        %slice3A_1465 = vector.extract_strided_slice %get3A_418 {offsets = [10], sizes = [1], strides = [1]} : vector<16xi32> to vector<1xi32>
        %squeeze3A_1466 = vector.extract %slice3A_1465[0] : i32 from vector<1xi32>
        %slice3A_1467 = vector.extract_strided_slice %get3A_423 {offsets = [10], sizes = [1], strides = [1]} : vector<16xi32> to vector<1xi32>
        %squeeze3A_1468 = vector.extract %slice3A_1467[0] : i32 from vector<1xi32>
        %add3A_1469 = arith.constant 0 : i32
        %add3A_1470 = arith.addi %squeeze3A_1466, %add3A_1469 : i32
        %get3A_1471 = arith.constant 0 : i32
        %get3A_1472 = arith.index_cast %get3A_1471 : i32 to index
        %get3A_1473 = arith.index_cast %add3A_1464 : i32 to index
        %get3A_1474 = arith.index_cast %add3A_1470 : i32 to index
        %get3A_1475 = tpu.vector_load %arg12[%get3A_1472, %get3A_1473, %get3A_1474] {strides = array<i32>} : memref<2x128x128xf32, #tpu.memory_space<vmem>>, vector<16xf32>,
        %swap3A_1476 = arith.constant 0 : i32
        %swap3A_1477 = arith.index_cast %swap3A_1476 : i32 to index
        %swap3A_1478 = arith.index_cast %add3A_1464 : i32 to index
        %swap3A_1479 = arith.constant 0 : index
        %swap3A_1480 = tpu.vector_load %arg14[%swap3A_1477, %swap3A_1478, %swap3A_1479] {strides = array<i32>} : memref<2x128x128xf32, #tpu.memory_space<vmem>>, vector<16xf32>,
        tpu.vector_store %arg14[%swap3A_1477, %swap3A_1478, %swap3A_1479], %get3A_1475 {strides = array<i32>} : memref<2x128x128xf32, #tpu.memory_space<vmem>>, vector<16xf32>,
        %add3A_1481 = arith.constant 0 : i32
        %add3A_1482 = arith.addi %squeeze3A_1468, %add3A_1481 : i32
        %get3A_1483 = arith.constant 0 : i32
        %get3A_1484 = arith.index_cast %get3A_1483 : i32 to index
        %get3A_1485 = arith.index_cast %add3A_1464 : i32 to index
        %get3A_1486 = arith.index_cast %add3A_1482 : i32 to index
        %get3A_1487 = tpu.vector_load %arg13[%get3A_1484, %get3A_1485, %get3A_1486] {strides = array<i32>} : memref<2x128x128xf32, #tpu.memory_space<vmem>>, vector<16xf32>,
        %swap3A_1488 = arith.constant 0 : i32
        %swap3A_1489 = arith.index_cast %swap3A_1488 : i32 to index
        %swap3A_1490 = arith.index_cast %add3A_1464 : i32 to index
        %swap3A_1491 = arith.constant 64 : index
        %swap3A_1492 = tpu.vector_load %arg14[%swap3A_1489, %swap3A_1490, %swap3A_1491] {strides = array<i32>} : memref<2x128x128xf32, #tpu.memory_space<vmem>>, vector<16xf32>,
        tpu.vector_store %arg14[%swap3A_1489, %swap3A_1490, %swap3A_1491], %get3A_1487 {strides = array<i32>} : memref<2x128x128xf32, #tpu.memory_space<vmem>>, vector<16xf32>,
        %add3A_1493 = arith.constant 16 : i32
        %add3A_1494 = arith.addi %squeeze3A_1466, %add3A_1493 : i32
        %get3A_1495 = arith.constant 0 : i32
        %get3A_1496 = arith.index_cast %get3A_1495 : i32 to index
        %get3A_1497 = arith.index_cast %add3A_1464 : i32 to index
        %get3A_1498 = arith.index_cast %add3A_1494 : i32 to index
        %get3A_1499 = tpu.vector_load %arg12[%get3A_1496, %get3A_1497, %get3A_1498] {strides = array<i32>} : memref<2x128x128xf32, #tpu.memory_space<vmem>>, vector<16xf32>,
        %swap3A_1500 = arith.constant 0 : i32
        %swap3A_1501 = arith.index_cast %swap3A_1500 : i32 to index
        %swap3A_1502 = arith.index_cast %add3A_1464 : i32 to index
        %swap3A_1503 = arith.constant 16 : index
        %swap3A_1504 = tpu.vector_load %arg14[%swap3A_1501, %swap3A_1502, %swap3A_1503] {strides = array<i32>} : memref<2x128x128xf32, #tpu.memory_space<vmem>>, vector<16xf32>,
        tpu.vector_store %arg14[%swap3A_1501, %swap3A_1502, %swap3A_1503], %get3A_1499 {strides = array<i32>} : memref<2x128x128xf32, #tpu.memory_space<vmem>>, vector<16xf32>,
        %add3A_1505 = arith.constant 16 : i32
        %add3A_1506 = arith.addi %squeeze3A_1468, %add3A_1505 : i32
        %get3A_1507 = arith.constant 0 : i32
        %get3A_1508 = arith.index_cast %get3A_1507 : i32 to index
        %get3A_1509 = arith.index_cast %add3A_1464 : i32 to index
        %get3A_1510 = arith.index_cast %add3A_1506 : i32 to index
        %get3A_1511 = tpu.vector_load %arg13[%get3A_1508, %get3A_1509, %get3A_1510] {strides = array<i32>} : memref<2x128x128xf32, #tpu.memory_space<vmem>>, vector<16xf32>,
        %swap3A_1512 = arith.constant 0 : i32
        %swap3A_1513 = arith.index_cast %swap3A_1512 : i32 to index
        %swap3A_1514 = arith.index_cast %add3A_1464 : i32 to index
        %swap3A_1515 = arith.constant 80 : index
        %swap3A_1516 = tpu.vector_load %arg14[%swap3A_1513, %swap3A_1514, %swap3A_1515] {strides = array<i32>} : memref<2x128x128xf32, #tpu.memory_space<vmem>>, vector<16xf32>,
        tpu.vector_store %arg14[%swap3A_1513, %swap3A_1514, %swap3A_1515], %get3A_1511 {strides = array<i32>} : memref<2x128x128xf32, #tpu.memory_space<vmem>>, vector<16xf32>,
        %add3A_1517 = arith.constant 32 : i32
        %add3A_1518 = arith.addi %squeeze3A_1466, %add3A_1517 : i32
        %get3A_1519 = arith.constant 0 : i32
        %get3A_1520 = arith.index_cast %get3A_1519 : i32 to index
        %get3A_1521 = arith.index_cast %add3A_1464 : i32 to index
        %get3A_1522 = arith.index_cast %add3A_1518 : i32 to index
        %get3A_1523 = tpu.vector_load %arg12[%get3A_1520, %get3A_1521, %get3A_1522] {strides = array<i32>} : memref<2x128x128xf32, #tpu.memory_space<vmem>>, vector<16xf32>,
        %swap3A_1524 = arith.constant 0 : i32
        %swap3A_1525 = arith.index_cast %swap3A_1524 : i32 to index
        %swap3A_1526 = arith.index_cast %add3A_1464 : i32 to index
        %swap3A_1527 = arith.constant 32 : index
        %swap3A_1528 = tpu.vector_load %arg14[%swap3A_1525, %swap3A_1526, %swap3A_1527] {strides = array<i32>} : memref<2x128x128xf32, #tpu.memory_space<vmem>>, vector<16xf32>,
        tpu.vector_store %arg14[%swap3A_1525, %swap3A_1526, %swap3A_1527], %get3A_1523 {strides = array<i32>} : memref<2x128x128xf32, #tpu.memory_space<vmem>>, vector<16xf32>,
        %add3A_1529 = arith.constant 32 : i32
        %add3A_1530 = arith.addi %squeeze3A_1468, %add3A_1529 : i32
        %get3A_1531 = arith.constant 0 : i32
        %get3A_1532 = arith.index_cast %get3A_1531 : i32 to index
        %get3A_1533 = arith.index_cast %add3A_1464 : i32 to index
        %get3A_1534 = arith.index_cast %add3A_1530 : i32 to index
        %get3A_1535 = tpu.vector_load %arg13[%get3A_1532, %get3A_1533, %get3A_1534] {strides = array<i32>} : memref<2x128x128xf32, #tpu.memory_space<vmem>>, vector<16xf32>,
        %swap3A_1536 = arith.constant 0 : i32
        %swap3A_1537 = arith.index_cast %swap3A_1536 : i32 to index
        %swap3A_1538 = arith.index_cast %add3A_1464 : i32 to index
        %swap3A_1539 = arith.constant 96 : index
        %swap3A_1540 = tpu.vector_load %arg14[%swap3A_1537, %swap3A_1538, %swap3A_1539] {strides = array<i32>} : memref<2x128x128xf32, #tpu.memory_space<vmem>>, vector<16xf32>,
        tpu.vector_store %arg14[%swap3A_1537, %swap3A_1538, %swap3A_1539], %get3A_1535 {strides = array<i32>} : memref<2x128x128xf32, #tpu.memory_space<vmem>>, vector<16xf32>,
        %add3A_1541 = arith.constant 48 : i32
        %add3A_1542 = arith.addi %squeeze3A_1466, %add3A_1541 : i32
        %get3A_1543 = arith.constant 0 : i32
        %get3A_1544 = arith.index_cast %get3A_1543 : i32 to index
        %get3A_1545 = arith.index_cast %add3A_1464 : i32 to index
        %get3A_1546 = arith.index_cast %add3A_1542 : i32 to index
        %get3A_1547 = tpu.vector_load %arg12[%get3A_1544, %get3A_1545, %get3A_1546] {strides = array<i32>} : memref<2x128x128xf32, #tpu.memory_space<vmem>>, vector<16xf32>,
        %swap3A_1548 = arith.constant 0 : i32
        %swap3A_1549 = arith.index_cast %swap3A_1548 : i32 to index
        %swap3A_1550 = arith.index_cast %add3A_1464 : i32 to index
        %swap3A_1551 = arith.constant 48 : index
        %swap3A_1552 = tpu.vector_load %arg14[%swap3A_1549, %swap3A_1550, %swap3A_1551] {strides = array<i32>} : memref<2x128x128xf32, #tpu.memory_space<vmem>>, vector<16xf32>,
        tpu.vector_store %arg14[%swap3A_1549, %swap3A_1550, %swap3A_1551], %get3A_1547 {strides = array<i32>} : memref<2x128x128xf32, #tpu.memory_space<vmem>>, vector<16xf32>,
        %add3A_1553 = arith.constant 48 : i32
        %add3A_1554 = arith.addi %squeeze3A_1468, %add3A_1553 : i32
        %get3A_1555 = arith.constant 0 : i32
        %get3A_1556 = arith.index_cast %get3A_1555 : i32 to index
        %get3A_1557 = arith.index_cast %add3A_1464 : i32 to index
        %get3A_1558 = arith.index_cast %add3A_1554 : i32 to index
        %get3A_1559 = tpu.vector_load %arg13[%get3A_1556, %get3A_1557, %get3A_1558] {strides = array<i32>} : memref<2x128x128xf32, #tpu.memory_space<vmem>>, vector<16xf32>,
        %swap3A_1560 = arith.constant 0 : i32
        %swap3A_1561 = arith.index_cast %swap3A_1560 : i32 to index
        %swap3A_1562 = arith.index_cast %add3A_1464 : i32 to index
        %swap3A_1563 = arith.constant 112 : index
        %swap3A_1564 = tpu.vector_load %arg14[%swap3A_1561, %swap3A_1562, %swap3A_1563] {strides = array<i32>} : memref<2x128x128xf32, #tpu.memory_space<vmem>>, vector<16xf32>,
        tpu.vector_store %arg14[%swap3A_1561, %swap3A_1562, %swap3A_1563], %get3A_1559 {strides = array<i32>} : memref<2x128x128xf32, #tpu.memory_space<vmem>>, vector<16xf32>,
        %mul3A_1565 = arith.constant 16 : i32
        %mul3A_1566 = arith.muli %scan3A_414, %mul3A_1565 : i32
        %add3A_1567 = arith.constant 11 : i32
        %add3A_1568 = arith.addi %mul3A_1566, %add3A_1567 : i32
        %slice3A_1569 = vector.extract_strided_slice %get3A_418 {offsets = [11], sizes = [1], strides = [1]} : vector<16xi32> to vector<1xi32>
        %squeeze3A_1570 = vector.extract %slice3A_1569[0] : i32 from vector<1xi32>
        %slice3A_1571 = vector.extract_strided_slice %get3A_423 {offsets = [11], sizes = [1], strides = [1]} : vector<16xi32> to vector<1xi32>
        %squeeze3A_1572 = vector.extract %slice3A_1571[0] : i32 from vector<1xi32>
        %add3A_1573 = arith.constant 0 : i32
        %add3A_1574 = arith.addi %squeeze3A_1570, %add3A_1573 : i32
        %get3A_1575 = arith.constant 0 : i32
        %get3A_1576 = arith.index_cast %get3A_1575 : i32 to index
        %get3A_1577 = arith.index_cast %add3A_1568 : i32 to index
        %get3A_1578 = arith.index_cast %add3A_1574 : i32 to index
        %get3A_1579 = tpu.vector_load %arg12[%get3A_1576, %get3A_1577, %get3A_1578] {strides = array<i32>} : memref<2x128x128xf32, #tpu.memory_space<vmem>>, vector<16xf32>,
        %swap3A_1580 = arith.constant 0 : i32
        %swap3A_1581 = arith.index_cast %swap3A_1580 : i32 to index
        %swap3A_1582 = arith.index_cast %add3A_1568 : i32 to index
        %swap3A_1583 = arith.constant 0 : index
        %swap3A_1584 = tpu.vector_load %arg14[%swap3A_1581, %swap3A_1582, %swap3A_1583] {strides = array<i32>} : memref<2x128x128xf32, #tpu.memory_space<vmem>>, vector<16xf32>,
        tpu.vector_store %arg14[%swap3A_1581, %swap3A_1582, %swap3A_1583], %get3A_1579 {strides = array<i32>} : memref<2x128x128xf32, #tpu.memory_space<vmem>>, vector<16xf32>,
        %add3A_1585 = arith.constant 0 : i32
        %add3A_1586 = arith.addi %squeeze3A_1572, %add3A_1585 : i32
        %get3A_1587 = arith.constant 0 : i32
        %get3A_1588 = arith.index_cast %get3A_1587 : i32 to index
        %get3A_1589 = arith.index_cast %add3A_1568 : i32 to index
        %get3A_1590 = arith.index_cast %add3A_1586 : i32 to index
        %get3A_1591 = tpu.vector_load %arg13[%get3A_1588, %get3A_1589, %get3A_1590] {strides = array<i32>} : memref<2x128x128xf32, #tpu.memory_space<vmem>>, vector<16xf32>,
        %swap3A_1592 = arith.constant 0 : i32
        %swap3A_1593 = arith.index_cast %swap3A_1592 : i32 to index
        %swap3A_1594 = arith.index_cast %add3A_1568 : i32 to index
        %swap3A_1595 = arith.constant 64 : index
        %swap3A_1596 = tpu.vector_load %arg14[%swap3A_1593, %swap3A_1594, %swap3A_1595] {strides = array<i32>} : memref<2x128x128xf32, #tpu.memory_space<vmem>>, vector<16xf32>,
        tpu.vector_store %arg14[%swap3A_1593, %swap3A_1594, %swap3A_1595], %get3A_1591 {strides = array<i32>} : memref<2x128x128xf32, #tpu.memory_space<vmem>>, vector<16xf32>,
        %add3A_1597 = arith.constant 16 : i32
        %add3A_1598 = arith.addi %squeeze3A_1570, %add3A_1597 : i32
        %get3A_1599 = arith.constant 0 : i32
        %get3A_1600 = arith.index_cast %get3A_1599 : i32 to index
        %get3A_1601 = arith.index_cast %add3A_1568 : i32 to index
        %get3A_1602 = arith.index_cast %add3A_1598 : i32 to index
        %get3A_1603 = tpu.vector_load %arg12[%get3A_1600, %get3A_1601, %get3A_1602] {strides = array<i32>} : memref<2x128x128xf32, #tpu.memory_space<vmem>>, vector<16xf32>,
        %swap3A_1604 = arith.constant 0 : i32
        %swap3A_1605 = arith.index_cast %swap3A_1604 : i32 to index
        %swap3A_1606 = arith.index_cast %add3A_1568 : i32 to index
        %swap3A_1607 = arith.constant 16 : index
        %swap3A_1608 = tpu.vector_load %arg14[%swap3A_1605, %swap3A_1606, %swap3A_1607] {strides = array<i32>} : memref<2x128x128xf32, #tpu.memory_space<vmem>>, vector<16xf32>,
        tpu.vector_store %arg14[%swap3A_1605, %swap3A_1606, %swap3A_1607], %get3A_1603 {strides = array<i32>} : memref<2x128x128xf32, #tpu.memory_space<vmem>>, vector<16xf32>,
        %add3A_1609 = arith.constant 16 : i32
        %add3A_1610 = arith.addi %squeeze3A_1572, %add3A_1609 : i32
        %get3A_1611 = arith.constant 0 : i32
        %get3A_1612 = arith.index_cast %get3A_1611 : i32 to index
        %get3A_1613 = arith.index_cast %add3A_1568 : i32 to index
        %get3A_1614 = arith.index_cast %add3A_1610 : i32 to index
        %get3A_1615 = tpu.vector_load %arg13[%get3A_1612, %get3A_1613, %get3A_1614] {strides = array<i32>} : memref<2x128x128xf32, #tpu.memory_space<vmem>>, vector<16xf32>,
        %swap3A_1616 = arith.constant 0 : i32
        %swap3A_1617 = arith.index_cast %swap3A_1616 : i32 to index
        %swap3A_1618 = arith.index_cast %add3A_1568 : i32 to index
        %swap3A_1619 = arith.constant 80 : index
        %swap3A_1620 = tpu.vector_load %arg14[%swap3A_1617, %swap3A_1618, %swap3A_1619] {strides = array<i32>} : memref<2x128x128xf32, #tpu.memory_space<vmem>>, vector<16xf32>,
        tpu.vector_store %arg14[%swap3A_1617, %swap3A_1618, %swap3A_1619], %get3A_1615 {strides = array<i32>} : memref<2x128x128xf32, #tpu.memory_space<vmem>>, vector<16xf32>,
        %add3A_1621 = arith.constant 32 : i32
        %add3A_1622 = arith.addi %squeeze3A_1570, %add3A_1621 : i32
        %get3A_1623 = arith.constant 0 : i32
        %get3A_1624 = arith.index_cast %get3A_1623 : i32 to index
        %get3A_1625 = arith.index_cast %add3A_1568 : i32 to index
        %get3A_1626 = arith.index_cast %add3A_1622 : i32 to index
        %get3A_1627 = tpu.vector_load %arg12[%get3A_1624, %get3A_1625, %get3A_1626] {strides = array<i32>} : memref<2x128x128xf32, #tpu.memory_space<vmem>>, vector<16xf32>,
        %swap3A_1628 = arith.constant 0 : i32
        %swap3A_1629 = arith.index_cast %swap3A_1628 : i32 to index
        %swap3A_1630 = arith.index_cast %add3A_1568 : i32 to index
        %swap3A_1631 = arith.constant 32 : index
        %swap3A_1632 = tpu.vector_load %arg14[%swap3A_1629, %swap3A_1630, %swap3A_1631] {strides = array<i32>} : memref<2x128x128xf32, #tpu.memory_space<vmem>>, vector<16xf32>,
        tpu.vector_store %arg14[%swap3A_1629, %swap3A_1630, %swap3A_1631], %get3A_1627 {strides = array<i32>} : memref<2x128x128xf32, #tpu.memory_space<vmem>>, vector<16xf32>,
        %add3A_1633 = arith.constant 32 : i32
        %add3A_1634 = arith.addi %squeeze3A_1572, %add3A_1633 : i32
        %get3A_1635 = arith.constant 0 : i32
        %get3A_1636 = arith.index_cast %get3A_1635 : i32 to index
        %get3A_1637 = arith.index_cast %add3A_1568 : i32 to index
        %get3A_1638 = arith.index_cast %add3A_1634 : i32 to index
        %get3A_1639 = tpu.vector_load %arg13[%get3A_1636, %get3A_1637, %get3A_1638] {strides = array<i32>} : memref<2x128x128xf32, #tpu.memory_space<vmem>>, vector<16xf32>,
        %swap3A_1640 = arith.constant 0 : i32
        %swap3A_1641 = arith.index_cast %swap3A_1640 : i32 to index
        %swap3A_1642 = arith.index_cast %add3A_1568 : i32 to index
        %swap3A_1643 = arith.constant 96 : index
        %swap3A_1644 = tpu.vector_load %arg14[%swap3A_1641, %swap3A_1642, %swap3A_1643] {strides = array<i32>} : memref<2x128x128xf32, #tpu.memory_space<vmem>>, vector<16xf32>,
        tpu.vector_store %arg14[%swap3A_1641, %swap3A_1642, %swap3A_1643], %get3A_1639 {strides = array<i32>} : memref<2x128x128xf32, #tpu.memory_space<vmem>>, vector<16xf32>,
        %add3A_1645 = arith.constant 48 : i32
        %add3A_1646 = arith.addi %squeeze3A_1570, %add3A_1645 : i32
        %get3A_1647 = arith.constant 0 : i32
        %get3A_1648 = arith.index_cast %get3A_1647 : i32 to index
        %get3A_1649 = arith.index_cast %add3A_1568 : i32 to index
        %get3A_1650 = arith.index_cast %add3A_1646 : i32 to index
        %get3A_1651 = tpu.vector_load %arg12[%get3A_1648, %get3A_1649, %get3A_1650] {strides = array<i32>} : memref<2x128x128xf32, #tpu.memory_space<vmem>>, vector<16xf32>,
        %swap3A_1652 = arith.constant 0 : i32
        %swap3A_1653 = arith.index_cast %swap3A_1652 : i32 to index
        %swap3A_1654 = arith.index_cast %add3A_1568 : i32 to index
        %swap3A_1655 = arith.constant 48 : index
        %swap3A_1656 = tpu.vector_load %arg14[%swap3A_1653, %swap3A_1654, %swap3A_1655] {strides = array<i32>} : memref<2x128x128xf32, #tpu.memory_space<vmem>>, vector<16xf32>,
        tpu.vector_store %arg14[%swap3A_1653, %swap3A_1654, %swap3A_1655], %get3A_1651 {strides = array<i32>} : memref<2x128x128xf32, #tpu.memory_space<vmem>>, vector<16xf32>,
        %add3A_1657 = arith.constant 48 : i32
        %add3A_1658 = arith.addi %squeeze3A_1572, %add3A_1657 : i32
        %get3A_1659 = arith.constant 0 : i32
        %get3A_1660 = arith.index_cast %get3A_1659 : i32 to index
        %get3A_1661 = arith.index_cast %add3A_1568 : i32 to index
        %get3A_1662 = arith.index_cast %add3A_1658 : i32 to index
        %get3A_1663 = tpu.vector_load %arg13[%get3A_1660, %get3A_1661, %get3A_1662] {strides = array<i32>} : memref<2x128x128xf32, #tpu.memory_space<vmem>>, vector<16xf32>,
        %swap3A_1664 = arith.constant 0 : i32
        %swap3A_1665 = arith.index_cast %swap3A_1664 : i32 to index
        %swap3A_1666 = arith.index_cast %add3A_1568 : i32 to index
        %swap3A_1667 = arith.constant 112 : index
        %swap3A_1668 = tpu.vector_load %arg14[%swap3A_1665, %swap3A_1666, %swap3A_1667] {strides = array<i32>} : memref<2x128x128xf32, #tpu.memory_space<vmem>>, vector<16xf32>,
        tpu.vector_store %arg14[%swap3A_1665, %swap3A_1666, %swap3A_1667], %get3A_1663 {strides = array<i32>} : memref<2x128x128xf32, #tpu.memory_space<vmem>>, vector<16xf32>,
        %mul3A_1669 = arith.constant 16 : i32
        %mul3A_1670 = arith.muli %scan3A_414, %mul3A_1669 : i32
        %add3A_1671 = arith.constant 12 : i32
        %add3A_1672 = arith.addi %mul3A_1670, %add3A_1671 : i32
        %slice3A_1673 = vector.extract_strided_slice %get3A_418 {offsets = [12], sizes = [1], strides = [1]} : vector<16xi32> to vector<1xi32>
        %squeeze3A_1674 = vector.extract %slice3A_1673[0] : i32 from vector<1xi32>
        %slice3A_1675 = vector.extract_strided_slice %get3A_423 {offsets = [12], sizes = [1], strides = [1]} : vector<16xi32> to vector<1xi32>
        %squeeze3A_1676 = vector.extract %slice3A_1675[0] : i32 from vector<1xi32>
        %add3A_1677 = arith.constant 0 : i32
        %add3A_1678 = arith.addi %squeeze3A_1674, %add3A_1677 : i32
        %get3A_1679 = arith.constant 0 : i32
        %get3A_1680 = arith.index_cast %get3A_1679 : i32 to index
        %get3A_1681 = arith.index_cast %add3A_1672 : i32 to index
        %get3A_1682 = arith.index_cast %add3A_1678 : i32 to index
        %get3A_1683 = tpu.vector_load %arg12[%get3A_1680, %get3A_1681, %get3A_1682] {strides = array<i32>} : memref<2x128x128xf32, #tpu.memory_space<vmem>>, vector<16xf32>,
        %swap3A_1684 = arith.constant 0 : i32
        %swap3A_1685 = arith.index_cast %swap3A_1684 : i32 to index
        %swap3A_1686 = arith.index_cast %add3A_1672 : i32 to index
        %swap3A_1687 = arith.constant 0 : index
        %swap3A_1688 = tpu.vector_load %arg14[%swap3A_1685, %swap3A_1686, %swap3A_1687] {strides = array<i32>} : memref<2x128x128xf32, #tpu.memory_space<vmem>>, vector<16xf32>,
        tpu.vector_store %arg14[%swap3A_1685, %swap3A_1686, %swap3A_1687], %get3A_1683 {strides = array<i32>} : memref<2x128x128xf32, #tpu.memory_space<vmem>>, vector<16xf32>,
        %add3A_1689 = arith.constant 0 : i32
        %add3A_1690 = arith.addi %squeeze3A_1676, %add3A_1689 : i32
        %get3A_1691 = arith.constant 0 : i32
        %get3A_1692 = arith.index_cast %get3A_1691 : i32 to index
        %get3A_1693 = arith.index_cast %add3A_1672 : i32 to index
        %get3A_1694 = arith.index_cast %add3A_1690 : i32 to index
        %get3A_1695 = tpu.vector_load %arg13[%get3A_1692, %get3A_1693, %get3A_1694] {strides = array<i32>} : memref<2x128x128xf32, #tpu.memory_space<vmem>>, vector<16xf32>,
        %swap3A_1696 = arith.constant 0 : i32
        %swap3A_1697 = arith.index_cast %swap3A_1696 : i32 to index
        %swap3A_1698 = arith.index_cast %add3A_1672 : i32 to index
        %swap3A_1699 = arith.constant 64 : index
        %swap3A_1700 = tpu.vector_load %arg14[%swap3A_1697, %swap3A_1698, %swap3A_1699] {strides = array<i32>} : memref<2x128x128xf32, #tpu.memory_space<vmem>>, vector<16xf32>,
        tpu.vector_store %arg14[%swap3A_1697, %swap3A_1698, %swap3A_1699], %get3A_1695 {strides = array<i32>} : memref<2x128x128xf32, #tpu.memory_space<vmem>>, vector<16xf32>,
        %add3A_1701 = arith.constant 16 : i32
        %add3A_1702 = arith.addi %squeeze3A_1674, %add3A_1701 : i32
        %get3A_1703 = arith.constant 0 : i32
        %get3A_1704 = arith.index_cast %get3A_1703 : i32 to index
        %get3A_1705 = arith.index_cast %add3A_1672 : i32 to index
        %get3A_1706 = arith.index_cast %add3A_1702 : i32 to index
        %get3A_1707 = tpu.vector_load %arg12[%get3A_1704, %get3A_1705, %get3A_1706] {strides = array<i32>} : memref<2x128x128xf32, #tpu.memory_space<vmem>>, vector<16xf32>,
        %swap3A_1708 = arith.constant 0 : i32
        %swap3A_1709 = arith.index_cast %swap3A_1708 : i32 to index
        %swap3A_1710 = arith.index_cast %add3A_1672 : i32 to index
        %swap3A_1711 = arith.constant 16 : index
        %swap3A_1712 = tpu.vector_load %arg14[%swap3A_1709, %swap3A_1710, %swap3A_1711] {strides = array<i32>} : memref<2x128x128xf32, #tpu.memory_space<vmem>>, vector<16xf32>,
        tpu.vector_store %arg14[%swap3A_1709, %swap3A_1710, %swap3A_1711], %get3A_1707 {strides = array<i32>} : memref<2x128x128xf32, #tpu.memory_space<vmem>>, vector<16xf32>,
        %add3A_1713 = arith.constant 16 : i32
        %add3A_1714 = arith.addi %squeeze3A_1676, %add3A_1713 : i32
        %get3A_1715 = arith.constant 0 : i32
        %get3A_1716 = arith.index_cast %get3A_1715 : i32 to index
        %get3A_1717 = arith.index_cast %add3A_1672 : i32 to index
        %get3A_1718 = arith.index_cast %add3A_1714 : i32 to index
        %get3A_1719 = tpu.vector_load %arg13[%get3A_1716, %get3A_1717, %get3A_1718] {strides = array<i32>} : memref<2x128x128xf32, #tpu.memory_space<vmem>>, vector<16xf32>,
        %swap3A_1720 = arith.constant 0 : i32
        %swap3A_1721 = arith.index_cast %swap3A_1720 : i32 to index
        %swap3A_1722 = arith.index_cast %add3A_1672 : i32 to index
        %swap3A_1723 = arith.constant 80 : index
        %swap3A_1724 = tpu.vector_load %arg14[%swap3A_1721, %swap3A_1722, %swap3A_1723] {strides = array<i32>} : memref<2x128x128xf32, #tpu.memory_space<vmem>>, vector<16xf32>,
        tpu.vector_store %arg14[%swap3A_1721, %swap3A_1722, %swap3A_1723], %get3A_1719 {strides = array<i32>} : memref<2x128x128xf32, #tpu.memory_space<vmem>>, vector<16xf32>,
        %add3A_1725 = arith.constant 32 : i32
        %add3A_1726 = arith.addi %squeeze3A_1674, %add3A_1725 : i32
        %get3A_1727 = arith.constant 0 : i32
        %get3A_1728 = arith.index_cast %get3A_1727 : i32 to index
        %get3A_1729 = arith.index_cast %add3A_1672 : i32 to index
        %get3A_1730 = arith.index_cast %add3A_1726 : i32 to index
        %get3A_1731 = tpu.vector_load %arg12[%get3A_1728, %get3A_1729, %get3A_1730] {strides = array<i32>} : memref<2x128x128xf32, #tpu.memory_space<vmem>>, vector<16xf32>,
        %swap3A_1732 = arith.constant 0 : i32
        %swap3A_1733 = arith.index_cast %swap3A_1732 : i32 to index
        %swap3A_1734 = arith.index_cast %add3A_1672 : i32 to index
        %swap3A_1735 = arith.constant 32 : index
        %swap3A_1736 = tpu.vector_load %arg14[%swap3A_1733, %swap3A_1734, %swap3A_1735] {strides = array<i32>} : memref<2x128x128xf32, #tpu.memory_space<vmem>>, vector<16xf32>,
        tpu.vector_store %arg14[%swap3A_1733, %swap3A_1734, %swap3A_1735], %get3A_1731 {strides = array<i32>} : memref<2x128x128xf32, #tpu.memory_space<vmem>>, vector<16xf32>,
        %add3A_1737 = arith.constant 32 : i32
        %add3A_1738 = arith.addi %squeeze3A_1676, %add3A_1737 : i32
        %get3A_1739 = arith.constant 0 : i32
        %get3A_1740 = arith.index_cast %get3A_1739 : i32 to index
        %get3A_1741 = arith.index_cast %add3A_1672 : i32 to index
        %get3A_1742 = arith.index_cast %add3A_1738 : i32 to index
        %get3A_1743 = tpu.vector_load %arg13[%get3A_1740, %get3A_1741, %get3A_1742] {strides = array<i32>} : memref<2x128x128xf32, #tpu.memory_space<vmem>>, vector<16xf32>,
        %swap3A_1744 = arith.constant 0 : i32
        %swap3A_1745 = arith.index_cast %swap3A_1744 : i32 to index
        %swap3A_1746 = arith.index_cast %add3A_1672 : i32 to index
        %swap3A_1747 = arith.constant 96 : index
        %swap3A_1748 = tpu.vector_load %arg14[%swap3A_1745, %swap3A_1746, %swap3A_1747] {strides = array<i32>} : memref<2x128x128xf32, #tpu.memory_space<vmem>>, vector<16xf32>,
        tpu.vector_store %arg14[%swap3A_1745, %swap3A_1746, %swap3A_1747], %get3A_1743 {strides = array<i32>} : memref<2x128x128xf32, #tpu.memory_space<vmem>>, vector<16xf32>,
        %add3A_1749 = arith.constant 48 : i32
        %add3A_1750 = arith.addi %squeeze3A_1674, %add3A_1749 : i32
        %get3A_1751 = arith.constant 0 : i32
        %get3A_1752 = arith.index_cast %get3A_1751 : i32 to index
        %get3A_1753 = arith.index_cast %add3A_1672 : i32 to index
        %get3A_1754 = arith.index_cast %add3A_1750 : i32 to index
        %get3A_1755 = tpu.vector_load %arg12[%get3A_1752, %get3A_1753, %get3A_1754] {strides = array<i32>} : memref<2x128x128xf32, #tpu.memory_space<vmem>>, vector<16xf32>,
        %swap3A_1756 = arith.constant 0 : i32
        %swap3A_1757 = arith.index_cast %swap3A_1756 : i32 to index
        %swap3A_1758 = arith.index_cast %add3A_1672 : i32 to index
        %swap3A_1759 = arith.constant 48 : index
        %swap3A_1760 = tpu.vector_load %arg14[%swap3A_1757, %swap3A_1758, %swap3A_1759] {strides = array<i32>} : memref<2x128x128xf32, #tpu.memory_space<vmem>>, vector<16xf32>,
        tpu.vector_store %arg14[%swap3A_1757, %swap3A_1758, %swap3A_1759], %get3A_1755 {strides = array<i32>} : memref<2x128x128xf32, #tpu.memory_space<vmem>>, vector<16xf32>,
        %add3A_1761 = arith.constant 48 : i32
        %add3A_1762 = arith.addi %squeeze3A_1676, %add3A_1761 : i32
        %get3A_1763 = arith.constant 0 : i32
        %get3A_1764 = arith.index_cast %get3A_1763 : i32 to index
        %get3A_1765 = arith.index_cast %add3A_1672 : i32 to index
        %get3A_1766 = arith.index_cast %add3A_1762 : i32 to index
        %get3A_1767 = tpu.vector_load %arg13[%get3A_1764, %get3A_1765, %get3A_1766] {strides = array<i32>} : memref<2x128x128xf32, #tpu.memory_space<vmem>>, vector<16xf32>,
        %swap3A_1768 = arith.constant 0 : i32
        %swap3A_1769 = arith.index_cast %swap3A_1768 : i32 to index
        %swap3A_1770 = arith.index_cast %add3A_1672 : i32 to index
        %swap3A_1771 = arith.constant 112 : index
        %swap3A_1772 = tpu.vector_load %arg14[%swap3A_1769, %swap3A_1770, %swap3A_1771] {strides = array<i32>} : memref<2x128x128xf32, #tpu.memory_space<vmem>>, vector<16xf32>,
        tpu.vector_store %arg14[%swap3A_1769, %swap3A_1770, %swap3A_1771], %get3A_1767 {strides = array<i32>} : memref<2x128x128xf32, #tpu.memory_space<vmem>>, vector<16xf32>,
        %mul3A_1773 = arith.constant 16 : i32
        %mul3A_1774 = arith.muli %scan3A_414, %mul3A_1773 : i32
        %add3A_1775 = arith.constant 13 : i32
        %add3A_1776 = arith.addi %mul3A_1774, %add3A_1775 : i32
        %slice3A_1777 = vector.extract_strided_slice %get3A_418 {offsets = [13], sizes = [1], strides = [1]} : vector<16xi32> to vector<1xi32>
        %squeeze3A_1778 = vector.extract %slice3A_1777[0] : i32 from vector<1xi32>
        %slice3A_1779 = vector.extract_strided_slice %get3A_423 {offsets = [13], sizes = [1], strides = [1]} : vector<16xi32> to vector<1xi32>
        %squeeze3A_1780 = vector.extract %slice3A_1779[0] : i32 from vector<1xi32>
        %add3A_1781 = arith.constant 0 : i32
        %add3A_1782 = arith.addi %squeeze3A_1778, %add3A_1781 : i32
        %get3A_1783 = arith.constant 0 : i32
        %get3A_1784 = arith.index_cast %get3A_1783 : i32 to index
        %get3A_1785 = arith.index_cast %add3A_1776 : i32 to index
        %get3A_1786 = arith.index_cast %add3A_1782 : i32 to index
        %get3A_1787 = tpu.vector_load %arg12[%get3A_1784, %get3A_1785, %get3A_1786] {strides = array<i32>} : memref<2x128x128xf32, #tpu.memory_space<vmem>>, vector<16xf32>,
        %swap3A_1788 = arith.constant 0 : i32
        %swap3A_1789 = arith.index_cast %swap3A_1788 : i32 to index
        %swap3A_1790 = arith.index_cast %add3A_1776 : i32 to index
        %swap3A_1791 = arith.constant 0 : index
        %swap3A_1792 = tpu.vector_load %arg14[%swap3A_1789, %swap3A_1790, %swap3A_1791] {strides = array<i32>} : memref<2x128x128xf32, #tpu.memory_space<vmem>>, vector<16xf32>,
        tpu.vector_store %arg14[%swap3A_1789, %swap3A_1790, %swap3A_1791], %get3A_1787 {strides = array<i32>} : memref<2x128x128xf32, #tpu.memory_space<vmem>>, vector<16xf32>,
        %add3A_1793 = arith.constant 0 : i32
        %add3A_1794 = arith.addi %squeeze3A_1780, %add3A_1793 : i32
        %get3A_1795 = arith.constant 0 : i32
        %get3A_1796 = arith.index_cast %get3A_1795 : i32 to index
        %get3A_1797 = arith.index_cast %add3A_1776 : i32 to index
        %get3A_1798 = arith.index_cast %add3A_1794 : i32 to index
        %get3A_1799 = tpu.vector_load %arg13[%get3A_1796, %get3A_1797, %get3A_1798] {strides = array<i32>} : memref<2x128x128xf32, #tpu.memory_space<vmem>>, vector<16xf32>,
        %swap3A_1800 = arith.constant 0 : i32
        %swap3A_1801 = arith.index_cast %swap3A_1800 : i32 to index
        %swap3A_1802 = arith.index_cast %add3A_1776 : i32 to index
        %swap3A_1803 = arith.constant 64 : index
        %swap3A_1804 = tpu.vector_load %arg14[%swap3A_1801, %swap3A_1802, %swap3A_1803] {strides = array<i32>} : memref<2x128x128xf32, #tpu.memory_space<vmem>>, vector<16xf32>,
        tpu.vector_store %arg14[%swap3A_1801, %swap3A_1802, %swap3A_1803], %get3A_1799 {strides = array<i32>} : memref<2x128x128xf32, #tpu.memory_space<vmem>>, vector<16xf32>,
        %add3A_1805 = arith.constant 16 : i32
        %add3A_1806 = arith.addi %squeeze3A_1778, %add3A_1805 : i32
        %get3A_1807 = arith.constant 0 : i32
        %get3A_1808 = arith.index_cast %get3A_1807 : i32 to index
        %get3A_1809 = arith.index_cast %add3A_1776 : i32 to index
        %get3A_1810 = arith.index_cast %add3A_1806 : i32 to index
        %get3A_1811 = tpu.vector_load %arg12[%get3A_1808, %get3A_1809, %get3A_1810] {strides = array<i32>} : memref<2x128x128xf32, #tpu.memory_space<vmem>>, vector<16xf32>,
        %swap3A_1812 = arith.constant 0 : i32
        %swap3A_1813 = arith.index_cast %swap3A_1812 : i32 to index
        %swap3A_1814 = arith.index_cast %add3A_1776 : i32 to index
        %swap3A_1815 = arith.constant 16 : index
        %swap3A_1816 = tpu.vector_load %arg14[%swap3A_1813, %swap3A_1814, %swap3A_1815] {strides = array<i32>} : memref<2x128x128xf32, #tpu.memory_space<vmem>>, vector<16xf32>,
        tpu.vector_store %arg14[%swap3A_1813, %swap3A_1814, %swap3A_1815], %get3A_1811 {strides = array<i32>} : memref<2x128x128xf32, #tpu.memory_space<vmem>>, vector<16xf32>,
        %add3A_1817 = arith.constant 16 : i32
        %add3A_1818 = arith.addi %squeeze3A_1780, %add3A_1817 : i32
        %get3A_1819 = arith.constant 0 : i32
        %get3A_1820 = arith.index_cast %get3A_1819 : i32 to index
        %get3A_1821 = arith.index_cast %add3A_1776 : i32 to index
        %get3A_1822 = arith.index_cast %add3A_1818 : i32 to index
        %get3A_1823 = tpu.vector_load %arg13[%get3A_1820, %get3A_1821, %get3A_1822] {strides = array<i32>} : memref<2x128x128xf32, #tpu.memory_space<vmem>>, vector<16xf32>,
        %swap3A_1824 = arith.constant 0 : i32
        %swap3A_1825 = arith.index_cast %swap3A_1824 : i32 to index
        %swap3A_1826 = arith.index_cast %add3A_1776 : i32 to index
        %swap3A_1827 = arith.constant 80 : index
        %swap3A_1828 = tpu.vector_load %arg14[%swap3A_1825, %swap3A_1826, %swap3A_1827] {strides = array<i32>} : memref<2x128x128xf32, #tpu.memory_space<vmem>>, vector<16xf32>,
        tpu.vector_store %arg14[%swap3A_1825, %swap3A_1826, %swap3A_1827], %get3A_1823 {strides = array<i32>} : memref<2x128x128xf32, #tpu.memory_space<vmem>>, vector<16xf32>,
        %add3A_1829 = arith.constant 32 : i32
        %add3A_1830 = arith.addi %squeeze3A_1778, %add3A_1829 : i32
        %get3A_1831 = arith.constant 0 : i32
        %get3A_1832 = arith.index_cast %get3A_1831 : i32 to index
        %get3A_1833 = arith.index_cast %add3A_1776 : i32 to index
        %get3A_1834 = arith.index_cast %add3A_1830 : i32 to index
        %get3A_1835 = tpu.vector_load %arg12[%get3A_1832, %get3A_1833, %get3A_1834] {strides = array<i32>} : memref<2x128x128xf32, #tpu.memory_space<vmem>>, vector<16xf32>,
        %swap3A_1836 = arith.constant 0 : i32
        %swap3A_1837 = arith.index_cast %swap3A_1836 : i32 to index
        %swap3A_1838 = arith.index_cast %add3A_1776 : i32 to index
        %swap3A_1839 = arith.constant 32 : index
        %swap3A_1840 = tpu.vector_load %arg14[%swap3A_1837, %swap3A_1838, %swap3A_1839] {strides = array<i32>} : memref<2x128x128xf32, #tpu.memory_space<vmem>>, vector<16xf32>,
        tpu.vector_store %arg14[%swap3A_1837, %swap3A_1838, %swap3A_1839], %get3A_1835 {strides = array<i32>} : memref<2x128x128xf32, #tpu.memory_space<vmem>>, vector<16xf32>,
        %add3A_1841 = arith.constant 32 : i32
        %add3A_1842 = arith.addi %squeeze3A_1780, %add3A_1841 : i32
        %get3A_1843 = arith.constant 0 : i32
        %get3A_1844 = arith.index_cast %get3A_1843 : i32 to index
        %get3A_1845 = arith.index_cast %add3A_1776 : i32 to index
        %get3A_1846 = arith.index_cast %add3A_1842 : i32 to index
        %get3A_1847 = tpu.vector_load %arg13[%get3A_1844, %get3A_1845, %get3A_1846] {strides = array<i32>} : memref<2x128x128xf32, #tpu.memory_space<vmem>>, vector<16xf32>,
        %swap3A_1848 = arith.constant 0 : i32
        %swap3A_1849 = arith.index_cast %swap3A_1848 : i32 to index
        %swap3A_1850 = arith.index_cast %add3A_1776 : i32 to index
        %swap3A_1851 = arith.constant 96 : index
        %swap3A_1852 = tpu.vector_load %arg14[%swap3A_1849, %swap3A_1850, %swap3A_1851] {strides = array<i32>} : memref<2x128x128xf32, #tpu.memory_space<vmem>>, vector<16xf32>,
        tpu.vector_store %arg14[%swap3A_1849, %swap3A_1850, %swap3A_1851], %get3A_1847 {strides = array<i32>} : memref<2x128x128xf32, #tpu.memory_space<vmem>>, vector<16xf32>,
        %add3A_1853 = arith.constant 48 : i32
        %add3A_1854 = arith.addi %squeeze3A_1778, %add3A_1853 : i32
        %get3A_1855 = arith.constant 0 : i32
        %get3A_1856 = arith.index_cast %get3A_1855 : i32 to index
        %get3A_1857 = arith.index_cast %add3A_1776 : i32 to index
        %get3A_1858 = arith.index_cast %add3A_1854 : i32 to index
        %get3A_1859 = tpu.vector_load %arg12[%get3A_1856, %get3A_1857, %get3A_1858] {strides = array<i32>} : memref<2x128x128xf32, #tpu.memory_space<vmem>>, vector<16xf32>,
        %swap3A_1860 = arith.constant 0 : i32
        %swap3A_1861 = arith.index_cast %swap3A_1860 : i32 to index
        %swap3A_1862 = arith.index_cast %add3A_1776 : i32 to index
        %swap3A_1863 = arith.constant 48 : index
        %swap3A_1864 = tpu.vector_load %arg14[%swap3A_1861, %swap3A_1862, %swap3A_1863] {strides = array<i32>} : memref<2x128x128xf32, #tpu.memory_space<vmem>>, vector<16xf32>,
        tpu.vector_store %arg14[%swap3A_1861, %swap3A_1862, %swap3A_1863], %get3A_1859 {strides = array<i32>} : memref<2x128x128xf32, #tpu.memory_space<vmem>>, vector<16xf32>,
        %add3A_1865 = arith.constant 48 : i32
        %add3A_1866 = arith.addi %squeeze3A_1780, %add3A_1865 : i32
        %get3A_1867 = arith.constant 0 : i32
        %get3A_1868 = arith.index_cast %get3A_1867 : i32 to index
        %get3A_1869 = arith.index_cast %add3A_1776 : i32 to index
        %get3A_1870 = arith.index_cast %add3A_1866 : i32 to index
        %get3A_1871 = tpu.vector_load %arg13[%get3A_1868, %get3A_1869, %get3A_1870] {strides = array<i32>} : memref<2x128x128xf32, #tpu.memory_space<vmem>>, vector<16xf32>,
        %swap3A_1872 = arith.constant 0 : i32
        %swap3A_1873 = arith.index_cast %swap3A_1872 : i32 to index
        %swap3A_1874 = arith.index_cast %add3A_1776 : i32 to index
        %swap3A_1875 = arith.constant 112 : index
        %swap3A_1876 = tpu.vector_load %arg14[%swap3A_1873, %swap3A_1874, %swap3A_1875] {strides = array<i32>} : memref<2x128x128xf32, #tpu.memory_space<vmem>>, vector<16xf32>,
        tpu.vector_store %arg14[%swap3A_1873, %swap3A_1874, %swap3A_1875], %get3A_1871 {strides = array<i32>} : memref<2x128x128xf32, #tpu.memory_space<vmem>>, vector<16xf32>,
        %mul3A_1877 = arith.constant 16 : i32
        %mul3A_1878 = arith.muli %scan3A_414, %mul3A_1877 : i32
        %add3A_1879 = arith.constant 14 : i32
        %add3A_1880 = arith.addi %mul3A_1878, %add3A_1879 : i32
        %slice3A_1881 = vector.extract_strided_slice %get3A_418 {offsets = [14], sizes = [1], strides = [1]} : vector<16xi32> to vector<1xi32>
        %squeeze3A_1882 = vector.extract %slice3A_1881[0] : i32 from vector<1xi32>
        %slice3A_1883 = vector.extract_strided_slice %get3A_423 {offsets = [14], sizes = [1], strides = [1]} : vector<16xi32> to vector<1xi32>
        %squeeze3A_1884 = vector.extract %slice3A_1883[0] : i32 from vector<1xi32>
        %add3A_1885 = arith.constant 0 : i32
        %add3A_1886 = arith.addi %squeeze3A_1882, %add3A_1885 : i32
        %get3A_1887 = arith.constant 0 : i32
        %get3A_1888 = arith.index_cast %get3A_1887 : i32 to index
        %get3A_1889 = arith.index_cast %add3A_1880 : i32 to index
        %get3A_1890 = arith.index_cast %add3A_1886 : i32 to index
        %get3A_1891 = tpu.vector_load %arg12[%get3A_1888, %get3A_1889, %get3A_1890] {strides = array<i32>} : memref<2x128x128xf32, #tpu.memory_space<vmem>>, vector<16xf32>,
        %swap3A_1892 = arith.constant 0 : i32
        %swap3A_1893 = arith.index_cast %swap3A_1892 : i32 to index
        %swap3A_1894 = arith.index_cast %add3A_1880 : i32 to index
        %swap3A_1895 = arith.constant 0 : index
        %swap3A_1896 = tpu.vector_load %arg14[%swap3A_1893, %swap3A_1894, %swap3A_1895] {strides = array<i32>} : memref<2x128x128xf32, #tpu.memory_space<vmem>>, vector<16xf32>,
        tpu.vector_store %arg14[%swap3A_1893, %swap3A_1894, %swap3A_1895], %get3A_1891 {strides = array<i32>} : memref<2x128x128xf32, #tpu.memory_space<vmem>>, vector<16xf32>,
        %add3A_1897 = arith.constant 0 : i32
        %add3A_1898 = arith.addi %squeeze3A_1884, %add3A_1897 : i32
        %get3A_1899 = arith.constant 0 : i32
        %get3A_1900 = arith.index_cast %get3A_1899 : i32 to index
        %get3A_1901 = arith.index_cast %add3A_1880 : i32 to index
        %get3A_1902 = arith.index_cast %add3A_1898 : i32 to index
        %get3A_1903 = tpu.vector_load %arg13[%get3A_1900, %get3A_1901, %get3A_1902] {strides = array<i32>} : memref<2x128x128xf32, #tpu.memory_space<vmem>>, vector<16xf32>,
        %swap3A_1904 = arith.constant 0 : i32
        %swap3A_1905 = arith.index_cast %swap3A_1904 : i32 to index
        %swap3A_1906 = arith.index_cast %add3A_1880 : i32 to index
        %swap3A_1907 = arith.constant 64 : index
        %swap3A_1908 = tpu.vector_load %arg14[%swap3A_1905, %swap3A_1906, %swap3A_1907] {strides = array<i32>} : memref<2x128x128xf32, #tpu.memory_space<vmem>>, vector<16xf32>,
        tpu.vector_store %arg14[%swap3A_1905, %swap3A_1906, %swap3A_1907], %get3A_1903 {strides = array<i32>} : memref<2x128x128xf32, #tpu.memory_space<vmem>>, vector<16xf32>,
        %add3A_1909 = arith.constant 16 : i32
        %add3A_1910 = arith.addi %squeeze3A_1882, %add3A_1909 : i32
        %get3A_1911 = arith.constant 0 : i32
        %get3A_1912 = arith.index_cast %get3A_1911 : i32 to index
        %get3A_1913 = arith.index_cast %add3A_1880 : i32 to index
        %get3A_1914 = arith.index_cast %add3A_1910 : i32 to index
        %get3A_1915 = tpu.vector_load %arg12[%get3A_1912, %get3A_1913, %get3A_1914] {strides = array<i32>} : memref<2x128x128xf32, #tpu.memory_space<vmem>>, vector<16xf32>,
        %swap3A_1916 = arith.constant 0 : i32
        %swap3A_1917 = arith.index_cast %swap3A_1916 : i32 to index
        %swap3A_1918 = arith.index_cast %add3A_1880 : i32 to index
        %swap3A_1919 = arith.constant 16 : index
        %swap3A_1920 = tpu.vector_load %arg14[%swap3A_1917, %swap3A_1918, %swap3A_1919] {strides = array<i32>} : memref<2x128x128xf32, #tpu.memory_space<vmem>>, vector<16xf32>,
        tpu.vector_store %arg14[%swap3A_1917, %swap3A_1918, %swap3A_1919], %get3A_1915 {strides = array<i32>} : memref<2x128x128xf32, #tpu.memory_space<vmem>>, vector<16xf32>,
        %add3A_1921 = arith.constant 16 : i32
        %add3A_1922 = arith.addi %squeeze3A_1884, %add3A_1921 : i32
        %get3A_1923 = arith.constant 0 : i32
        %get3A_1924 = arith.index_cast %get3A_1923 : i32 to index
        %get3A_1925 = arith.index_cast %add3A_1880 : i32 to index
        %get3A_1926 = arith.index_cast %add3A_1922 : i32 to index
        %get3A_1927 = tpu.vector_load %arg13[%get3A_1924, %get3A_1925, %get3A_1926] {strides = array<i32>} : memref<2x128x128xf32, #tpu.memory_space<vmem>>, vector<16xf32>,
        %swap3A_1928 = arith.constant 0 : i32
        %swap3A_1929 = arith.index_cast %swap3A_1928 : i32 to index
        %swap3A_1930 = arith.index_cast %add3A_1880 : i32 to index
        %swap3A_1931 = arith.constant 80 : index
        %swap3A_1932 = tpu.vector_load %arg14[%swap3A_1929, %swap3A_1930, %swap3A_1931] {strides = array<i32>} : memref<2x128x128xf32, #tpu.memory_space<vmem>>, vector<16xf32>,
        tpu.vector_store %arg14[%swap3A_1929, %swap3A_1930, %swap3A_1931], %get3A_1927 {strides = array<i32>} : memref<2x128x128xf32, #tpu.memory_space<vmem>>, vector<16xf32>,
        %add3A_1933 = arith.constant 32 : i32
        %add3A_1934 = arith.addi %squeeze3A_1882, %add3A_1933 : i32
        %get3A_1935 = arith.constant 0 : i32
        %get3A_1936 = arith.index_cast %get3A_1935 : i32 to index
        %get3A_1937 = arith.index_cast %add3A_1880 : i32 to index
        %get3A_1938 = arith.index_cast %add3A_1934 : i32 to index
        %get3A_1939 = tpu.vector_load %arg12[%get3A_1936, %get3A_1937, %get3A_1938] {strides = array<i32>} : memref<2x128x128xf32, #tpu.memory_space<vmem>>, vector<16xf32>,
        %swap3A_1940 = arith.constant 0 : i32
        %swap3A_1941 = arith.index_cast %swap3A_1940 : i32 to index
        %swap3A_1942 = arith.index_cast %add3A_1880 : i32 to index
        %swap3A_1943 = arith.constant 32 : index
        %swap3A_1944 = tpu.vector_load %arg14[%swap3A_1941, %swap3A_1942, %swap3A_1943] {strides = array<i32>} : memref<2x128x128xf32, #tpu.memory_space<vmem>>, vector<16xf32>,
        tpu.vector_store %arg14[%swap3A_1941, %swap3A_1942, %swap3A_1943], %get3A_1939 {strides = array<i32>} : memref<2x128x128xf32, #tpu.memory_space<vmem>>, vector<16xf32>,
        %add3A_1945 = arith.constant 32 : i32
        %add3A_1946 = arith.addi %squeeze3A_1884, %add3A_1945 : i32
        %get3A_1947 = arith.constant 0 : i32
        %get3A_1948 = arith.index_cast %get3A_1947 : i32 to index
        %get3A_1949 = arith.index_cast %add3A_1880 : i32 to index
        %get3A_1950 = arith.index_cast %add3A_1946 : i32 to index
        %get3A_1951 = tpu.vector_load %arg13[%get3A_1948, %get3A_1949, %get3A_1950] {strides = array<i32>} : memref<2x128x128xf32, #tpu.memory_space<vmem>>, vector<16xf32>,
        %swap3A_1952 = arith.constant 0 : i32
        %swap3A_1953 = arith.index_cast %swap3A_1952 : i32 to index
        %swap3A_1954 = arith.index_cast %add3A_1880 : i32 to index
        %swap3A_1955 = arith.constant 96 : index
        %swap3A_1956 = tpu.vector_load %arg14[%swap3A_1953, %swap3A_1954, %swap3A_1955] {strides = array<i32>} : memref<2x128x128xf32, #tpu.memory_space<vmem>>, vector<16xf32>,
        tpu.vector_store %arg14[%swap3A_1953, %swap3A_1954, %swap3A_1955], %get3A_1951 {strides = array<i32>} : memref<2x128x128xf32, #tpu.memory_space<vmem>>, vector<16xf32>,
        %add3A_1957 = arith.constant 48 : i32
        %add3A_1958 = arith.addi %squeeze3A_1882, %add3A_1957 : i32
        %get3A_1959 = arith.constant 0 : i32
        %get3A_1960 = arith.index_cast %get3A_1959 : i32 to index
        %get3A_1961 = arith.index_cast %add3A_1880 : i32 to index
        %get3A_1962 = arith.index_cast %add3A_1958 : i32 to index
        %get3A_1963 = tpu.vector_load %arg12[%get3A_1960, %get3A_1961, %get3A_1962] {strides = array<i32>} : memref<2x128x128xf32, #tpu.memory_space<vmem>>, vector<16xf32>,
        %swap3A_1964 = arith.constant 0 : i32
        %swap3A_1965 = arith.index_cast %swap3A_1964 : i32 to index
        %swap3A_1966 = arith.index_cast %add3A_1880 : i32 to index
        %swap3A_1967 = arith.constant 48 : index
        %swap3A_1968 = tpu.vector_load %arg14[%swap3A_1965, %swap3A_1966, %swap3A_1967] {strides = array<i32>} : memref<2x128x128xf32, #tpu.memory_space<vmem>>, vector<16xf32>,
        tpu.vector_store %arg14[%swap3A_1965, %swap3A_1966, %swap3A_1967], %get3A_1963 {strides = array<i32>} : memref<2x128x128xf32, #tpu.memory_space<vmem>>, vector<16xf32>,
        %add3A_1969 = arith.constant 48 : i32
        %add3A_1970 = arith.addi %squeeze3A_1884, %add3A_1969 : i32
        %get3A_1971 = arith.constant 0 : i32
        %get3A_1972 = arith.index_cast %get3A_1971 : i32 to index
        %get3A_1973 = arith.index_cast %add3A_1880 : i32 to index
        %get3A_1974 = arith.index_cast %add3A_1970 : i32 to index
        %get3A_1975 = tpu.vector_load %arg13[%get3A_1972, %get3A_1973, %get3A_1974] {strides = array<i32>} : memref<2x128x128xf32, #tpu.memory_space<vmem>>, vector<16xf32>,
        %swap3A_1976 = arith.constant 0 : i32
        %swap3A_1977 = arith.index_cast %swap3A_1976 : i32 to index
        %swap3A_1978 = arith.index_cast %add3A_1880 : i32 to index
        %swap3A_1979 = arith.constant 112 : index
        %swap3A_1980 = tpu.vector_load %arg14[%swap3A_1977, %swap3A_1978, %swap3A_1979] {strides = array<i32>} : memref<2x128x128xf32, #tpu.memory_space<vmem>>, vector<16xf32>,
        tpu.vector_store %arg14[%swap3A_1977, %swap3A_1978, %swap3A_1979], %get3A_1975 {strides = array<i32>} : memref<2x128x128xf32, #tpu.memory_space<vmem>>, vector<16xf32>,
        %mul3A_1981 = arith.constant 16 : i32
        %mul3A_1982 = arith.muli %scan3A_414, %mul3A_1981 : i32
        %add3A_1983 = arith.constant 15 : i32
        %add3A_1984 = arith.addi %mul3A_1982, %add3A_1983 : i32
        %slice3A_1985 = vector.extract_strided_slice %get3A_418 {offsets = [15], sizes = [1], strides = [1]} : vector<16xi32> to vector<1xi32>
        %squeeze3A_1986 = vector.extract %slice3A_1985[0] : i32 from vector<1xi32>
        %slice3A_1987 = vector.extract_strided_slice %get3A_423 {offsets = [15], sizes = [1], strides = [1]} : vector<16xi32> to vector<1xi32>
        %squeeze3A_1988 = vector.extract %slice3A_1987[0] : i32 from vector<1xi32>
        %add3A_1989 = arith.constant 0 : i32
        %add3A_1990 = arith.addi %squeeze3A_1986, %add3A_1989 : i32
        %get3A_1991 = arith.constant 0 : i32
        %get3A_1992 = arith.index_cast %get3A_1991 : i32 to index
        %get3A_1993 = arith.index_cast %add3A_1984 : i32 to index
        %get3A_1994 = arith.index_cast %add3A_1990 : i32 to index
        %get3A_1995 = tpu.vector_load %arg12[%get3A_1992, %get3A_1993, %get3A_1994] {strides = array<i32>} : memref<2x128x128xf32, #tpu.memory_space<vmem>>, vector<16xf32>,
        %swap3A_1996 = arith.constant 0 : i32
        %swap3A_1997 = arith.index_cast %swap3A_1996 : i32 to index
        %swap3A_1998 = arith.index_cast %add3A_1984 : i32 to index
        %swap3A_1999 = arith.constant 0 : index
        %swap3A_2000 = tpu.vector_load %arg14[%swap3A_1997, %swap3A_1998, %swap3A_1999] {strides = array<i32>} : memref<2x128x128xf32, #tpu.memory_space<vmem>>, vector<16xf32>,
        tpu.vector_store %arg14[%swap3A_1997, %swap3A_1998, %swap3A_1999], %get3A_1995 {strides = array<i32>} : memref<2x128x128xf32, #tpu.memory_space<vmem>>, vector<16xf32>,
        %add3A_2001 = arith.constant 0 : i32
        %add3A_2002 = arith.addi %squeeze3A_1988, %add3A_2001 : i32
        %get3A_2003 = arith.constant 0 : i32
        %get3A_2004 = arith.index_cast %get3A_2003 : i32 to index
        %get3A_2005 = arith.index_cast %add3A_1984 : i32 to index
        %get3A_2006 = arith.index_cast %add3A_2002 : i32 to index
        %get3A_2007 = tpu.vector_load %arg13[%get3A_2004, %get3A_2005, %get3A_2006] {strides = array<i32>} : memref<2x128x128xf32, #tpu.memory_space<vmem>>, vector<16xf32>,
        %swap3A_2008 = arith.constant 0 : i32
        %swap3A_2009 = arith.index_cast %swap3A_2008 : i32 to index
        %swap3A_2010 = arith.index_cast %add3A_1984 : i32 to index
        %swap3A_2011 = arith.constant 64 : index
        %swap3A_2012 = tpu.vector_load %arg14[%swap3A_2009, %swap3A_2010, %swap3A_2011] {strides = array<i32>} : memref<2x128x128xf32, #tpu.memory_space<vmem>>, vector<16xf32>,
        tpu.vector_store %arg14[%swap3A_2009, %swap3A_2010, %swap3A_2011], %get3A_2007 {strides = array<i32>} : memref<2x128x128xf32, #tpu.memory_space<vmem>>, vector<16xf32>,
        %add3A_2013 = arith.constant 16 : i32
        %add3A_2014 = arith.addi %squeeze3A_1986, %add3A_2013 : i32
        %get3A_2015 = arith.constant 0 : i32
        %get3A_2016 = arith.index_cast %get3A_2015 : i32 to index
        %get3A_2017 = arith.index_cast %add3A_1984 : i32 to index
        %get3A_2018 = arith.index_cast %add3A_2014 : i32 to index
        %get3A_2019 = tpu.vector_load %arg12[%get3A_2016, %get3A_2017, %get3A_2018] {strides = array<i32>} : memref<2x128x128xf32, #tpu.memory_space<vmem>>, vector<16xf32>,
        %swap3A_2020 = arith.constant 0 : i32
        %swap3A_2021 = arith.index_cast %swap3A_2020 : i32 to index
        %swap3A_2022 = arith.index_cast %add3A_1984 : i32 to index
        %swap3A_2023 = arith.constant 16 : index
        %swap3A_2024 = tpu.vector_load %arg14[%swap3A_2021, %swap3A_2022, %swap3A_2023] {strides = array<i32>} : memref<2x128x128xf32, #tpu.memory_space<vmem>>, vector<16xf32>,
        tpu.vector_store %arg14[%swap3A_2021, %swap3A_2022, %swap3A_2023], %get3A_2019 {strides = array<i32>} : memref<2x128x128xf32, #tpu.memory_space<vmem>>, vector<16xf32>,
        %add3A_2025 = arith.constant 16 : i32
        %add3A_2026 = arith.addi %squeeze3A_1988, %add3A_2025 : i32
        %get3A_2027 = arith.constant 0 : i32
        %get3A_2028 = arith.index_cast %get3A_2027 : i32 to index
        %get3A_2029 = arith.index_cast %add3A_1984 : i32 to index
        %get3A_2030 = arith.index_cast %add3A_2026 : i32 to index
        %get3A_2031 = tpu.vector_load %arg13[%get3A_2028, %get3A_2029, %get3A_2030] {strides = array<i32>} : memref<2x128x128xf32, #tpu.memory_space<vmem>>, vector<16xf32>,
        %swap3A_2032 = arith.constant 0 : i32
        %swap3A_2033 = arith.index_cast %swap3A_2032 : i32 to index
        %swap3A_2034 = arith.index_cast %add3A_1984 : i32 to index
        %swap3A_2035 = arith.constant 80 : index
        %swap3A_2036 = tpu.vector_load %arg14[%swap3A_2033, %swap3A_2034, %swap3A_2035] {strides = array<i32>} : memref<2x128x128xf32, #tpu.memory_space<vmem>>, vector<16xf32>,
        tpu.vector_store %arg14[%swap3A_2033, %swap3A_2034, %swap3A_2035], %get3A_2031 {strides = array<i32>} : memref<2x128x128xf32, #tpu.memory_space<vmem>>, vector<16xf32>,
        %add3A_2037 = arith.constant 32 : i32
        %add3A_2038 = arith.addi %squeeze3A_1986, %add3A_2037 : i32
        %get3A_2039 = arith.constant 0 : i32
        %get3A_2040 = arith.index_cast %get3A_2039 : i32 to index
        %get3A_2041 = arith.index_cast %add3A_1984 : i32 to index
        %get3A_2042 = arith.index_cast %add3A_2038 : i32 to index
        %get3A_2043 = tpu.vector_load %arg12[%get3A_2040, %get3A_2041, %get3A_2042] {strides = array<i32>} : memref<2x128x128xf32, #tpu.memory_space<vmem>>, vector<16xf32>,
        %swap3A_2044 = arith.constant 0 : i32
        %swap3A_2045 = arith.index_cast %swap3A_2044 : i32 to index
        %swap3A_2046 = arith.index_cast %add3A_1984 : i32 to index
        %swap3A_2047 = arith.constant 32 : index
        %swap3A_2048 = tpu.vector_load %arg14[%swap3A_2045, %swap3A_2046, %swap3A_2047] {strides = array<i32>} : memref<2x128x128xf32, #tpu.memory_space<vmem>>, vector<16xf32>,
        tpu.vector_store %arg14[%swap3A_2045, %swap3A_2046, %swap3A_2047], %get3A_2043 {strides = array<i32>} : memref<2x128x128xf32, #tpu.memory_space<vmem>>, vector<16xf32>,
        %add3A_2049 = arith.constant 32 : i32
        %add3A_2050 = arith.addi %squeeze3A_1988, %add3A_2049 : i32
        %get3A_2051 = arith.constant 0 : i32
        %get3A_2052 = arith.index_cast %get3A_2051 : i32 to index
        %get3A_2053 = arith.index_cast %add3A_1984 : i32 to index
        %get3A_2054 = arith.index_cast %add3A_2050 : i32 to index
        %get3A_2055 = tpu.vector_load %arg13[%get3A_2052, %get3A_2053, %get3A_2054] {strides = array<i32>} : memref<2x128x128xf32, #tpu.memory_space<vmem>>, vector<16xf32>,
        %swap3A_2056 = arith.constant 0 : i32
        %swap3A_2057 = arith.index_cast %swap3A_2056 : i32 to index
        %swap3A_2058 = arith.index_cast %add3A_1984 : i32 to index
        %swap3A_2059 = arith.constant 96 : index
        %swap3A_2060 = tpu.vector_load %arg14[%swap3A_2057, %swap3A_2058, %swap3A_2059] {strides = array<i32>} : memref<2x128x128xf32, #tpu.memory_space<vmem>>, vector<16xf32>,
        tpu.vector_store %arg14[%swap3A_2057, %swap3A_2058, %swap3A_2059], %get3A_2055 {strides = array<i32>} : memref<2x128x128xf32, #tpu.memory_space<vmem>>, vector<16xf32>,
        %add3A_2061 = arith.constant 48 : i32
        %add3A_2062 = arith.addi %squeeze3A_1986, %add3A_2061 : i32
        %get3A_2063 = arith.constant 0 : i32
        %get3A_2064 = arith.index_cast %get3A_2063 : i32 to index
        %get3A_2065 = arith.index_cast %add3A_1984 : i32 to index
        %get3A_2066 = arith.index_cast %add3A_2062 : i32 to index
        %get3A_2067 = tpu.vector_load %arg12[%get3A_2064, %get3A_2065, %get3A_2066] {strides = array<i32>} : memref<2x128x128xf32, #tpu.memory_space<vmem>>, vector<16xf32>,
        %swap3A_2068 = arith.constant 0 : i32
        %swap3A_2069 = arith.index_cast %swap3A_2068 : i32 to index
        %swap3A_2070 = arith.index_cast %add3A_1984 : i32 to index
        %swap3A_2071 = arith.constant 48 : index
        %swap3A_2072 = tpu.vector_load %arg14[%swap3A_2069, %swap3A_2070, %swap3A_2071] {strides = array<i32>} : memref<2x128x128xf32, #tpu.memory_space<vmem>>, vector<16xf32>,
        tpu.vector_store %arg14[%swap3A_2069, %swap3A_2070, %swap3A_2071], %get3A_2067 {strides = array<i32>} : memref<2x128x128xf32, #tpu.memory_space<vmem>>, vector<16xf32>,
        %add3A_2073 = arith.constant 48 : i32
        %add3A_2074 = arith.addi %squeeze3A_1988, %add3A_2073 : i32
        %get3A_2075 = arith.constant 0 : i32
        %get3A_2076 = arith.index_cast %get3A_2075 : i32 to index
        %get3A_2077 = arith.index_cast %add3A_1984 : i32 to index
        %get3A_2078 = arith.index_cast %add3A_2074 : i32 to index
        %get3A_2079 = tpu.vector_load %arg13[%get3A_2076, %get3A_2077, %get3A_2078] {strides = array<i32>} : memref<2x128x128xf32, #tpu.memory_space<vmem>>, vector<16xf32>,
        %swap3A_2080 = arith.constant 0 : i32
        %swap3A_2081 = arith.index_cast %swap3A_2080 : i32 to index
        %swap3A_2082 = arith.index_cast %add3A_1984 : i32 to index
        %swap3A_2083 = arith.constant 112 : index
        %swap3A_2084 = tpu.vector_load %arg14[%swap3A_2081, %swap3A_2082, %swap3A_2083] {strides = array<i32>} : memref<2x128x128xf32, #tpu.memory_space<vmem>>, vector<16xf32>,
        tpu.vector_store %arg14[%swap3A_2081, %swap3A_2082, %swap3A_2083], %get3A_2079 {strides = array<i32>} : memref<2x128x128xf32, #tpu.memory_space<vmem>>, vector<16xf32>,
      }
      %scan3A_219 = arith.constant 8 : i32
      %mul3A_220 = arith.constant 128 : i32
      %mul3A_221 = arith.muli %add3A_137, %mul3A_220 : i32
      %add3A_222 = arith.addi %mul3A_2, %mul3A_221 : i32
      %dma_start3A_223 = arith.constant 0 : i32
      %dma_start3A_224 = arith.constant 0 : i32
      %dma_start3A_225 = arith.constant 0 : i32
      %dma_start3A_226 = tpu.memref_slice %arg14[%dma_start3A_223, %dma_start3A_224, %dma_start3A_225] : memref<2x128x128xf32, #tpu.memory_space<vmem>> -> memref<1x128x128xf32, #tpu.memory_space<vmem>>
      %dma_start3A_227 = tpu.memref_squeeze %dma_start3A_226 : memref<1x128x128xf32, #tpu.memory_space<vmem>> -> memref<128x128xf32, #tpu.memory_space<vmem>>
      %dma_start3A_228 = arith.constant 0 : i32
      %dma_start3A_229 = tpu.memref_slice %arg7[%add3A_222, %dma_start3A_228] : memref<409600x128xf32, #tpu.memory_space<hbm>> -> memref<128x128xf32, #tpu.memory_space<hbm>>
      %dma_start3A_230 = arith.constant 0 : i32
      %dma_start3A_231 = tpu.memref_slice %arg7[%add3A_222, %dma_start3A_230] : memref<409600x128xf32, #tpu.memory_space<hbm>> -> memref<128x128xf32, #tpu.memory_space<hbm>>
      %dma_start3A_232 = arith.constant 0 : i32
      %dma_start3A_233 = arith.constant 0 : i32
      %dma_start3A_234 = tpu.memref_slice %arg14[%dma_start3A_223, %dma_start3A_232, %dma_start3A_233] : memref<2x128x128xf32, #tpu.memory_space<vmem>> -> memref<1x128x128xf32, #tpu.memory_space<vmem>>
      %dma_start3A_235 = tpu.memref_squeeze %dma_start3A_234 : memref<1x128x128xf32, #tpu.memory_space<vmem>> -> memref<128x128xf32, #tpu.memory_space<vmem>>
      tpu.enqueue_dma source(%dma_start3A_235 : memref<128x128xf32, #tpu.memory_space<vmem>>) target(%dma_start3A_231 : memref<128x128xf32, #tpu.memory_space<hbm>>) target_semaphore(%arg19 : memref<!tpu.dma_semaphore, #tpu.memory_space<semaphore_mem>>)
      %jit3A_236 = arith.constant 10 : i32
      %eq3A_237 = arith.constant 0 : i32
      %eq3A_238 = arith.cmpi eq, %jit3A_236, %eq3A_237 : i32
      %jit3A_239 = arith.constant 1 : i32
      %select_n3A_240 = arith.select %eq3A_238, %jit3A_239, %jit3A_236 : i32
      %rem3A_241 = arith.remsi %add3A_137, %select_n3A_240 : i32
      %ne3A_242 = arith.constant 0 : i32
      %ne3A_243 = arith.cmpi ne, %rem3A_241, %ne3A_242 : i32
      %lt3A_244 = arith.constant 0 : i32
      %lt3A_245 = arith.cmpi slt, %rem3A_241, %lt3A_244 : i32
      %lt3A_246 = arith.constant 0 : i32
      %lt3A_247 = arith.cmpi slt, %select_n3A_240, %lt3A_246 : i32
      %ne3A_248 = arith.xori %lt3A_245, %lt3A_247 : i1
      %and3A_249 = arith.andi %ne3A_248, %ne3A_243 : i1
      %add3A_250 = arith.addi %rem3A_241, %select_n3A_240 : i32
      %select_n3A_251 = arith.select %and3A_249, %add3A_250, %rem3A_241 : i32
      %eq3A_252 = arith.constant 0 : i32
      %eq3A_253 = arith.cmpi eq, %select_n3A_251, %eq3A_252 : i32
      %add3A_254 = arith.constant 10 : i32
      %add3A_255 = arith.addi %add3A_137, %add3A_254 : i32
      %lt3A_256 = arith.constant 100 : i32
      %lt3A_257 = arith.cmpi slt, %add3A_255, %lt3A_256 : i32
      %and3A_258 = arith.andi %eq3A_253, %lt3A_257 : i1
      %convert_element_type3A_259 = arith.extui %and3A_258 : i1 to i32
      %cond3A_260 = arith.constant 0 : i32
      %cond3A_261 = arith.cmpi ne, %convert_element_type3A_259, %cond3A_260 : i32
      scf.if %cond3A_261 {
        %jit3A_414 = arith.constant 10 : i32
        %div3A_415 = arith.divsi %add3A_137, %jit3A_414 : i32
        %sign3A_416 = arith.constant 0 : i32
        %sign3A_417 = arith.cmpi sgt, %add3A_137, %sign3A_416 : i32
        %sign3A_418 = arith.extui %sign3A_417 : i1 to i32
        %sign3A_419 = arith.constant 0 : i32
        %sign3A_420 = arith.cmpi slt, %add3A_137, %sign3A_419 : i32
        %sign3A_421 = arith.extui %sign3A_420 : i1 to i32
        %sign3A_422 = arith.subi %sign3A_418, %sign3A_421 : i32
        %sign3A_423 = arith.constant 0 : i32
        %sign3A_424 = arith.cmpi sgt, %jit3A_414, %sign3A_423 : i32
        %sign3A_425 = arith.extui %sign3A_424 : i1 to i32
        %sign3A_426 = arith.constant 0 : i32
        %sign3A_427 = arith.cmpi slt, %jit3A_414, %sign3A_426 : i32
        %sign3A_428 = arith.extui %sign3A_427 : i1 to i32
        %sign3A_429 = arith.subi %sign3A_425, %sign3A_428 : i32
        %ne3A_430 = arith.cmpi ne, %sign3A_422, %sign3A_429 : i32
        %rem3A_431 = arith.remsi %add3A_137, %jit3A_414 : i32
        %ne3A_432 = arith.constant 0 : i32
        %ne3A_433 = arith.cmpi ne, %rem3A_431, %ne3A_432 : i32
        %and3A_434 = arith.andi %ne3A_430, %ne3A_433 : i1
        %sub3A_435 = arith.constant 1 : i32
        %sub3A_436 = arith.subi %div3A_415, %sub3A_435 : i32
        %select_n3A_437 = arith.select %and3A_434, %sub3A_436, %div3A_415 : i32
        %add3A_438 = arith.constant 1 : i32
        %add3A_439 = arith.addi %select_n3A_437, %add3A_438 : i32
        %jit3A_440 = arith.constant 2 : i32
        %eq3A_441 = arith.constant 0 : i32
        %eq3A_442 = arith.cmpi eq, %jit3A_440, %eq3A_441 : i32
        %jit3A_443 = arith.constant 1 : i32
        %select_n3A_444 = arith.select %eq3A_442, %jit3A_443, %jit3A_440 : i32
        %rem3A_445 = arith.remsi %add3A_439, %select_n3A_444 : i32
        %ne3A_446 = arith.constant 0 : i32
        %ne3A_447 = arith.cmpi ne, %rem3A_445, %ne3A_446 : i32
        %lt3A_448 = arith.constant 0 : i32
        %lt3A_449 = arith.cmpi slt, %rem3A_445, %lt3A_448 : i32
        %lt3A_450 = arith.constant 0 : i32
        %lt3A_451 = arith.cmpi slt, %select_n3A_444, %lt3A_450 : i32
        %ne3A_452 = arith.xori %lt3A_449, %lt3A_451 : i1
        %and3A_453 = arith.andi %ne3A_452, %ne3A_447 : i1
        %add3A_454 = arith.addi %rem3A_445, %select_n3A_444 : i32
        %select_n3A_455 = arith.select %and3A_453, %add3A_454, %rem3A_445 : i32
        %mul3A_456 = arith.constant 1280 : i32
        %mul3A_457 = arith.muli %select_n3A_455, %mul3A_456 : i32
        %mul3A_458 = arith.constant 1280 : i32
        %mul3A_459 = arith.muli %add3A_439, %mul3A_458 : i32
        %add3A_460 = arith.addi %mul3A_2, %mul3A_459 : i32
        %dma_start3A_461 = tpu.memref_slice %arg8[%mul3A_457] : memref<2560xi32, #tpu.memory_space<vmem>> -> memref<1280xi32, #tpu.memory_space<vmem>>
        %dma_start3A_462 = tpu.memref_slice %arg2[%add3A_460] : memref<409600xi32, #tpu.memory_space<hbm>> -> memref<1280xi32, #tpu.memory_space<hbm>>
        %dma_start3A_463 = tpu.memref_slice %arg8[%mul3A_457] : memref<2560xi32, #tpu.memory_space<vmem>> -> memref<1280xi32, #tpu.memory_space<vmem>>
        %dma_start3A_464 = tpu.memref_slice %arg2[%add3A_460] : memref<409600xi32, #tpu.memory_space<hbm>> -> memref<1280xi32, #tpu.memory_space<hbm>>
        tpu.enqueue_dma source(%dma_start3A_464 : memref<1280xi32, #tpu.memory_space<hbm>>) target(%dma_start3A_463 : memref<1280xi32, #tpu.memory_space<vmem>>) target_semaphore(%arg21 : memref<!tpu.dma_semaphore, #tpu.memory_space<semaphore_mem>>)
        %dma_start3A_465 = tpu.memref_slice %arg9[%mul3A_457] : memref<2560xi32, #tpu.memory_space<vmem>> -> memref<1280xi32, #tpu.memory_space<vmem>>
        %dma_start3A_466 = tpu.memref_slice %arg3[%add3A_460] : memref<409600xi32, #tpu.memory_space<hbm>> -> memref<1280xi32, #tpu.memory_space<hbm>>
        %dma_start3A_467 = tpu.memref_slice %arg9[%mul3A_457] : memref<2560xi32, #tpu.memory_space<vmem>> -> memref<1280xi32, #tpu.memory_space<vmem>>
        %dma_start3A_468 = tpu.memref_slice %arg3[%add3A_460] : memref<409600xi32, #tpu.memory_space<hbm>> -> memref<1280xi32, #tpu.memory_space<hbm>>
        tpu.enqueue_dma source(%dma_start3A_468 : memref<1280xi32, #tpu.memory_space<hbm>>) target(%dma_start3A_467 : memref<1280xi32, #tpu.memory_space<vmem>>) target_semaphore(%arg21 : memref<!tpu.dma_semaphore, #tpu.memory_space<semaphore_mem>>)
        %dma_start3A_469 = tpu.memref_slice %arg10[%mul3A_457] : memref<2560xi32, #tpu.memory_space<vmem>> -> memref<1280xi32, #tpu.memory_space<vmem>>
        %dma_start3A_470 = tpu.memref_slice %arg4[%add3A_460] : memref<409600xi32, #tpu.memory_space<hbm>> -> memref<1280xi32, #tpu.memory_space<hbm>>
        %dma_start3A_471 = tpu.memref_slice %arg10[%mul3A_457] : memref<2560xi32, #tpu.memory_space<vmem>> -> memref<1280xi32, #tpu.memory_space<vmem>>
        %dma_start3A_472 = tpu.memref_slice %arg4[%add3A_460] : memref<409600xi32, #tpu.memory_space<hbm>> -> memref<1280xi32, #tpu.memory_space<hbm>>
        tpu.enqueue_dma source(%dma_start3A_472 : memref<1280xi32, #tpu.memory_space<hbm>>) target(%dma_start3A_471 : memref<1280xi32, #tpu.memory_space<vmem>>) target_semaphore(%arg21 : memref<!tpu.dma_semaphore, #tpu.memory_space<semaphore_mem>>)
        %dma_start3A_473 = tpu.memref_slice %arg11[%mul3A_457] : memref<2560xi32, #tpu.memory_space<vmem>> -> memref<1280xi32, #tpu.memory_space<vmem>>
        %dma_start3A_474 = tpu.memref_slice %arg5[%add3A_460] : memref<409600xi32, #tpu.memory_space<hbm>> -> memref<1280xi32, #tpu.memory_space<hbm>>
        %dma_start3A_475 = tpu.memref_slice %arg11[%mul3A_457] : memref<2560xi32, #tpu.memory_space<vmem>> -> memref<1280xi32, #tpu.memory_space<vmem>>
        %dma_start3A_476 = tpu.memref_slice %arg5[%add3A_460] : memref<409600xi32, #tpu.memory_space<hbm>> -> memref<1280xi32, #tpu.memory_space<hbm>>
        tpu.enqueue_dma source(%dma_start3A_476 : memref<1280xi32, #tpu.memory_space<hbm>>) target(%dma_start3A_475 : memref<1280xi32, #tpu.memory_space<vmem>>) target_semaphore(%arg21 : memref<!tpu.dma_semaphore, #tpu.memory_space<semaphore_mem>>)
      } else {
      }
      %add3A_262 = arith.constant 2 : i32
      %add3A_263 = arith.addi %add3A_137, %add3A_262 : i32
      %lt3A_264 = arith.constant 100 : i32
      %lt3A_265 = arith.cmpi slt, %add3A_263, %lt3A_264 : i32
      %convert_element_type3A_266 = arith.extui %lt3A_265 : i1 to i32
      %cond3A_267 = arith.constant 0 : i32
      %cond3A_268 = arith.cmpi ne, %convert_element_type3A_266, %cond3A_267 : i32
      scf.if %cond3A_268 {
        %add3A_414 = arith.constant 2 : i32
        %add3A_415 = arith.addi %add3A_137, %add3A_414 : i32
        %jit3A_416 = arith.constant 10 : i32
        %eq3A_417 = arith.constant 0 : i32
        %eq3A_418 = arith.cmpi eq, %jit3A_416, %eq3A_417 : i32
        %jit3A_419 = arith.constant 1 : i32
        %select_n3A_420 = arith.select %eq3A_418, %jit3A_419, %jit3A_416 : i32
        %rem3A_421 = arith.remsi %add3A_415, %select_n3A_420 : i32
        %ne3A_422 = arith.constant 0 : i32
        %ne3A_423 = arith.cmpi ne, %rem3A_421, %ne3A_422 : i32
        %lt3A_424 = arith.constant 0 : i32
        %lt3A_425 = arith.cmpi slt, %rem3A_421, %lt3A_424 : i32
        %lt3A_426 = arith.constant 0 : i32
        %lt3A_427 = arith.cmpi slt, %select_n3A_420, %lt3A_426 : i32
        %ne3A_428 = arith.xori %lt3A_425, %lt3A_427 : i1
        %and3A_429 = arith.andi %ne3A_428, %ne3A_423 : i1
        %add3A_430 = arith.addi %rem3A_421, %select_n3A_420 : i32
        %select_n3A_431 = arith.select %and3A_429, %add3A_430, %rem3A_421 : i32
        %eq3A_432 = arith.constant 0 : i32
        %eq3A_433 = arith.cmpi eq, %select_n3A_431, %eq3A_432 : i32
        %gt3A = arith.constant 0 : i32
        %gt3A_434 = arith.cmpi sgt, %add3A_415, %gt3A : i32
        %and3A_435 = arith.andi %eq3A_433, %gt3A_434 : i1
        %convert_element_type3A_436 = arith.extui %and3A_435 : i1 to i32
        %cond3A_437 = arith.constant 0 : i32
        %cond3A_438 = arith.cmpi ne, %convert_element_type3A_436, %cond3A_437 : i32
        scf.if %cond3A_438 {
          %jit3A_518 = arith.constant 10 : i32
          %div3A_519 = arith.divsi %add3A_415, %jit3A_518 : i32
          %sign3A_520 = arith.constant 0 : i32
          %sign3A_521 = arith.cmpi sgt, %add3A_415, %sign3A_520 : i32
          %sign3A_522 = arith.extui %sign3A_521 : i1 to i32
          %sign3A_523 = arith.constant 0 : i32
          %sign3A_524 = arith.cmpi slt, %add3A_415, %sign3A_523 : i32
          %sign3A_525 = arith.extui %sign3A_524 : i1 to i32
          %sign3A_526 = arith.subi %sign3A_522, %sign3A_525 : i32
          %sign3A_527 = arith.constant 0 : i32
          %sign3A_528 = arith.cmpi sgt, %jit3A_518, %sign3A_527 : i32
          %sign3A_529 = arith.extui %sign3A_528 : i1 to i32
          %sign3A_530 = arith.constant 0 : i32
          %sign3A_531 = arith.cmpi slt, %jit3A_518, %sign3A_530 : i32
          %sign3A_532 = arith.extui %sign3A_531 : i1 to i32
          %sign3A_533 = arith.subi %sign3A_529, %sign3A_532 : i32
          %ne3A_534 = arith.cmpi ne, %sign3A_526, %sign3A_533 : i32
          %rem3A_535 = arith.remsi %add3A_415, %jit3A_518 : i32
          %ne3A_536 = arith.constant 0 : i32
          %ne3A_537 = arith.cmpi ne, %rem3A_535, %ne3A_536 : i32
          %and3A_538 = arith.andi %ne3A_534, %ne3A_537 : i1
          %sub3A_539 = arith.constant 1 : i32
          %sub3A_540 = arith.subi %div3A_519, %sub3A_539 : i32
          %select_n3A_541 = arith.select %and3A_538, %sub3A_540, %div3A_519 : i32
          %jit3A_542 = arith.constant 2 : i32
          %eq3A_543 = arith.constant 0 : i32
          %eq3A_544 = arith.cmpi eq, %jit3A_542, %eq3A_543 : i32
          %jit3A_545 = arith.constant 1 : i32
          %select_n3A_546 = arith.select %eq3A_544, %jit3A_545, %jit3A_542 : i32
          %rem3A_547 = arith.remsi %select_n3A_541, %select_n3A_546 : i32
          %ne3A_548 = arith.constant 0 : i32
          %ne3A_549 = arith.cmpi ne, %rem3A_547, %ne3A_548 : i32
          %lt3A_550 = arith.constant 0 : i32
          %lt3A_551 = arith.cmpi slt, %rem3A_547, %lt3A_550 : i32
          %lt3A_552 = arith.constant 0 : i32
          %lt3A_553 = arith.cmpi slt, %select_n3A_546, %lt3A_552 : i32
          %ne3A_554 = arith.xori %lt3A_551, %lt3A_553 : i1
          %and3A_555 = arith.andi %ne3A_554, %ne3A_549 : i1
          %add3A_556 = arith.addi %rem3A_547, %select_n3A_546 : i32
          %select_n3A_557 = arith.select %and3A_555, %add3A_556, %rem3A_547 : i32
          %mul3A_558 = arith.constant 1280 : i32
          %mul3A_559 = arith.muli %select_n3A_557, %mul3A_558 : i32
          %mul3A_560 = arith.constant 1280 : i32
          %mul3A_561 = arith.muli %select_n3A_541, %mul3A_560 : i32
          %add3A_562 = arith.addi %mul3A_2, %mul3A_561 : i32
          %dma_wait3A_563 = tpu.memref_slice %arg8[%mul3A_559] : memref<2560xi32, #tpu.memory_space<vmem>> -> memref<1280xi32, #tpu.memory_space<vmem>>
          %dma_wait3A_564 = tpu.memref_slice %arg2[%add3A_562] : memref<409600xi32, #tpu.memory_space<hbm>> -> memref<1280xi32, #tpu.memory_space<hbm>>
          %dma_wait3A_565 = tpu.memref_slice %arg8[%mul3A_559] : memref<2560xi32, #tpu.memory_space<vmem>> -> memref<1280xi32, #tpu.memory_space<vmem>>
          %dma_wait3A_566 = tpu.memref_slice %arg2[%add3A_562] : memref<409600xi32, #tpu.memory_space<hbm>> -> memref<1280xi32, #tpu.memory_space<hbm>>
          tpu.wait_dma2 semaphore(%arg21 : memref<!tpu.dma_semaphore, #tpu.memory_space<semaphore_mem>>) src(%dma_wait3A_566 : memref<1280xi32, #tpu.memory_space<hbm>>) dst(%dma_wait3A_565 : memref<1280xi32, #tpu.memory_space<vmem>>)
          %dma_wait3A_567 = tpu.memref_slice %arg9[%mul3A_559] : memref<2560xi32, #tpu.memory_space<vmem>> -> memref<1280xi32, #tpu.memory_space<vmem>>
          %dma_wait3A_568 = tpu.memref_slice %arg3[%add3A_562] : memref<409600xi32, #tpu.memory_space<hbm>> -> memref<1280xi32, #tpu.memory_space<hbm>>
          %dma_wait3A_569 = tpu.memref_slice %arg9[%mul3A_559] : memref<2560xi32, #tpu.memory_space<vmem>> -> memref<1280xi32, #tpu.memory_space<vmem>>
          %dma_wait3A_570 = tpu.memref_slice %arg3[%add3A_562] : memref<409600xi32, #tpu.memory_space<hbm>> -> memref<1280xi32, #tpu.memory_space<hbm>>
          tpu.wait_dma2 semaphore(%arg21 : memref<!tpu.dma_semaphore, #tpu.memory_space<semaphore_mem>>) src(%dma_wait3A_570 : memref<1280xi32, #tpu.memory_space<hbm>>) dst(%dma_wait3A_569 : memref<1280xi32, #tpu.memory_space<vmem>>)
          %dma_wait3A_571 = tpu.memref_slice %arg10[%mul3A_559] : memref<2560xi32, #tpu.memory_space<vmem>> -> memref<1280xi32, #tpu.memory_space<vmem>>
          %dma_wait3A_572 = tpu.memref_slice %arg4[%add3A_562] : memref<409600xi32, #tpu.memory_space<hbm>> -> memref<1280xi32, #tpu.memory_space<hbm>>
          %dma_wait3A_573 = tpu.memref_slice %arg10[%mul3A_559] : memref<2560xi32, #tpu.memory_space<vmem>> -> memref<1280xi32, #tpu.memory_space<vmem>>
          %dma_wait3A_574 = tpu.memref_slice %arg4[%add3A_562] : memref<409600xi32, #tpu.memory_space<hbm>> -> memref<1280xi32, #tpu.memory_space<hbm>>
          tpu.wait_dma2 semaphore(%arg21 : memref<!tpu.dma_semaphore, #tpu.memory_space<semaphore_mem>>) src(%dma_wait3A_574 : memref<1280xi32, #tpu.memory_space<hbm>>) dst(%dma_wait3A_573 : memref<1280xi32, #tpu.memory_space<vmem>>)
          %dma_wait3A_575 = tpu.memref_slice %arg11[%mul3A_559] : memref<2560xi32, #tpu.memory_space<vmem>> -> memref<1280xi32, #tpu.memory_space<vmem>>
          %dma_wait3A_576 = tpu.memref_slice %arg5[%add3A_562] : memref<409600xi32, #tpu.memory_space<hbm>> -> memref<1280xi32, #tpu.memory_space<hbm>>
          %dma_wait3A_577 = tpu.memref_slice %arg11[%mul3A_559] : memref<2560xi32, #tpu.memory_space<vmem>> -> memref<1280xi32, #tpu.memory_space<vmem>>
          %dma_wait3A_578 = tpu.memref_slice %arg5[%add3A_562] : memref<409600xi32, #tpu.memory_space<hbm>> -> memref<1280xi32, #tpu.memory_space<hbm>>
          tpu.wait_dma2 semaphore(%arg21 : memref<!tpu.dma_semaphore, #tpu.memory_space<semaphore_mem>>) src(%dma_wait3A_578 : memref<1280xi32, #tpu.memory_space<hbm>>) dst(%dma_wait3A_577 : memref<1280xi32, #tpu.memory_space<vmem>>)
        } else {
        }
        %jit3A_439 = arith.constant 10 : i32
        %div3A_440 = arith.divsi %add3A_415, %jit3A_439 : i32
        %sign3A_441 = arith.constant 0 : i32
        %sign3A_442 = arith.cmpi sgt, %add3A_415, %sign3A_441 : i32
        %sign3A_443 = arith.extui %sign3A_442 : i1 to i32
        %sign3A_444 = arith.constant 0 : i32
        %sign3A_445 = arith.cmpi slt, %add3A_415, %sign3A_444 : i32
        %sign3A_446 = arith.extui %sign3A_445 : i1 to i32
        %sign3A_447 = arith.subi %sign3A_443, %sign3A_446 : i32
        %sign3A_448 = arith.constant 0 : i32
        %sign3A_449 = arith.cmpi sgt, %jit3A_439, %sign3A_448 : i32
        %sign3A_450 = arith.extui %sign3A_449 : i1 to i32
        %sign3A_451 = arith.constant 0 : i32
        %sign3A_452 = arith.cmpi slt, %jit3A_439, %sign3A_451 : i32
        %sign3A_453 = arith.extui %sign3A_452 : i1 to i32
        %sign3A_454 = arith.subi %sign3A_450, %sign3A_453 : i32
        %ne3A_455 = arith.cmpi ne, %sign3A_447, %sign3A_454 : i32
        %rem3A_456 = arith.remsi %add3A_415, %jit3A_439 : i32
        %ne3A_457 = arith.constant 0 : i32
        %ne3A_458 = arith.cmpi ne, %rem3A_456, %ne3A_457 : i32
        %and3A_459 = arith.andi %ne3A_455, %ne3A_458 : i1
        %sub3A_460 = arith.constant 1 : i32
        %sub3A_461 = arith.subi %div3A_440, %sub3A_460 : i32
        %select_n3A_462 = arith.select %and3A_459, %sub3A_461, %div3A_440 : i32
        %jit3A_463 = arith.constant 2 : i32
        %eq3A_464 = arith.constant 0 : i32
        %eq3A_465 = arith.cmpi eq, %jit3A_463, %eq3A_464 : i32
        %jit3A_466 = arith.constant 1 : i32
        %select_n3A_467 = arith.select %eq3A_465, %jit3A_466, %jit3A_463 : i32
        %rem3A_468 = arith.remsi %select_n3A_462, %select_n3A_467 : i32
        %ne3A_469 = arith.constant 0 : i32
        %ne3A_470 = arith.cmpi ne, %rem3A_468, %ne3A_469 : i32
        %lt3A_471 = arith.constant 0 : i32
        %lt3A_472 = arith.cmpi slt, %rem3A_468, %lt3A_471 : i32
        %lt3A_473 = arith.constant 0 : i32
        %lt3A_474 = arith.cmpi slt, %select_n3A_467, %lt3A_473 : i32
        %ne3A_475 = arith.xori %lt3A_472, %lt3A_474 : i1
        %and3A_476 = arith.andi %ne3A_475, %ne3A_470 : i1
        %add3A_477 = arith.addi %rem3A_468, %select_n3A_467 : i32
        %select_n3A_478 = arith.select %and3A_476, %add3A_477, %rem3A_468 : i32
        %mul3A_479 = arith.constant 1280 : i32
        %mul3A_480 = arith.muli %select_n3A_478, %mul3A_479 : i32
        %jit3A_481 = arith.constant 10 : i32
        %eq3A_482 = arith.constant 0 : i32
        %eq3A_483 = arith.cmpi eq, %jit3A_481, %eq3A_482 : i32
        %jit3A_484 = arith.constant 1 : i32
        %select_n3A_485 = arith.select %eq3A_483, %jit3A_484, %jit3A_481 : i32
        %rem3A_486 = arith.remsi %add3A_415, %select_n3A_485 : i32
        %ne3A_487 = arith.constant 0 : i32
        %ne3A_488 = arith.cmpi ne, %rem3A_486, %ne3A_487 : i32
        %lt3A_489 = arith.constant 0 : i32
        %lt3A_490 = arith.cmpi slt, %rem3A_486, %lt3A_489 : i32
        %lt3A_491 = arith.constant 0 : i32
        %lt3A_492 = arith.cmpi slt, %select_n3A_485, %lt3A_491 : i32
        %ne3A_493 = arith.xori %lt3A_490, %lt3A_492 : i1
        %and3A_494 = arith.andi %ne3A_493, %ne3A_488 : i1
        %add3A_495 = arith.addi %rem3A_486, %select_n3A_485 : i32
        %select_n3A_496 = arith.select %and3A_494, %add3A_495, %rem3A_486 : i32
        %mul3A_497 = arith.constant 128 : i32
        %mul3A_498 = arith.muli %select_n3A_496, %mul3A_497 : i32
        %add3A_499 = arith.addi %mul3A_480, %mul3A_498 : i32
        %dma_start3A_500 = arith.constant 0 : i32
        %dma_start3A_501 = arith.constant 0 : i32
        %dma_start3A_502 = arith.constant 0 : i32
        %dma_start3A_503 = tpu.memref_slice %arg12[%dma_start3A_500, %dma_start3A_501, %dma_start3A_502] : memref<2x128x128xf32, #tpu.memory_space<vmem>> -> memref<1x128x128xf32, #tpu.memory_space<vmem>>
        %dma_start3A_504 = tpu.memref_squeeze %dma_start3A_503 : memref<1x128x128xf32, #tpu.memory_space<vmem>> -> memref<128x128xf32, #tpu.memory_space<vmem>>
        %dma_start3A_505 = tpu.memref_slice %arg8[%add3A_499] : memref<2560xi32, #tpu.memory_space<vmem>> -> memref<128xi32, #tpu.memory_space<vmem>>
        %dma_start3A_506 = arith.constant 0 : i32
        %dma_start3A_507 = arith.constant 0 : i32
        %dma_start3A_508 = tpu.memref_slice %arg6[%dma_start3A_506, %dma_start3A_507] : memref<500000x128xf32, #tpu.memory_space<hbm>> -> memref<500000x128xf32, #tpu.memory_space<hbm>>
        tpu.enqueue_indirect_dma source(%dma_start3A_508 : memref<500000x128xf32, #tpu.memory_space<hbm>>) target(%dma_start3A_504 : memref<128x128xf32, #tpu.memory_space<vmem>>) offsets(%dma_start3A_505 : memref<128xi32, #tpu.memory_space<vmem>>) semaphore(%arg15 : memref<!tpu.dma_semaphore, #tpu.memory_space<semaphore_mem>>)
        %dma_start3A_509 = arith.constant 0 : i32
        %dma_start3A_510 = arith.constant 0 : i32
        %dma_start3A_511 = arith.constant 0 : i32
        %dma_start3A_512 = tpu.memref_slice %arg13[%dma_start3A_509, %dma_start3A_510, %dma_start3A_511] : memref<2x128x128xf32, #tpu.memory_space<vmem>> -> memref<1x128x128xf32, #tpu.memory_space<vmem>>
        %dma_start3A_513 = tpu.memref_squeeze %dma_start3A_512 : memref<1x128x128xf32, #tpu.memory_space<vmem>> -> memref<128x128xf32, #tpu.memory_space<vmem>>
        %dma_start3A_514 = tpu.memref_slice %arg9[%add3A_499] : memref<2560xi32, #tpu.memory_space<vmem>> -> memref<128xi32, #tpu.memory_space<vmem>>
        %dma_start3A_515 = arith.constant 0 : i32
        %dma_start3A_516 = arith.constant 0 : i32
        %dma_start3A_517 = tpu.memref_slice %arg6[%dma_start3A_515, %dma_start3A_516] : memref<500000x128xf32, #tpu.memory_space<hbm>> -> memref<500000x128xf32, #tpu.memory_space<hbm>>
        tpu.enqueue_indirect_dma source(%dma_start3A_517 : memref<500000x128xf32, #tpu.memory_space<hbm>>) target(%dma_start3A_513 : memref<128x128xf32, #tpu.memory_space<vmem>>) offsets(%dma_start3A_514 : memref<128xi32, #tpu.memory_space<vmem>>) semaphore(%arg17 : memref<!tpu.dma_semaphore, #tpu.memory_space<semaphore_mem>>)
      } else {
      }
      %mul3A_269 = arith.constant 2 : i32
      %mul3A_270 = arith.muli %mul3A_269, %scan3A_133 : i32
      %add3A_271 = arith.constant 1 : i32
      %add3A_272 = arith.addi %mul3A_270, %add3A_271 : i32
      %dma_wait3A_273 = arith.constant 1 : i32
      %dma_wait3A_274 = arith.constant 0 : i32
      %dma_wait3A_275 = arith.constant 0 : i32
      %dma_wait3A_276 = tpu.memref_slice %arg12[%dma_wait3A_273, %dma_wait3A_274, %dma_wait3A_275] : memref<2x128x128xf32, #tpu.memory_space<vmem>> -> memref<1x128x128xf32, #tpu.memory_space<vmem>>
      %dma_wait3A_277 = tpu.memref_squeeze %dma_wait3A_276 : memref<1x128x128xf32, #tpu.memory_space<vmem>> -> memref<128x128xf32, #tpu.memory_space<vmem>>
      %dma_wait3A_278 = arith.constant 0 : i32
      %dma_wait3A_279 = tpu.memref_slice %arg8[%dma_wait3A_278] : memref<2560xi32, #tpu.memory_space<vmem>> -> memref<128xi32, #tpu.memory_space<vmem>>
      %dma_wait3A_280 = arith.constant 0 : i32
      %dma_wait3A_281 = arith.constant 0 : i32
      %dma_wait3A_282 = tpu.memref_slice %arg6[%dma_wait3A_280, %dma_wait3A_281] : memref<500000x128xf32, #tpu.memory_space<hbm>> -> memref<500000x128xf32, #tpu.memory_space<hbm>>
      tpu.wait_indirect_dma semaphore(%arg16 : memref<!tpu.dma_semaphore, #tpu.memory_space<semaphore_mem>>) src(%dma_wait3A_282 : memref<500000x128xf32, #tpu.memory_space<hbm>>) dst(%dma_wait3A_277 : memref<128x128xf32, #tpu.memory_space<vmem>>)
      %dma_wait3A_283 = arith.constant 1 : i32
      %dma_wait3A_284 = arith.constant 0 : i32
      %dma_wait3A_285 = arith.constant 0 : i32
      %dma_wait3A_286 = tpu.memref_slice %arg13[%dma_wait3A_283, %dma_wait3A_284, %dma_wait3A_285] : memref<2x128x128xf32, #tpu.memory_space<vmem>> -> memref<1x128x128xf32, #tpu.memory_space<vmem>>
      %dma_wait3A_287 = tpu.memref_squeeze %dma_wait3A_286 : memref<1x128x128xf32, #tpu.memory_space<vmem>> -> memref<128x128xf32, #tpu.memory_space<vmem>>
      %dma_wait3A_288 = arith.constant 0 : i32
      %dma_wait3A_289 = tpu.memref_slice %arg9[%dma_wait3A_288] : memref<2560xi32, #tpu.memory_space<vmem>> -> memref<128xi32, #tpu.memory_space<vmem>>
      %dma_wait3A_290 = arith.constant 0 : i32
      %dma_wait3A_291 = arith.constant 0 : i32
      %dma_wait3A_292 = tpu.memref_slice %arg6[%dma_wait3A_290, %dma_wait3A_291] : memref<500000x128xf32, #tpu.memory_space<hbm>> -> memref<500000x128xf32, #tpu.memory_space<hbm>>
      tpu.wait_indirect_dma semaphore(%arg18 : memref<!tpu.dma_semaphore, #tpu.memory_space<semaphore_mem>>) src(%dma_wait3A_292 : memref<500000x128xf32, #tpu.memory_space<hbm>>) dst(%dma_wait3A_287 : memref<128x128xf32, #tpu.memory_space<vmem>>)
      %ge3A_293 = arith.constant 2 : i32
      %ge3A_294 = arith.cmpi sge, %add3A_272, %ge3A_293 : i32
      %convert_element_type3A_295 = arith.extui %ge3A_294 : i1 to i32
      %cond3A_296 = arith.constant 0 : i32
      %cond3A_297 = arith.cmpi ne, %convert_element_type3A_295, %cond3A_296 : i32
      scf.if %cond3A_297 {
        %dma_wait3A_414 = arith.constant 1 : i32
        %dma_wait3A_415 = arith.constant 0 : i32
        %dma_wait3A_416 = arith.constant 0 : i32
        %dma_wait3A_417 = tpu.memref_slice %arg14[%dma_wait3A_414, %dma_wait3A_415, %dma_wait3A_416] : memref<2x128x128xf32, #tpu.memory_space<vmem>> -> memref<1x128x128xf32, #tpu.memory_space<vmem>>
        %dma_wait3A_418 = tpu.memref_squeeze %dma_wait3A_417 : memref<1x128x128xf32, #tpu.memory_space<vmem>> -> memref<128x128xf32, #tpu.memory_space<vmem>>
        %dma_wait3A_419 = arith.constant 0 : i32
        %dma_wait3A_420 = tpu.memref_slice %arg7[%mul3A_2, %dma_wait3A_419] : memref<409600x128xf32, #tpu.memory_space<hbm>> -> memref<128x128xf32, #tpu.memory_space<hbm>>
        %dma_wait3A_421 = arith.constant 0 : i32
        %dma_wait3A_422 = tpu.memref_slice %arg7[%mul3A_2, %dma_wait3A_421] : memref<409600x128xf32, #tpu.memory_space<hbm>> -> memref<128x128xf32, #tpu.memory_space<hbm>>
        %dma_wait3A_423 = arith.constant 0 : i32
        %dma_wait3A_424 = arith.constant 0 : i32
        %dma_wait3A_425 = tpu.memref_slice %arg14[%dma_wait3A_414, %dma_wait3A_423, %dma_wait3A_424] : memref<2x128x128xf32, #tpu.memory_space<vmem>> -> memref<1x128x128xf32, #tpu.memory_space<vmem>>
        %dma_wait3A_426 = tpu.memref_squeeze %dma_wait3A_425 : memref<1x128x128xf32, #tpu.memory_space<vmem>> -> memref<128x128xf32, #tpu.memory_space<vmem>>
        tpu.wait_dma2 semaphore(%arg20 : memref<!tpu.dma_semaphore, #tpu.memory_space<semaphore_mem>>) src(%dma_wait3A_426 : memref<128x128xf32, #tpu.memory_space<vmem>>) dst(%dma_wait3A_422 : memref<128x128xf32, #tpu.memory_space<hbm>>)
      } else {
      }
      %jit3A_298 = arith.constant 10 : i32
      %div3A_299 = arith.divsi %add3A_272, %jit3A_298 : i32
      %sign3A_300 = arith.constant 0 : i32
      %sign3A_301 = arith.cmpi sgt, %add3A_272, %sign3A_300 : i32
      %sign3A_302 = arith.extui %sign3A_301 : i1 to i32
      %sign3A_303 = arith.constant 0 : i32
      %sign3A_304 = arith.cmpi slt, %add3A_272, %sign3A_303 : i32
      %sign3A_305 = arith.extui %sign3A_304 : i1 to i32
      %sign3A_306 = arith.subi %sign3A_302, %sign3A_305 : i32
      %sign3A_307 = arith.constant 0 : i32
      %sign3A_308 = arith.cmpi sgt, %jit3A_298, %sign3A_307 : i32
      %sign3A_309 = arith.extui %sign3A_308 : i1 to i32
      %sign3A_310 = arith.constant 0 : i32
      %sign3A_311 = arith.cmpi slt, %jit3A_298, %sign3A_310 : i32
      %sign3A_312 = arith.extui %sign3A_311 : i1 to i32
      %sign3A_313 = arith.subi %sign3A_309, %sign3A_312 : i32
      %ne3A_314 = arith.cmpi ne, %sign3A_306, %sign3A_313 : i32
      %rem3A_315 = arith.remsi %add3A_272, %jit3A_298 : i32
      %ne3A_316 = arith.constant 0 : i32
      %ne3A_317 = arith.cmpi ne, %rem3A_315, %ne3A_316 : i32
      %and3A_318 = arith.andi %ne3A_314, %ne3A_317 : i1
      %sub3A_319 = arith.constant 1 : i32
      %sub3A_320 = arith.subi %div3A_299, %sub3A_319 : i32
      %select_n3A_321 = arith.select %and3A_318, %sub3A_320, %div3A_299 : i32
      %jit3A_322 = arith.constant 2 : i32
      %eq3A_323 = arith.constant 0 : i32
      %eq3A_324 = arith.cmpi eq, %jit3A_322, %eq3A_323 : i32
      %jit3A_325 = arith.constant 1 : i32
      %select_n3A_326 = arith.select %eq3A_324, %jit3A_325, %jit3A_322 : i32
      %rem3A_327 = arith.remsi %select_n3A_321, %select_n3A_326 : i32
      %ne3A_328 = arith.constant 0 : i32
      %ne3A_329 = arith.cmpi ne, %rem3A_327, %ne3A_328 : i32
      %lt3A_330 = arith.constant 0 : i32
      %lt3A_331 = arith.cmpi slt, %rem3A_327, %lt3A_330 : i32
      %lt3A_332 = arith.constant 0 : i32
      %lt3A_333 = arith.cmpi slt, %select_n3A_326, %lt3A_332 : i32
      %ne3A_334 = arith.xori %lt3A_331, %lt3A_333 : i1
      %and3A_335 = arith.andi %ne3A_334, %ne3A_329 : i1
      %add3A_336 = arith.addi %rem3A_327, %select_n3A_326 : i32
      %select_n3A_337 = arith.select %and3A_335, %add3A_336, %rem3A_327 : i32
      %mul3A_338 = arith.constant 1280 : i32
      %mul3A_339 = arith.muli %select_n3A_337, %mul3A_338 : i32
      %jit3A_340 = arith.constant 10 : i32
      %eq3A_341 = arith.constant 0 : i32
      %eq3A_342 = arith.cmpi eq, %jit3A_340, %eq3A_341 : i32
      %jit3A_343 = arith.constant 1 : i32
      %select_n3A_344 = arith.select %eq3A_342, %jit3A_343, %jit3A_340 : i32
      %rem3A_345 = arith.remsi %add3A_272, %select_n3A_344 : i32
      %ne3A_346 = arith.constant 0 : i32
      %ne3A_347 = arith.cmpi ne, %rem3A_345, %ne3A_346 : i32
      %lt3A_348 = arith.constant 0 : i32
      %lt3A_349 = arith.cmpi slt, %rem3A_345, %lt3A_348 : i32
      %lt3A_350 = arith.constant 0 : i32
      %lt3A_351 = arith.cmpi slt, %select_n3A_344, %lt3A_350 : i32
      %ne3A_352 = arith.xori %lt3A_349, %lt3A_351 : i1
      %and3A_353 = arith.andi %ne3A_352, %ne3A_347 : i1
      %add3A_354 = arith.addi %rem3A_345, %select_n3A_344 : i32
      %select_n3A_355 = arith.select %and3A_353, %add3A_354, %rem3A_345 : i32
      %mul3A_356 = arith.constant 128 : i32
      %mul3A_357 = arith.muli %select_n3A_355, %mul3A_356 : i32
      %add3A_358 = arith.addi %mul3A_339, %mul3A_357 : i32
      %scan3A_359 = arith.constant 0 : i32
      %scan3A_360 = arith.constant 0 : i32
      %scan3A_361 = arith.constant 8 : i32
      %scan3A_362 = arith.addi %scan3A_360, %scan3A_361 : i32
      %scan3A_363 = arith.constant 1 : i32
      scf.for %scan3A_414 = %scan3A_360 to %scan3A_362 step %scan3A_363  : i32 {
        %mul3A_415 = arith.constant 16 : i32
        %mul3A_416 = arith.muli %scan3A_414, %mul3A_415 : i32
        %add3A_417 = arith.addi %add3A_358, %mul3A_416 : i32
        %get3A = arith.index_cast %add3A_417 : i32 to index
        %get3A_418 = tpu.vector_load %arg10[%get3A] {strides = array<i32>} : memref<2560xi32, #tpu.memory_space<vmem>>, vector<16xi32>,
        %mul3A_419 = arith.constant 16 : i32
        %mul3A_420 = arith.muli %scan3A_414, %mul3A_419 : i32
        %add3A_421 = arith.addi %add3A_358, %mul3A_420 : i32
        %get3A_422 = arith.index_cast %add3A_421 : i32 to index
        %get3A_423 = tpu.vector_load %arg11[%get3A_422] {strides = array<i32>} : memref<2560xi32, #tpu.memory_space<vmem>>, vector<16xi32>,
        %mul3A_424 = arith.constant 16 : i32
        %mul3A_425 = arith.muli %scan3A_414, %mul3A_424 : i32
        %add3A_426 = arith.constant 0 : i32
        %add3A_427 = arith.addi %mul3A_425, %add3A_426 : i32
        %slice3A = vector.extract_strided_slice %get3A_418 {offsets = [0], sizes = [1], strides = [1]} : vector<16xi32> to vector<1xi32>
        %squeeze3A = vector.extract %slice3A[0] : i32 from vector<1xi32>
        %slice3A_428 = vector.extract_strided_slice %get3A_423 {offsets = [0], sizes = [1], strides = [1]} : vector<16xi32> to vector<1xi32>
        %squeeze3A_429 = vector.extract %slice3A_428[0] : i32 from vector<1xi32>
        %add3A_430 = arith.constant 0 : i32
        %add3A_431 = arith.addi %squeeze3A, %add3A_430 : i32
        %get3A_432 = arith.constant 1 : i32
        %get3A_433 = arith.index_cast %get3A_432 : i32 to index
        %get3A_434 = arith.index_cast %add3A_427 : i32 to index
        %get3A_435 = arith.index_cast %add3A_431 : i32 to index
        %get3A_436 = tpu.vector_load %arg12[%get3A_433, %get3A_434, %get3A_435] {strides = array<i32>} : memref<2x128x128xf32, #tpu.memory_space<vmem>>, vector<16xf32>,
        %swap3A = arith.constant 1 : i32
        %swap3A_437 = arith.index_cast %swap3A : i32 to index
        %swap3A_438 = arith.index_cast %add3A_427 : i32 to index
        %swap3A_439 = arith.constant 0 : index
        %swap3A_440 = tpu.vector_load %arg14[%swap3A_437, %swap3A_438, %swap3A_439] {strides = array<i32>} : memref<2x128x128xf32, #tpu.memory_space<vmem>>, vector<16xf32>,
        tpu.vector_store %arg14[%swap3A_437, %swap3A_438, %swap3A_439], %get3A_436 {strides = array<i32>} : memref<2x128x128xf32, #tpu.memory_space<vmem>>, vector<16xf32>,
        %add3A_441 = arith.constant 0 : i32
        %add3A_442 = arith.addi %squeeze3A_429, %add3A_441 : i32
        %get3A_443 = arith.constant 1 : i32
        %get3A_444 = arith.index_cast %get3A_443 : i32 to index
        %get3A_445 = arith.index_cast %add3A_427 : i32 to index
        %get3A_446 = arith.index_cast %add3A_442 : i32 to index
        %get3A_447 = tpu.vector_load %arg13[%get3A_444, %get3A_445, %get3A_446] {strides = array<i32>} : memref<2x128x128xf32, #tpu.memory_space<vmem>>, vector<16xf32>,
        %swap3A_448 = arith.constant 1 : i32
        %swap3A_449 = arith.index_cast %swap3A_448 : i32 to index
        %swap3A_450 = arith.index_cast %add3A_427 : i32 to index
        %swap3A_451 = arith.constant 64 : index
        %swap3A_452 = tpu.vector_load %arg14[%swap3A_449, %swap3A_450, %swap3A_451] {strides = array<i32>} : memref<2x128x128xf32, #tpu.memory_space<vmem>>, vector<16xf32>,
        tpu.vector_store %arg14[%swap3A_449, %swap3A_450, %swap3A_451], %get3A_447 {strides = array<i32>} : memref<2x128x128xf32, #tpu.memory_space<vmem>>, vector<16xf32>,
        %add3A_453 = arith.constant 16 : i32
        %add3A_454 = arith.addi %squeeze3A, %add3A_453 : i32
        %get3A_455 = arith.constant 1 : i32
        %get3A_456 = arith.index_cast %get3A_455 : i32 to index
        %get3A_457 = arith.index_cast %add3A_427 : i32 to index
        %get3A_458 = arith.index_cast %add3A_454 : i32 to index
        %get3A_459 = tpu.vector_load %arg12[%get3A_456, %get3A_457, %get3A_458] {strides = array<i32>} : memref<2x128x128xf32, #tpu.memory_space<vmem>>, vector<16xf32>,
        %swap3A_460 = arith.constant 1 : i32
        %swap3A_461 = arith.index_cast %swap3A_460 : i32 to index
        %swap3A_462 = arith.index_cast %add3A_427 : i32 to index
        %swap3A_463 = arith.constant 16 : index
        %swap3A_464 = tpu.vector_load %arg14[%swap3A_461, %swap3A_462, %swap3A_463] {strides = array<i32>} : memref<2x128x128xf32, #tpu.memory_space<vmem>>, vector<16xf32>,
        tpu.vector_store %arg14[%swap3A_461, %swap3A_462, %swap3A_463], %get3A_459 {strides = array<i32>} : memref<2x128x128xf32, #tpu.memory_space<vmem>>, vector<16xf32>,
        %add3A_465 = arith.constant 16 : i32
        %add3A_466 = arith.addi %squeeze3A_429, %add3A_465 : i32
        %get3A_467 = arith.constant 1 : i32
        %get3A_468 = arith.index_cast %get3A_467 : i32 to index
        %get3A_469 = arith.index_cast %add3A_427 : i32 to index
        %get3A_470 = arith.index_cast %add3A_466 : i32 to index
        %get3A_471 = tpu.vector_load %arg13[%get3A_468, %get3A_469, %get3A_470] {strides = array<i32>} : memref<2x128x128xf32, #tpu.memory_space<vmem>>, vector<16xf32>,
        %swap3A_472 = arith.constant 1 : i32
        %swap3A_473 = arith.index_cast %swap3A_472 : i32 to index
        %swap3A_474 = arith.index_cast %add3A_427 : i32 to index
        %swap3A_475 = arith.constant 80 : index
        %swap3A_476 = tpu.vector_load %arg14[%swap3A_473, %swap3A_474, %swap3A_475] {strides = array<i32>} : memref<2x128x128xf32, #tpu.memory_space<vmem>>, vector<16xf32>,
        tpu.vector_store %arg14[%swap3A_473, %swap3A_474, %swap3A_475], %get3A_471 {strides = array<i32>} : memref<2x128x128xf32, #tpu.memory_space<vmem>>, vector<16xf32>,
        %add3A_477 = arith.constant 32 : i32
        %add3A_478 = arith.addi %squeeze3A, %add3A_477 : i32
        %get3A_479 = arith.constant 1 : i32
        %get3A_480 = arith.index_cast %get3A_479 : i32 to index
        %get3A_481 = arith.index_cast %add3A_427 : i32 to index
        %get3A_482 = arith.index_cast %add3A_478 : i32 to index
        %get3A_483 = tpu.vector_load %arg12[%get3A_480, %get3A_481, %get3A_482] {strides = array<i32>} : memref<2x128x128xf32, #tpu.memory_space<vmem>>, vector<16xf32>,
        %swap3A_484 = arith.constant 1 : i32
        %swap3A_485 = arith.index_cast %swap3A_484 : i32 to index
        %swap3A_486 = arith.index_cast %add3A_427 : i32 to index
        %swap3A_487 = arith.constant 32 : index
        %swap3A_488 = tpu.vector_load %arg14[%swap3A_485, %swap3A_486, %swap3A_487] {strides = array<i32>} : memref<2x128x128xf32, #tpu.memory_space<vmem>>, vector<16xf32>,
        tpu.vector_store %arg14[%swap3A_485, %swap3A_486, %swap3A_487], %get3A_483 {strides = array<i32>} : memref<2x128x128xf32, #tpu.memory_space<vmem>>, vector<16xf32>,
        %add3A_489 = arith.constant 32 : i32
        %add3A_490 = arith.addi %squeeze3A_429, %add3A_489 : i32
        %get3A_491 = arith.constant 1 : i32
        %get3A_492 = arith.index_cast %get3A_491 : i32 to index
        %get3A_493 = arith.index_cast %add3A_427 : i32 to index
        %get3A_494 = arith.index_cast %add3A_490 : i32 to index
        %get3A_495 = tpu.vector_load %arg13[%get3A_492, %get3A_493, %get3A_494] {strides = array<i32>} : memref<2x128x128xf32, #tpu.memory_space<vmem>>, vector<16xf32>,
        %swap3A_496 = arith.constant 1 : i32
        %swap3A_497 = arith.index_cast %swap3A_496 : i32 to index
        %swap3A_498 = arith.index_cast %add3A_427 : i32 to index
        %swap3A_499 = arith.constant 96 : index
        %swap3A_500 = tpu.vector_load %arg14[%swap3A_497, %swap3A_498, %swap3A_499] {strides = array<i32>} : memref<2x128x128xf32, #tpu.memory_space<vmem>>, vector<16xf32>,
        tpu.vector_store %arg14[%swap3A_497, %swap3A_498, %swap3A_499], %get3A_495 {strides = array<i32>} : memref<2x128x128xf32, #tpu.memory_space<vmem>>, vector<16xf32>,
        %add3A_501 = arith.constant 48 : i32
        %add3A_502 = arith.addi %squeeze3A, %add3A_501 : i32
        %get3A_503 = arith.constant 1 : i32
        %get3A_504 = arith.index_cast %get3A_503 : i32 to index
        %get3A_505 = arith.index_cast %add3A_427 : i32 to index
        %get3A_506 = arith.index_cast %add3A_502 : i32 to index
        %get3A_507 = tpu.vector_load %arg12[%get3A_504, %get3A_505, %get3A_506] {strides = array<i32>} : memref<2x128x128xf32, #tpu.memory_space<vmem>>, vector<16xf32>,
        %swap3A_508 = arith.constant 1 : i32
        %swap3A_509 = arith.index_cast %swap3A_508 : i32 to index
        %swap3A_510 = arith.index_cast %add3A_427 : i32 to index
        %swap3A_511 = arith.constant 48 : index
        %swap3A_512 = tpu.vector_load %arg14[%swap3A_509, %swap3A_510, %swap3A_511] {strides = array<i32>} : memref<2x128x128xf32, #tpu.memory_space<vmem>>, vector<16xf32>,
        tpu.vector_store %arg14[%swap3A_509, %swap3A_510, %swap3A_511], %get3A_507 {strides = array<i32>} : memref<2x128x128xf32, #tpu.memory_space<vmem>>, vector<16xf32>,
        %add3A_513 = arith.constant 48 : i32
        %add3A_514 = arith.addi %squeeze3A_429, %add3A_513 : i32
        %get3A_515 = arith.constant 1 : i32
        %get3A_516 = arith.index_cast %get3A_515 : i32 to index
        %get3A_517 = arith.index_cast %add3A_427 : i32 to index
        %get3A_518 = arith.index_cast %add3A_514 : i32 to index
        %get3A_519 = tpu.vector_load %arg13[%get3A_516, %get3A_517, %get3A_518] {strides = array<i32>} : memref<2x128x128xf32, #tpu.memory_space<vmem>>, vector<16xf32>,
        %swap3A_520 = arith.constant 1 : i32
        %swap3A_521 = arith.index_cast %swap3A_520 : i32 to index
        %swap3A_522 = arith.index_cast %add3A_427 : i32 to index
        %swap3A_523 = arith.constant 112 : index
        %swap3A_524 = tpu.vector_load %arg14[%swap3A_521, %swap3A_522, %swap3A_523] {strides = array<i32>} : memref<2x128x128xf32, #tpu.memory_space<vmem>>, vector<16xf32>,
        tpu.vector_store %arg14[%swap3A_521, %swap3A_522, %swap3A_523], %get3A_519 {strides = array<i32>} : memref<2x128x128xf32, #tpu.memory_space<vmem>>, vector<16xf32>,
        %mul3A_525 = arith.constant 16 : i32
        %mul3A_526 = arith.muli %scan3A_414, %mul3A_525 : i32
        %add3A_527 = arith.constant 1 : i32
        %add3A_528 = arith.addi %mul3A_526, %add3A_527 : i32
        %slice3A_529 = vector.extract_strided_slice %get3A_418 {offsets = [1], sizes = [1], strides = [1]} : vector<16xi32> to vector<1xi32>
        %squeeze3A_530 = vector.extract %slice3A_529[0] : i32 from vector<1xi32>
        %slice3A_531 = vector.extract_strided_slice %get3A_423 {offsets = [1], sizes = [1], strides = [1]} : vector<16xi32> to vector<1xi32>
        %squeeze3A_532 = vector.extract %slice3A_531[0] : i32 from vector<1xi32>
        %add3A_533 = arith.constant 0 : i32
        %add3A_534 = arith.addi %squeeze3A_530, %add3A_533 : i32
        %get3A_535 = arith.constant 1 : i32
        %get3A_536 = arith.index_cast %get3A_535 : i32 to index
        %get3A_537 = arith.index_cast %add3A_528 : i32 to index
        %get3A_538 = arith.index_cast %add3A_534 : i32 to index
        %get3A_539 = tpu.vector_load %arg12[%get3A_536, %get3A_537, %get3A_538] {strides = array<i32>} : memref<2x128x128xf32, #tpu.memory_space<vmem>>, vector<16xf32>,
        %swap3A_540 = arith.constant 1 : i32
        %swap3A_541 = arith.index_cast %swap3A_540 : i32 to index
        %swap3A_542 = arith.index_cast %add3A_528 : i32 to index
        %swap3A_543 = arith.constant 0 : index
        %swap3A_544 = tpu.vector_load %arg14[%swap3A_541, %swap3A_542, %swap3A_543] {strides = array<i32>} : memref<2x128x128xf32, #tpu.memory_space<vmem>>, vector<16xf32>,
        tpu.vector_store %arg14[%swap3A_541, %swap3A_542, %swap3A_543], %get3A_539 {strides = array<i32>} : memref<2x128x128xf32, #tpu.memory_space<vmem>>, vector<16xf32>,
        %add3A_545 = arith.constant 0 : i32
        %add3A_546 = arith.addi %squeeze3A_532, %add3A_545 : i32
        %get3A_547 = arith.constant 1 : i32
        %get3A_548 = arith.index_cast %get3A_547 : i32 to index
        %get3A_549 = arith.index_cast %add3A_528 : i32 to index
        %get3A_550 = arith.index_cast %add3A_546 : i32 to index
        %get3A_551 = tpu.vector_load %arg13[%get3A_548, %get3A_549, %get3A_550] {strides = array<i32>} : memref<2x128x128xf32, #tpu.memory_space<vmem>>, vector<16xf32>,
        %swap3A_552 = arith.constant 1 : i32
        %swap3A_553 = arith.index_cast %swap3A_552 : i32 to index
        %swap3A_554 = arith.index_cast %add3A_528 : i32 to index
        %swap3A_555 = arith.constant 64 : index
        %swap3A_556 = tpu.vector_load %arg14[%swap3A_553, %swap3A_554, %swap3A_555] {strides = array<i32>} : memref<2x128x128xf32, #tpu.memory_space<vmem>>, vector<16xf32>,
        tpu.vector_store %arg14[%swap3A_553, %swap3A_554, %swap3A_555], %get3A_551 {strides = array<i32>} : memref<2x128x128xf32, #tpu.memory_space<vmem>>, vector<16xf32>,
        %add3A_557 = arith.constant 16 : i32
        %add3A_558 = arith.addi %squeeze3A_530, %add3A_557 : i32
        %get3A_559 = arith.constant 1 : i32
        %get3A_560 = arith.index_cast %get3A_559 : i32 to index
        %get3A_561 = arith.index_cast %add3A_528 : i32 to index
        %get3A_562 = arith.index_cast %add3A_558 : i32 to index
        %get3A_563 = tpu.vector_load %arg12[%get3A_560, %get3A_561, %get3A_562] {strides = array<i32>} : memref<2x128x128xf32, #tpu.memory_space<vmem>>, vector<16xf32>,
        %swap3A_564 = arith.constant 1 : i32
        %swap3A_565 = arith.index_cast %swap3A_564 : i32 to index
        %swap3A_566 = arith.index_cast %add3A_528 : i32 to index
        %swap3A_567 = arith.constant 16 : index
        %swap3A_568 = tpu.vector_load %arg14[%swap3A_565, %swap3A_566, %swap3A_567] {strides = array<i32>} : memref<2x128x128xf32, #tpu.memory_space<vmem>>, vector<16xf32>,
        tpu.vector_store %arg14[%swap3A_565, %swap3A_566, %swap3A_567], %get3A_563 {strides = array<i32>} : memref<2x128x128xf32, #tpu.memory_space<vmem>>, vector<16xf32>,
        %add3A_569 = arith.constant 16 : i32
        %add3A_570 = arith.addi %squeeze3A_532, %add3A_569 : i32
        %get3A_571 = arith.constant 1 : i32
        %get3A_572 = arith.index_cast %get3A_571 : i32 to index
        %get3A_573 = arith.index_cast %add3A_528 : i32 to index
        %get3A_574 = arith.index_cast %add3A_570 : i32 to index
        %get3A_575 = tpu.vector_load %arg13[%get3A_572, %get3A_573, %get3A_574] {strides = array<i32>} : memref<2x128x128xf32, #tpu.memory_space<vmem>>, vector<16xf32>,
        %swap3A_576 = arith.constant 1 : i32
        %swap3A_577 = arith.index_cast %swap3A_576 : i32 to index
        %swap3A_578 = arith.index_cast %add3A_528 : i32 to index
        %swap3A_579 = arith.constant 80 : index
        %swap3A_580 = tpu.vector_load %arg14[%swap3A_577, %swap3A_578, %swap3A_579] {strides = array<i32>} : memref<2x128x128xf32, #tpu.memory_space<vmem>>, vector<16xf32>,
        tpu.vector_store %arg14[%swap3A_577, %swap3A_578, %swap3A_579], %get3A_575 {strides = array<i32>} : memref<2x128x128xf32, #tpu.memory_space<vmem>>, vector<16xf32>,
        %add3A_581 = arith.constant 32 : i32
        %add3A_582 = arith.addi %squeeze3A_530, %add3A_581 : i32
        %get3A_583 = arith.constant 1 : i32
        %get3A_584 = arith.index_cast %get3A_583 : i32 to index
        %get3A_585 = arith.index_cast %add3A_528 : i32 to index
        %get3A_586 = arith.index_cast %add3A_582 : i32 to index
        %get3A_587 = tpu.vector_load %arg12[%get3A_584, %get3A_585, %get3A_586] {strides = array<i32>} : memref<2x128x128xf32, #tpu.memory_space<vmem>>, vector<16xf32>,
        %swap3A_588 = arith.constant 1 : i32
        %swap3A_589 = arith.index_cast %swap3A_588 : i32 to index
        %swap3A_590 = arith.index_cast %add3A_528 : i32 to index
        %swap3A_591 = arith.constant 32 : index
        %swap3A_592 = tpu.vector_load %arg14[%swap3A_589, %swap3A_590, %swap3A_591] {strides = array<i32>} : memref<2x128x128xf32, #tpu.memory_space<vmem>>, vector<16xf32>,
        tpu.vector_store %arg14[%swap3A_589, %swap3A_590, %swap3A_591], %get3A_587 {strides = array<i32>} : memref<2x128x128xf32, #tpu.memory_space<vmem>>, vector<16xf32>,
        %add3A_593 = arith.constant 32 : i32
        %add3A_594 = arith.addi %squeeze3A_532, %add3A_593 : i32
        %get3A_595 = arith.constant 1 : i32
        %get3A_596 = arith.index_cast %get3A_595 : i32 to index
        %get3A_597 = arith.index_cast %add3A_528 : i32 to index
        %get3A_598 = arith.index_cast %add3A_594 : i32 to index
        %get3A_599 = tpu.vector_load %arg13[%get3A_596, %get3A_597, %get3A_598] {strides = array<i32>} : memref<2x128x128xf32, #tpu.memory_space<vmem>>, vector<16xf32>,
        %swap3A_600 = arith.constant 1 : i32
        %swap3A_601 = arith.index_cast %swap3A_600 : i32 to index
        %swap3A_602 = arith.index_cast %add3A_528 : i32 to index
        %swap3A_603 = arith.constant 96 : index
        %swap3A_604 = tpu.vector_load %arg14[%swap3A_601, %swap3A_602, %swap3A_603] {strides = array<i32>} : memref<2x128x128xf32, #tpu.memory_space<vmem>>, vector<16xf32>,
        tpu.vector_store %arg14[%swap3A_601, %swap3A_602, %swap3A_603], %get3A_599 {strides = array<i32>} : memref<2x128x128xf32, #tpu.memory_space<vmem>>, vector<16xf32>,
        %add3A_605 = arith.constant 48 : i32
        %add3A_606 = arith.addi %squeeze3A_530, %add3A_605 : i32
        %get3A_607 = arith.constant 1 : i32
        %get3A_608 = arith.index_cast %get3A_607 : i32 to index
        %get3A_609 = arith.index_cast %add3A_528 : i32 to index
        %get3A_610 = arith.index_cast %add3A_606 : i32 to index
        %get3A_611 = tpu.vector_load %arg12[%get3A_608, %get3A_609, %get3A_610] {strides = array<i32>} : memref<2x128x128xf32, #tpu.memory_space<vmem>>, vector<16xf32>,
        %swap3A_612 = arith.constant 1 : i32
        %swap3A_613 = arith.index_cast %swap3A_612 : i32 to index
        %swap3A_614 = arith.index_cast %add3A_528 : i32 to index
        %swap3A_615 = arith.constant 48 : index
        %swap3A_616 = tpu.vector_load %arg14[%swap3A_613, %swap3A_614, %swap3A_615] {strides = array<i32>} : memref<2x128x128xf32, #tpu.memory_space<vmem>>, vector<16xf32>,
        tpu.vector_store %arg14[%swap3A_613, %swap3A_614, %swap3A_615], %get3A_611 {strides = array<i32>} : memref<2x128x128xf32, #tpu.memory_space<vmem>>, vector<16xf32>,
        %add3A_617 = arith.constant 48 : i32
        %add3A_618 = arith.addi %squeeze3A_532, %add3A_617 : i32
        %get3A_619 = arith.constant 1 : i32
        %get3A_620 = arith.index_cast %get3A_619 : i32 to index
        %get3A_621 = arith.index_cast %add3A_528 : i32 to index
        %get3A_622 = arith.index_cast %add3A_618 : i32 to index
        %get3A_623 = tpu.vector_load %arg13[%get3A_620, %get3A_621, %get3A_622] {strides = array<i32>} : memref<2x128x128xf32, #tpu.memory_space<vmem>>, vector<16xf32>,
        %swap3A_624 = arith.constant 1 : i32
        %swap3A_625 = arith.index_cast %swap3A_624 : i32 to index
        %swap3A_626 = arith.index_cast %add3A_528 : i32 to index
        %swap3A_627 = arith.constant 112 : index
        %swap3A_628 = tpu.vector_load %arg14[%swap3A_625, %swap3A_626, %swap3A_627] {strides = array<i32>} : memref<2x128x128xf32, #tpu.memory_space<vmem>>, vector<16xf32>,
        tpu.vector_store %arg14[%swap3A_625, %swap3A_626, %swap3A_627], %get3A_623 {strides = array<i32>} : memref<2x128x128xf32, #tpu.memory_space<vmem>>, vector<16xf32>,
        %mul3A_629 = arith.constant 16 : i32
        %mul3A_630 = arith.muli %scan3A_414, %mul3A_629 : i32
        %add3A_631 = arith.constant 2 : i32
        %add3A_632 = arith.addi %mul3A_630, %add3A_631 : i32
        %slice3A_633 = vector.extract_strided_slice %get3A_418 {offsets = [2], sizes = [1], strides = [1]} : vector<16xi32> to vector<1xi32>
        %squeeze3A_634 = vector.extract %slice3A_633[0] : i32 from vector<1xi32>
        %slice3A_635 = vector.extract_strided_slice %get3A_423 {offsets = [2], sizes = [1], strides = [1]} : vector<16xi32> to vector<1xi32>
        %squeeze3A_636 = vector.extract %slice3A_635[0] : i32 from vector<1xi32>
        %add3A_637 = arith.constant 0 : i32
        %add3A_638 = arith.addi %squeeze3A_634, %add3A_637 : i32
        %get3A_639 = arith.constant 1 : i32
        %get3A_640 = arith.index_cast %get3A_639 : i32 to index
        %get3A_641 = arith.index_cast %add3A_632 : i32 to index
        %get3A_642 = arith.index_cast %add3A_638 : i32 to index
        %get3A_643 = tpu.vector_load %arg12[%get3A_640, %get3A_641, %get3A_642] {strides = array<i32>} : memref<2x128x128xf32, #tpu.memory_space<vmem>>, vector<16xf32>,
        %swap3A_644 = arith.constant 1 : i32
        %swap3A_645 = arith.index_cast %swap3A_644 : i32 to index
        %swap3A_646 = arith.index_cast %add3A_632 : i32 to index
        %swap3A_647 = arith.constant 0 : index
        %swap3A_648 = tpu.vector_load %arg14[%swap3A_645, %swap3A_646, %swap3A_647] {strides = array<i32>} : memref<2x128x128xf32, #tpu.memory_space<vmem>>, vector<16xf32>,
        tpu.vector_store %arg14[%swap3A_645, %swap3A_646, %swap3A_647], %get3A_643 {strides = array<i32>} : memref<2x128x128xf32, #tpu.memory_space<vmem>>, vector<16xf32>,
        %add3A_649 = arith.constant 0 : i32
        %add3A_650 = arith.addi %squeeze3A_636, %add3A_649 : i32
        %get3A_651 = arith.constant 1 : i32
        %get3A_652 = arith.index_cast %get3A_651 : i32 to index
        %get3A_653 = arith.index_cast %add3A_632 : i32 to index
        %get3A_654 = arith.index_cast %add3A_650 : i32 to index
        %get3A_655 = tpu.vector_load %arg13[%get3A_652, %get3A_653, %get3A_654] {strides = array<i32>} : memref<2x128x128xf32, #tpu.memory_space<vmem>>, vector<16xf32>,
        %swap3A_656 = arith.constant 1 : i32
        %swap3A_657 = arith.index_cast %swap3A_656 : i32 to index
        %swap3A_658 = arith.index_cast %add3A_632 : i32 to index
        %swap3A_659 = arith.constant 64 : index
        %swap3A_660 = tpu.vector_load %arg14[%swap3A_657, %swap3A_658, %swap3A_659] {strides = array<i32>} : memref<2x128x128xf32, #tpu.memory_space<vmem>>, vector<16xf32>,
        tpu.vector_store %arg14[%swap3A_657, %swap3A_658, %swap3A_659], %get3A_655 {strides = array<i32>} : memref<2x128x128xf32, #tpu.memory_space<vmem>>, vector<16xf32>,
        %add3A_661 = arith.constant 16 : i32
        %add3A_662 = arith.addi %squeeze3A_634, %add3A_661 : i32
        %get3A_663 = arith.constant 1 : i32
        %get3A_664 = arith.index_cast %get3A_663 : i32 to index
        %get3A_665 = arith.index_cast %add3A_632 : i32 to index
        %get3A_666 = arith.index_cast %add3A_662 : i32 to index
        %get3A_667 = tpu.vector_load %arg12[%get3A_664, %get3A_665, %get3A_666] {strides = array<i32>} : memref<2x128x128xf32, #tpu.memory_space<vmem>>, vector<16xf32>,
        %swap3A_668 = arith.constant 1 : i32
        %swap3A_669 = arith.index_cast %swap3A_668 : i32 to index
        %swap3A_670 = arith.index_cast %add3A_632 : i32 to index
        %swap3A_671 = arith.constant 16 : index
        %swap3A_672 = tpu.vector_load %arg14[%swap3A_669, %swap3A_670, %swap3A_671] {strides = array<i32>} : memref<2x128x128xf32, #tpu.memory_space<vmem>>, vector<16xf32>,
        tpu.vector_store %arg14[%swap3A_669, %swap3A_670, %swap3A_671], %get3A_667 {strides = array<i32>} : memref<2x128x128xf32, #tpu.memory_space<vmem>>, vector<16xf32>,
        %add3A_673 = arith.constant 16 : i32
        %add3A_674 = arith.addi %squeeze3A_636, %add3A_673 : i32
        %get3A_675 = arith.constant 1 : i32
        %get3A_676 = arith.index_cast %get3A_675 : i32 to index
        %get3A_677 = arith.index_cast %add3A_632 : i32 to index
        %get3A_678 = arith.index_cast %add3A_674 : i32 to index
        %get3A_679 = tpu.vector_load %arg13[%get3A_676, %get3A_677, %get3A_678] {strides = array<i32>} : memref<2x128x128xf32, #tpu.memory_space<vmem>>, vector<16xf32>,
        %swap3A_680 = arith.constant 1 : i32
        %swap3A_681 = arith.index_cast %swap3A_680 : i32 to index
        %swap3A_682 = arith.index_cast %add3A_632 : i32 to index
        %swap3A_683 = arith.constant 80 : index
        %swap3A_684 = tpu.vector_load %arg14[%swap3A_681, %swap3A_682, %swap3A_683] {strides = array<i32>} : memref<2x128x128xf32, #tpu.memory_space<vmem>>, vector<16xf32>,
        tpu.vector_store %arg14[%swap3A_681, %swap3A_682, %swap3A_683], %get3A_679 {strides = array<i32>} : memref<2x128x128xf32, #tpu.memory_space<vmem>>, vector<16xf32>,
        %add3A_685 = arith.constant 32 : i32
        %add3A_686 = arith.addi %squeeze3A_634, %add3A_685 : i32
        %get3A_687 = arith.constant 1 : i32
        %get3A_688 = arith.index_cast %get3A_687 : i32 to index
        %get3A_689 = arith.index_cast %add3A_632 : i32 to index
        %get3A_690 = arith.index_cast %add3A_686 : i32 to index
        %get3A_691 = tpu.vector_load %arg12[%get3A_688, %get3A_689, %get3A_690] {strides = array<i32>} : memref<2x128x128xf32, #tpu.memory_space<vmem>>, vector<16xf32>,
        %swap3A_692 = arith.constant 1 : i32
        %swap3A_693 = arith.index_cast %swap3A_692 : i32 to index
        %swap3A_694 = arith.index_cast %add3A_632 : i32 to index
        %swap3A_695 = arith.constant 32 : index
        %swap3A_696 = tpu.vector_load %arg14[%swap3A_693, %swap3A_694, %swap3A_695] {strides = array<i32>} : memref<2x128x128xf32, #tpu.memory_space<vmem>>, vector<16xf32>,
        tpu.vector_store %arg14[%swap3A_693, %swap3A_694, %swap3A_695], %get3A_691 {strides = array<i32>} : memref<2x128x128xf32, #tpu.memory_space<vmem>>, vector<16xf32>,
        %add3A_697 = arith.constant 32 : i32
        %add3A_698 = arith.addi %squeeze3A_636, %add3A_697 : i32
        %get3A_699 = arith.constant 1 : i32
        %get3A_700 = arith.index_cast %get3A_699 : i32 to index
        %get3A_701 = arith.index_cast %add3A_632 : i32 to index
        %get3A_702 = arith.index_cast %add3A_698 : i32 to index
        %get3A_703 = tpu.vector_load %arg13[%get3A_700, %get3A_701, %get3A_702] {strides = array<i32>} : memref<2x128x128xf32, #tpu.memory_space<vmem>>, vector<16xf32>,
        %swap3A_704 = arith.constant 1 : i32
        %swap3A_705 = arith.index_cast %swap3A_704 : i32 to index
        %swap3A_706 = arith.index_cast %add3A_632 : i32 to index
        %swap3A_707 = arith.constant 96 : index
        %swap3A_708 = tpu.vector_load %arg14[%swap3A_705, %swap3A_706, %swap3A_707] {strides = array<i32>} : memref<2x128x128xf32, #tpu.memory_space<vmem>>, vector<16xf32>,
        tpu.vector_store %arg14[%swap3A_705, %swap3A_706, %swap3A_707], %get3A_703 {strides = array<i32>} : memref<2x128x128xf32, #tpu.memory_space<vmem>>, vector<16xf32>,
        %add3A_709 = arith.constant 48 : i32
        %add3A_710 = arith.addi %squeeze3A_634, %add3A_709 : i32
        %get3A_711 = arith.constant 1 : i32
        %get3A_712 = arith.index_cast %get3A_711 : i32 to index
        %get3A_713 = arith.index_cast %add3A_632 : i32 to index
        %get3A_714 = arith.index_cast %add3A_710 : i32 to index
        %get3A_715 = tpu.vector_load %arg12[%get3A_712, %get3A_713, %get3A_714] {strides = array<i32>} : memref<2x128x128xf32, #tpu.memory_space<vmem>>, vector<16xf32>,
        %swap3A_716 = arith.constant 1 : i32
        %swap3A_717 = arith.index_cast %swap3A_716 : i32 to index
        %swap3A_718 = arith.index_cast %add3A_632 : i32 to index
        %swap3A_719 = arith.constant 48 : index
        %swap3A_720 = tpu.vector_load %arg14[%swap3A_717, %swap3A_718, %swap3A_719] {strides = array<i32>} : memref<2x128x128xf32, #tpu.memory_space<vmem>>, vector<16xf32>,
        tpu.vector_store %arg14[%swap3A_717, %swap3A_718, %swap3A_719], %get3A_715 {strides = array<i32>} : memref<2x128x128xf32, #tpu.memory_space<vmem>>, vector<16xf32>,
        %add3A_721 = arith.constant 48 : i32
        %add3A_722 = arith.addi %squeeze3A_636, %add3A_721 : i32
        %get3A_723 = arith.constant 1 : i32
        %get3A_724 = arith.index_cast %get3A_723 : i32 to index
        %get3A_725 = arith.index_cast %add3A_632 : i32 to index
        %get3A_726 = arith.index_cast %add3A_722 : i32 to index
        %get3A_727 = tpu.vector_load %arg13[%get3A_724, %get3A_725, %get3A_726] {strides = array<i32>} : memref<2x128x128xf32, #tpu.memory_space<vmem>>, vector<16xf32>,
        %swap3A_728 = arith.constant 1 : i32
        %swap3A_729 = arith.index_cast %swap3A_728 : i32 to index
        %swap3A_730 = arith.index_cast %add3A_632 : i32 to index
        %swap3A_731 = arith.constant 112 : index
        %swap3A_732 = tpu.vector_load %arg14[%swap3A_729, %swap3A_730, %swap3A_731] {strides = array<i32>} : memref<2x128x128xf32, #tpu.memory_space<vmem>>, vector<16xf32>,
        tpu.vector_store %arg14[%swap3A_729, %swap3A_730, %swap3A_731], %get3A_727 {strides = array<i32>} : memref<2x128x128xf32, #tpu.memory_space<vmem>>, vector<16xf32>,
        %mul3A_733 = arith.constant 16 : i32
        %mul3A_734 = arith.muli %scan3A_414, %mul3A_733 : i32
        %add3A_735 = arith.constant 3 : i32
        %add3A_736 = arith.addi %mul3A_734, %add3A_735 : i32
        %slice3A_737 = vector.extract_strided_slice %get3A_418 {offsets = [3], sizes = [1], strides = [1]} : vector<16xi32> to vector<1xi32>
        %squeeze3A_738 = vector.extract %slice3A_737[0] : i32 from vector<1xi32>
        %slice3A_739 = vector.extract_strided_slice %get3A_423 {offsets = [3], sizes = [1], strides = [1]} : vector<16xi32> to vector<1xi32>
        %squeeze3A_740 = vector.extract %slice3A_739[0] : i32 from vector<1xi32>
        %add3A_741 = arith.constant 0 : i32
        %add3A_742 = arith.addi %squeeze3A_738, %add3A_741 : i32
        %get3A_743 = arith.constant 1 : i32
        %get3A_744 = arith.index_cast %get3A_743 : i32 to index
        %get3A_745 = arith.index_cast %add3A_736 : i32 to index
        %get3A_746 = arith.index_cast %add3A_742 : i32 to index
        %get3A_747 = tpu.vector_load %arg12[%get3A_744, %get3A_745, %get3A_746] {strides = array<i32>} : memref<2x128x128xf32, #tpu.memory_space<vmem>>, vector<16xf32>,
        %swap3A_748 = arith.constant 1 : i32
        %swap3A_749 = arith.index_cast %swap3A_748 : i32 to index
        %swap3A_750 = arith.index_cast %add3A_736 : i32 to index
        %swap3A_751 = arith.constant 0 : index
        %swap3A_752 = tpu.vector_load %arg14[%swap3A_749, %swap3A_750, %swap3A_751] {strides = array<i32>} : memref<2x128x128xf32, #tpu.memory_space<vmem>>, vector<16xf32>,
        tpu.vector_store %arg14[%swap3A_749, %swap3A_750, %swap3A_751], %get3A_747 {strides = array<i32>} : memref<2x128x128xf32, #tpu.memory_space<vmem>>, vector<16xf32>,
        %add3A_753 = arith.constant 0 : i32
        %add3A_754 = arith.addi %squeeze3A_740, %add3A_753 : i32
        %get3A_755 = arith.constant 1 : i32
        %get3A_756 = arith.index_cast %get3A_755 : i32 to index
        %get3A_757 = arith.index_cast %add3A_736 : i32 to index
        %get3A_758 = arith.index_cast %add3A_754 : i32 to index
        %get3A_759 = tpu.vector_load %arg13[%get3A_756, %get3A_757, %get3A_758] {strides = array<i32>} : memref<2x128x128xf32, #tpu.memory_space<vmem>>, vector<16xf32>,
        %swap3A_760 = arith.constant 1 : i32
        %swap3A_761 = arith.index_cast %swap3A_760 : i32 to index
        %swap3A_762 = arith.index_cast %add3A_736 : i32 to index
        %swap3A_763 = arith.constant 64 : index
        %swap3A_764 = tpu.vector_load %arg14[%swap3A_761, %swap3A_762, %swap3A_763] {strides = array<i32>} : memref<2x128x128xf32, #tpu.memory_space<vmem>>, vector<16xf32>,
        tpu.vector_store %arg14[%swap3A_761, %swap3A_762, %swap3A_763], %get3A_759 {strides = array<i32>} : memref<2x128x128xf32, #tpu.memory_space<vmem>>, vector<16xf32>,
        %add3A_765 = arith.constant 16 : i32
        %add3A_766 = arith.addi %squeeze3A_738, %add3A_765 : i32
        %get3A_767 = arith.constant 1 : i32
        %get3A_768 = arith.index_cast %get3A_767 : i32 to index
        %get3A_769 = arith.index_cast %add3A_736 : i32 to index
        %get3A_770 = arith.index_cast %add3A_766 : i32 to index
        %get3A_771 = tpu.vector_load %arg12[%get3A_768, %get3A_769, %get3A_770] {strides = array<i32>} : memref<2x128x128xf32, #tpu.memory_space<vmem>>, vector<16xf32>,
        %swap3A_772 = arith.constant 1 : i32
        %swap3A_773 = arith.index_cast %swap3A_772 : i32 to index
        %swap3A_774 = arith.index_cast %add3A_736 : i32 to index
        %swap3A_775 = arith.constant 16 : index
        %swap3A_776 = tpu.vector_load %arg14[%swap3A_773, %swap3A_774, %swap3A_775] {strides = array<i32>} : memref<2x128x128xf32, #tpu.memory_space<vmem>>, vector<16xf32>,
        tpu.vector_store %arg14[%swap3A_773, %swap3A_774, %swap3A_775], %get3A_771 {strides = array<i32>} : memref<2x128x128xf32, #tpu.memory_space<vmem>>, vector<16xf32>,
        %add3A_777 = arith.constant 16 : i32
        %add3A_778 = arith.addi %squeeze3A_740, %add3A_777 : i32
        %get3A_779 = arith.constant 1 : i32
        %get3A_780 = arith.index_cast %get3A_779 : i32 to index
        %get3A_781 = arith.index_cast %add3A_736 : i32 to index
        %get3A_782 = arith.index_cast %add3A_778 : i32 to index
        %get3A_783 = tpu.vector_load %arg13[%get3A_780, %get3A_781, %get3A_782] {strides = array<i32>} : memref<2x128x128xf32, #tpu.memory_space<vmem>>, vector<16xf32>,
        %swap3A_784 = arith.constant 1 : i32
        %swap3A_785 = arith.index_cast %swap3A_784 : i32 to index
        %swap3A_786 = arith.index_cast %add3A_736 : i32 to index
        %swap3A_787 = arith.constant 80 : index
        %swap3A_788 = tpu.vector_load %arg14[%swap3A_785, %swap3A_786, %swap3A_787] {strides = array<i32>} : memref<2x128x128xf32, #tpu.memory_space<vmem>>, vector<16xf32>,
        tpu.vector_store %arg14[%swap3A_785, %swap3A_786, %swap3A_787], %get3A_783 {strides = array<i32>} : memref<2x128x128xf32, #tpu.memory_space<vmem>>, vector<16xf32>,
        %add3A_789 = arith.constant 32 : i32
        %add3A_790 = arith.addi %squeeze3A_738, %add3A_789 : i32
        %get3A_791 = arith.constant 1 : i32
        %get3A_792 = arith.index_cast %get3A_791 : i32 to index
        %get3A_793 = arith.index_cast %add3A_736 : i32 to index
        %get3A_794 = arith.index_cast %add3A_790 : i32 to index
        %get3A_795 = tpu.vector_load %arg12[%get3A_792, %get3A_793, %get3A_794] {strides = array<i32>} : memref<2x128x128xf32, #tpu.memory_space<vmem>>, vector<16xf32>,
        %swap3A_796 = arith.constant 1 : i32
        %swap3A_797 = arith.index_cast %swap3A_796 : i32 to index
        %swap3A_798 = arith.index_cast %add3A_736 : i32 to index
        %swap3A_799 = arith.constant 32 : index
        %swap3A_800 = tpu.vector_load %arg14[%swap3A_797, %swap3A_798, %swap3A_799] {strides = array<i32>} : memref<2x128x128xf32, #tpu.memory_space<vmem>>, vector<16xf32>,
        tpu.vector_store %arg14[%swap3A_797, %swap3A_798, %swap3A_799], %get3A_795 {strides = array<i32>} : memref<2x128x128xf32, #tpu.memory_space<vmem>>, vector<16xf32>,
        %add3A_801 = arith.constant 32 : i32
        %add3A_802 = arith.addi %squeeze3A_740, %add3A_801 : i32
        %get3A_803 = arith.constant 1 : i32
        %get3A_804 = arith.index_cast %get3A_803 : i32 to index
        %get3A_805 = arith.index_cast %add3A_736 : i32 to index
        %get3A_806 = arith.index_cast %add3A_802 : i32 to index
        %get3A_807 = tpu.vector_load %arg13[%get3A_804, %get3A_805, %get3A_806] {strides = array<i32>} : memref<2x128x128xf32, #tpu.memory_space<vmem>>, vector<16xf32>,
        %swap3A_808 = arith.constant 1 : i32
        %swap3A_809 = arith.index_cast %swap3A_808 : i32 to index
        %swap3A_810 = arith.index_cast %add3A_736 : i32 to index
        %swap3A_811 = arith.constant 96 : index
        %swap3A_812 = tpu.vector_load %arg14[%swap3A_809, %swap3A_810, %swap3A_811] {strides = array<i32>} : memref<2x128x128xf32, #tpu.memory_space<vmem>>, vector<16xf32>,
        tpu.vector_store %arg14[%swap3A_809, %swap3A_810, %swap3A_811], %get3A_807 {strides = array<i32>} : memref<2x128x128xf32, #tpu.memory_space<vmem>>, vector<16xf32>,
        %add3A_813 = arith.constant 48 : i32
        %add3A_814 = arith.addi %squeeze3A_738, %add3A_813 : i32
        %get3A_815 = arith.constant 1 : i32
        %get3A_816 = arith.index_cast %get3A_815 : i32 to index
        %get3A_817 = arith.index_cast %add3A_736 : i32 to index
        %get3A_818 = arith.index_cast %add3A_814 : i32 to index
        %get3A_819 = tpu.vector_load %arg12[%get3A_816, %get3A_817, %get3A_818] {strides = array<i32>} : memref<2x128x128xf32, #tpu.memory_space<vmem>>, vector<16xf32>,
        %swap3A_820 = arith.constant 1 : i32
        %swap3A_821 = arith.index_cast %swap3A_820 : i32 to index
        %swap3A_822 = arith.index_cast %add3A_736 : i32 to index
        %swap3A_823 = arith.constant 48 : index
        %swap3A_824 = tpu.vector_load %arg14[%swap3A_821, %swap3A_822, %swap3A_823] {strides = array<i32>} : memref<2x128x128xf32, #tpu.memory_space<vmem>>, vector<16xf32>,
        tpu.vector_store %arg14[%swap3A_821, %swap3A_822, %swap3A_823], %get3A_819 {strides = array<i32>} : memref<2x128x128xf32, #tpu.memory_space<vmem>>, vector<16xf32>,
        %add3A_825 = arith.constant 48 : i32
        %add3A_826 = arith.addi %squeeze3A_740, %add3A_825 : i32
        %get3A_827 = arith.constant 1 : i32
        %get3A_828 = arith.index_cast %get3A_827 : i32 to index
        %get3A_829 = arith.index_cast %add3A_736 : i32 to index
        %get3A_830 = arith.index_cast %add3A_826 : i32 to index
        %get3A_831 = tpu.vector_load %arg13[%get3A_828, %get3A_829, %get3A_830] {strides = array<i32>} : memref<2x128x128xf32, #tpu.memory_space<vmem>>, vector<16xf32>,
        %swap3A_832 = arith.constant 1 : i32
        %swap3A_833 = arith.index_cast %swap3A_832 : i32 to index
        %swap3A_834 = arith.index_cast %add3A_736 : i32 to index
        %swap3A_835 = arith.constant 112 : index
        %swap3A_836 = tpu.vector_load %arg14[%swap3A_833, %swap3A_834, %swap3A_835] {strides = array<i32>} : memref<2x128x128xf32, #tpu.memory_space<vmem>>, vector<16xf32>,
        tpu.vector_store %arg14[%swap3A_833, %swap3A_834, %swap3A_835], %get3A_831 {strides = array<i32>} : memref<2x128x128xf32, #tpu.memory_space<vmem>>, vector<16xf32>,
        %mul3A_837 = arith.constant 16 : i32
        %mul3A_838 = arith.muli %scan3A_414, %mul3A_837 : i32
        %add3A_839 = arith.constant 4 : i32
        %add3A_840 = arith.addi %mul3A_838, %add3A_839 : i32
        %slice3A_841 = vector.extract_strided_slice %get3A_418 {offsets = [4], sizes = [1], strides = [1]} : vector<16xi32> to vector<1xi32>
        %squeeze3A_842 = vector.extract %slice3A_841[0] : i32 from vector<1xi32>
        %slice3A_843 = vector.extract_strided_slice %get3A_423 {offsets = [4], sizes = [1], strides = [1]} : vector<16xi32> to vector<1xi32>
        %squeeze3A_844 = vector.extract %slice3A_843[0] : i32 from vector<1xi32>
        %add3A_845 = arith.constant 0 : i32
        %add3A_846 = arith.addi %squeeze3A_842, %add3A_845 : i32
        %get3A_847 = arith.constant 1 : i32
        %get3A_848 = arith.index_cast %get3A_847 : i32 to index
        %get3A_849 = arith.index_cast %add3A_840 : i32 to index
        %get3A_850 = arith.index_cast %add3A_846 : i32 to index
        %get3A_851 = tpu.vector_load %arg12[%get3A_848, %get3A_849, %get3A_850] {strides = array<i32>} : memref<2x128x128xf32, #tpu.memory_space<vmem>>, vector<16xf32>,
        %swap3A_852 = arith.constant 1 : i32
        %swap3A_853 = arith.index_cast %swap3A_852 : i32 to index
        %swap3A_854 = arith.index_cast %add3A_840 : i32 to index
        %swap3A_855 = arith.constant 0 : index
        %swap3A_856 = tpu.vector_load %arg14[%swap3A_853, %swap3A_854, %swap3A_855] {strides = array<i32>} : memref<2x128x128xf32, #tpu.memory_space<vmem>>, vector<16xf32>,
        tpu.vector_store %arg14[%swap3A_853, %swap3A_854, %swap3A_855], %get3A_851 {strides = array<i32>} : memref<2x128x128xf32, #tpu.memory_space<vmem>>, vector<16xf32>,
        %add3A_857 = arith.constant 0 : i32
        %add3A_858 = arith.addi %squeeze3A_844, %add3A_857 : i32
        %get3A_859 = arith.constant 1 : i32
        %get3A_860 = arith.index_cast %get3A_859 : i32 to index
        %get3A_861 = arith.index_cast %add3A_840 : i32 to index
        %get3A_862 = arith.index_cast %add3A_858 : i32 to index
        %get3A_863 = tpu.vector_load %arg13[%get3A_860, %get3A_861, %get3A_862] {strides = array<i32>} : memref<2x128x128xf32, #tpu.memory_space<vmem>>, vector<16xf32>,
        %swap3A_864 = arith.constant 1 : i32
        %swap3A_865 = arith.index_cast %swap3A_864 : i32 to index
        %swap3A_866 = arith.index_cast %add3A_840 : i32 to index
        %swap3A_867 = arith.constant 64 : index
        %swap3A_868 = tpu.vector_load %arg14[%swap3A_865, %swap3A_866, %swap3A_867] {strides = array<i32>} : memref<2x128x128xf32, #tpu.memory_space<vmem>>, vector<16xf32>,
        tpu.vector_store %arg14[%swap3A_865, %swap3A_866, %swap3A_867], %get3A_863 {strides = array<i32>} : memref<2x128x128xf32, #tpu.memory_space<vmem>>, vector<16xf32>,
        %add3A_869 = arith.constant 16 : i32
        %add3A_870 = arith.addi %squeeze3A_842, %add3A_869 : i32
        %get3A_871 = arith.constant 1 : i32
        %get3A_872 = arith.index_cast %get3A_871 : i32 to index
        %get3A_873 = arith.index_cast %add3A_840 : i32 to index
        %get3A_874 = arith.index_cast %add3A_870 : i32 to index
        %get3A_875 = tpu.vector_load %arg12[%get3A_872, %get3A_873, %get3A_874] {strides = array<i32>} : memref<2x128x128xf32, #tpu.memory_space<vmem>>, vector<16xf32>,
        %swap3A_876 = arith.constant 1 : i32
        %swap3A_877 = arith.index_cast %swap3A_876 : i32 to index
        %swap3A_878 = arith.index_cast %add3A_840 : i32 to index
        %swap3A_879 = arith.constant 16 : index
        %swap3A_880 = tpu.vector_load %arg14[%swap3A_877, %swap3A_878, %swap3A_879] {strides = array<i32>} : memref<2x128x128xf32, #tpu.memory_space<vmem>>, vector<16xf32>,
        tpu.vector_store %arg14[%swap3A_877, %swap3A_878, %swap3A_879], %get3A_875 {strides = array<i32>} : memref<2x128x128xf32, #tpu.memory_space<vmem>>, vector<16xf32>,
        %add3A_881 = arith.constant 16 : i32
        %add3A_882 = arith.addi %squeeze3A_844, %add3A_881 : i32
        %get3A_883 = arith.constant 1 : i32
        %get3A_884 = arith.index_cast %get3A_883 : i32 to index
        %get3A_885 = arith.index_cast %add3A_840 : i32 to index
        %get3A_886 = arith.index_cast %add3A_882 : i32 to index
        %get3A_887 = tpu.vector_load %arg13[%get3A_884, %get3A_885, %get3A_886] {strides = array<i32>} : memref<2x128x128xf32, #tpu.memory_space<vmem>>, vector<16xf32>,
        %swap3A_888 = arith.constant 1 : i32
        %swap3A_889 = arith.index_cast %swap3A_888 : i32 to index
        %swap3A_890 = arith.index_cast %add3A_840 : i32 to index
        %swap3A_891 = arith.constant 80 : index
        %swap3A_892 = tpu.vector_load %arg14[%swap3A_889, %swap3A_890, %swap3A_891] {strides = array<i32>} : memref<2x128x128xf32, #tpu.memory_space<vmem>>, vector<16xf32>,
        tpu.vector_store %arg14[%swap3A_889, %swap3A_890, %swap3A_891], %get3A_887 {strides = array<i32>} : memref<2x128x128xf32, #tpu.memory_space<vmem>>, vector<16xf32>,
        %add3A_893 = arith.constant 32 : i32
        %add3A_894 = arith.addi %squeeze3A_842, %add3A_893 : i32
        %get3A_895 = arith.constant 1 : i32
        %get3A_896 = arith.index_cast %get3A_895 : i32 to index
        %get3A_897 = arith.index_cast %add3A_840 : i32 to index
        %get3A_898 = arith.index_cast %add3A_894 : i32 to index
        %get3A_899 = tpu.vector_load %arg12[%get3A_896, %get3A_897, %get3A_898] {strides = array<i32>} : memref<2x128x128xf32, #tpu.memory_space<vmem>>, vector<16xf32>,
        %swap3A_900 = arith.constant 1 : i32
        %swap3A_901 = arith.index_cast %swap3A_900 : i32 to index
        %swap3A_902 = arith.index_cast %add3A_840 : i32 to index
        %swap3A_903 = arith.constant 32 : index
        %swap3A_904 = tpu.vector_load %arg14[%swap3A_901, %swap3A_902, %swap3A_903] {strides = array<i32>} : memref<2x128x128xf32, #tpu.memory_space<vmem>>, vector<16xf32>,
        tpu.vector_store %arg14[%swap3A_901, %swap3A_902, %swap3A_903], %get3A_899 {strides = array<i32>} : memref<2x128x128xf32, #tpu.memory_space<vmem>>, vector<16xf32>,
        %add3A_905 = arith.constant 32 : i32
        %add3A_906 = arith.addi %squeeze3A_844, %add3A_905 : i32
        %get3A_907 = arith.constant 1 : i32
        %get3A_908 = arith.index_cast %get3A_907 : i32 to index
        %get3A_909 = arith.index_cast %add3A_840 : i32 to index
        %get3A_910 = arith.index_cast %add3A_906 : i32 to index
        %get3A_911 = tpu.vector_load %arg13[%get3A_908, %get3A_909, %get3A_910] {strides = array<i32>} : memref<2x128x128xf32, #tpu.memory_space<vmem>>, vector<16xf32>,
        %swap3A_912 = arith.constant 1 : i32
        %swap3A_913 = arith.index_cast %swap3A_912 : i32 to index
        %swap3A_914 = arith.index_cast %add3A_840 : i32 to index
        %swap3A_915 = arith.constant 96 : index
        %swap3A_916 = tpu.vector_load %arg14[%swap3A_913, %swap3A_914, %swap3A_915] {strides = array<i32>} : memref<2x128x128xf32, #tpu.memory_space<vmem>>, vector<16xf32>,
        tpu.vector_store %arg14[%swap3A_913, %swap3A_914, %swap3A_915], %get3A_911 {strides = array<i32>} : memref<2x128x128xf32, #tpu.memory_space<vmem>>, vector<16xf32>,
        %add3A_917 = arith.constant 48 : i32
        %add3A_918 = arith.addi %squeeze3A_842, %add3A_917 : i32
        %get3A_919 = arith.constant 1 : i32
        %get3A_920 = arith.index_cast %get3A_919 : i32 to index
        %get3A_921 = arith.index_cast %add3A_840 : i32 to index
        %get3A_922 = arith.index_cast %add3A_918 : i32 to index
        %get3A_923 = tpu.vector_load %arg12[%get3A_920, %get3A_921, %get3A_922] {strides = array<i32>} : memref<2x128x128xf32, #tpu.memory_space<vmem>>, vector<16xf32>,
        %swap3A_924 = arith.constant 1 : i32
        %swap3A_925 = arith.index_cast %swap3A_924 : i32 to index
        %swap3A_926 = arith.index_cast %add3A_840 : i32 to index
        %swap3A_927 = arith.constant 48 : index
        %swap3A_928 = tpu.vector_load %arg14[%swap3A_925, %swap3A_926, %swap3A_927] {strides = array<i32>} : memref<2x128x128xf32, #tpu.memory_space<vmem>>, vector<16xf32>,
        tpu.vector_store %arg14[%swap3A_925, %swap3A_926, %swap3A_927], %get3A_923 {strides = array<i32>} : memref<2x128x128xf32, #tpu.memory_space<vmem>>, vector<16xf32>,
        %add3A_929 = arith.constant 48 : i32
        %add3A_930 = arith.addi %squeeze3A_844, %add3A_929 : i32
        %get3A_931 = arith.constant 1 : i32
        %get3A_932 = arith.index_cast %get3A_931 : i32 to index
        %get3A_933 = arith.index_cast %add3A_840 : i32 to index
        %get3A_934 = arith.index_cast %add3A_930 : i32 to index
        %get3A_935 = tpu.vector_load %arg13[%get3A_932, %get3A_933, %get3A_934] {strides = array<i32>} : memref<2x128x128xf32, #tpu.memory_space<vmem>>, vector<16xf32>,
        %swap3A_936 = arith.constant 1 : i32
        %swap3A_937 = arith.index_cast %swap3A_936 : i32 to index
        %swap3A_938 = arith.index_cast %add3A_840 : i32 to index
        %swap3A_939 = arith.constant 112 : index
        %swap3A_940 = tpu.vector_load %arg14[%swap3A_937, %swap3A_938, %swap3A_939] {strides = array<i32>} : memref<2x128x128xf32, #tpu.memory_space<vmem>>, vector<16xf32>,
        tpu.vector_store %arg14[%swap3A_937, %swap3A_938, %swap3A_939], %get3A_935 {strides = array<i32>} : memref<2x128x128xf32, #tpu.memory_space<vmem>>, vector<16xf32>,
        %mul3A_941 = arith.constant 16 : i32
        %mul3A_942 = arith.muli %scan3A_414, %mul3A_941 : i32
        %add3A_943 = arith.constant 5 : i32
        %add3A_944 = arith.addi %mul3A_942, %add3A_943 : i32
        %slice3A_945 = vector.extract_strided_slice %get3A_418 {offsets = [5], sizes = [1], strides = [1]} : vector<16xi32> to vector<1xi32>
        %squeeze3A_946 = vector.extract %slice3A_945[0] : i32 from vector<1xi32>
        %slice3A_947 = vector.extract_strided_slice %get3A_423 {offsets = [5], sizes = [1], strides = [1]} : vector<16xi32> to vector<1xi32>
        %squeeze3A_948 = vector.extract %slice3A_947[0] : i32 from vector<1xi32>
        %add3A_949 = arith.constant 0 : i32
        %add3A_950 = arith.addi %squeeze3A_946, %add3A_949 : i32
        %get3A_951 = arith.constant 1 : i32
        %get3A_952 = arith.index_cast %get3A_951 : i32 to index
        %get3A_953 = arith.index_cast %add3A_944 : i32 to index
        %get3A_954 = arith.index_cast %add3A_950 : i32 to index
        %get3A_955 = tpu.vector_load %arg12[%get3A_952, %get3A_953, %get3A_954] {strides = array<i32>} : memref<2x128x128xf32, #tpu.memory_space<vmem>>, vector<16xf32>,
        %swap3A_956 = arith.constant 1 : i32
        %swap3A_957 = arith.index_cast %swap3A_956 : i32 to index
        %swap3A_958 = arith.index_cast %add3A_944 : i32 to index
        %swap3A_959 = arith.constant 0 : index
        %swap3A_960 = tpu.vector_load %arg14[%swap3A_957, %swap3A_958, %swap3A_959] {strides = array<i32>} : memref<2x128x128xf32, #tpu.memory_space<vmem>>, vector<16xf32>,
        tpu.vector_store %arg14[%swap3A_957, %swap3A_958, %swap3A_959], %get3A_955 {strides = array<i32>} : memref<2x128x128xf32, #tpu.memory_space<vmem>>, vector<16xf32>,
        %add3A_961 = arith.constant 0 : i32
        %add3A_962 = arith.addi %squeeze3A_948, %add3A_961 : i32
        %get3A_963 = arith.constant 1 : i32
        %get3A_964 = arith.index_cast %get3A_963 : i32 to index
        %get3A_965 = arith.index_cast %add3A_944 : i32 to index
        %get3A_966 = arith.index_cast %add3A_962 : i32 to index
        %get3A_967 = tpu.vector_load %arg13[%get3A_964, %get3A_965, %get3A_966] {strides = array<i32>} : memref<2x128x128xf32, #tpu.memory_space<vmem>>, vector<16xf32>,
        %swap3A_968 = arith.constant 1 : i32
        %swap3A_969 = arith.index_cast %swap3A_968 : i32 to index
        %swap3A_970 = arith.index_cast %add3A_944 : i32 to index
        %swap3A_971 = arith.constant 64 : index
        %swap3A_972 = tpu.vector_load %arg14[%swap3A_969, %swap3A_970, %swap3A_971] {strides = array<i32>} : memref<2x128x128xf32, #tpu.memory_space<vmem>>, vector<16xf32>,
        tpu.vector_store %arg14[%swap3A_969, %swap3A_970, %swap3A_971], %get3A_967 {strides = array<i32>} : memref<2x128x128xf32, #tpu.memory_space<vmem>>, vector<16xf32>,
        %add3A_973 = arith.constant 16 : i32
        %add3A_974 = arith.addi %squeeze3A_946, %add3A_973 : i32
        %get3A_975 = arith.constant 1 : i32
        %get3A_976 = arith.index_cast %get3A_975 : i32 to index
        %get3A_977 = arith.index_cast %add3A_944 : i32 to index
        %get3A_978 = arith.index_cast %add3A_974 : i32 to index
        %get3A_979 = tpu.vector_load %arg12[%get3A_976, %get3A_977, %get3A_978] {strides = array<i32>} : memref<2x128x128xf32, #tpu.memory_space<vmem>>, vector<16xf32>,
        %swap3A_980 = arith.constant 1 : i32
        %swap3A_981 = arith.index_cast %swap3A_980 : i32 to index
        %swap3A_982 = arith.index_cast %add3A_944 : i32 to index
        %swap3A_983 = arith.constant 16 : index
        %swap3A_984 = tpu.vector_load %arg14[%swap3A_981, %swap3A_982, %swap3A_983] {strides = array<i32>} : memref<2x128x128xf32, #tpu.memory_space<vmem>>, vector<16xf32>,
        tpu.vector_store %arg14[%swap3A_981, %swap3A_982, %swap3A_983], %get3A_979 {strides = array<i32>} : memref<2x128x128xf32, #tpu.memory_space<vmem>>, vector<16xf32>,
        %add3A_985 = arith.constant 16 : i32
        %add3A_986 = arith.addi %squeeze3A_948, %add3A_985 : i32
        %get3A_987 = arith.constant 1 : i32
        %get3A_988 = arith.index_cast %get3A_987 : i32 to index
        %get3A_989 = arith.index_cast %add3A_944 : i32 to index
        %get3A_990 = arith.index_cast %add3A_986 : i32 to index
        %get3A_991 = tpu.vector_load %arg13[%get3A_988, %get3A_989, %get3A_990] {strides = array<i32>} : memref<2x128x128xf32, #tpu.memory_space<vmem>>, vector<16xf32>,
        %swap3A_992 = arith.constant 1 : i32
        %swap3A_993 = arith.index_cast %swap3A_992 : i32 to index
        %swap3A_994 = arith.index_cast %add3A_944 : i32 to index
        %swap3A_995 = arith.constant 80 : index
        %swap3A_996 = tpu.vector_load %arg14[%swap3A_993, %swap3A_994, %swap3A_995] {strides = array<i32>} : memref<2x128x128xf32, #tpu.memory_space<vmem>>, vector<16xf32>,
        tpu.vector_store %arg14[%swap3A_993, %swap3A_994, %swap3A_995], %get3A_991 {strides = array<i32>} : memref<2x128x128xf32, #tpu.memory_space<vmem>>, vector<16xf32>,
        %add3A_997 = arith.constant 32 : i32
        %add3A_998 = arith.addi %squeeze3A_946, %add3A_997 : i32
        %get3A_999 = arith.constant 1 : i32
        %get3A_1000 = arith.index_cast %get3A_999 : i32 to index
        %get3A_1001 = arith.index_cast %add3A_944 : i32 to index
        %get3A_1002 = arith.index_cast %add3A_998 : i32 to index
        %get3A_1003 = tpu.vector_load %arg12[%get3A_1000, %get3A_1001, %get3A_1002] {strides = array<i32>} : memref<2x128x128xf32, #tpu.memory_space<vmem>>, vector<16xf32>,
        %swap3A_1004 = arith.constant 1 : i32
        %swap3A_1005 = arith.index_cast %swap3A_1004 : i32 to index
        %swap3A_1006 = arith.index_cast %add3A_944 : i32 to index
        %swap3A_1007 = arith.constant 32 : index
        %swap3A_1008 = tpu.vector_load %arg14[%swap3A_1005, %swap3A_1006, %swap3A_1007] {strides = array<i32>} : memref<2x128x128xf32, #tpu.memory_space<vmem>>, vector<16xf32>,
        tpu.vector_store %arg14[%swap3A_1005, %swap3A_1006, %swap3A_1007], %get3A_1003 {strides = array<i32>} : memref<2x128x128xf32, #tpu.memory_space<vmem>>, vector<16xf32>,
        %add3A_1009 = arith.constant 32 : i32
        %add3A_1010 = arith.addi %squeeze3A_948, %add3A_1009 : i32
        %get3A_1011 = arith.constant 1 : i32
        %get3A_1012 = arith.index_cast %get3A_1011 : i32 to index
        %get3A_1013 = arith.index_cast %add3A_944 : i32 to index
        %get3A_1014 = arith.index_cast %add3A_1010 : i32 to index
        %get3A_1015 = tpu.vector_load %arg13[%get3A_1012, %get3A_1013, %get3A_1014] {strides = array<i32>} : memref<2x128x128xf32, #tpu.memory_space<vmem>>, vector<16xf32>,
        %swap3A_1016 = arith.constant 1 : i32
        %swap3A_1017 = arith.index_cast %swap3A_1016 : i32 to index
        %swap3A_1018 = arith.index_cast %add3A_944 : i32 to index
        %swap3A_1019 = arith.constant 96 : index
        %swap3A_1020 = tpu.vector_load %arg14[%swap3A_1017, %swap3A_1018, %swap3A_1019] {strides = array<i32>} : memref<2x128x128xf32, #tpu.memory_space<vmem>>, vector<16xf32>,
        tpu.vector_store %arg14[%swap3A_1017, %swap3A_1018, %swap3A_1019], %get3A_1015 {strides = array<i32>} : memref<2x128x128xf32, #tpu.memory_space<vmem>>, vector<16xf32>,
        %add3A_1021 = arith.constant 48 : i32
        %add3A_1022 = arith.addi %squeeze3A_946, %add3A_1021 : i32
        %get3A_1023 = arith.constant 1 : i32
        %get3A_1024 = arith.index_cast %get3A_1023 : i32 to index
        %get3A_1025 = arith.index_cast %add3A_944 : i32 to index
        %get3A_1026 = arith.index_cast %add3A_1022 : i32 to index
        %get3A_1027 = tpu.vector_load %arg12[%get3A_1024, %get3A_1025, %get3A_1026] {strides = array<i32>} : memref<2x128x128xf32, #tpu.memory_space<vmem>>, vector<16xf32>,
        %swap3A_1028 = arith.constant 1 : i32
        %swap3A_1029 = arith.index_cast %swap3A_1028 : i32 to index
        %swap3A_1030 = arith.index_cast %add3A_944 : i32 to index
        %swap3A_1031 = arith.constant 48 : index
        %swap3A_1032 = tpu.vector_load %arg14[%swap3A_1029, %swap3A_1030, %swap3A_1031] {strides = array<i32>} : memref<2x128x128xf32, #tpu.memory_space<vmem>>, vector<16xf32>,
        tpu.vector_store %arg14[%swap3A_1029, %swap3A_1030, %swap3A_1031], %get3A_1027 {strides = array<i32>} : memref<2x128x128xf32, #tpu.memory_space<vmem>>, vector<16xf32>,
        %add3A_1033 = arith.constant 48 : i32
        %add3A_1034 = arith.addi %squeeze3A_948, %add3A_1033 : i32
        %get3A_1035 = arith.constant 1 : i32
        %get3A_1036 = arith.index_cast %get3A_1035 : i32 to index
        %get3A_1037 = arith.index_cast %add3A_944 : i32 to index
        %get3A_1038 = arith.index_cast %add3A_1034 : i32 to index
        %get3A_1039 = tpu.vector_load %arg13[%get3A_1036, %get3A_1037, %get3A_1038] {strides = array<i32>} : memref<2x128x128xf32, #tpu.memory_space<vmem>>, vector<16xf32>,
        %swap3A_1040 = arith.constant 1 : i32
        %swap3A_1041 = arith.index_cast %swap3A_1040 : i32 to index
        %swap3A_1042 = arith.index_cast %add3A_944 : i32 to index
        %swap3A_1043 = arith.constant 112 : index
        %swap3A_1044 = tpu.vector_load %arg14[%swap3A_1041, %swap3A_1042, %swap3A_1043] {strides = array<i32>} : memref<2x128x128xf32, #tpu.memory_space<vmem>>, vector<16xf32>,
        tpu.vector_store %arg14[%swap3A_1041, %swap3A_1042, %swap3A_1043], %get3A_1039 {strides = array<i32>} : memref<2x128x128xf32, #tpu.memory_space<vmem>>, vector<16xf32>,
        %mul3A_1045 = arith.constant 16 : i32
        %mul3A_1046 = arith.muli %scan3A_414, %mul3A_1045 : i32
        %add3A_1047 = arith.constant 6 : i32
        %add3A_1048 = arith.addi %mul3A_1046, %add3A_1047 : i32
        %slice3A_1049 = vector.extract_strided_slice %get3A_418 {offsets = [6], sizes = [1], strides = [1]} : vector<16xi32> to vector<1xi32>
        %squeeze3A_1050 = vector.extract %slice3A_1049[0] : i32 from vector<1xi32>
        %slice3A_1051 = vector.extract_strided_slice %get3A_423 {offsets = [6], sizes = [1], strides = [1]} : vector<16xi32> to vector<1xi32>
        %squeeze3A_1052 = vector.extract %slice3A_1051[0] : i32 from vector<1xi32>
        %add3A_1053 = arith.constant 0 : i32
        %add3A_1054 = arith.addi %squeeze3A_1050, %add3A_1053 : i32
        %get3A_1055 = arith.constant 1 : i32
        %get3A_1056 = arith.index_cast %get3A_1055 : i32 to index
        %get3A_1057 = arith.index_cast %add3A_1048 : i32 to index
        %get3A_1058 = arith.index_cast %add3A_1054 : i32 to index
        %get3A_1059 = tpu.vector_load %arg12[%get3A_1056, %get3A_1057, %get3A_1058] {strides = array<i32>} : memref<2x128x128xf32, #tpu.memory_space<vmem>>, vector<16xf32>,
        %swap3A_1060 = arith.constant 1 : i32
        %swap3A_1061 = arith.index_cast %swap3A_1060 : i32 to index
        %swap3A_1062 = arith.index_cast %add3A_1048 : i32 to index
        %swap3A_1063 = arith.constant 0 : index
        %swap3A_1064 = tpu.vector_load %arg14[%swap3A_1061, %swap3A_1062, %swap3A_1063] {strides = array<i32>} : memref<2x128x128xf32, #tpu.memory_space<vmem>>, vector<16xf32>,
        tpu.vector_store %arg14[%swap3A_1061, %swap3A_1062, %swap3A_1063], %get3A_1059 {strides = array<i32>} : memref<2x128x128xf32, #tpu.memory_space<vmem>>, vector<16xf32>,
        %add3A_1065 = arith.constant 0 : i32
        %add3A_1066 = arith.addi %squeeze3A_1052, %add3A_1065 : i32
        %get3A_1067 = arith.constant 1 : i32
        %get3A_1068 = arith.index_cast %get3A_1067 : i32 to index
        %get3A_1069 = arith.index_cast %add3A_1048 : i32 to index
        %get3A_1070 = arith.index_cast %add3A_1066 : i32 to index
        %get3A_1071 = tpu.vector_load %arg13[%get3A_1068, %get3A_1069, %get3A_1070] {strides = array<i32>} : memref<2x128x128xf32, #tpu.memory_space<vmem>>, vector<16xf32>,
        %swap3A_1072 = arith.constant 1 : i32
        %swap3A_1073 = arith.index_cast %swap3A_1072 : i32 to index
        %swap3A_1074 = arith.index_cast %add3A_1048 : i32 to index
        %swap3A_1075 = arith.constant 64 : index
        %swap3A_1076 = tpu.vector_load %arg14[%swap3A_1073, %swap3A_1074, %swap3A_1075] {strides = array<i32>} : memref<2x128x128xf32, #tpu.memory_space<vmem>>, vector<16xf32>,
        tpu.vector_store %arg14[%swap3A_1073, %swap3A_1074, %swap3A_1075], %get3A_1071 {strides = array<i32>} : memref<2x128x128xf32, #tpu.memory_space<vmem>>, vector<16xf32>,
        %add3A_1077 = arith.constant 16 : i32
        %add3A_1078 = arith.addi %squeeze3A_1050, %add3A_1077 : i32
        %get3A_1079 = arith.constant 1 : i32
        %get3A_1080 = arith.index_cast %get3A_1079 : i32 to index
        %get3A_1081 = arith.index_cast %add3A_1048 : i32 to index
        %get3A_1082 = arith.index_cast %add3A_1078 : i32 to index
        %get3A_1083 = tpu.vector_load %arg12[%get3A_1080, %get3A_1081, %get3A_1082] {strides = array<i32>} : memref<2x128x128xf32, #tpu.memory_space<vmem>>, vector<16xf32>,
        %swap3A_1084 = arith.constant 1 : i32
        %swap3A_1085 = arith.index_cast %swap3A_1084 : i32 to index
        %swap3A_1086 = arith.index_cast %add3A_1048 : i32 to index
        %swap3A_1087 = arith.constant 16 : index
        %swap3A_1088 = tpu.vector_load %arg14[%swap3A_1085, %swap3A_1086, %swap3A_1087] {strides = array<i32>} : memref<2x128x128xf32, #tpu.memory_space<vmem>>, vector<16xf32>,
        tpu.vector_store %arg14[%swap3A_1085, %swap3A_1086, %swap3A_1087], %get3A_1083 {strides = array<i32>} : memref<2x128x128xf32, #tpu.memory_space<vmem>>, vector<16xf32>,
        %add3A_1089 = arith.constant 16 : i32
        %add3A_1090 = arith.addi %squeeze3A_1052, %add3A_1089 : i32
        %get3A_1091 = arith.constant 1 : i32
        %get3A_1092 = arith.index_cast %get3A_1091 : i32 to index
        %get3A_1093 = arith.index_cast %add3A_1048 : i32 to index
        %get3A_1094 = arith.index_cast %add3A_1090 : i32 to index
        %get3A_1095 = tpu.vector_load %arg13[%get3A_1092, %get3A_1093, %get3A_1094] {strides = array<i32>} : memref<2x128x128xf32, #tpu.memory_space<vmem>>, vector<16xf32>,
        %swap3A_1096 = arith.constant 1 : i32
        %swap3A_1097 = arith.index_cast %swap3A_1096 : i32 to index
        %swap3A_1098 = arith.index_cast %add3A_1048 : i32 to index
        %swap3A_1099 = arith.constant 80 : index
        %swap3A_1100 = tpu.vector_load %arg14[%swap3A_1097, %swap3A_1098, %swap3A_1099] {strides = array<i32>} : memref<2x128x128xf32, #tpu.memory_space<vmem>>, vector<16xf32>,
        tpu.vector_store %arg14[%swap3A_1097, %swap3A_1098, %swap3A_1099], %get3A_1095 {strides = array<i32>} : memref<2x128x128xf32, #tpu.memory_space<vmem>>, vector<16xf32>,
        %add3A_1101 = arith.constant 32 : i32
        %add3A_1102 = arith.addi %squeeze3A_1050, %add3A_1101 : i32
        %get3A_1103 = arith.constant 1 : i32
        %get3A_1104 = arith.index_cast %get3A_1103 : i32 to index
        %get3A_1105 = arith.index_cast %add3A_1048 : i32 to index
        %get3A_1106 = arith.index_cast %add3A_1102 : i32 to index
        %get3A_1107 = tpu.vector_load %arg12[%get3A_1104, %get3A_1105, %get3A_1106] {strides = array<i32>} : memref<2x128x128xf32, #tpu.memory_space<vmem>>, vector<16xf32>,
        %swap3A_1108 = arith.constant 1 : i32
        %swap3A_1109 = arith.index_cast %swap3A_1108 : i32 to index
        %swap3A_1110 = arith.index_cast %add3A_1048 : i32 to index
        %swap3A_1111 = arith.constant 32 : index
        %swap3A_1112 = tpu.vector_load %arg14[%swap3A_1109, %swap3A_1110, %swap3A_1111] {strides = array<i32>} : memref<2x128x128xf32, #tpu.memory_space<vmem>>, vector<16xf32>,
        tpu.vector_store %arg14[%swap3A_1109, %swap3A_1110, %swap3A_1111], %get3A_1107 {strides = array<i32>} : memref<2x128x128xf32, #tpu.memory_space<vmem>>, vector<16xf32>,
        %add3A_1113 = arith.constant 32 : i32
        %add3A_1114 = arith.addi %squeeze3A_1052, %add3A_1113 : i32
        %get3A_1115 = arith.constant 1 : i32
        %get3A_1116 = arith.index_cast %get3A_1115 : i32 to index
        %get3A_1117 = arith.index_cast %add3A_1048 : i32 to index
        %get3A_1118 = arith.index_cast %add3A_1114 : i32 to index
        %get3A_1119 = tpu.vector_load %arg13[%get3A_1116, %get3A_1117, %get3A_1118] {strides = array<i32>} : memref<2x128x128xf32, #tpu.memory_space<vmem>>, vector<16xf32>,
        %swap3A_1120 = arith.constant 1 : i32
        %swap3A_1121 = arith.index_cast %swap3A_1120 : i32 to index
        %swap3A_1122 = arith.index_cast %add3A_1048 : i32 to index
        %swap3A_1123 = arith.constant 96 : index
        %swap3A_1124 = tpu.vector_load %arg14[%swap3A_1121, %swap3A_1122, %swap3A_1123] {strides = array<i32>} : memref<2x128x128xf32, #tpu.memory_space<vmem>>, vector<16xf32>,
        tpu.vector_store %arg14[%swap3A_1121, %swap3A_1122, %swap3A_1123], %get3A_1119 {strides = array<i32>} : memref<2x128x128xf32, #tpu.memory_space<vmem>>, vector<16xf32>,
        %add3A_1125 = arith.constant 48 : i32
        %add3A_1126 = arith.addi %squeeze3A_1050, %add3A_1125 : i32
        %get3A_1127 = arith.constant 1 : i32
        %get3A_1128 = arith.index_cast %get3A_1127 : i32 to index
        %get3A_1129 = arith.index_cast %add3A_1048 : i32 to index
        %get3A_1130 = arith.index_cast %add3A_1126 : i32 to index
        %get3A_1131 = tpu.vector_load %arg12[%get3A_1128, %get3A_1129, %get3A_1130] {strides = array<i32>} : memref<2x128x128xf32, #tpu.memory_space<vmem>>, vector<16xf32>,
        %swap3A_1132 = arith.constant 1 : i32
        %swap3A_1133 = arith.index_cast %swap3A_1132 : i32 to index
        %swap3A_1134 = arith.index_cast %add3A_1048 : i32 to index
        %swap3A_1135 = arith.constant 48 : index
        %swap3A_1136 = tpu.vector_load %arg14[%swap3A_1133, %swap3A_1134, %swap3A_1135] {strides = array<i32>} : memref<2x128x128xf32, #tpu.memory_space<vmem>>, vector<16xf32>,
        tpu.vector_store %arg14[%swap3A_1133, %swap3A_1134, %swap3A_1135], %get3A_1131 {strides = array<i32>} : memref<2x128x128xf32, #tpu.memory_space<vmem>>, vector<16xf32>,
        %add3A_1137 = arith.constant 48 : i32
        %add3A_1138 = arith.addi %squeeze3A_1052, %add3A_1137 : i32
        %get3A_1139 = arith.constant 1 : i32
        %get3A_1140 = arith.index_cast %get3A_1139 : i32 to index
        %get3A_1141 = arith.index_cast %add3A_1048 : i32 to index
        %get3A_1142 = arith.index_cast %add3A_1138 : i32 to index
        %get3A_1143 = tpu.vector_load %arg13[%get3A_1140, %get3A_1141, %get3A_1142] {strides = array<i32>} : memref<2x128x128xf32, #tpu.memory_space<vmem>>, vector<16xf32>,
        %swap3A_1144 = arith.constant 1 : i32
        %swap3A_1145 = arith.index_cast %swap3A_1144 : i32 to index
        %swap3A_1146 = arith.index_cast %add3A_1048 : i32 to index
        %swap3A_1147 = arith.constant 112 : index
        %swap3A_1148 = tpu.vector_load %arg14[%swap3A_1145, %swap3A_1146, %swap3A_1147] {strides = array<i32>} : memref<2x128x128xf32, #tpu.memory_space<vmem>>, vector<16xf32>,
        tpu.vector_store %arg14[%swap3A_1145, %swap3A_1146, %swap3A_1147], %get3A_1143 {strides = array<i32>} : memref<2x128x128xf32, #tpu.memory_space<vmem>>, vector<16xf32>,
        %mul3A_1149 = arith.constant 16 : i32
        %mul3A_1150 = arith.muli %scan3A_414, %mul3A_1149 : i32
        %add3A_1151 = arith.constant 7 : i32
        %add3A_1152 = arith.addi %mul3A_1150, %add3A_1151 : i32
        %slice3A_1153 = vector.extract_strided_slice %get3A_418 {offsets = [7], sizes = [1], strides = [1]} : vector<16xi32> to vector<1xi32>
        %squeeze3A_1154 = vector.extract %slice3A_1153[0] : i32 from vector<1xi32>
        %slice3A_1155 = vector.extract_strided_slice %get3A_423 {offsets = [7], sizes = [1], strides = [1]} : vector<16xi32> to vector<1xi32>
        %squeeze3A_1156 = vector.extract %slice3A_1155[0] : i32 from vector<1xi32>
        %add3A_1157 = arith.constant 0 : i32
        %add3A_1158 = arith.addi %squeeze3A_1154, %add3A_1157 : i32
        %get3A_1159 = arith.constant 1 : i32
        %get3A_1160 = arith.index_cast %get3A_1159 : i32 to index
        %get3A_1161 = arith.index_cast %add3A_1152 : i32 to index
        %get3A_1162 = arith.index_cast %add3A_1158 : i32 to index
        %get3A_1163 = tpu.vector_load %arg12[%get3A_1160, %get3A_1161, %get3A_1162] {strides = array<i32>} : memref<2x128x128xf32, #tpu.memory_space<vmem>>, vector<16xf32>,
        %swap3A_1164 = arith.constant 1 : i32
        %swap3A_1165 = arith.index_cast %swap3A_1164 : i32 to index
        %swap3A_1166 = arith.index_cast %add3A_1152 : i32 to index
        %swap3A_1167 = arith.constant 0 : index
        %swap3A_1168 = tpu.vector_load %arg14[%swap3A_1165, %swap3A_1166, %swap3A_1167] {strides = array<i32>} : memref<2x128x128xf32, #tpu.memory_space<vmem>>, vector<16xf32>,
        tpu.vector_store %arg14[%swap3A_1165, %swap3A_1166, %swap3A_1167], %get3A_1163 {strides = array<i32>} : memref<2x128x128xf32, #tpu.memory_space<vmem>>, vector<16xf32>,
        %add3A_1169 = arith.constant 0 : i32
        %add3A_1170 = arith.addi %squeeze3A_1156, %add3A_1169 : i32
        %get3A_1171 = arith.constant 1 : i32
        %get3A_1172 = arith.index_cast %get3A_1171 : i32 to index
        %get3A_1173 = arith.index_cast %add3A_1152 : i32 to index
        %get3A_1174 = arith.index_cast %add3A_1170 : i32 to index
        %get3A_1175 = tpu.vector_load %arg13[%get3A_1172, %get3A_1173, %get3A_1174] {strides = array<i32>} : memref<2x128x128xf32, #tpu.memory_space<vmem>>, vector<16xf32>,
        %swap3A_1176 = arith.constant 1 : i32
        %swap3A_1177 = arith.index_cast %swap3A_1176 : i32 to index
        %swap3A_1178 = arith.index_cast %add3A_1152 : i32 to index
        %swap3A_1179 = arith.constant 64 : index
        %swap3A_1180 = tpu.vector_load %arg14[%swap3A_1177, %swap3A_1178, %swap3A_1179] {strides = array<i32>} : memref<2x128x128xf32, #tpu.memory_space<vmem>>, vector<16xf32>,
        tpu.vector_store %arg14[%swap3A_1177, %swap3A_1178, %swap3A_1179], %get3A_1175 {strides = array<i32>} : memref<2x128x128xf32, #tpu.memory_space<vmem>>, vector<16xf32>,
        %add3A_1181 = arith.constant 16 : i32
        %add3A_1182 = arith.addi %squeeze3A_1154, %add3A_1181 : i32
        %get3A_1183 = arith.constant 1 : i32
        %get3A_1184 = arith.index_cast %get3A_1183 : i32 to index
        %get3A_1185 = arith.index_cast %add3A_1152 : i32 to index
        %get3A_1186 = arith.index_cast %add3A_1182 : i32 to index
        %get3A_1187 = tpu.vector_load %arg12[%get3A_1184, %get3A_1185, %get3A_1186] {strides = array<i32>} : memref<2x128x128xf32, #tpu.memory_space<vmem>>, vector<16xf32>,
        %swap3A_1188 = arith.constant 1 : i32
        %swap3A_1189 = arith.index_cast %swap3A_1188 : i32 to index
        %swap3A_1190 = arith.index_cast %add3A_1152 : i32 to index
        %swap3A_1191 = arith.constant 16 : index
        %swap3A_1192 = tpu.vector_load %arg14[%swap3A_1189, %swap3A_1190, %swap3A_1191] {strides = array<i32>} : memref<2x128x128xf32, #tpu.memory_space<vmem>>, vector<16xf32>,
        tpu.vector_store %arg14[%swap3A_1189, %swap3A_1190, %swap3A_1191], %get3A_1187 {strides = array<i32>} : memref<2x128x128xf32, #tpu.memory_space<vmem>>, vector<16xf32>,
        %add3A_1193 = arith.constant 16 : i32
        %add3A_1194 = arith.addi %squeeze3A_1156, %add3A_1193 : i32
        %get3A_1195 = arith.constant 1 : i32
        %get3A_1196 = arith.index_cast %get3A_1195 : i32 to index
        %get3A_1197 = arith.index_cast %add3A_1152 : i32 to index
        %get3A_1198 = arith.index_cast %add3A_1194 : i32 to index
        %get3A_1199 = tpu.vector_load %arg13[%get3A_1196, %get3A_1197, %get3A_1198] {strides = array<i32>} : memref<2x128x128xf32, #tpu.memory_space<vmem>>, vector<16xf32>,
        %swap3A_1200 = arith.constant 1 : i32
        %swap3A_1201 = arith.index_cast %swap3A_1200 : i32 to index
        %swap3A_1202 = arith.index_cast %add3A_1152 : i32 to index
        %swap3A_1203 = arith.constant 80 : index
        %swap3A_1204 = tpu.vector_load %arg14[%swap3A_1201, %swap3A_1202, %swap3A_1203] {strides = array<i32>} : memref<2x128x128xf32, #tpu.memory_space<vmem>>, vector<16xf32>,
        tpu.vector_store %arg14[%swap3A_1201, %swap3A_1202, %swap3A_1203], %get3A_1199 {strides = array<i32>} : memref<2x128x128xf32, #tpu.memory_space<vmem>>, vector<16xf32>,
        %add3A_1205 = arith.constant 32 : i32
        %add3A_1206 = arith.addi %squeeze3A_1154, %add3A_1205 : i32
        %get3A_1207 = arith.constant 1 : i32
        %get3A_1208 = arith.index_cast %get3A_1207 : i32 to index
        %get3A_1209 = arith.index_cast %add3A_1152 : i32 to index
        %get3A_1210 = arith.index_cast %add3A_1206 : i32 to index
        %get3A_1211 = tpu.vector_load %arg12[%get3A_1208, %get3A_1209, %get3A_1210] {strides = array<i32>} : memref<2x128x128xf32, #tpu.memory_space<vmem>>, vector<16xf32>,
        %swap3A_1212 = arith.constant 1 : i32
        %swap3A_1213 = arith.index_cast %swap3A_1212 : i32 to index
        %swap3A_1214 = arith.index_cast %add3A_1152 : i32 to index
        %swap3A_1215 = arith.constant 32 : index
        %swap3A_1216 = tpu.vector_load %arg14[%swap3A_1213, %swap3A_1214, %swap3A_1215] {strides = array<i32>} : memref<2x128x128xf32, #tpu.memory_space<vmem>>, vector<16xf32>,
        tpu.vector_store %arg14[%swap3A_1213, %swap3A_1214, %swap3A_1215], %get3A_1211 {strides = array<i32>} : memref<2x128x128xf32, #tpu.memory_space<vmem>>, vector<16xf32>,
        %add3A_1217 = arith.constant 32 : i32
        %add3A_1218 = arith.addi %squeeze3A_1156, %add3A_1217 : i32
        %get3A_1219 = arith.constant 1 : i32
        %get3A_1220 = arith.index_cast %get3A_1219 : i32 to index
        %get3A_1221 = arith.index_cast %add3A_1152 : i32 to index
        %get3A_1222 = arith.index_cast %add3A_1218 : i32 to index
        %get3A_1223 = tpu.vector_load %arg13[%get3A_1220, %get3A_1221, %get3A_1222] {strides = array<i32>} : memref<2x128x128xf32, #tpu.memory_space<vmem>>, vector<16xf32>,
        %swap3A_1224 = arith.constant 1 : i32
        %swap3A_1225 = arith.index_cast %swap3A_1224 : i32 to index
        %swap3A_1226 = arith.index_cast %add3A_1152 : i32 to index
        %swap3A_1227 = arith.constant 96 : index
        %swap3A_1228 = tpu.vector_load %arg14[%swap3A_1225, %swap3A_1226, %swap3A_1227] {strides = array<i32>} : memref<2x128x128xf32, #tpu.memory_space<vmem>>, vector<16xf32>,
        tpu.vector_store %arg14[%swap3A_1225, %swap3A_1226, %swap3A_1227], %get3A_1223 {strides = array<i32>} : memref<2x128x128xf32, #tpu.memory_space<vmem>>, vector<16xf32>,
        %add3A_1229 = arith.constant 48 : i32
        %add3A_1230 = arith.addi %squeeze3A_1154, %add3A_1229 : i32
        %get3A_1231 = arith.constant 1 : i32
        %get3A_1232 = arith.index_cast %get3A_1231 : i32 to index
        %get3A_1233 = arith.index_cast %add3A_1152 : i32 to index
        %get3A_1234 = arith.index_cast %add3A_1230 : i32 to index
        %get3A_1235 = tpu.vector_load %arg12[%get3A_1232, %get3A_1233, %get3A_1234] {strides = array<i32>} : memref<2x128x128xf32, #tpu.memory_space<vmem>>, vector<16xf32>,
        %swap3A_1236 = arith.constant 1 : i32
        %swap3A_1237 = arith.index_cast %swap3A_1236 : i32 to index
        %swap3A_1238 = arith.index_cast %add3A_1152 : i32 to index
        %swap3A_1239 = arith.constant 48 : index
        %swap3A_1240 = tpu.vector_load %arg14[%swap3A_1237, %swap3A_1238, %swap3A_1239] {strides = array<i32>} : memref<2x128x128xf32, #tpu.memory_space<vmem>>, vector<16xf32>,
        tpu.vector_store %arg14[%swap3A_1237, %swap3A_1238, %swap3A_1239], %get3A_1235 {strides = array<i32>} : memref<2x128x128xf32, #tpu.memory_space<vmem>>, vector<16xf32>,
        %add3A_1241 = arith.constant 48 : i32
        %add3A_1242 = arith.addi %squeeze3A_1156, %add3A_1241 : i32
        %get3A_1243 = arith.constant 1 : i32
        %get3A_1244 = arith.index_cast %get3A_1243 : i32 to index
        %get3A_1245 = arith.index_cast %add3A_1152 : i32 to index
        %get3A_1246 = arith.index_cast %add3A_1242 : i32 to index
        %get3A_1247 = tpu.vector_load %arg13[%get3A_1244, %get3A_1245, %get3A_1246] {strides = array<i32>} : memref<2x128x128xf32, #tpu.memory_space<vmem>>, vector<16xf32>,
        %swap3A_1248 = arith.constant 1 : i32
        %swap3A_1249 = arith.index_cast %swap3A_1248 : i32 to index
        %swap3A_1250 = arith.index_cast %add3A_1152 : i32 to index
        %swap3A_1251 = arith.constant 112 : index
        %swap3A_1252 = tpu.vector_load %arg14[%swap3A_1249, %swap3A_1250, %swap3A_1251] {strides = array<i32>} : memref<2x128x128xf32, #tpu.memory_space<vmem>>, vector<16xf32>,
        tpu.vector_store %arg14[%swap3A_1249, %swap3A_1250, %swap3A_1251], %get3A_1247 {strides = array<i32>} : memref<2x128x128xf32, #tpu.memory_space<vmem>>, vector<16xf32>,
        %mul3A_1253 = arith.constant 16 : i32
        %mul3A_1254 = arith.muli %scan3A_414, %mul3A_1253 : i32
        %add3A_1255 = arith.constant 8 : i32
        %add3A_1256 = arith.addi %mul3A_1254, %add3A_1255 : i32
        %slice3A_1257 = vector.extract_strided_slice %get3A_418 {offsets = [8], sizes = [1], strides = [1]} : vector<16xi32> to vector<1xi32>
        %squeeze3A_1258 = vector.extract %slice3A_1257[0] : i32 from vector<1xi32>
        %slice3A_1259 = vector.extract_strided_slice %get3A_423 {offsets = [8], sizes = [1], strides = [1]} : vector<16xi32> to vector<1xi32>
        %squeeze3A_1260 = vector.extract %slice3A_1259[0] : i32 from vector<1xi32>
        %add3A_1261 = arith.constant 0 : i32
        %add3A_1262 = arith.addi %squeeze3A_1258, %add3A_1261 : i32
        %get3A_1263 = arith.constant 1 : i32
        %get3A_1264 = arith.index_cast %get3A_1263 : i32 to index
        %get3A_1265 = arith.index_cast %add3A_1256 : i32 to index
        %get3A_1266 = arith.index_cast %add3A_1262 : i32 to index
        %get3A_1267 = tpu.vector_load %arg12[%get3A_1264, %get3A_1265, %get3A_1266] {strides = array<i32>} : memref<2x128x128xf32, #tpu.memory_space<vmem>>, vector<16xf32>,
        %swap3A_1268 = arith.constant 1 : i32
        %swap3A_1269 = arith.index_cast %swap3A_1268 : i32 to index
        %swap3A_1270 = arith.index_cast %add3A_1256 : i32 to index
        %swap3A_1271 = arith.constant 0 : index
        %swap3A_1272 = tpu.vector_load %arg14[%swap3A_1269, %swap3A_1270, %swap3A_1271] {strides = array<i32>} : memref<2x128x128xf32, #tpu.memory_space<vmem>>, vector<16xf32>,
        tpu.vector_store %arg14[%swap3A_1269, %swap3A_1270, %swap3A_1271], %get3A_1267 {strides = array<i32>} : memref<2x128x128xf32, #tpu.memory_space<vmem>>, vector<16xf32>,
        %add3A_1273 = arith.constant 0 : i32
        %add3A_1274 = arith.addi %squeeze3A_1260, %add3A_1273 : i32
        %get3A_1275 = arith.constant 1 : i32
        %get3A_1276 = arith.index_cast %get3A_1275 : i32 to index
        %get3A_1277 = arith.index_cast %add3A_1256 : i32 to index
        %get3A_1278 = arith.index_cast %add3A_1274 : i32 to index
        %get3A_1279 = tpu.vector_load %arg13[%get3A_1276, %get3A_1277, %get3A_1278] {strides = array<i32>} : memref<2x128x128xf32, #tpu.memory_space<vmem>>, vector<16xf32>,
        %swap3A_1280 = arith.constant 1 : i32
        %swap3A_1281 = arith.index_cast %swap3A_1280 : i32 to index
        %swap3A_1282 = arith.index_cast %add3A_1256 : i32 to index
        %swap3A_1283 = arith.constant 64 : index
        %swap3A_1284 = tpu.vector_load %arg14[%swap3A_1281, %swap3A_1282, %swap3A_1283] {strides = array<i32>} : memref<2x128x128xf32, #tpu.memory_space<vmem>>, vector<16xf32>,
        tpu.vector_store %arg14[%swap3A_1281, %swap3A_1282, %swap3A_1283], %get3A_1279 {strides = array<i32>} : memref<2x128x128xf32, #tpu.memory_space<vmem>>, vector<16xf32>,
        %add3A_1285 = arith.constant 16 : i32
        %add3A_1286 = arith.addi %squeeze3A_1258, %add3A_1285 : i32
        %get3A_1287 = arith.constant 1 : i32
        %get3A_1288 = arith.index_cast %get3A_1287 : i32 to index
        %get3A_1289 = arith.index_cast %add3A_1256 : i32 to index
        %get3A_1290 = arith.index_cast %add3A_1286 : i32 to index
        %get3A_1291 = tpu.vector_load %arg12[%get3A_1288, %get3A_1289, %get3A_1290] {strides = array<i32>} : memref<2x128x128xf32, #tpu.memory_space<vmem>>, vector<16xf32>,
        %swap3A_1292 = arith.constant 1 : i32
        %swap3A_1293 = arith.index_cast %swap3A_1292 : i32 to index
        %swap3A_1294 = arith.index_cast %add3A_1256 : i32 to index
        %swap3A_1295 = arith.constant 16 : index
        %swap3A_1296 = tpu.vector_load %arg14[%swap3A_1293, %swap3A_1294, %swap3A_1295] {strides = array<i32>} : memref<2x128x128xf32, #tpu.memory_space<vmem>>, vector<16xf32>,
        tpu.vector_store %arg14[%swap3A_1293, %swap3A_1294, %swap3A_1295], %get3A_1291 {strides = array<i32>} : memref<2x128x128xf32, #tpu.memory_space<vmem>>, vector<16xf32>,
        %add3A_1297 = arith.constant 16 : i32
        %add3A_1298 = arith.addi %squeeze3A_1260, %add3A_1297 : i32
        %get3A_1299 = arith.constant 1 : i32
        %get3A_1300 = arith.index_cast %get3A_1299 : i32 to index
        %get3A_1301 = arith.index_cast %add3A_1256 : i32 to index
        %get3A_1302 = arith.index_cast %add3A_1298 : i32 to index
        %get3A_1303 = tpu.vector_load %arg13[%get3A_1300, %get3A_1301, %get3A_1302] {strides = array<i32>} : memref<2x128x128xf32, #tpu.memory_space<vmem>>, vector<16xf32>,
        %swap3A_1304 = arith.constant 1 : i32
        %swap3A_1305 = arith.index_cast %swap3A_1304 : i32 to index
        %swap3A_1306 = arith.index_cast %add3A_1256 : i32 to index
        %swap3A_1307 = arith.constant 80 : index
        %swap3A_1308 = tpu.vector_load %arg14[%swap3A_1305, %swap3A_1306, %swap3A_1307] {strides = array<i32>} : memref<2x128x128xf32, #tpu.memory_space<vmem>>, vector<16xf32>,
        tpu.vector_store %arg14[%swap3A_1305, %swap3A_1306, %swap3A_1307], %get3A_1303 {strides = array<i32>} : memref<2x128x128xf32, #tpu.memory_space<vmem>>, vector<16xf32>,
        %add3A_1309 = arith.constant 32 : i32
        %add3A_1310 = arith.addi %squeeze3A_1258, %add3A_1309 : i32
        %get3A_1311 = arith.constant 1 : i32
        %get3A_1312 = arith.index_cast %get3A_1311 : i32 to index
        %get3A_1313 = arith.index_cast %add3A_1256 : i32 to index
        %get3A_1314 = arith.index_cast %add3A_1310 : i32 to index
        %get3A_1315 = tpu.vector_load %arg12[%get3A_1312, %get3A_1313, %get3A_1314] {strides = array<i32>} : memref<2x128x128xf32, #tpu.memory_space<vmem>>, vector<16xf32>,
        %swap3A_1316 = arith.constant 1 : i32
        %swap3A_1317 = arith.index_cast %swap3A_1316 : i32 to index
        %swap3A_1318 = arith.index_cast %add3A_1256 : i32 to index
        %swap3A_1319 = arith.constant 32 : index
        %swap3A_1320 = tpu.vector_load %arg14[%swap3A_1317, %swap3A_1318, %swap3A_1319] {strides = array<i32>} : memref<2x128x128xf32, #tpu.memory_space<vmem>>, vector<16xf32>,
        tpu.vector_store %arg14[%swap3A_1317, %swap3A_1318, %swap3A_1319], %get3A_1315 {strides = array<i32>} : memref<2x128x128xf32, #tpu.memory_space<vmem>>, vector<16xf32>,
        %add3A_1321 = arith.constant 32 : i32
        %add3A_1322 = arith.addi %squeeze3A_1260, %add3A_1321 : i32
        %get3A_1323 = arith.constant 1 : i32
        %get3A_1324 = arith.index_cast %get3A_1323 : i32 to index
        %get3A_1325 = arith.index_cast %add3A_1256 : i32 to index
        %get3A_1326 = arith.index_cast %add3A_1322 : i32 to index
        %get3A_1327 = tpu.vector_load %arg13[%get3A_1324, %get3A_1325, %get3A_1326] {strides = array<i32>} : memref<2x128x128xf32, #tpu.memory_space<vmem>>, vector<16xf32>,
        %swap3A_1328 = arith.constant 1 : i32
        %swap3A_1329 = arith.index_cast %swap3A_1328 : i32 to index
        %swap3A_1330 = arith.index_cast %add3A_1256 : i32 to index
        %swap3A_1331 = arith.constant 96 : index
        %swap3A_1332 = tpu.vector_load %arg14[%swap3A_1329, %swap3A_1330, %swap3A_1331] {strides = array<i32>} : memref<2x128x128xf32, #tpu.memory_space<vmem>>, vector<16xf32>,
        tpu.vector_store %arg14[%swap3A_1329, %swap3A_1330, %swap3A_1331], %get3A_1327 {strides = array<i32>} : memref<2x128x128xf32, #tpu.memory_space<vmem>>, vector<16xf32>,
        %add3A_1333 = arith.constant 48 : i32
        %add3A_1334 = arith.addi %squeeze3A_1258, %add3A_1333 : i32
        %get3A_1335 = arith.constant 1 : i32
        %get3A_1336 = arith.index_cast %get3A_1335 : i32 to index
        %get3A_1337 = arith.index_cast %add3A_1256 : i32 to index
        %get3A_1338 = arith.index_cast %add3A_1334 : i32 to index
        %get3A_1339 = tpu.vector_load %arg12[%get3A_1336, %get3A_1337, %get3A_1338] {strides = array<i32>} : memref<2x128x128xf32, #tpu.memory_space<vmem>>, vector<16xf32>,
        %swap3A_1340 = arith.constant 1 : i32
        %swap3A_1341 = arith.index_cast %swap3A_1340 : i32 to index
        %swap3A_1342 = arith.index_cast %add3A_1256 : i32 to index
        %swap3A_1343 = arith.constant 48 : index
        %swap3A_1344 = tpu.vector_load %arg14[%swap3A_1341, %swap3A_1342, %swap3A_1343] {strides = array<i32>} : memref<2x128x128xf32, #tpu.memory_space<vmem>>, vector<16xf32>,
        tpu.vector_store %arg14[%swap3A_1341, %swap3A_1342, %swap3A_1343], %get3A_1339 {strides = array<i32>} : memref<2x128x128xf32, #tpu.memory_space<vmem>>, vector<16xf32>,
        %add3A_1345 = arith.constant 48 : i32
        %add3A_1346 = arith.addi %squeeze3A_1260, %add3A_1345 : i32
        %get3A_1347 = arith.constant 1 : i32
        %get3A_1348 = arith.index_cast %get3A_1347 : i32 to index
        %get3A_1349 = arith.index_cast %add3A_1256 : i32 to index
        %get3A_1350 = arith.index_cast %add3A_1346 : i32 to index
        %get3A_1351 = tpu.vector_load %arg13[%get3A_1348, %get3A_1349, %get3A_1350] {strides = array<i32>} : memref<2x128x128xf32, #tpu.memory_space<vmem>>, vector<16xf32>,
        %swap3A_1352 = arith.constant 1 : i32
        %swap3A_1353 = arith.index_cast %swap3A_1352 : i32 to index
        %swap3A_1354 = arith.index_cast %add3A_1256 : i32 to index
        %swap3A_1355 = arith.constant 112 : index
        %swap3A_1356 = tpu.vector_load %arg14[%swap3A_1353, %swap3A_1354, %swap3A_1355] {strides = array<i32>} : memref<2x128x128xf32, #tpu.memory_space<vmem>>, vector<16xf32>,
        tpu.vector_store %arg14[%swap3A_1353, %swap3A_1354, %swap3A_1355], %get3A_1351 {strides = array<i32>} : memref<2x128x128xf32, #tpu.memory_space<vmem>>, vector<16xf32>,
        %mul3A_1357 = arith.constant 16 : i32
        %mul3A_1358 = arith.muli %scan3A_414, %mul3A_1357 : i32
        %add3A_1359 = arith.constant 9 : i32
        %add3A_1360 = arith.addi %mul3A_1358, %add3A_1359 : i32
        %slice3A_1361 = vector.extract_strided_slice %get3A_418 {offsets = [9], sizes = [1], strides = [1]} : vector<16xi32> to vector<1xi32>
        %squeeze3A_1362 = vector.extract %slice3A_1361[0] : i32 from vector<1xi32>
        %slice3A_1363 = vector.extract_strided_slice %get3A_423 {offsets = [9], sizes = [1], strides = [1]} : vector<16xi32> to vector<1xi32>
        %squeeze3A_1364 = vector.extract %slice3A_1363[0] : i32 from vector<1xi32>
        %add3A_1365 = arith.constant 0 : i32
        %add3A_1366 = arith.addi %squeeze3A_1362, %add3A_1365 : i32
        %get3A_1367 = arith.constant 1 : i32
        %get3A_1368 = arith.index_cast %get3A_1367 : i32 to index
        %get3A_1369 = arith.index_cast %add3A_1360 : i32 to index
        %get3A_1370 = arith.index_cast %add3A_1366 : i32 to index
        %get3A_1371 = tpu.vector_load %arg12[%get3A_1368, %get3A_1369, %get3A_1370] {strides = array<i32>} : memref<2x128x128xf32, #tpu.memory_space<vmem>>, vector<16xf32>,
        %swap3A_1372 = arith.constant 1 : i32
        %swap3A_1373 = arith.index_cast %swap3A_1372 : i32 to index
        %swap3A_1374 = arith.index_cast %add3A_1360 : i32 to index
        %swap3A_1375 = arith.constant 0 : index
        %swap3A_1376 = tpu.vector_load %arg14[%swap3A_1373, %swap3A_1374, %swap3A_1375] {strides = array<i32>} : memref<2x128x128xf32, #tpu.memory_space<vmem>>, vector<16xf32>,
        tpu.vector_store %arg14[%swap3A_1373, %swap3A_1374, %swap3A_1375], %get3A_1371 {strides = array<i32>} : memref<2x128x128xf32, #tpu.memory_space<vmem>>, vector<16xf32>,
        %add3A_1377 = arith.constant 0 : i32
        %add3A_1378 = arith.addi %squeeze3A_1364, %add3A_1377 : i32
        %get3A_1379 = arith.constant 1 : i32
        %get3A_1380 = arith.index_cast %get3A_1379 : i32 to index
        %get3A_1381 = arith.index_cast %add3A_1360 : i32 to index
        %get3A_1382 = arith.index_cast %add3A_1378 : i32 to index
        %get3A_1383 = tpu.vector_load %arg13[%get3A_1380, %get3A_1381, %get3A_1382] {strides = array<i32>} : memref<2x128x128xf32, #tpu.memory_space<vmem>>, vector<16xf32>,
        %swap3A_1384 = arith.constant 1 : i32
        %swap3A_1385 = arith.index_cast %swap3A_1384 : i32 to index
        %swap3A_1386 = arith.index_cast %add3A_1360 : i32 to index
        %swap3A_1387 = arith.constant 64 : index
        %swap3A_1388 = tpu.vector_load %arg14[%swap3A_1385, %swap3A_1386, %swap3A_1387] {strides = array<i32>} : memref<2x128x128xf32, #tpu.memory_space<vmem>>, vector<16xf32>,
        tpu.vector_store %arg14[%swap3A_1385, %swap3A_1386, %swap3A_1387], %get3A_1383 {strides = array<i32>} : memref<2x128x128xf32, #tpu.memory_space<vmem>>, vector<16xf32>,
        %add3A_1389 = arith.constant 16 : i32
        %add3A_1390 = arith.addi %squeeze3A_1362, %add3A_1389 : i32
        %get3A_1391 = arith.constant 1 : i32
        %get3A_1392 = arith.index_cast %get3A_1391 : i32 to index
        %get3A_1393 = arith.index_cast %add3A_1360 : i32 to index
        %get3A_1394 = arith.index_cast %add3A_1390 : i32 to index
        %get3A_1395 = tpu.vector_load %arg12[%get3A_1392, %get3A_1393, %get3A_1394] {strides = array<i32>} : memref<2x128x128xf32, #tpu.memory_space<vmem>>, vector<16xf32>,
        %swap3A_1396 = arith.constant 1 : i32
        %swap3A_1397 = arith.index_cast %swap3A_1396 : i32 to index
        %swap3A_1398 = arith.index_cast %add3A_1360 : i32 to index
        %swap3A_1399 = arith.constant 16 : index
        %swap3A_1400 = tpu.vector_load %arg14[%swap3A_1397, %swap3A_1398, %swap3A_1399] {strides = array<i32>} : memref<2x128x128xf32, #tpu.memory_space<vmem>>, vector<16xf32>,
        tpu.vector_store %arg14[%swap3A_1397, %swap3A_1398, %swap3A_1399], %get3A_1395 {strides = array<i32>} : memref<2x128x128xf32, #tpu.memory_space<vmem>>, vector<16xf32>,
        %add3A_1401 = arith.constant 16 : i32
        %add3A_1402 = arith.addi %squeeze3A_1364, %add3A_1401 : i32
        %get3A_1403 = arith.constant 1 : i32
        %get3A_1404 = arith.index_cast %get3A_1403 : i32 to index
        %get3A_1405 = arith.index_cast %add3A_1360 : i32 to index
        %get3A_1406 = arith.index_cast %add3A_1402 : i32 to index
        %get3A_1407 = tpu.vector_load %arg13[%get3A_1404, %get3A_1405, %get3A_1406] {strides = array<i32>} : memref<2x128x128xf32, #tpu.memory_space<vmem>>, vector<16xf32>,
        %swap3A_1408 = arith.constant 1 : i32
        %swap3A_1409 = arith.index_cast %swap3A_1408 : i32 to index
        %swap3A_1410 = arith.index_cast %add3A_1360 : i32 to index
        %swap3A_1411 = arith.constant 80 : index
        %swap3A_1412 = tpu.vector_load %arg14[%swap3A_1409, %swap3A_1410, %swap3A_1411] {strides = array<i32>} : memref<2x128x128xf32, #tpu.memory_space<vmem>>, vector<16xf32>,
        tpu.vector_store %arg14[%swap3A_1409, %swap3A_1410, %swap3A_1411], %get3A_1407 {strides = array<i32>} : memref<2x128x128xf32, #tpu.memory_space<vmem>>, vector<16xf32>,
        %add3A_1413 = arith.constant 32 : i32
        %add3A_1414 = arith.addi %squeeze3A_1362, %add3A_1413 : i32
        %get3A_1415 = arith.constant 1 : i32
        %get3A_1416 = arith.index_cast %get3A_1415 : i32 to index
        %get3A_1417 = arith.index_cast %add3A_1360 : i32 to index
        %get3A_1418 = arith.index_cast %add3A_1414 : i32 to index
        %get3A_1419 = tpu.vector_load %arg12[%get3A_1416, %get3A_1417, %get3A_1418] {strides = array<i32>} : memref<2x128x128xf32, #tpu.memory_space<vmem>>, vector<16xf32>,
        %swap3A_1420 = arith.constant 1 : i32
        %swap3A_1421 = arith.index_cast %swap3A_1420 : i32 to index
        %swap3A_1422 = arith.index_cast %add3A_1360 : i32 to index
        %swap3A_1423 = arith.constant 32 : index
        %swap3A_1424 = tpu.vector_load %arg14[%swap3A_1421, %swap3A_1422, %swap3A_1423] {strides = array<i32>} : memref<2x128x128xf32, #tpu.memory_space<vmem>>, vector<16xf32>,
        tpu.vector_store %arg14[%swap3A_1421, %swap3A_1422, %swap3A_1423], %get3A_1419 {strides = array<i32>} : memref<2x128x128xf32, #tpu.memory_space<vmem>>, vector<16xf32>,
        %add3A_1425 = arith.constant 32 : i32
        %add3A_1426 = arith.addi %squeeze3A_1364, %add3A_1425 : i32
        %get3A_1427 = arith.constant 1 : i32
        %get3A_1428 = arith.index_cast %get3A_1427 : i32 to index
        %get3A_1429 = arith.index_cast %add3A_1360 : i32 to index
        %get3A_1430 = arith.index_cast %add3A_1426 : i32 to index
        %get3A_1431 = tpu.vector_load %arg13[%get3A_1428, %get3A_1429, %get3A_1430] {strides = array<i32>} : memref<2x128x128xf32, #tpu.memory_space<vmem>>, vector<16xf32>,
        %swap3A_1432 = arith.constant 1 : i32
        %swap3A_1433 = arith.index_cast %swap3A_1432 : i32 to index
        %swap3A_1434 = arith.index_cast %add3A_1360 : i32 to index
        %swap3A_1435 = arith.constant 96 : index
        %swap3A_1436 = tpu.vector_load %arg14[%swap3A_1433, %swap3A_1434, %swap3A_1435] {strides = array<i32>} : memref<2x128x128xf32, #tpu.memory_space<vmem>>, vector<16xf32>,
        tpu.vector_store %arg14[%swap3A_1433, %swap3A_1434, %swap3A_1435], %get3A_1431 {strides = array<i32>} : memref<2x128x128xf32, #tpu.memory_space<vmem>>, vector<16xf32>,
        %add3A_1437 = arith.constant 48 : i32
        %add3A_1438 = arith.addi %squeeze3A_1362, %add3A_1437 : i32
        %get3A_1439 = arith.constant 1 : i32
        %get3A_1440 = arith.index_cast %get3A_1439 : i32 to index
        %get3A_1441 = arith.index_cast %add3A_1360 : i32 to index
        %get3A_1442 = arith.index_cast %add3A_1438 : i32 to index
        %get3A_1443 = tpu.vector_load %arg12[%get3A_1440, %get3A_1441, %get3A_1442] {strides = array<i32>} : memref<2x128x128xf32, #tpu.memory_space<vmem>>, vector<16xf32>,
        %swap3A_1444 = arith.constant 1 : i32
        %swap3A_1445 = arith.index_cast %swap3A_1444 : i32 to index
        %swap3A_1446 = arith.index_cast %add3A_1360 : i32 to index
        %swap3A_1447 = arith.constant 48 : index
        %swap3A_1448 = tpu.vector_load %arg14[%swap3A_1445, %swap3A_1446, %swap3A_1447] {strides = array<i32>} : memref<2x128x128xf32, #tpu.memory_space<vmem>>, vector<16xf32>,
        tpu.vector_store %arg14[%swap3A_1445, %swap3A_1446, %swap3A_1447], %get3A_1443 {strides = array<i32>} : memref<2x128x128xf32, #tpu.memory_space<vmem>>, vector<16xf32>,
        %add3A_1449 = arith.constant 48 : i32
        %add3A_1450 = arith.addi %squeeze3A_1364, %add3A_1449 : i32
        %get3A_1451 = arith.constant 1 : i32
        %get3A_1452 = arith.index_cast %get3A_1451 : i32 to index
        %get3A_1453 = arith.index_cast %add3A_1360 : i32 to index
        %get3A_1454 = arith.index_cast %add3A_1450 : i32 to index
        %get3A_1455 = tpu.vector_load %arg13[%get3A_1452, %get3A_1453, %get3A_1454] {strides = array<i32>} : memref<2x128x128xf32, #tpu.memory_space<vmem>>, vector<16xf32>,
        %swap3A_1456 = arith.constant 1 : i32
        %swap3A_1457 = arith.index_cast %swap3A_1456 : i32 to index
        %swap3A_1458 = arith.index_cast %add3A_1360 : i32 to index
        %swap3A_1459 = arith.constant 112 : index
        %swap3A_1460 = tpu.vector_load %arg14[%swap3A_1457, %swap3A_1458, %swap3A_1459] {strides = array<i32>} : memref<2x128x128xf32, #tpu.memory_space<vmem>>, vector<16xf32>,
        tpu.vector_store %arg14[%swap3A_1457, %swap3A_1458, %swap3A_1459], %get3A_1455 {strides = array<i32>} : memref<2x128x128xf32, #tpu.memory_space<vmem>>, vector<16xf32>,
        %mul3A_1461 = arith.constant 16 : i32
        %mul3A_1462 = arith.muli %scan3A_414, %mul3A_1461 : i32
        %add3A_1463 = arith.constant 10 : i32
        %add3A_1464 = arith.addi %mul3A_1462, %add3A_1463 : i32
        %slice3A_1465 = vector.extract_strided_slice %get3A_418 {offsets = [10], sizes = [1], strides = [1]} : vector<16xi32> to vector<1xi32>
        %squeeze3A_1466 = vector.extract %slice3A_1465[0] : i32 from vector<1xi32>
        %slice3A_1467 = vector.extract_strided_slice %get3A_423 {offsets = [10], sizes = [1], strides = [1]} : vector<16xi32> to vector<1xi32>
        %squeeze3A_1468 = vector.extract %slice3A_1467[0] : i32 from vector<1xi32>
        %add3A_1469 = arith.constant 0 : i32
        %add3A_1470 = arith.addi %squeeze3A_1466, %add3A_1469 : i32
        %get3A_1471 = arith.constant 1 : i32
        %get3A_1472 = arith.index_cast %get3A_1471 : i32 to index
        %get3A_1473 = arith.index_cast %add3A_1464 : i32 to index
        %get3A_1474 = arith.index_cast %add3A_1470 : i32 to index
        %get3A_1475 = tpu.vector_load %arg12[%get3A_1472, %get3A_1473, %get3A_1474] {strides = array<i32>} : memref<2x128x128xf32, #tpu.memory_space<vmem>>, vector<16xf32>,
        %swap3A_1476 = arith.constant 1 : i32
        %swap3A_1477 = arith.index_cast %swap3A_1476 : i32 to index
        %swap3A_1478 = arith.index_cast %add3A_1464 : i32 to index
        %swap3A_1479 = arith.constant 0 : index
        %swap3A_1480 = tpu.vector_load %arg14[%swap3A_1477, %swap3A_1478, %swap3A_1479] {strides = array<i32>} : memref<2x128x128xf32, #tpu.memory_space<vmem>>, vector<16xf32>,
        tpu.vector_store %arg14[%swap3A_1477, %swap3A_1478, %swap3A_1479], %get3A_1475 {strides = array<i32>} : memref<2x128x128xf32, #tpu.memory_space<vmem>>, vector<16xf32>,
        %add3A_1481 = arith.constant 0 : i32
        %add3A_1482 = arith.addi %squeeze3A_1468, %add3A_1481 : i32
        %get3A_1483 = arith.constant 1 : i32
        %get3A_1484 = arith.index_cast %get3A_1483 : i32 to index
        %get3A_1485 = arith.index_cast %add3A_1464 : i32 to index
        %get3A_1486 = arith.index_cast %add3A_1482 : i32 to index
        %get3A_1487 = tpu.vector_load %arg13[%get3A_1484, %get3A_1485, %get3A_1486] {strides = array<i32>} : memref<2x128x128xf32, #tpu.memory_space<vmem>>, vector<16xf32>,
        %swap3A_1488 = arith.constant 1 : i32
        %swap3A_1489 = arith.index_cast %swap3A_1488 : i32 to index
        %swap3A_1490 = arith.index_cast %add3A_1464 : i32 to index
        %swap3A_1491 = arith.constant 64 : index
        %swap3A_1492 = tpu.vector_load %arg14[%swap3A_1489, %swap3A_1490, %swap3A_1491] {strides = array<i32>} : memref<2x128x128xf32, #tpu.memory_space<vmem>>, vector<16xf32>,
        tpu.vector_store %arg14[%swap3A_1489, %swap3A_1490, %swap3A_1491], %get3A_1487 {strides = array<i32>} : memref<2x128x128xf32, #tpu.memory_space<vmem>>, vector<16xf32>,
        %add3A_1493 = arith.constant 16 : i32
        %add3A_1494 = arith.addi %squeeze3A_1466, %add3A_1493 : i32
        %get3A_1495 = arith.constant 1 : i32
        %get3A_1496 = arith.index_cast %get3A_1495 : i32 to index
        %get3A_1497 = arith.index_cast %add3A_1464 : i32 to index
        %get3A_1498 = arith.index_cast %add3A_1494 : i32 to index
        %get3A_1499 = tpu.vector_load %arg12[%get3A_1496, %get3A_1497, %get3A_1498] {strides = array<i32>} : memref<2x128x128xf32, #tpu.memory_space<vmem>>, vector<16xf32>,
        %swap3A_1500 = arith.constant 1 : i32
        %swap3A_1501 = arith.index_cast %swap3A_1500 : i32 to index
        %swap3A_1502 = arith.index_cast %add3A_1464 : i32 to index
        %swap3A_1503 = arith.constant 16 : index
        %swap3A_1504 = tpu.vector_load %arg14[%swap3A_1501, %swap3A_1502, %swap3A_1503] {strides = array<i32>} : memref<2x128x128xf32, #tpu.memory_space<vmem>>, vector<16xf32>,
        tpu.vector_store %arg14[%swap3A_1501, %swap3A_1502, %swap3A_1503], %get3A_1499 {strides = array<i32>} : memref<2x128x128xf32, #tpu.memory_space<vmem>>, vector<16xf32>,
        %add3A_1505 = arith.constant 16 : i32
        %add3A_1506 = arith.addi %squeeze3A_1468, %add3A_1505 : i32
        %get3A_1507 = arith.constant 1 : i32
        %get3A_1508 = arith.index_cast %get3A_1507 : i32 to index
        %get3A_1509 = arith.index_cast %add3A_1464 : i32 to index
        %get3A_1510 = arith.index_cast %add3A_1506 : i32 to index
        %get3A_1511 = tpu.vector_load %arg13[%get3A_1508, %get3A_1509, %get3A_1510] {strides = array<i32>} : memref<2x128x128xf32, #tpu.memory_space<vmem>>, vector<16xf32>,
        %swap3A_1512 = arith.constant 1 : i32
        %swap3A_1513 = arith.index_cast %swap3A_1512 : i32 to index
        %swap3A_1514 = arith.index_cast %add3A_1464 : i32 to index
        %swap3A_1515 = arith.constant 80 : index
        %swap3A_1516 = tpu.vector_load %arg14[%swap3A_1513, %swap3A_1514, %swap3A_1515] {strides = array<i32>} : memref<2x128x128xf32, #tpu.memory_space<vmem>>, vector<16xf32>,
        tpu.vector_store %arg14[%swap3A_1513, %swap3A_1514, %swap3A_1515], %get3A_1511 {strides = array<i32>} : memref<2x128x128xf32, #tpu.memory_space<vmem>>, vector<16xf32>,
        %add3A_1517 = arith.constant 32 : i32
        %add3A_1518 = arith.addi %squeeze3A_1466, %add3A_1517 : i32
        %get3A_1519 = arith.constant 1 : i32
        %get3A_1520 = arith.index_cast %get3A_1519 : i32 to index
        %get3A_1521 = arith.index_cast %add3A_1464 : i32 to index
        %get3A_1522 = arith.index_cast %add3A_1518 : i32 to index
        %get3A_1523 = tpu.vector_load %arg12[%get3A_1520, %get3A_1521, %get3A_1522] {strides = array<i32>} : memref<2x128x128xf32, #tpu.memory_space<vmem>>, vector<16xf32>,
        %swap3A_1524 = arith.constant 1 : i32
        %swap3A_1525 = arith.index_cast %swap3A_1524 : i32 to index
        %swap3A_1526 = arith.index_cast %add3A_1464 : i32 to index
        %swap3A_1527 = arith.constant 32 : index
        %swap3A_1528 = tpu.vector_load %arg14[%swap3A_1525, %swap3A_1526, %swap3A_1527] {strides = array<i32>} : memref<2x128x128xf32, #tpu.memory_space<vmem>>, vector<16xf32>,
        tpu.vector_store %arg14[%swap3A_1525, %swap3A_1526, %swap3A_1527], %get3A_1523 {strides = array<i32>} : memref<2x128x128xf32, #tpu.memory_space<vmem>>, vector<16xf32>,
        %add3A_1529 = arith.constant 32 : i32
        %add3A_1530 = arith.addi %squeeze3A_1468, %add3A_1529 : i32
        %get3A_1531 = arith.constant 1 : i32
        %get3A_1532 = arith.index_cast %get3A_1531 : i32 to index
        %get3A_1533 = arith.index_cast %add3A_1464 : i32 to index
        %get3A_1534 = arith.index_cast %add3A_1530 : i32 to index
        %get3A_1535 = tpu.vector_load %arg13[%get3A_1532, %get3A_1533, %get3A_1534] {strides = array<i32>} : memref<2x128x128xf32, #tpu.memory_space<vmem>>, vector<16xf32>,
        %swap3A_1536 = arith.constant 1 : i32
        %swap3A_1537 = arith.index_cast %swap3A_1536 : i32 to index
        %swap3A_1538 = arith.index_cast %add3A_1464 : i32 to index
        %swap3A_1539 = arith.constant 96 : index
        %swap3A_1540 = tpu.vector_load %arg14[%swap3A_1537, %swap3A_1538, %swap3A_1539] {strides = array<i32>} : memref<2x128x128xf32, #tpu.memory_space<vmem>>, vector<16xf32>,
        tpu.vector_store %arg14[%swap3A_1537, %swap3A_1538, %swap3A_1539], %get3A_1535 {strides = array<i32>} : memref<2x128x128xf32, #tpu.memory_space<vmem>>, vector<16xf32>,
        %add3A_1541 = arith.constant 48 : i32
        %add3A_1542 = arith.addi %squeeze3A_1466, %add3A_1541 : i32
        %get3A_1543 = arith.constant 1 : i32
        %get3A_1544 = arith.index_cast %get3A_1543 : i32 to index
        %get3A_1545 = arith.index_cast %add3A_1464 : i32 to index
        %get3A_1546 = arith.index_cast %add3A_1542 : i32 to index
        %get3A_1547 = tpu.vector_load %arg12[%get3A_1544, %get3A_1545, %get3A_1546] {strides = array<i32>} : memref<2x128x128xf32, #tpu.memory_space<vmem>>, vector<16xf32>,
        %swap3A_1548 = arith.constant 1 : i32
        %swap3A_1549 = arith.index_cast %swap3A_1548 : i32 to index
        %swap3A_1550 = arith.index_cast %add3A_1464 : i32 to index
        %swap3A_1551 = arith.constant 48 : index
        %swap3A_1552 = tpu.vector_load %arg14[%swap3A_1549, %swap3A_1550, %swap3A_1551] {strides = array<i32>} : memref<2x128x128xf32, #tpu.memory_space<vmem>>, vector<16xf32>,
        tpu.vector_store %arg14[%swap3A_1549, %swap3A_1550, %swap3A_1551], %get3A_1547 {strides = array<i32>} : memref<2x128x128xf32, #tpu.memory_space<vmem>>, vector<16xf32>,
        %add3A_1553 = arith.constant 48 : i32
        %add3A_1554 = arith.addi %squeeze3A_1468, %add3A_1553 : i32
        %get3A_1555 = arith.constant 1 : i32
        %get3A_1556 = arith.index_cast %get3A_1555 : i32 to index
        %get3A_1557 = arith.index_cast %add3A_1464 : i32 to index
        %get3A_1558 = arith.index_cast %add3A_1554 : i32 to index
        %get3A_1559 = tpu.vector_load %arg13[%get3A_1556, %get3A_1557, %get3A_1558] {strides = array<i32>} : memref<2x128x128xf32, #tpu.memory_space<vmem>>, vector<16xf32>,
        %swap3A_1560 = arith.constant 1 : i32
        %swap3A_1561 = arith.index_cast %swap3A_1560 : i32 to index
        %swap3A_1562 = arith.index_cast %add3A_1464 : i32 to index
        %swap3A_1563 = arith.constant 112 : index
        %swap3A_1564 = tpu.vector_load %arg14[%swap3A_1561, %swap3A_1562, %swap3A_1563] {strides = array<i32>} : memref<2x128x128xf32, #tpu.memory_space<vmem>>, vector<16xf32>,
        tpu.vector_store %arg14[%swap3A_1561, %swap3A_1562, %swap3A_1563], %get3A_1559 {strides = array<i32>} : memref<2x128x128xf32, #tpu.memory_space<vmem>>, vector<16xf32>,
        %mul3A_1565 = arith.constant 16 : i32
        %mul3A_1566 = arith.muli %scan3A_414, %mul3A_1565 : i32
        %add3A_1567 = arith.constant 11 : i32
        %add3A_1568 = arith.addi %mul3A_1566, %add3A_1567 : i32
        %slice3A_1569 = vector.extract_strided_slice %get3A_418 {offsets = [11], sizes = [1], strides = [1]} : vector<16xi32> to vector<1xi32>
        %squeeze3A_1570 = vector.extract %slice3A_1569[0] : i32 from vector<1xi32>
        %slice3A_1571 = vector.extract_strided_slice %get3A_423 {offsets = [11], sizes = [1], strides = [1]} : vector<16xi32> to vector<1xi32>
        %squeeze3A_1572 = vector.extract %slice3A_1571[0] : i32 from vector<1xi32>
        %add3A_1573 = arith.constant 0 : i32
        %add3A_1574 = arith.addi %squeeze3A_1570, %add3A_1573 : i32
        %get3A_1575 = arith.constant 1 : i32
        %get3A_1576 = arith.index_cast %get3A_1575 : i32 to index
        %get3A_1577 = arith.index_cast %add3A_1568 : i32 to index
        %get3A_1578 = arith.index_cast %add3A_1574 : i32 to index
        %get3A_1579 = tpu.vector_load %arg12[%get3A_1576, %get3A_1577, %get3A_1578] {strides = array<i32>} : memref<2x128x128xf32, #tpu.memory_space<vmem>>, vector<16xf32>,
        %swap3A_1580 = arith.constant 1 : i32
        %swap3A_1581 = arith.index_cast %swap3A_1580 : i32 to index
        %swap3A_1582 = arith.index_cast %add3A_1568 : i32 to index
        %swap3A_1583 = arith.constant 0 : index
        %swap3A_1584 = tpu.vector_load %arg14[%swap3A_1581, %swap3A_1582, %swap3A_1583] {strides = array<i32>} : memref<2x128x128xf32, #tpu.memory_space<vmem>>, vector<16xf32>,
        tpu.vector_store %arg14[%swap3A_1581, %swap3A_1582, %swap3A_1583], %get3A_1579 {strides = array<i32>} : memref<2x128x128xf32, #tpu.memory_space<vmem>>, vector<16xf32>,
        %add3A_1585 = arith.constant 0 : i32
        %add3A_1586 = arith.addi %squeeze3A_1572, %add3A_1585 : i32
        %get3A_1587 = arith.constant 1 : i32
        %get3A_1588 = arith.index_cast %get3A_1587 : i32 to index
        %get3A_1589 = arith.index_cast %add3A_1568 : i32 to index
        %get3A_1590 = arith.index_cast %add3A_1586 : i32 to index
        %get3A_1591 = tpu.vector_load %arg13[%get3A_1588, %get3A_1589, %get3A_1590] {strides = array<i32>} : memref<2x128x128xf32, #tpu.memory_space<vmem>>, vector<16xf32>,
        %swap3A_1592 = arith.constant 1 : i32
        %swap3A_1593 = arith.index_cast %swap3A_1592 : i32 to index
        %swap3A_1594 = arith.index_cast %add3A_1568 : i32 to index
        %swap3A_1595 = arith.constant 64 : index
        %swap3A_1596 = tpu.vector_load %arg14[%swap3A_1593, %swap3A_1594, %swap3A_1595] {strides = array<i32>} : memref<2x128x128xf32, #tpu.memory_space<vmem>>, vector<16xf32>,
        tpu.vector_store %arg14[%swap3A_1593, %swap3A_1594, %swap3A_1595], %get3A_1591 {strides = array<i32>} : memref<2x128x128xf32, #tpu.memory_space<vmem>>, vector<16xf32>,
        %add3A_1597 = arith.constant 16 : i32
        %add3A_1598 = arith.addi %squeeze3A_1570, %add3A_1597 : i32
        %get3A_1599 = arith.constant 1 : i32
        %get3A_1600 = arith.index_cast %get3A_1599 : i32 to index
        %get3A_1601 = arith.index_cast %add3A_1568 : i32 to index
        %get3A_1602 = arith.index_cast %add3A_1598 : i32 to index
        %get3A_1603 = tpu.vector_load %arg12[%get3A_1600, %get3A_1601, %get3A_1602] {strides = array<i32>} : memref<2x128x128xf32, #tpu.memory_space<vmem>>, vector<16xf32>,
        %swap3A_1604 = arith.constant 1 : i32
        %swap3A_1605 = arith.index_cast %swap3A_1604 : i32 to index
        %swap3A_1606 = arith.index_cast %add3A_1568 : i32 to index
        %swap3A_1607 = arith.constant 16 : index
        %swap3A_1608 = tpu.vector_load %arg14[%swap3A_1605, %swap3A_1606, %swap3A_1607] {strides = array<i32>} : memref<2x128x128xf32, #tpu.memory_space<vmem>>, vector<16xf32>,
        tpu.vector_store %arg14[%swap3A_1605, %swap3A_1606, %swap3A_1607], %get3A_1603 {strides = array<i32>} : memref<2x128x128xf32, #tpu.memory_space<vmem>>, vector<16xf32>,
        %add3A_1609 = arith.constant 16 : i32
        %add3A_1610 = arith.addi %squeeze3A_1572, %add3A_1609 : i32
        %get3A_1611 = arith.constant 1 : i32
        %get3A_1612 = arith.index_cast %get3A_1611 : i32 to index
        %get3A_1613 = arith.index_cast %add3A_1568 : i32 to index
        %get3A_1614 = arith.index_cast %add3A_1610 : i32 to index
        %get3A_1615 = tpu.vector_load %arg13[%get3A_1612, %get3A_1613, %get3A_1614] {strides = array<i32>} : memref<2x128x128xf32, #tpu.memory_space<vmem>>, vector<16xf32>,
        %swap3A_1616 = arith.constant 1 : i32
        %swap3A_1617 = arith.index_cast %swap3A_1616 : i32 to index
        %swap3A_1618 = arith.index_cast %add3A_1568 : i32 to index
        %swap3A_1619 = arith.constant 80 : index
        %swap3A_1620 = tpu.vector_load %arg14[%swap3A_1617, %swap3A_1618, %swap3A_1619] {strides = array<i32>} : memref<2x128x128xf32, #tpu.memory_space<vmem>>, vector<16xf32>,
        tpu.vector_store %arg14[%swap3A_1617, %swap3A_1618, %swap3A_1619], %get3A_1615 {strides = array<i32>} : memref<2x128x128xf32, #tpu.memory_space<vmem>>, vector<16xf32>,
        %add3A_1621 = arith.constant 32 : i32
        %add3A_1622 = arith.addi %squeeze3A_1570, %add3A_1621 : i32
        %get3A_1623 = arith.constant 1 : i32
        %get3A_1624 = arith.index_cast %get3A_1623 : i32 to index
        %get3A_1625 = arith.index_cast %add3A_1568 : i32 to index
        %get3A_1626 = arith.index_cast %add3A_1622 : i32 to index
        %get3A_1627 = tpu.vector_load %arg12[%get3A_1624, %get3A_1625, %get3A_1626] {strides = array<i32>} : memref<2x128x128xf32, #tpu.memory_space<vmem>>, vector<16xf32>,
        %swap3A_1628 = arith.constant 1 : i32
        %swap3A_1629 = arith.index_cast %swap3A_1628 : i32 to index
        %swap3A_1630 = arith.index_cast %add3A_1568 : i32 to index
        %swap3A_1631 = arith.constant 32 : index
        %swap3A_1632 = tpu.vector_load %arg14[%swap3A_1629, %swap3A_1630, %swap3A_1631] {strides = array<i32>} : memref<2x128x128xf32, #tpu.memory_space<vmem>>, vector<16xf32>,
        tpu.vector_store %arg14[%swap3A_1629, %swap3A_1630, %swap3A_1631], %get3A_1627 {strides = array<i32>} : memref<2x128x128xf32, #tpu.memory_space<vmem>>, vector<16xf32>,
        %add3A_1633 = arith.constant 32 : i32
        %add3A_1634 = arith.addi %squeeze3A_1572, %add3A_1633 : i32
        %get3A_1635 = arith.constant 1 : i32
        %get3A_1636 = arith.index_cast %get3A_1635 : i32 to index
        %get3A_1637 = arith.index_cast %add3A_1568 : i32 to index
        %get3A_1638 = arith.index_cast %add3A_1634 : i32 to index
        %get3A_1639 = tpu.vector_load %arg13[%get3A_1636, %get3A_1637, %get3A_1638] {strides = array<i32>} : memref<2x128x128xf32, #tpu.memory_space<vmem>>, vector<16xf32>,
        %swap3A_1640 = arith.constant 1 : i32
        %swap3A_1641 = arith.index_cast %swap3A_1640 : i32 to index
        %swap3A_1642 = arith.index_cast %add3A_1568 : i32 to index
        %swap3A_1643 = arith.constant 96 : index
        %swap3A_1644 = tpu.vector_load %arg14[%swap3A_1641, %swap3A_1642, %swap3A_1643] {strides = array<i32>} : memref<2x128x128xf32, #tpu.memory_space<vmem>>, vector<16xf32>,
        tpu.vector_store %arg14[%swap3A_1641, %swap3A_1642, %swap3A_1643], %get3A_1639 {strides = array<i32>} : memref<2x128x128xf32, #tpu.memory_space<vmem>>, vector<16xf32>,
        %add3A_1645 = arith.constant 48 : i32
        %add3A_1646 = arith.addi %squeeze3A_1570, %add3A_1645 : i32
        %get3A_1647 = arith.constant 1 : i32
        %get3A_1648 = arith.index_cast %get3A_1647 : i32 to index
        %get3A_1649 = arith.index_cast %add3A_1568 : i32 to index
        %get3A_1650 = arith.index_cast %add3A_1646 : i32 to index
        %get3A_1651 = tpu.vector_load %arg12[%get3A_1648, %get3A_1649, %get3A_1650] {strides = array<i32>} : memref<2x128x128xf32, #tpu.memory_space<vmem>>, vector<16xf32>,
        %swap3A_1652 = arith.constant 1 : i32
        %swap3A_1653 = arith.index_cast %swap3A_1652 : i32 to index
        %swap3A_1654 = arith.index_cast %add3A_1568 : i32 to index
        %swap3A_1655 = arith.constant 48 : index
        %swap3A_1656 = tpu.vector_load %arg14[%swap3A_1653, %swap3A_1654, %swap3A_1655] {strides = array<i32>} : memref<2x128x128xf32, #tpu.memory_space<vmem>>, vector<16xf32>,
        tpu.vector_store %arg14[%swap3A_1653, %swap3A_1654, %swap3A_1655], %get3A_1651 {strides = array<i32>} : memref<2x128x128xf32, #tpu.memory_space<vmem>>, vector<16xf32>,
        %add3A_1657 = arith.constant 48 : i32
        %add3A_1658 = arith.addi %squeeze3A_1572, %add3A_1657 : i32
        %get3A_1659 = arith.constant 1 : i32
        %get3A_1660 = arith.index_cast %get3A_1659 : i32 to index
        %get3A_1661 = arith.index_cast %add3A_1568 : i32 to index
        %get3A_1662 = arith.index_cast %add3A_1658 : i32 to index
        %get3A_1663 = tpu.vector_load %arg13[%get3A_1660, %get3A_1661, %get3A_1662] {strides = array<i32>} : memref<2x128x128xf32, #tpu.memory_space<vmem>>, vector<16xf32>,
        %swap3A_1664 = arith.constant 1 : i32
        %swap3A_1665 = arith.index_cast %swap3A_1664 : i32 to index
        %swap3A_1666 = arith.index_cast %add3A_1568 : i32 to index
        %swap3A_1667 = arith.constant 112 : index
        %swap3A_1668 = tpu.vector_load %arg14[%swap3A_1665, %swap3A_1666, %swap3A_1667] {strides = array<i32>} : memref<2x128x128xf32, #tpu.memory_space<vmem>>, vector<16xf32>,
        tpu.vector_store %arg14[%swap3A_1665, %swap3A_1666, %swap3A_1667], %get3A_1663 {strides = array<i32>} : memref<2x128x128xf32, #tpu.memory_space<vmem>>, vector<16xf32>,
        %mul3A_1669 = arith.constant 16 : i32
        %mul3A_1670 = arith.muli %scan3A_414, %mul3A_1669 : i32
        %add3A_1671 = arith.constant 12 : i32
        %add3A_1672 = arith.addi %mul3A_1670, %add3A_1671 : i32
        %slice3A_1673 = vector.extract_strided_slice %get3A_418 {offsets = [12], sizes = [1], strides = [1]} : vector<16xi32> to vector<1xi32>
        %squeeze3A_1674 = vector.extract %slice3A_1673[0] : i32 from vector<1xi32>
        %slice3A_1675 = vector.extract_strided_slice %get3A_423 {offsets = [12], sizes = [1], strides = [1]} : vector<16xi32> to vector<1xi32>
        %squeeze3A_1676 = vector.extract %slice3A_1675[0] : i32 from vector<1xi32>
        %add3A_1677 = arith.constant 0 : i32
        %add3A_1678 = arith.addi %squeeze3A_1674, %add3A_1677 : i32
        %get3A_1679 = arith.constant 1 : i32
        %get3A_1680 = arith.index_cast %get3A_1679 : i32 to index
        %get3A_1681 = arith.index_cast %add3A_1672 : i32 to index
        %get3A_1682 = arith.index_cast %add3A_1678 : i32 to index
        %get3A_1683 = tpu.vector_load %arg12[%get3A_1680, %get3A_1681, %get3A_1682] {strides = array<i32>} : memref<2x128x128xf32, #tpu.memory_space<vmem>>, vector<16xf32>,
        %swap3A_1684 = arith.constant 1 : i32
        %swap3A_1685 = arith.index_cast %swap3A_1684 : i32 to index
        %swap3A_1686 = arith.index_cast %add3A_1672 : i32 to index
        %swap3A_1687 = arith.constant 0 : index
        %swap3A_1688 = tpu.vector_load %arg14[%swap3A_1685, %swap3A_1686, %swap3A_1687] {strides = array<i32>} : memref<2x128x128xf32, #tpu.memory_space<vmem>>, vector<16xf32>,
        tpu.vector_store %arg14[%swap3A_1685, %swap3A_1686, %swap3A_1687], %get3A_1683 {strides = array<i32>} : memref<2x128x128xf32, #tpu.memory_space<vmem>>, vector<16xf32>,
        %add3A_1689 = arith.constant 0 : i32
        %add3A_1690 = arith.addi %squeeze3A_1676, %add3A_1689 : i32
        %get3A_1691 = arith.constant 1 : i32
        %get3A_1692 = arith.index_cast %get3A_1691 : i32 to index
        %get3A_1693 = arith.index_cast %add3A_1672 : i32 to index
        %get3A_1694 = arith.index_cast %add3A_1690 : i32 to index
        %get3A_1695 = tpu.vector_load %arg13[%get3A_1692, %get3A_1693, %get3A_1694] {strides = array<i32>} : memref<2x128x128xf32, #tpu.memory_space<vmem>>, vector<16xf32>,
        %swap3A_1696 = arith.constant 1 : i32
        %swap3A_1697 = arith.index_cast %swap3A_1696 : i32 to index
        %swap3A_1698 = arith.index_cast %add3A_1672 : i32 to index
        %swap3A_1699 = arith.constant 64 : index
        %swap3A_1700 = tpu.vector_load %arg14[%swap3A_1697, %swap3A_1698, %swap3A_1699] {strides = array<i32>} : memref<2x128x128xf32, #tpu.memory_space<vmem>>, vector<16xf32>,
        tpu.vector_store %arg14[%swap3A_1697, %swap3A_1698, %swap3A_1699], %get3A_1695 {strides = array<i32>} : memref<2x128x128xf32, #tpu.memory_space<vmem>>, vector<16xf32>,
        %add3A_1701 = arith.constant 16 : i32
        %add3A_1702 = arith.addi %squeeze3A_1674, %add3A_1701 : i32
        %get3A_1703 = arith.constant 1 : i32
        %get3A_1704 = arith.index_cast %get3A_1703 : i32 to index
        %get3A_1705 = arith.index_cast %add3A_1672 : i32 to index
        %get3A_1706 = arith.index_cast %add3A_1702 : i32 to index
        %get3A_1707 = tpu.vector_load %arg12[%get3A_1704, %get3A_1705, %get3A_1706] {strides = array<i32>} : memref<2x128x128xf32, #tpu.memory_space<vmem>>, vector<16xf32>,
        %swap3A_1708 = arith.constant 1 : i32
        %swap3A_1709 = arith.index_cast %swap3A_1708 : i32 to index
        %swap3A_1710 = arith.index_cast %add3A_1672 : i32 to index
        %swap3A_1711 = arith.constant 16 : index
        %swap3A_1712 = tpu.vector_load %arg14[%swap3A_1709, %swap3A_1710, %swap3A_1711] {strides = array<i32>} : memref<2x128x128xf32, #tpu.memory_space<vmem>>, vector<16xf32>,
        tpu.vector_store %arg14[%swap3A_1709, %swap3A_1710, %swap3A_1711], %get3A_1707 {strides = array<i32>} : memref<2x128x128xf32, #tpu.memory_space<vmem>>, vector<16xf32>,
        %add3A_1713 = arith.constant 16 : i32
        %add3A_1714 = arith.addi %squeeze3A_1676, %add3A_1713 : i32
        %get3A_1715 = arith.constant 1 : i32
        %get3A_1716 = arith.index_cast %get3A_1715 : i32 to index
        %get3A_1717 = arith.index_cast %add3A_1672 : i32 to index
        %get3A_1718 = arith.index_cast %add3A_1714 : i32 to index
        %get3A_1719 = tpu.vector_load %arg13[%get3A_1716, %get3A_1717, %get3A_1718] {strides = array<i32>} : memref<2x128x128xf32, #tpu.memory_space<vmem>>, vector<16xf32>,
        %swap3A_1720 = arith.constant 1 : i32
        %swap3A_1721 = arith.index_cast %swap3A_1720 : i32 to index
        %swap3A_1722 = arith.index_cast %add3A_1672 : i32 to index
        %swap3A_1723 = arith.constant 80 : index
        %swap3A_1724 = tpu.vector_load %arg14[%swap3A_1721, %swap3A_1722, %swap3A_1723] {strides = array<i32>} : memref<2x128x128xf32, #tpu.memory_space<vmem>>, vector<16xf32>,
        tpu.vector_store %arg14[%swap3A_1721, %swap3A_1722, %swap3A_1723], %get3A_1719 {strides = array<i32>} : memref<2x128x128xf32, #tpu.memory_space<vmem>>, vector<16xf32>,
        %add3A_1725 = arith.constant 32 : i32
        %add3A_1726 = arith.addi %squeeze3A_1674, %add3A_1725 : i32
        %get3A_1727 = arith.constant 1 : i32
        %get3A_1728 = arith.index_cast %get3A_1727 : i32 to index
        %get3A_1729 = arith.index_cast %add3A_1672 : i32 to index
        %get3A_1730 = arith.index_cast %add3A_1726 : i32 to index
        %get3A_1731 = tpu.vector_load %arg12[%get3A_1728, %get3A_1729, %get3A_1730] {strides = array<i32>} : memref<2x128x128xf32, #tpu.memory_space<vmem>>, vector<16xf32>,
        %swap3A_1732 = arith.constant 1 : i32
        %swap3A_1733 = arith.index_cast %swap3A_1732 : i32 to index
        %swap3A_1734 = arith.index_cast %add3A_1672 : i32 to index
        %swap3A_1735 = arith.constant 32 : index
        %swap3A_1736 = tpu.vector_load %arg14[%swap3A_1733, %swap3A_1734, %swap3A_1735] {strides = array<i32>} : memref<2x128x128xf32, #tpu.memory_space<vmem>>, vector<16xf32>,
        tpu.vector_store %arg14[%swap3A_1733, %swap3A_1734, %swap3A_1735], %get3A_1731 {strides = array<i32>} : memref<2x128x128xf32, #tpu.memory_space<vmem>>, vector<16xf32>,
        %add3A_1737 = arith.constant 32 : i32
        %add3A_1738 = arith.addi %squeeze3A_1676, %add3A_1737 : i32
        %get3A_1739 = arith.constant 1 : i32
        %get3A_1740 = arith.index_cast %get3A_1739 : i32 to index
        %get3A_1741 = arith.index_cast %add3A_1672 : i32 to index
        %get3A_1742 = arith.index_cast %add3A_1738 : i32 to index
        %get3A_1743 = tpu.vector_load %arg13[%get3A_1740, %get3A_1741, %get3A_1742] {strides = array<i32>} : memref<2x128x128xf32, #tpu.memory_space<vmem>>, vector<16xf32>,
        %swap3A_1744 = arith.constant 1 : i32
        %swap3A_1745 = arith.index_cast %swap3A_1744 : i32 to index
        %swap3A_1746 = arith.index_cast %add3A_1672 : i32 to index
        %swap3A_1747 = arith.constant 96 : index
        %swap3A_1748 = tpu.vector_load %arg14[%swap3A_1745, %swap3A_1746, %swap3A_1747] {strides = array<i32>} : memref<2x128x128xf32, #tpu.memory_space<vmem>>, vector<16xf32>,
        tpu.vector_store %arg14[%swap3A_1745, %swap3A_1746, %swap3A_1747], %get3A_1743 {strides = array<i32>} : memref<2x128x128xf32, #tpu.memory_space<vmem>>, vector<16xf32>,
        %add3A_1749 = arith.constant 48 : i32
        %add3A_1750 = arith.addi %squeeze3A_1674, %add3A_1749 : i32
        %get3A_1751 = arith.constant 1 : i32
        %get3A_1752 = arith.index_cast %get3A_1751 : i32 to index
        %get3A_1753 = arith.index_cast %add3A_1672 : i32 to index
        %get3A_1754 = arith.index_cast %add3A_1750 : i32 to index
        %get3A_1755 = tpu.vector_load %arg12[%get3A_1752, %get3A_1753, %get3A_1754] {strides = array<i32>} : memref<2x128x128xf32, #tpu.memory_space<vmem>>, vector<16xf32>,
        %swap3A_1756 = arith.constant 1 : i32
        %swap3A_1757 = arith.index_cast %swap3A_1756 : i32 to index
        %swap3A_1758 = arith.index_cast %add3A_1672 : i32 to index
        %swap3A_1759 = arith.constant 48 : index
        %swap3A_1760 = tpu.vector_load %arg14[%swap3A_1757, %swap3A_1758, %swap3A_1759] {strides = array<i32>} : memref<2x128x128xf32, #tpu.memory_space<vmem>>, vector<16xf32>,
        tpu.vector_store %arg14[%swap3A_1757, %swap3A_1758, %swap3A_1759], %get3A_1755 {strides = array<i32>} : memref<2x128x128xf32, #tpu.memory_space<vmem>>, vector<16xf32>,
        %add3A_1761 = arith.constant 48 : i32
        %add3A_1762 = arith.addi %squeeze3A_1676, %add3A_1761 : i32
        %get3A_1763 = arith.constant 1 : i32
        %get3A_1764 = arith.index_cast %get3A_1763 : i32 to index
        %get3A_1765 = arith.index_cast %add3A_1672 : i32 to index
        %get3A_1766 = arith.index_cast %add3A_1762 : i32 to index
        %get3A_1767 = tpu.vector_load %arg13[%get3A_1764, %get3A_1765, %get3A_1766] {strides = array<i32>} : memref<2x128x128xf32, #tpu.memory_space<vmem>>, vector<16xf32>,
        %swap3A_1768 = arith.constant 1 : i32
        %swap3A_1769 = arith.index_cast %swap3A_1768 : i32 to index
        %swap3A_1770 = arith.index_cast %add3A_1672 : i32 to index
        %swap3A_1771 = arith.constant 112 : index
        %swap3A_1772 = tpu.vector_load %arg14[%swap3A_1769, %swap3A_1770, %swap3A_1771] {strides = array<i32>} : memref<2x128x128xf32, #tpu.memory_space<vmem>>, vector<16xf32>,
        tpu.vector_store %arg14[%swap3A_1769, %swap3A_1770, %swap3A_1771], %get3A_1767 {strides = array<i32>} : memref<2x128x128xf32, #tpu.memory_space<vmem>>, vector<16xf32>,
        %mul3A_1773 = arith.constant 16 : i32
        %mul3A_1774 = arith.muli %scan3A_414, %mul3A_1773 : i32
        %add3A_1775 = arith.constant 13 : i32
        %add3A_1776 = arith.addi %mul3A_1774, %add3A_1775 : i32
        %slice3A_1777 = vector.extract_strided_slice %get3A_418 {offsets = [13], sizes = [1], strides = [1]} : vector<16xi32> to vector<1xi32>
        %squeeze3A_1778 = vector.extract %slice3A_1777[0] : i32 from vector<1xi32>
        %slice3A_1779 = vector.extract_strided_slice %get3A_423 {offsets = [13], sizes = [1], strides = [1]} : vector<16xi32> to vector<1xi32>
        %squeeze3A_1780 = vector.extract %slice3A_1779[0] : i32 from vector<1xi32>
        %add3A_1781 = arith.constant 0 : i32
        %add3A_1782 = arith.addi %squeeze3A_1778, %add3A_1781 : i32
        %get3A_1783 = arith.constant 1 : i32
        %get3A_1784 = arith.index_cast %get3A_1783 : i32 to index
        %get3A_1785 = arith.index_cast %add3A_1776 : i32 to index
        %get3A_1786 = arith.index_cast %add3A_1782 : i32 to index
        %get3A_1787 = tpu.vector_load %arg12[%get3A_1784, %get3A_1785, %get3A_1786] {strides = array<i32>} : memref<2x128x128xf32, #tpu.memory_space<vmem>>, vector<16xf32>,
        %swap3A_1788 = arith.constant 1 : i32
        %swap3A_1789 = arith.index_cast %swap3A_1788 : i32 to index
        %swap3A_1790 = arith.index_cast %add3A_1776 : i32 to index
        %swap3A_1791 = arith.constant 0 : index
        %swap3A_1792 = tpu.vector_load %arg14[%swap3A_1789, %swap3A_1790, %swap3A_1791] {strides = array<i32>} : memref<2x128x128xf32, #tpu.memory_space<vmem>>, vector<16xf32>,
        tpu.vector_store %arg14[%swap3A_1789, %swap3A_1790, %swap3A_1791], %get3A_1787 {strides = array<i32>} : memref<2x128x128xf32, #tpu.memory_space<vmem>>, vector<16xf32>,
        %add3A_1793 = arith.constant 0 : i32
        %add3A_1794 = arith.addi %squeeze3A_1780, %add3A_1793 : i32
        %get3A_1795 = arith.constant 1 : i32
        %get3A_1796 = arith.index_cast %get3A_1795 : i32 to index
        %get3A_1797 = arith.index_cast %add3A_1776 : i32 to index
        %get3A_1798 = arith.index_cast %add3A_1794 : i32 to index
        %get3A_1799 = tpu.vector_load %arg13[%get3A_1796, %get3A_1797, %get3A_1798] {strides = array<i32>} : memref<2x128x128xf32, #tpu.memory_space<vmem>>, vector<16xf32>,
        %swap3A_1800 = arith.constant 1 : i32
        %swap3A_1801 = arith.index_cast %swap3A_1800 : i32 to index
        %swap3A_1802 = arith.index_cast %add3A_1776 : i32 to index
        %swap3A_1803 = arith.constant 64 : index
        %swap3A_1804 = tpu.vector_load %arg14[%swap3A_1801, %swap3A_1802, %swap3A_1803] {strides = array<i32>} : memref<2x128x128xf32, #tpu.memory_space<vmem>>, vector<16xf32>,
        tpu.vector_store %arg14[%swap3A_1801, %swap3A_1802, %swap3A_1803], %get3A_1799 {strides = array<i32>} : memref<2x128x128xf32, #tpu.memory_space<vmem>>, vector<16xf32>,
        %add3A_1805 = arith.constant 16 : i32
        %add3A_1806 = arith.addi %squeeze3A_1778, %add3A_1805 : i32
        %get3A_1807 = arith.constant 1 : i32
        %get3A_1808 = arith.index_cast %get3A_1807 : i32 to index
        %get3A_1809 = arith.index_cast %add3A_1776 : i32 to index
        %get3A_1810 = arith.index_cast %add3A_1806 : i32 to index
        %get3A_1811 = tpu.vector_load %arg12[%get3A_1808, %get3A_1809, %get3A_1810] {strides = array<i32>} : memref<2x128x128xf32, #tpu.memory_space<vmem>>, vector<16xf32>,
        %swap3A_1812 = arith.constant 1 : i32
        %swap3A_1813 = arith.index_cast %swap3A_1812 : i32 to index
        %swap3A_1814 = arith.index_cast %add3A_1776 : i32 to index
        %swap3A_1815 = arith.constant 16 : index
        %swap3A_1816 = tpu.vector_load %arg14[%swap3A_1813, %swap3A_1814, %swap3A_1815] {strides = array<i32>} : memref<2x128x128xf32, #tpu.memory_space<vmem>>, vector<16xf32>,
        tpu.vector_store %arg14[%swap3A_1813, %swap3A_1814, %swap3A_1815], %get3A_1811 {strides = array<i32>} : memref<2x128x128xf32, #tpu.memory_space<vmem>>, vector<16xf32>,
        %add3A_1817 = arith.constant 16 : i32
        %add3A_1818 = arith.addi %squeeze3A_1780, %add3A_1817 : i32
        %get3A_1819 = arith.constant 1 : i32
        %get3A_1820 = arith.index_cast %get3A_1819 : i32 to index
        %get3A_1821 = arith.index_cast %add3A_1776 : i32 to index
        %get3A_1822 = arith.index_cast %add3A_1818 : i32 to index
        %get3A_1823 = tpu.vector_load %arg13[%get3A_1820, %get3A_1821, %get3A_1822] {strides = array<i32>} : memref<2x128x128xf32, #tpu.memory_space<vmem>>, vector<16xf32>,
        %swap3A_1824 = arith.constant 1 : i32
        %swap3A_1825 = arith.index_cast %swap3A_1824 : i32 to index
        %swap3A_1826 = arith.index_cast %add3A_1776 : i32 to index
        %swap3A_1827 = arith.constant 80 : index
        %swap3A_1828 = tpu.vector_load %arg14[%swap3A_1825, %swap3A_1826, %swap3A_1827] {strides = array<i32>} : memref<2x128x128xf32, #tpu.memory_space<vmem>>, vector<16xf32>,
        tpu.vector_store %arg14[%swap3A_1825, %swap3A_1826, %swap3A_1827], %get3A_1823 {strides = array<i32>} : memref<2x128x128xf32, #tpu.memory_space<vmem>>, vector<16xf32>,
        %add3A_1829 = arith.constant 32 : i32
        %add3A_1830 = arith.addi %squeeze3A_1778, %add3A_1829 : i32
        %get3A_1831 = arith.constant 1 : i32
        %get3A_1832 = arith.index_cast %get3A_1831 : i32 to index
        %get3A_1833 = arith.index_cast %add3A_1776 : i32 to index
        %get3A_1834 = arith.index_cast %add3A_1830 : i32 to index
        %get3A_1835 = tpu.vector_load %arg12[%get3A_1832, %get3A_1833, %get3A_1834] {strides = array<i32>} : memref<2x128x128xf32, #tpu.memory_space<vmem>>, vector<16xf32>,
        %swap3A_1836 = arith.constant 1 : i32
        %swap3A_1837 = arith.index_cast %swap3A_1836 : i32 to index
        %swap3A_1838 = arith.index_cast %add3A_1776 : i32 to index
        %swap3A_1839 = arith.constant 32 : index
        %swap3A_1840 = tpu.vector_load %arg14[%swap3A_1837, %swap3A_1838, %swap3A_1839] {strides = array<i32>} : memref<2x128x128xf32, #tpu.memory_space<vmem>>, vector<16xf32>,
        tpu.vector_store %arg14[%swap3A_1837, %swap3A_1838, %swap3A_1839], %get3A_1835 {strides = array<i32>} : memref<2x128x128xf32, #tpu.memory_space<vmem>>, vector<16xf32>,
        %add3A_1841 = arith.constant 32 : i32
        %add3A_1842 = arith.addi %squeeze3A_1780, %add3A_1841 : i32
        %get3A_1843 = arith.constant 1 : i32
        %get3A_1844 = arith.index_cast %get3A_1843 : i32 to index
        %get3A_1845 = arith.index_cast %add3A_1776 : i32 to index
        %get3A_1846 = arith.index_cast %add3A_1842 : i32 to index
        %get3A_1847 = tpu.vector_load %arg13[%get3A_1844, %get3A_1845, %get3A_1846] {strides = array<i32>} : memref<2x128x128xf32, #tpu.memory_space<vmem>>, vector<16xf32>,
        %swap3A_1848 = arith.constant 1 : i32
        %swap3A_1849 = arith.index_cast %swap3A_1848 : i32 to index
        %swap3A_1850 = arith.index_cast %add3A_1776 : i32 to index
        %swap3A_1851 = arith.constant 96 : index
        %swap3A_1852 = tpu.vector_load %arg14[%swap3A_1849, %swap3A_1850, %swap3A_1851] {strides = array<i32>} : memref<2x128x128xf32, #tpu.memory_space<vmem>>, vector<16xf32>,
        tpu.vector_store %arg14[%swap3A_1849, %swap3A_1850, %swap3A_1851], %get3A_1847 {strides = array<i32>} : memref<2x128x128xf32, #tpu.memory_space<vmem>>, vector<16xf32>,
        %add3A_1853 = arith.constant 48 : i32
        %add3A_1854 = arith.addi %squeeze3A_1778, %add3A_1853 : i32
        %get3A_1855 = arith.constant 1 : i32
        %get3A_1856 = arith.index_cast %get3A_1855 : i32 to index
        %get3A_1857 = arith.index_cast %add3A_1776 : i32 to index
        %get3A_1858 = arith.index_cast %add3A_1854 : i32 to index
        %get3A_1859 = tpu.vector_load %arg12[%get3A_1856, %get3A_1857, %get3A_1858] {strides = array<i32>} : memref<2x128x128xf32, #tpu.memory_space<vmem>>, vector<16xf32>,
        %swap3A_1860 = arith.constant 1 : i32
        %swap3A_1861 = arith.index_cast %swap3A_1860 : i32 to index
        %swap3A_1862 = arith.index_cast %add3A_1776 : i32 to index
        %swap3A_1863 = arith.constant 48 : index
        %swap3A_1864 = tpu.vector_load %arg14[%swap3A_1861, %swap3A_1862, %swap3A_1863] {strides = array<i32>} : memref<2x128x128xf32, #tpu.memory_space<vmem>>, vector<16xf32>,
        tpu.vector_store %arg14[%swap3A_1861, %swap3A_1862, %swap3A_1863], %get3A_1859 {strides = array<i32>} : memref<2x128x128xf32, #tpu.memory_space<vmem>>, vector<16xf32>,
        %add3A_1865 = arith.constant 48 : i32
        %add3A_1866 = arith.addi %squeeze3A_1780, %add3A_1865 : i32
        %get3A_1867 = arith.constant 1 : i32
        %get3A_1868 = arith.index_cast %get3A_1867 : i32 to index
        %get3A_1869 = arith.index_cast %add3A_1776 : i32 to index
        %get3A_1870 = arith.index_cast %add3A_1866 : i32 to index
        %get3A_1871 = tpu.vector_load %arg13[%get3A_1868, %get3A_1869, %get3A_1870] {strides = array<i32>} : memref<2x128x128xf32, #tpu.memory_space<vmem>>, vector<16xf32>,
        %swap3A_1872 = arith.constant 1 : i32
        %swap3A_1873 = arith.index_cast %swap3A_1872 : i32 to index
        %swap3A_1874 = arith.index_cast %add3A_1776 : i32 to index
        %swap3A_1875 = arith.constant 112 : index
        %swap3A_1876 = tpu.vector_load %arg14[%swap3A_1873, %swap3A_1874, %swap3A_1875] {strides = array<i32>} : memref<2x128x128xf32, #tpu.memory_space<vmem>>, vector<16xf32>,
        tpu.vector_store %arg14[%swap3A_1873, %swap3A_1874, %swap3A_1875], %get3A_1871 {strides = array<i32>} : memref<2x128x128xf32, #tpu.memory_space<vmem>>, vector<16xf32>,
        %mul3A_1877 = arith.constant 16 : i32
        %mul3A_1878 = arith.muli %scan3A_414, %mul3A_1877 : i32
        %add3A_1879 = arith.constant 14 : i32
        %add3A_1880 = arith.addi %mul3A_1878, %add3A_1879 : i32
        %slice3A_1881 = vector.extract_strided_slice %get3A_418 {offsets = [14], sizes = [1], strides = [1]} : vector<16xi32> to vector<1xi32>
        %squeeze3A_1882 = vector.extract %slice3A_1881[0] : i32 from vector<1xi32>
        %slice3A_1883 = vector.extract_strided_slice %get3A_423 {offsets = [14], sizes = [1], strides = [1]} : vector<16xi32> to vector<1xi32>
        %squeeze3A_1884 = vector.extract %slice3A_1883[0] : i32 from vector<1xi32>
        %add3A_1885 = arith.constant 0 : i32
        %add3A_1886 = arith.addi %squeeze3A_1882, %add3A_1885 : i32
        %get3A_1887 = arith.constant 1 : i32
        %get3A_1888 = arith.index_cast %get3A_1887 : i32 to index
        %get3A_1889 = arith.index_cast %add3A_1880 : i32 to index
        %get3A_1890 = arith.index_cast %add3A_1886 : i32 to index
        %get3A_1891 = tpu.vector_load %arg12[%get3A_1888, %get3A_1889, %get3A_1890] {strides = array<i32>} : memref<2x128x128xf32, #tpu.memory_space<vmem>>, vector<16xf32>,
        %swap3A_1892 = arith.constant 1 : i32
        %swap3A_1893 = arith.index_cast %swap3A_1892 : i32 to index
        %swap3A_1894 = arith.index_cast %add3A_1880 : i32 to index
        %swap3A_1895 = arith.constant 0 : index
        %swap3A_1896 = tpu.vector_load %arg14[%swap3A_1893, %swap3A_1894, %swap3A_1895] {strides = array<i32>} : memref<2x128x128xf32, #tpu.memory_space<vmem>>, vector<16xf32>,
        tpu.vector_store %arg14[%swap3A_1893, %swap3A_1894, %swap3A_1895], %get3A_1891 {strides = array<i32>} : memref<2x128x128xf32, #tpu.memory_space<vmem>>, vector<16xf32>,
        %add3A_1897 = arith.constant 0 : i32
        %add3A_1898 = arith.addi %squeeze3A_1884, %add3A_1897 : i32
        %get3A_1899 = arith.constant 1 : i32
        %get3A_1900 = arith.index_cast %get3A_1899 : i32 to index
        %get3A_1901 = arith.index_cast %add3A_1880 : i32 to index
        %get3A_1902 = arith.index_cast %add3A_1898 : i32 to index
        %get3A_1903 = tpu.vector_load %arg13[%get3A_1900, %get3A_1901, %get3A_1902] {strides = array<i32>} : memref<2x128x128xf32, #tpu.memory_space<vmem>>, vector<16xf32>,
        %swap3A_1904 = arith.constant 1 : i32
        %swap3A_1905 = arith.index_cast %swap3A_1904 : i32 to index
        %swap3A_1906 = arith.index_cast %add3A_1880 : i32 to index
        %swap3A_1907 = arith.constant 64 : index
        %swap3A_1908 = tpu.vector_load %arg14[%swap3A_1905, %swap3A_1906, %swap3A_1907] {strides = array<i32>} : memref<2x128x128xf32, #tpu.memory_space<vmem>>, vector<16xf32>,
        tpu.vector_store %arg14[%swap3A_1905, %swap3A_1906, %swap3A_1907], %get3A_1903 {strides = array<i32>} : memref<2x128x128xf32, #tpu.memory_space<vmem>>, vector<16xf32>,
        %add3A_1909 = arith.constant 16 : i32
        %add3A_1910 = arith.addi %squeeze3A_1882, %add3A_1909 : i32
        %get3A_1911 = arith.constant 1 : i32
        %get3A_1912 = arith.index_cast %get3A_1911 : i32 to index
        %get3A_1913 = arith.index_cast %add3A_1880 : i32 to index
        %get3A_1914 = arith.index_cast %add3A_1910 : i32 to index
        %get3A_1915 = tpu.vector_load %arg12[%get3A_1912, %get3A_1913, %get3A_1914] {strides = array<i32>} : memref<2x128x128xf32, #tpu.memory_space<vmem>>, vector<16xf32>,
        %swap3A_1916 = arith.constant 1 : i32
        %swap3A_1917 = arith.index_cast %swap3A_1916 : i32 to index
        %swap3A_1918 = arith.index_cast %add3A_1880 : i32 to index
        %swap3A_1919 = arith.constant 16 : index
        %swap3A_1920 = tpu.vector_load %arg14[%swap3A_1917, %swap3A_1918, %swap3A_1919] {strides = array<i32>} : memref<2x128x128xf32, #tpu.memory_space<vmem>>, vector<16xf32>,
        tpu.vector_store %arg14[%swap3A_1917, %swap3A_1918, %swap3A_1919], %get3A_1915 {strides = array<i32>} : memref<2x128x128xf32, #tpu.memory_space<vmem>>, vector<16xf32>,
        %add3A_1921 = arith.constant 16 : i32
        %add3A_1922 = arith.addi %squeeze3A_1884, %add3A_1921 : i32
        %get3A_1923 = arith.constant 1 : i32
        %get3A_1924 = arith.index_cast %get3A_1923 : i32 to index
        %get3A_1925 = arith.index_cast %add3A_1880 : i32 to index
        %get3A_1926 = arith.index_cast %add3A_1922 : i32 to index
        %get3A_1927 = tpu.vector_load %arg13[%get3A_1924, %get3A_1925, %get3A_1926] {strides = array<i32>} : memref<2x128x128xf32, #tpu.memory_space<vmem>>, vector<16xf32>,
        %swap3A_1928 = arith.constant 1 : i32
        %swap3A_1929 = arith.index_cast %swap3A_1928 : i32 to index
        %swap3A_1930 = arith.index_cast %add3A_1880 : i32 to index
        %swap3A_1931 = arith.constant 80 : index
        %swap3A_1932 = tpu.vector_load %arg14[%swap3A_1929, %swap3A_1930, %swap3A_1931] {strides = array<i32>} : memref<2x128x128xf32, #tpu.memory_space<vmem>>, vector<16xf32>,
        tpu.vector_store %arg14[%swap3A_1929, %swap3A_1930, %swap3A_1931], %get3A_1927 {strides = array<i32>} : memref<2x128x128xf32, #tpu.memory_space<vmem>>, vector<16xf32>,
        %add3A_1933 = arith.constant 32 : i32
        %add3A_1934 = arith.addi %squeeze3A_1882, %add3A_1933 : i32
        %get3A_1935 = arith.constant 1 : i32
        %get3A_1936 = arith.index_cast %get3A_1935 : i32 to index
        %get3A_1937 = arith.index_cast %add3A_1880 : i32 to index
        %get3A_1938 = arith.index_cast %add3A_1934 : i32 to index
        %get3A_1939 = tpu.vector_load %arg12[%get3A_1936, %get3A_1937, %get3A_1938] {strides = array<i32>} : memref<2x128x128xf32, #tpu.memory_space<vmem>>, vector<16xf32>,
        %swap3A_1940 = arith.constant 1 : i32
        %swap3A_1941 = arith.index_cast %swap3A_1940 : i32 to index
        %swap3A_1942 = arith.index_cast %add3A_1880 : i32 to index
        %swap3A_1943 = arith.constant 32 : index
        %swap3A_1944 = tpu.vector_load %arg14[%swap3A_1941, %swap3A_1942, %swap3A_1943] {strides = array<i32>} : memref<2x128x128xf32, #tpu.memory_space<vmem>>, vector<16xf32>,
        tpu.vector_store %arg14[%swap3A_1941, %swap3A_1942, %swap3A_1943], %get3A_1939 {strides = array<i32>} : memref<2x128x128xf32, #tpu.memory_space<vmem>>, vector<16xf32>,
        %add3A_1945 = arith.constant 32 : i32
        %add3A_1946 = arith.addi %squeeze3A_1884, %add3A_1945 : i32
        %get3A_1947 = arith.constant 1 : i32
        %get3A_1948 = arith.index_cast %get3A_1947 : i32 to index
        %get3A_1949 = arith.index_cast %add3A_1880 : i32 to index
        %get3A_1950 = arith.index_cast %add3A_1946 : i32 to index
        %get3A_1951 = tpu.vector_load %arg13[%get3A_1948, %get3A_1949, %get3A_1950] {strides = array<i32>} : memref<2x128x128xf32, #tpu.memory_space<vmem>>, vector<16xf32>,
        %swap3A_1952 = arith.constant 1 : i32
        %swap3A_1953 = arith.index_cast %swap3A_1952 : i32 to index
        %swap3A_1954 = arith.index_cast %add3A_1880 : i32 to index
        %swap3A_1955 = arith.constant 96 : index
        %swap3A_1956 = tpu.vector_load %arg14[%swap3A_1953, %swap3A_1954, %swap3A_1955] {strides = array<i32>} : memref<2x128x128xf32, #tpu.memory_space<vmem>>, vector<16xf32>,
        tpu.vector_store %arg14[%swap3A_1953, %swap3A_1954, %swap3A_1955], %get3A_1951 {strides = array<i32>} : memref<2x128x128xf32, #tpu.memory_space<vmem>>, vector<16xf32>,
        %add3A_1957 = arith.constant 48 : i32
        %add3A_1958 = arith.addi %squeeze3A_1882, %add3A_1957 : i32
        %get3A_1959 = arith.constant 1 : i32
        %get3A_1960 = arith.index_cast %get3A_1959 : i32 to index
        %get3A_1961 = arith.index_cast %add3A_1880 : i32 to index
        %get3A_1962 = arith.index_cast %add3A_1958 : i32 to index
        %get3A_1963 = tpu.vector_load %arg12[%get3A_1960, %get3A_1961, %get3A_1962] {strides = array<i32>} : memref<2x128x128xf32, #tpu.memory_space<vmem>>, vector<16xf32>,
        %swap3A_1964 = arith.constant 1 : i32
        %swap3A_1965 = arith.index_cast %swap3A_1964 : i32 to index
        %swap3A_1966 = arith.index_cast %add3A_1880 : i32 to index
        %swap3A_1967 = arith.constant 48 : index
        %swap3A_1968 = tpu.vector_load %arg14[%swap3A_1965, %swap3A_1966, %swap3A_1967] {strides = array<i32>} : memref<2x128x128xf32, #tpu.memory_space<vmem>>, vector<16xf32>,
        tpu.vector_store %arg14[%swap3A_1965, %swap3A_1966, %swap3A_1967], %get3A_1963 {strides = array<i32>} : memref<2x128x128xf32, #tpu.memory_space<vmem>>, vector<16xf32>,
        %add3A_1969 = arith.constant 48 : i32
        %add3A_1970 = arith.addi %squeeze3A_1884, %add3A_1969 : i32
        %get3A_1971 = arith.constant 1 : i32
        %get3A_1972 = arith.index_cast %get3A_1971 : i32 to index
        %get3A_1973 = arith.index_cast %add3A_1880 : i32 to index
        %get3A_1974 = arith.index_cast %add3A_1970 : i32 to index
        %get3A_1975 = tpu.vector_load %arg13[%get3A_1972, %get3A_1973, %get3A_1974] {strides = array<i32>} : memref<2x128x128xf32, #tpu.memory_space<vmem>>, vector<16xf32>,
        %swap3A_1976 = arith.constant 1 : i32
        %swap3A_1977 = arith.index_cast %swap3A_1976 : i32 to index
        %swap3A_1978 = arith.index_cast %add3A_1880 : i32 to index
        %swap3A_1979 = arith.constant 112 : index
        %swap3A_1980 = tpu.vector_load %arg14[%swap3A_1977, %swap3A_1978, %swap3A_1979] {strides = array<i32>} : memref<2x128x128xf32, #tpu.memory_space<vmem>>, vector<16xf32>,
        tpu.vector_store %arg14[%swap3A_1977, %swap3A_1978, %swap3A_1979], %get3A_1975 {strides = array<i32>} : memref<2x128x128xf32, #tpu.memory_space<vmem>>, vector<16xf32>,
        %mul3A_1981 = arith.constant 16 : i32
        %mul3A_1982 = arith.muli %scan3A_414, %mul3A_1981 : i32
        %add3A_1983 = arith.constant 15 : i32
        %add3A_1984 = arith.addi %mul3A_1982, %add3A_1983 : i32
        %slice3A_1985 = vector.extract_strided_slice %get3A_418 {offsets = [15], sizes = [1], strides = [1]} : vector<16xi32> to vector<1xi32>
        %squeeze3A_1986 = vector.extract %slice3A_1985[0] : i32 from vector<1xi32>
        %slice3A_1987 = vector.extract_strided_slice %get3A_423 {offsets = [15], sizes = [1], strides = [1]} : vector<16xi32> to vector<1xi32>
        %squeeze3A_1988 = vector.extract %slice3A_1987[0] : i32 from vector<1xi32>
        %add3A_1989 = arith.constant 0 : i32
        %add3A_1990 = arith.addi %squeeze3A_1986, %add3A_1989 : i32
        %get3A_1991 = arith.constant 1 : i32
        %get3A_1992 = arith.index_cast %get3A_1991 : i32 to index
        %get3A_1993 = arith.index_cast %add3A_1984 : i32 to index
        %get3A_1994 = arith.index_cast %add3A_1990 : i32 to index
        %get3A_1995 = tpu.vector_load %arg12[%get3A_1992, %get3A_1993, %get3A_1994] {strides = array<i32>} : memref<2x128x128xf32, #tpu.memory_space<vmem>>, vector<16xf32>,
        %swap3A_1996 = arith.constant 1 : i32
        %swap3A_1997 = arith.index_cast %swap3A_1996 : i32 to index
        %swap3A_1998 = arith.index_cast %add3A_1984 : i32 to index
        %swap3A_1999 = arith.constant 0 : index
        %swap3A_2000 = tpu.vector_load %arg14[%swap3A_1997, %swap3A_1998, %swap3A_1999] {strides = array<i32>} : memref<2x128x128xf32, #tpu.memory_space<vmem>>, vector<16xf32>,
        tpu.vector_store %arg14[%swap3A_1997, %swap3A_1998, %swap3A_1999], %get3A_1995 {strides = array<i32>} : memref<2x128x128xf32, #tpu.memory_space<vmem>>, vector<16xf32>,
        %add3A_2001 = arith.constant 0 : i32
        %add3A_2002 = arith.addi %squeeze3A_1988, %add3A_2001 : i32
        %get3A_2003 = arith.constant 1 : i32
        %get3A_2004 = arith.index_cast %get3A_2003 : i32 to index
        %get3A_2005 = arith.index_cast %add3A_1984 : i32 to index
        %get3A_2006 = arith.index_cast %add3A_2002 : i32 to index
        %get3A_2007 = tpu.vector_load %arg13[%get3A_2004, %get3A_2005, %get3A_2006] {strides = array<i32>} : memref<2x128x128xf32, #tpu.memory_space<vmem>>, vector<16xf32>,
        %swap3A_2008 = arith.constant 1 : i32
        %swap3A_2009 = arith.index_cast %swap3A_2008 : i32 to index
        %swap3A_2010 = arith.index_cast %add3A_1984 : i32 to index
        %swap3A_2011 = arith.constant 64 : index
        %swap3A_2012 = tpu.vector_load %arg14[%swap3A_2009, %swap3A_2010, %swap3A_2011] {strides = array<i32>} : memref<2x128x128xf32, #tpu.memory_space<vmem>>, vector<16xf32>,
        tpu.vector_store %arg14[%swap3A_2009, %swap3A_2010, %swap3A_2011], %get3A_2007 {strides = array<i32>} : memref<2x128x128xf32, #tpu.memory_space<vmem>>, vector<16xf32>,
        %add3A_2013 = arith.constant 16 : i32
        %add3A_2014 = arith.addi %squeeze3A_1986, %add3A_2013 : i32
        %get3A_2015 = arith.constant 1 : i32
        %get3A_2016 = arith.index_cast %get3A_2015 : i32 to index
        %get3A_2017 = arith.index_cast %add3A_1984 : i32 to index
        %get3A_2018 = arith.index_cast %add3A_2014 : i32 to index
        %get3A_2019 = tpu.vector_load %arg12[%get3A_2016, %get3A_2017, %get3A_2018] {strides = array<i32>} : memref<2x128x128xf32, #tpu.memory_space<vmem>>, vector<16xf32>,
        %swap3A_2020 = arith.constant 1 : i32
        %swap3A_2021 = arith.index_cast %swap3A_2020 : i32 to index
        %swap3A_2022 = arith.index_cast %add3A_1984 : i32 to index
        %swap3A_2023 = arith.constant 16 : index
        %swap3A_2024 = tpu.vector_load %arg14[%swap3A_2021, %swap3A_2022, %swap3A_2023] {strides = array<i32>} : memref<2x128x128xf32, #tpu.memory_space<vmem>>, vector<16xf32>,
        tpu.vector_store %arg14[%swap3A_2021, %swap3A_2022, %swap3A_2023], %get3A_2019 {strides = array<i32>} : memref<2x128x128xf32, #tpu.memory_space<vmem>>, vector<16xf32>,
        %add3A_2025 = arith.constant 16 : i32
        %add3A_2026 = arith.addi %squeeze3A_1988, %add3A_2025 : i32
        %get3A_2027 = arith.constant 1 : i32
        %get3A_2028 = arith.index_cast %get3A_2027 : i32 to index
        %get3A_2029 = arith.index_cast %add3A_1984 : i32 to index
        %get3A_2030 = arith.index_cast %add3A_2026 : i32 to index
        %get3A_2031 = tpu.vector_load %arg13[%get3A_2028, %get3A_2029, %get3A_2030] {strides = array<i32>} : memref<2x128x128xf32, #tpu.memory_space<vmem>>, vector<16xf32>,
        %swap3A_2032 = arith.constant 1 : i32
        %swap3A_2033 = arith.index_cast %swap3A_2032 : i32 to index
        %swap3A_2034 = arith.index_cast %add3A_1984 : i32 to index
        %swap3A_2035 = arith.constant 80 : index
        %swap3A_2036 = tpu.vector_load %arg14[%swap3A_2033, %swap3A_2034, %swap3A_2035] {strides = array<i32>} : memref<2x128x128xf32, #tpu.memory_space<vmem>>, vector<16xf32>,
        tpu.vector_store %arg14[%swap3A_2033, %swap3A_2034, %swap3A_2035], %get3A_2031 {strides = array<i32>} : memref<2x128x128xf32, #tpu.memory_space<vmem>>, vector<16xf32>,
        %add3A_2037 = arith.constant 32 : i32
        %add3A_2038 = arith.addi %squeeze3A_1986, %add3A_2037 : i32
        %get3A_2039 = arith.constant 1 : i32
        %get3A_2040 = arith.index_cast %get3A_2039 : i32 to index
        %get3A_2041 = arith.index_cast %add3A_1984 : i32 to index
        %get3A_2042 = arith.index_cast %add3A_2038 : i32 to index
        %get3A_2043 = tpu.vector_load %arg12[%get3A_2040, %get3A_2041, %get3A_2042] {strides = array<i32>} : memref<2x128x128xf32, #tpu.memory_space<vmem>>, vector<16xf32>,
        %swap3A_2044 = arith.constant 1 : i32
        %swap3A_2045 = arith.index_cast %swap3A_2044 : i32 to index
        %swap3A_2046 = arith.index_cast %add3A_1984 : i32 to index
        %swap3A_2047 = arith.constant 32 : index
        %swap3A_2048 = tpu.vector_load %arg14[%swap3A_2045, %swap3A_2046, %swap3A_2047] {strides = array<i32>} : memref<2x128x128xf32, #tpu.memory_space<vmem>>, vector<16xf32>,
        tpu.vector_store %arg14[%swap3A_2045, %swap3A_2046, %swap3A_2047], %get3A_2043 {strides = array<i32>} : memref<2x128x128xf32, #tpu.memory_space<vmem>>, vector<16xf32>,
        %add3A_2049 = arith.constant 32 : i32
        %add3A_2050 = arith.addi %squeeze3A_1988, %add3A_2049 : i32
        %get3A_2051 = arith.constant 1 : i32
        %get3A_2052 = arith.index_cast %get3A_2051 : i32 to index
        %get3A_2053 = arith.index_cast %add3A_1984 : i32 to index
        %get3A_2054 = arith.index_cast %add3A_2050 : i32 to index
        %get3A_2055 = tpu.vector_load %arg13[%get3A_2052, %get3A_2053, %get3A_2054] {strides = array<i32>} : memref<2x128x128xf32, #tpu.memory_space<vmem>>, vector<16xf32>,
        %swap3A_2056 = arith.constant 1 : i32
        %swap3A_2057 = arith.index_cast %swap3A_2056 : i32 to index
        %swap3A_2058 = arith.index_cast %add3A_1984 : i32 to index
        %swap3A_2059 = arith.constant 96 : index
        %swap3A_2060 = tpu.vector_load %arg14[%swap3A_2057, %swap3A_2058, %swap3A_2059] {strides = array<i32>} : memref<2x128x128xf32, #tpu.memory_space<vmem>>, vector<16xf32>,
        tpu.vector_store %arg14[%swap3A_2057, %swap3A_2058, %swap3A_2059], %get3A_2055 {strides = array<i32>} : memref<2x128x128xf32, #tpu.memory_space<vmem>>, vector<16xf32>,
        %add3A_2061 = arith.constant 48 : i32
        %add3A_2062 = arith.addi %squeeze3A_1986, %add3A_2061 : i32
        %get3A_2063 = arith.constant 1 : i32
        %get3A_2064 = arith.index_cast %get3A_2063 : i32 to index
        %get3A_2065 = arith.index_cast %add3A_1984 : i32 to index
        %get3A_2066 = arith.index_cast %add3A_2062 : i32 to index
        %get3A_2067 = tpu.vector_load %arg12[%get3A_2064, %get3A_2065, %get3A_2066] {strides = array<i32>} : memref<2x128x128xf32, #tpu.memory_space<vmem>>, vector<16xf32>,
        %swap3A_2068 = arith.constant 1 : i32
        %swap3A_2069 = arith.index_cast %swap3A_2068 : i32 to index
        %swap3A_2070 = arith.index_cast %add3A_1984 : i32 to index
        %swap3A_2071 = arith.constant 48 : index
        %swap3A_2072 = tpu.vector_load %arg14[%swap3A_2069, %swap3A_2070, %swap3A_2071] {strides = array<i32>} : memref<2x128x128xf32, #tpu.memory_space<vmem>>, vector<16xf32>,
        tpu.vector_store %arg14[%swap3A_2069, %swap3A_2070, %swap3A_2071], %get3A_2067 {strides = array<i32>} : memref<2x128x128xf32, #tpu.memory_space<vmem>>, vector<16xf32>,
        %add3A_2073 = arith.constant 48 : i32
        %add3A_2074 = arith.addi %squeeze3A_1988, %add3A_2073 : i32
        %get3A_2075 = arith.constant 1 : i32
        %get3A_2076 = arith.index_cast %get3A_2075 : i32 to index
        %get3A_2077 = arith.index_cast %add3A_1984 : i32 to index
        %get3A_2078 = arith.index_cast %add3A_2074 : i32 to index
        %get3A_2079 = tpu.vector_load %arg13[%get3A_2076, %get3A_2077, %get3A_2078] {strides = array<i32>} : memref<2x128x128xf32, #tpu.memory_space<vmem>>, vector<16xf32>,
        %swap3A_2080 = arith.constant 1 : i32
        %swap3A_2081 = arith.index_cast %swap3A_2080 : i32 to index
        %swap3A_2082 = arith.index_cast %add3A_1984 : i32 to index
        %swap3A_2083 = arith.constant 112 : index
        %swap3A_2084 = tpu.vector_load %arg14[%swap3A_2081, %swap3A_2082, %swap3A_2083] {strides = array<i32>} : memref<2x128x128xf32, #tpu.memory_space<vmem>>, vector<16xf32>,
        tpu.vector_store %arg14[%swap3A_2081, %swap3A_2082, %swap3A_2083], %get3A_2079 {strides = array<i32>} : memref<2x128x128xf32, #tpu.memory_space<vmem>>, vector<16xf32>,
      }
      %scan3A_364 = arith.constant 8 : i32
      %mul3A_365 = arith.constant 128 : i32
      %mul3A_366 = arith.muli %add3A_272, %mul3A_365 : i32
      %add3A_367 = arith.addi %mul3A_2, %mul3A_366 : i32
      %dma_start3A_368 = arith.constant 1 : i32
      %dma_start3A_369 = arith.constant 0 : i32
      %dma_start3A_370 = arith.constant 0 : i32
      %dma_start3A_371 = tpu.memref_slice %arg14[%dma_start3A_368, %dma_start3A_369, %dma_start3A_370] : memref<2x128x128xf32, #tpu.memory_space<vmem>> -> memref<1x128x128xf32, #tpu.memory_space<vmem>>
      %dma_start3A_372 = tpu.memref_squeeze %dma_start3A_371 : memref<1x128x128xf32, #tpu.memory_space<vmem>> -> memref<128x128xf32, #tpu.memory_space<vmem>>
      %dma_start3A_373 = arith.constant 0 : i32
      %dma_start3A_374 = tpu.memref_slice %arg7[%add3A_367, %dma_start3A_373] : memref<409600x128xf32, #tpu.memory_space<hbm>> -> memref<128x128xf32, #tpu.memory_space<hbm>>
      %dma_start3A_375 = arith.constant 0 : i32
      %dma_start3A_376 = tpu.memref_slice %arg7[%add3A_367, %dma_start3A_375] : memref<409600x128xf32, #tpu.memory_space<hbm>> -> memref<128x128xf32, #tpu.memory_space<hbm>>
      %dma_start3A_377 = arith.constant 0 : i32
      %dma_start3A_378 = arith.constant 0 : i32
      %dma_start3A_379 = tpu.memref_slice %arg14[%dma_start3A_368, %dma_start3A_377, %dma_start3A_378] : memref<2x128x128xf32, #tpu.memory_space<vmem>> -> memref<1x128x128xf32, #tpu.memory_space<vmem>>
      %dma_start3A_380 = tpu.memref_squeeze %dma_start3A_379 : memref<1x128x128xf32, #tpu.memory_space<vmem>> -> memref<128x128xf32, #tpu.memory_space<vmem>>
      tpu.enqueue_dma source(%dma_start3A_380 : memref<128x128xf32, #tpu.memory_space<vmem>>) target(%dma_start3A_376 : memref<128x128xf32, #tpu.memory_space<hbm>>) target_semaphore(%arg20 : memref<!tpu.dma_semaphore, #tpu.memory_space<semaphore_mem>>)
      %jit3A_381 = arith.constant 10 : i32
      %eq3A_382 = arith.constant 0 : i32
      %eq3A_383 = arith.cmpi eq, %jit3A_381, %eq3A_382 : i32
      %jit3A_384 = arith.constant 1 : i32
      %select_n3A_385 = arith.select %eq3A_383, %jit3A_384, %jit3A_381 : i32
      %rem3A_386 = arith.remsi %add3A_272, %select_n3A_385 : i32
      %ne3A_387 = arith.constant 0 : i32
      %ne3A_388 = arith.cmpi ne, %rem3A_386, %ne3A_387 : i32
      %lt3A_389 = arith.constant 0 : i32
      %lt3A_390 = arith.cmpi slt, %rem3A_386, %lt3A_389 : i32
      %lt3A_391 = arith.constant 0 : i32
      %lt3A_392 = arith.cmpi slt, %select_n3A_385, %lt3A_391 : i32
      %ne3A_393 = arith.xori %lt3A_390, %lt3A_392 : i1
      %and3A_394 = arith.andi %ne3A_393, %ne3A_388 : i1
      %add3A_395 = arith.addi %rem3A_386, %select_n3A_385 : i32
      %select_n3A_396 = arith.select %and3A_394, %add3A_395, %rem3A_386 : i32
      %eq3A_397 = arith.constant 0 : i32
      %eq3A_398 = arith.cmpi eq, %select_n3A_396, %eq3A_397 : i32
      %add3A_399 = arith.constant 10 : i32
      %add3A_400 = arith.addi %add3A_272, %add3A_399 : i32
      %lt3A_401 = arith.constant 100 : i32
      %lt3A_402 = arith.cmpi slt, %add3A_400, %lt3A_401 : i32
      %and3A_403 = arith.andi %eq3A_398, %lt3A_402 : i1
      %convert_element_type3A_404 = arith.extui %and3A_403 : i1 to i32
      %cond3A_405 = arith.constant 0 : i32
      %cond3A_406 = arith.cmpi ne, %convert_element_type3A_404, %cond3A_405 : i32
      scf.if %cond3A_406 {
        %jit3A_414 = arith.constant 10 : i32
        %div3A_415 = arith.divsi %add3A_272, %jit3A_414 : i32
        %sign3A_416 = arith.constant 0 : i32
        %sign3A_417 = arith.cmpi sgt, %add3A_272, %sign3A_416 : i32
        %sign3A_418 = arith.extui %sign3A_417 : i1 to i32
        %sign3A_419 = arith.constant 0 : i32
        %sign3A_420 = arith.cmpi slt, %add3A_272, %sign3A_419 : i32
        %sign3A_421 = arith.extui %sign3A_420 : i1 to i32
        %sign3A_422 = arith.subi %sign3A_418, %sign3A_421 : i32
        %sign3A_423 = arith.constant 0 : i32
        %sign3A_424 = arith.cmpi sgt, %jit3A_414, %sign3A_423 : i32
        %sign3A_425 = arith.extui %sign3A_424 : i1 to i32
        %sign3A_426 = arith.constant 0 : i32
        %sign3A_427 = arith.cmpi slt, %jit3A_414, %sign3A_426 : i32
        %sign3A_428 = arith.extui %sign3A_427 : i1 to i32
        %sign3A_429 = arith.subi %sign3A_425, %sign3A_428 : i32
        %ne3A_430 = arith.cmpi ne, %sign3A_422, %sign3A_429 : i32
        %rem3A_431 = arith.remsi %add3A_272, %jit3A_414 : i32
        %ne3A_432 = arith.constant 0 : i32
        %ne3A_433 = arith.cmpi ne, %rem3A_431, %ne3A_432 : i32
        %and3A_434 = arith.andi %ne3A_430, %ne3A_433 : i1
        %sub3A_435 = arith.constant 1 : i32
        %sub3A_436 = arith.subi %div3A_415, %sub3A_435 : i32
        %select_n3A_437 = arith.select %and3A_434, %sub3A_436, %div3A_415 : i32
        %add3A_438 = arith.constant 1 : i32
        %add3A_439 = arith.addi %select_n3A_437, %add3A_438 : i32
        %jit3A_440 = arith.constant 2 : i32
        %eq3A_441 = arith.constant 0 : i32
        %eq3A_442 = arith.cmpi eq, %jit3A_440, %eq3A_441 : i32
        %jit3A_443 = arith.constant 1 : i32
        %select_n3A_444 = arith.select %eq3A_442, %jit3A_443, %jit3A_440 : i32
        %rem3A_445 = arith.remsi %add3A_439, %select_n3A_444 : i32
        %ne3A_446 = arith.constant 0 : i32
        %ne3A_447 = arith.cmpi ne, %rem3A_445, %ne3A_446 : i32
        %lt3A_448 = arith.constant 0 : i32
        %lt3A_449 = arith.cmpi slt, %rem3A_445, %lt3A_448 : i32
        %lt3A_450 = arith.constant 0 : i32
        %lt3A_451 = arith.cmpi slt, %select_n3A_444, %lt3A_450 : i32
        %ne3A_452 = arith.xori %lt3A_449, %lt3A_451 : i1
        %and3A_453 = arith.andi %ne3A_452, %ne3A_447 : i1
        %add3A_454 = arith.addi %rem3A_445, %select_n3A_444 : i32
        %select_n3A_455 = arith.select %and3A_453, %add3A_454, %rem3A_445 : i32
        %mul3A_456 = arith.constant 1280 : i32
        %mul3A_457 = arith.muli %select_n3A_455, %mul3A_456 : i32
        %mul3A_458 = arith.constant 1280 : i32
        %mul3A_459 = arith.muli %add3A_439, %mul3A_458 : i32
        %add3A_460 = arith.addi %mul3A_2, %mul3A_459 : i32
        %dma_start3A_461 = tpu.memref_slice %arg8[%mul3A_457] : memref<2560xi32, #tpu.memory_space<vmem>> -> memref<1280xi32, #tpu.memory_space<vmem>>
        %dma_start3A_462 = tpu.memref_slice %arg2[%add3A_460] : memref<409600xi32, #tpu.memory_space<hbm>> -> memref<1280xi32, #tpu.memory_space<hbm>>
        %dma_start3A_463 = tpu.memref_slice %arg8[%mul3A_457] : memref<2560xi32, #tpu.memory_space<vmem>> -> memref<1280xi32, #tpu.memory_space<vmem>>
        %dma_start3A_464 = tpu.memref_slice %arg2[%add3A_460] : memref<409600xi32, #tpu.memory_space<hbm>> -> memref<1280xi32, #tpu.memory_space<hbm>>
        tpu.enqueue_dma source(%dma_start3A_464 : memref<1280xi32, #tpu.memory_space<hbm>>) target(%dma_start3A_463 : memref<1280xi32, #tpu.memory_space<vmem>>) target_semaphore(%arg21 : memref<!tpu.dma_semaphore, #tpu.memory_space<semaphore_mem>>)
        %dma_start3A_465 = tpu.memref_slice %arg9[%mul3A_457] : memref<2560xi32, #tpu.memory_space<vmem>> -> memref<1280xi32, #tpu.memory_space<vmem>>
        %dma_start3A_466 = tpu.memref_slice %arg3[%add3A_460] : memref<409600xi32, #tpu.memory_space<hbm>> -> memref<1280xi32, #tpu.memory_space<hbm>>
        %dma_start3A_467 = tpu.memref_slice %arg9[%mul3A_457] : memref<2560xi32, #tpu.memory_space<vmem>> -> memref<1280xi32, #tpu.memory_space<vmem>>
        %dma_start3A_468 = tpu.memref_slice %arg3[%add3A_460] : memref<409600xi32, #tpu.memory_space<hbm>> -> memref<1280xi32, #tpu.memory_space<hbm>>
        tpu.enqueue_dma source(%dma_start3A_468 : memref<1280xi32, #tpu.memory_space<hbm>>) target(%dma_start3A_467 : memref<1280xi32, #tpu.memory_space<vmem>>) target_semaphore(%arg21 : memref<!tpu.dma_semaphore, #tpu.memory_space<semaphore_mem>>)
        %dma_start3A_469 = tpu.memref_slice %arg10[%mul3A_457] : memref<2560xi32, #tpu.memory_space<vmem>> -> memref<1280xi32, #tpu.memory_space<vmem>>
        %dma_start3A_470 = tpu.memref_slice %arg4[%add3A_460] : memref<409600xi32, #tpu.memory_space<hbm>> -> memref<1280xi32, #tpu.memory_space<hbm>>
        %dma_start3A_471 = tpu.memref_slice %arg10[%mul3A_457] : memref<2560xi32, #tpu.memory_space<vmem>> -> memref<1280xi32, #tpu.memory_space<vmem>>
        %dma_start3A_472 = tpu.memref_slice %arg4[%add3A_460] : memref<409600xi32, #tpu.memory_space<hbm>> -> memref<1280xi32, #tpu.memory_space<hbm>>
        tpu.enqueue_dma source(%dma_start3A_472 : memref<1280xi32, #tpu.memory_space<hbm>>) target(%dma_start3A_471 : memref<1280xi32, #tpu.memory_space<vmem>>) target_semaphore(%arg21 : memref<!tpu.dma_semaphore, #tpu.memory_space<semaphore_mem>>)
        %dma_start3A_473 = tpu.memref_slice %arg11[%mul3A_457] : memref<2560xi32, #tpu.memory_space<vmem>> -> memref<1280xi32, #tpu.memory_space<vmem>>
        %dma_start3A_474 = tpu.memref_slice %arg5[%add3A_460] : memref<409600xi32, #tpu.memory_space<hbm>> -> memref<1280xi32, #tpu.memory_space<hbm>>
        %dma_start3A_475 = tpu.memref_slice %arg11[%mul3A_457] : memref<2560xi32, #tpu.memory_space<vmem>> -> memref<1280xi32, #tpu.memory_space<vmem>>
        %dma_start3A_476 = tpu.memref_slice %arg5[%add3A_460] : memref<409600xi32, #tpu.memory_space<hbm>> -> memref<1280xi32, #tpu.memory_space<hbm>>
        tpu.enqueue_dma source(%dma_start3A_476 : memref<1280xi32, #tpu.memory_space<hbm>>) target(%dma_start3A_475 : memref<1280xi32, #tpu.memory_space<vmem>>) target_semaphore(%arg21 : memref<!tpu.dma_semaphore, #tpu.memory_space<semaphore_mem>>)
      } else {
      }
      %add3A_407 = arith.constant 2 : i32
      %add3A_408 = arith.addi %add3A_272, %add3A_407 : i32
      %lt3A_409 = arith.constant 100 : i32
      %lt3A_410 = arith.cmpi slt, %add3A_408, %lt3A_409 : i32
      %convert_element_type3A_411 = arith.extui %lt3A_410 : i1 to i32
      %cond3A_412 = arith.constant 0 : i32
      %cond3A_413 = arith.cmpi ne, %convert_element_type3A_411, %cond3A_412 : i32
      scf.if %cond3A_413 {
        %add3A_414 = arith.constant 2 : i32
        %add3A_415 = arith.addi %add3A_272, %add3A_414 : i32
        %jit3A_416 = arith.constant 10 : i32
        %eq3A_417 = arith.constant 0 : i32
        %eq3A_418 = arith.cmpi eq, %jit3A_416, %eq3A_417 : i32
        %jit3A_419 = arith.constant 1 : i32
        %select_n3A_420 = arith.select %eq3A_418, %jit3A_419, %jit3A_416 : i32
        %rem3A_421 = arith.remsi %add3A_415, %select_n3A_420 : i32
        %ne3A_422 = arith.constant 0 : i32
        %ne3A_423 = arith.cmpi ne, %rem3A_421, %ne3A_422 : i32
        %lt3A_424 = arith.constant 0 : i32
        %lt3A_425 = arith.cmpi slt, %rem3A_421, %lt3A_424 : i32
        %lt3A_426 = arith.constant 0 : i32
        %lt3A_427 = arith.cmpi slt, %select_n3A_420, %lt3A_426 : i32
        %ne3A_428 = arith.xori %lt3A_425, %lt3A_427 : i1
        %and3A_429 = arith.andi %ne3A_428, %ne3A_423 : i1
        %add3A_430 = arith.addi %rem3A_421, %select_n3A_420 : i32
        %select_n3A_431 = arith.select %and3A_429, %add3A_430, %rem3A_421 : i32
        %eq3A_432 = arith.constant 0 : i32
        %eq3A_433 = arith.cmpi eq, %select_n3A_431, %eq3A_432 : i32
        %gt3A = arith.constant 0 : i32
        %gt3A_434 = arith.cmpi sgt, %add3A_415, %gt3A : i32
        %and3A_435 = arith.andi %eq3A_433, %gt3A_434 : i1
        %convert_element_type3A_436 = arith.extui %and3A_435 : i1 to i32
        %cond3A_437 = arith.constant 0 : i32
        %cond3A_438 = arith.cmpi ne, %convert_element_type3A_436, %cond3A_437 : i32
        scf.if %cond3A_438 {
          %jit3A_518 = arith.constant 10 : i32
          %div3A_519 = arith.divsi %add3A_415, %jit3A_518 : i32
          %sign3A_520 = arith.constant 0 : i32
          %sign3A_521 = arith.cmpi sgt, %add3A_415, %sign3A_520 : i32
          %sign3A_522 = arith.extui %sign3A_521 : i1 to i32
          %sign3A_523 = arith.constant 0 : i32
          %sign3A_524 = arith.cmpi slt, %add3A_415, %sign3A_523 : i32
          %sign3A_525 = arith.extui %sign3A_524 : i1 to i32
          %sign3A_526 = arith.subi %sign3A_522, %sign3A_525 : i32
          %sign3A_527 = arith.constant 0 : i32
          %sign3A_528 = arith.cmpi sgt, %jit3A_518, %sign3A_527 : i32
          %sign3A_529 = arith.extui %sign3A_528 : i1 to i32
          %sign3A_530 = arith.constant 0 : i32
          %sign3A_531 = arith.cmpi slt, %jit3A_518, %sign3A_530 : i32
          %sign3A_532 = arith.extui %sign3A_531 : i1 to i32
          %sign3A_533 = arith.subi %sign3A_529, %sign3A_532 : i32
          %ne3A_534 = arith.cmpi ne, %sign3A_526, %sign3A_533 : i32
          %rem3A_535 = arith.remsi %add3A_415, %jit3A_518 : i32
          %ne3A_536 = arith.constant 0 : i32
          %ne3A_537 = arith.cmpi ne, %rem3A_535, %ne3A_536 : i32
          %and3A_538 = arith.andi %ne3A_534, %ne3A_537 : i1
          %sub3A_539 = arith.constant 1 : i32
          %sub3A_540 = arith.subi %div3A_519, %sub3A_539 : i32
          %select_n3A_541 = arith.select %and3A_538, %sub3A_540, %div3A_519 : i32
          %jit3A_542 = arith.constant 2 : i32
          %eq3A_543 = arith.constant 0 : i32
          %eq3A_544 = arith.cmpi eq, %jit3A_542, %eq3A_543 : i32
          %jit3A_545 = arith.constant 1 : i32
          %select_n3A_546 = arith.select %eq3A_544, %jit3A_545, %jit3A_542 : i32
          %rem3A_547 = arith.remsi %select_n3A_541, %select_n3A_546 : i32
          %ne3A_548 = arith.constant 0 : i32
          %ne3A_549 = arith.cmpi ne, %rem3A_547, %ne3A_548 : i32
          %lt3A_550 = arith.constant 0 : i32
          %lt3A_551 = arith.cmpi slt, %rem3A_547, %lt3A_550 : i32
          %lt3A_552 = arith.constant 0 : i32
          %lt3A_553 = arith.cmpi slt, %select_n3A_546, %lt3A_552 : i32
          %ne3A_554 = arith.xori %lt3A_551, %lt3A_553 : i1
          %and3A_555 = arith.andi %ne3A_554, %ne3A_549 : i1
          %add3A_556 = arith.addi %rem3A_547, %select_n3A_546 : i32
          %select_n3A_557 = arith.select %and3A_555, %add3A_556, %rem3A_547 : i32
          %mul3A_558 = arith.constant 1280 : i32
          %mul3A_559 = arith.muli %select_n3A_557, %mul3A_558 : i32
          %mul3A_560 = arith.constant 1280 : i32
          %mul3A_561 = arith.muli %select_n3A_541, %mul3A_560 : i32
          %add3A_562 = arith.addi %mul3A_2, %mul3A_561 : i32
          %dma_wait3A_563 = tpu.memref_slice %arg8[%mul3A_559] : memref<2560xi32, #tpu.memory_space<vmem>> -> memref<1280xi32, #tpu.memory_space<vmem>>
          %dma_wait3A_564 = tpu.memref_slice %arg2[%add3A_562] : memref<409600xi32, #tpu.memory_space<hbm>> -> memref<1280xi32, #tpu.memory_space<hbm>>
          %dma_wait3A_565 = tpu.memref_slice %arg8[%mul3A_559] : memref<2560xi32, #tpu.memory_space<vmem>> -> memref<1280xi32, #tpu.memory_space<vmem>>
          %dma_wait3A_566 = tpu.memref_slice %arg2[%add3A_562] : memref<409600xi32, #tpu.memory_space<hbm>> -> memref<1280xi32, #tpu.memory_space<hbm>>
          tpu.wait_dma2 semaphore(%arg21 : memref<!tpu.dma_semaphore, #tpu.memory_space<semaphore_mem>>) src(%dma_wait3A_566 : memref<1280xi32, #tpu.memory_space<hbm>>) dst(%dma_wait3A_565 : memref<1280xi32, #tpu.memory_space<vmem>>)
          %dma_wait3A_567 = tpu.memref_slice %arg9[%mul3A_559] : memref<2560xi32, #tpu.memory_space<vmem>> -> memref<1280xi32, #tpu.memory_space<vmem>>
          %dma_wait3A_568 = tpu.memref_slice %arg3[%add3A_562] : memref<409600xi32, #tpu.memory_space<hbm>> -> memref<1280xi32, #tpu.memory_space<hbm>>
          %dma_wait3A_569 = tpu.memref_slice %arg9[%mul3A_559] : memref<2560xi32, #tpu.memory_space<vmem>> -> memref<1280xi32, #tpu.memory_space<vmem>>
          %dma_wait3A_570 = tpu.memref_slice %arg3[%add3A_562] : memref<409600xi32, #tpu.memory_space<hbm>> -> memref<1280xi32, #tpu.memory_space<hbm>>
          tpu.wait_dma2 semaphore(%arg21 : memref<!tpu.dma_semaphore, #tpu.memory_space<semaphore_mem>>) src(%dma_wait3A_570 : memref<1280xi32, #tpu.memory_space<hbm>>) dst(%dma_wait3A_569 : memref<1280xi32, #tpu.memory_space<vmem>>)
          %dma_wait3A_571 = tpu.memref_slice %arg10[%mul3A_559] : memref<2560xi32, #tpu.memory_space<vmem>> -> memref<1280xi32, #tpu.memory_space<vmem>>
          %dma_wait3A_572 = tpu.memref_slice %arg4[%add3A_562] : memref<409600xi32, #tpu.memory_space<hbm>> -> memref<1280xi32, #tpu.memory_space<hbm>>
          %dma_wait3A_573 = tpu.memref_slice %arg10[%mul3A_559] : memref<2560xi32, #tpu.memory_space<vmem>> -> memref<1280xi32, #tpu.memory_space<vmem>>
          %dma_wait3A_574 = tpu.memref_slice %arg4[%add3A_562] : memref<409600xi32, #tpu.memory_space<hbm>> -> memref<1280xi32, #tpu.memory_space<hbm>>
          tpu.wait_dma2 semaphore(%arg21 : memref<!tpu.dma_semaphore, #tpu.memory_space<semaphore_mem>>) src(%dma_wait3A_574 : memref<1280xi32, #tpu.memory_space<hbm>>) dst(%dma_wait3A_573 : memref<1280xi32, #tpu.memory_space<vmem>>)
          %dma_wait3A_575 = tpu.memref_slice %arg11[%mul3A_559] : memref<2560xi32, #tpu.memory_space<vmem>> -> memref<1280xi32, #tpu.memory_space<vmem>>
          %dma_wait3A_576 = tpu.memref_slice %arg5[%add3A_562] : memref<409600xi32, #tpu.memory_space<hbm>> -> memref<1280xi32, #tpu.memory_space<hbm>>
          %dma_wait3A_577 = tpu.memref_slice %arg11[%mul3A_559] : memref<2560xi32, #tpu.memory_space<vmem>> -> memref<1280xi32, #tpu.memory_space<vmem>>
          %dma_wait3A_578 = tpu.memref_slice %arg5[%add3A_562] : memref<409600xi32, #tpu.memory_space<hbm>> -> memref<1280xi32, #tpu.memory_space<hbm>>
          tpu.wait_dma2 semaphore(%arg21 : memref<!tpu.dma_semaphore, #tpu.memory_space<semaphore_mem>>) src(%dma_wait3A_578 : memref<1280xi32, #tpu.memory_space<hbm>>) dst(%dma_wait3A_577 : memref<1280xi32, #tpu.memory_space<vmem>>)
        } else {
        }
        %jit3A_439 = arith.constant 10 : i32
        %div3A_440 = arith.divsi %add3A_415, %jit3A_439 : i32
        %sign3A_441 = arith.constant 0 : i32
        %sign3A_442 = arith.cmpi sgt, %add3A_415, %sign3A_441 : i32
        %sign3A_443 = arith.extui %sign3A_442 : i1 to i32
        %sign3A_444 = arith.constant 0 : i32
        %sign3A_445 = arith.cmpi slt, %add3A_415, %sign3A_444 : i32
        %sign3A_446 = arith.extui %sign3A_445 : i1 to i32
        %sign3A_447 = arith.subi %sign3A_443, %sign3A_446 : i32
        %sign3A_448 = arith.constant 0 : i32
        %sign3A_449 = arith.cmpi sgt, %jit3A_439, %sign3A_448 : i32
        %sign3A_450 = arith.extui %sign3A_449 : i1 to i32
        %sign3A_451 = arith.constant 0 : i32
        %sign3A_452 = arith.cmpi slt, %jit3A_439, %sign3A_451 : i32
        %sign3A_453 = arith.extui %sign3A_452 : i1 to i32
        %sign3A_454 = arith.subi %sign3A_450, %sign3A_453 : i32
        %ne3A_455 = arith.cmpi ne, %sign3A_447, %sign3A_454 : i32
        %rem3A_456 = arith.remsi %add3A_415, %jit3A_439 : i32
        %ne3A_457 = arith.constant 0 : i32
        %ne3A_458 = arith.cmpi ne, %rem3A_456, %ne3A_457 : i32
        %and3A_459 = arith.andi %ne3A_455, %ne3A_458 : i1
        %sub3A_460 = arith.constant 1 : i32
        %sub3A_461 = arith.subi %div3A_440, %sub3A_460 : i32
        %select_n3A_462 = arith.select %and3A_459, %sub3A_461, %div3A_440 : i32
        %jit3A_463 = arith.constant 2 : i32
        %eq3A_464 = arith.constant 0 : i32
        %eq3A_465 = arith.cmpi eq, %jit3A_463, %eq3A_464 : i32
        %jit3A_466 = arith.constant 1 : i32
        %select_n3A_467 = arith.select %eq3A_465, %jit3A_466, %jit3A_463 : i32
        %rem3A_468 = arith.remsi %select_n3A_462, %select_n3A_467 : i32
        %ne3A_469 = arith.constant 0 : i32
        %ne3A_470 = arith.cmpi ne, %rem3A_468, %ne3A_469 : i32
        %lt3A_471 = arith.constant 0 : i32
        %lt3A_472 = arith.cmpi slt, %rem3A_468, %lt3A_471 : i32
        %lt3A_473 = arith.constant 0 : i32
        %lt3A_474 = arith.cmpi slt, %select_n3A_467, %lt3A_473 : i32
        %ne3A_475 = arith.xori %lt3A_472, %lt3A_474 : i1
        %and3A_476 = arith.andi %ne3A_475, %ne3A_470 : i1
        %add3A_477 = arith.addi %rem3A_468, %select_n3A_467 : i32
        %select_n3A_478 = arith.select %and3A_476, %add3A_477, %rem3A_468 : i32
        %mul3A_479 = arith.constant 1280 : i32
        %mul3A_480 = arith.muli %select_n3A_478, %mul3A_479 : i32
        %jit3A_481 = arith.constant 10 : i32
        %eq3A_482 = arith.constant 0 : i32
        %eq3A_483 = arith.cmpi eq, %jit3A_481, %eq3A_482 : i32
        %jit3A_484 = arith.constant 1 : i32
        %select_n3A_485 = arith.select %eq3A_483, %jit3A_484, %jit3A_481 : i32
        %rem3A_486 = arith.remsi %add3A_415, %select_n3A_485 : i32
        %ne3A_487 = arith.constant 0 : i32
        %ne3A_488 = arith.cmpi ne, %rem3A_486, %ne3A_487 : i32
        %lt3A_489 = arith.constant 0 : i32
        %lt3A_490 = arith.cmpi slt, %rem3A_486, %lt3A_489 : i32
        %lt3A_491 = arith.constant 0 : i32
        %lt3A_492 = arith.cmpi slt, %select_n3A_485, %lt3A_491 : i32
        %ne3A_493 = arith.xori %lt3A_490, %lt3A_492 : i1
        %and3A_494 = arith.andi %ne3A_493, %ne3A_488 : i1
        %add3A_495 = arith.addi %rem3A_486, %select_n3A_485 : i32
        %select_n3A_496 = arith.select %and3A_494, %add3A_495, %rem3A_486 : i32
        %mul3A_497 = arith.constant 128 : i32
        %mul3A_498 = arith.muli %select_n3A_496, %mul3A_497 : i32
        %add3A_499 = arith.addi %mul3A_480, %mul3A_498 : i32
        %dma_start3A_500 = arith.constant 1 : i32
        %dma_start3A_501 = arith.constant 0 : i32
        %dma_start3A_502 = arith.constant 0 : i32
        %dma_start3A_503 = tpu.memref_slice %arg12[%dma_start3A_500, %dma_start3A_501, %dma_start3A_502] : memref<2x128x128xf32, #tpu.memory_space<vmem>> -> memref<1x128x128xf32, #tpu.memory_space<vmem>>
        %dma_start3A_504 = tpu.memref_squeeze %dma_start3A_503 : memref<1x128x128xf32, #tpu.memory_space<vmem>> -> memref<128x128xf32, #tpu.memory_space<vmem>>
        %dma_start3A_505 = tpu.memref_slice %arg8[%add3A_499] : memref<2560xi32, #tpu.memory_space<vmem>> -> memref<128xi32, #tpu.memory_space<vmem>>
        %dma_start3A_506 = arith.constant 0 : i32
        %dma_start3A_507 = arith.constant 0 : i32
        %dma_start3A_508 = tpu.memref_slice %arg6[%dma_start3A_506, %dma_start3A_507] : memref<500000x128xf32, #tpu.memory_space<hbm>> -> memref<500000x128xf32, #tpu.memory_space<hbm>>
        tpu.enqueue_indirect_dma source(%dma_start3A_508 : memref<500000x128xf32, #tpu.memory_space<hbm>>) target(%dma_start3A_504 : memref<128x128xf32, #tpu.memory_space<vmem>>) offsets(%dma_start3A_505 : memref<128xi32, #tpu.memory_space<vmem>>) semaphore(%arg16 : memref<!tpu.dma_semaphore, #tpu.memory_space<semaphore_mem>>)
        %dma_start3A_509 = arith.constant 1 : i32
        %dma_start3A_510 = arith.constant 0 : i32
        %dma_start3A_511 = arith.constant 0 : i32
        %dma_start3A_512 = tpu.memref_slice %arg13[%dma_start3A_509, %dma_start3A_510, %dma_start3A_511] : memref<2x128x128xf32, #tpu.memory_space<vmem>> -> memref<1x128x128xf32, #tpu.memory_space<vmem>>
        %dma_start3A_513 = tpu.memref_squeeze %dma_start3A_512 : memref<1x128x128xf32, #tpu.memory_space<vmem>> -> memref<128x128xf32, #tpu.memory_space<vmem>>
        %dma_start3A_514 = tpu.memref_slice %arg9[%add3A_499] : memref<2560xi32, #tpu.memory_space<vmem>> -> memref<128xi32, #tpu.memory_space<vmem>>
        %dma_start3A_515 = arith.constant 0 : i32
        %dma_start3A_516 = arith.constant 0 : i32
        %dma_start3A_517 = tpu.memref_slice %arg6[%dma_start3A_515, %dma_start3A_516] : memref<500000x128xf32, #tpu.memory_space<hbm>> -> memref<500000x128xf32, #tpu.memory_space<hbm>>
        tpu.enqueue_indirect_dma source(%dma_start3A_517 : memref<500000x128xf32, #tpu.memory_space<hbm>>) target(%dma_start3A_513 : memref<128x128xf32, #tpu.memory_space<vmem>>) offsets(%dma_start3A_514 : memref<128xi32, #tpu.memory_space<vmem>>) semaphore(%arg18 : memref<!tpu.dma_semaphore, #tpu.memory_space<semaphore_mem>>)
      } else {
      }
    }
    %scan3A_106 = arith.constant 50 : i32
    %dma_wait3A_107 = arith.constant 0 : i32
    %dma_wait3A_108 = arith.constant 0 : i32
    %dma_wait3A_109 = arith.constant 0 : i32
    %dma_wait3A_110 = tpu.memref_slice %arg14[%dma_wait3A_107, %dma_wait3A_108, %dma_wait3A_109] : memref<2x128x128xf32, #tpu.memory_space<vmem>> -> memref<1x128x128xf32, #tpu.memory_space<vmem>>
    %dma_wait3A_111 = tpu.memref_squeeze %dma_wait3A_110 : memref<1x128x128xf32, #tpu.memory_space<vmem>> -> memref<128x128xf32, #tpu.memory_space<vmem>>
    %dma_wait3A_112 = arith.constant 0 : i32
    %dma_wait3A_113 = tpu.memref_slice %arg7[%mul3A_2, %dma_wait3A_112] : memref<409600x128xf32, #tpu.memory_space<hbm>> -> memref<128x128xf32, #tpu.memory_space<hbm>>
    %dma_wait3A_114 = arith.constant 0 : i32
    %dma_wait3A_115 = tpu.memref_slice %arg7[%mul3A_2, %dma_wait3A_114] : memref<409600x128xf32, #tpu.memory_space<hbm>> -> memref<128x128xf32, #tpu.memory_space<hbm>>
    %dma_wait3A_116 = arith.constant 0 : i32
    %dma_wait3A_117 = arith.constant 0 : i32
    %dma_wait3A_118 = tpu.memref_slice %arg14[%dma_wait3A_107, %dma_wait3A_116, %dma_wait3A_117] : memref<2x128x128xf32, #tpu.memory_space<vmem>> -> memref<1x128x128xf32, #tpu.memory_space<vmem>>
    %dma_wait3A_119 = tpu.memref_squeeze %dma_wait3A_118 : memref<1x128x128xf32, #tpu.memory_space<vmem>> -> memref<128x128xf32, #tpu.memory_space<vmem>>
    tpu.wait_dma2 semaphore(%arg19 : memref<!tpu.dma_semaphore, #tpu.memory_space<semaphore_mem>>) src(%dma_wait3A_119 : memref<128x128xf32, #tpu.memory_space<vmem>>) dst(%dma_wait3A_115 : memref<128x128xf32, #tpu.memory_space<hbm>>)
    %dma_wait3A_120 = arith.constant 1 : i32
    %dma_wait3A_121 = arith.constant 0 : i32
    %dma_wait3A_122 = arith.constant 0 : i32
    %dma_wait3A_123 = tpu.memref_slice %arg14[%dma_wait3A_120, %dma_wait3A_121, %dma_wait3A_122] : memref<2x128x128xf32, #tpu.memory_space<vmem>> -> memref<1x128x128xf32, #tpu.memory_space<vmem>>
    %dma_wait3A_124 = tpu.memref_squeeze %dma_wait3A_123 : memref<1x128x128xf32, #tpu.memory_space<vmem>> -> memref<128x128xf32, #tpu.memory_space<vmem>>
    %dma_wait3A_125 = arith.constant 0 : i32
    %dma_wait3A_126 = tpu.memref_slice %arg7[%mul3A_2, %dma_wait3A_125] : memref<409600x128xf32, #tpu.memory_space<hbm>> -> memref<128x128xf32, #tpu.memory_space<hbm>>
    %dma_wait3A_127 = arith.constant 0 : i32
    %dma_wait3A_128 = tpu.memref_slice %arg7[%mul3A_2, %dma_wait3A_127] : memref<409600x128xf32, #tpu.memory_space<hbm>> -> memref<128x128xf32, #tpu.memory_space<hbm>>
    %dma_wait3A_129 = arith.constant 0 : i32
    %dma_wait3A_130 = arith.constant 0 : i32
    %dma_wait3A_131 = tpu.memref_slice %arg14[%dma_wait3A_120, %dma_wait3A_129, %dma_wait3A_130] : memref<2x128x128xf32, #tpu.memory_space<vmem>> -> memref<1x128x128xf32, #tpu.memory_space<vmem>>
    %dma_wait3A_132 = tpu.memref_squeeze %dma_wait3A_131 : memref<1x128x128xf32, #tpu.memory_space<vmem>> -> memref<128x128xf32, #tpu.memory_space<vmem>>
    tpu.wait_dma2 semaphore(%arg20 : memref<!tpu.dma_semaphore, #tpu.memory_space<semaphore_mem>>) src(%dma_wait3A_132 : memref<128x128xf32, #tpu.memory_space<vmem>>) dst(%dma_wait3A_128 : memref<128x128xf32, #tpu.memory_space<hbm>>)
    return
  }
}

module attributes {stable_mosaic.version = 14 : i64} {
  func.func @_mm_body(%arg0: i32, %arg1: i32, %arg2: memref<2048x128xf32, #tpu.memory_space<vmem>>, %arg3: memref<1x128x128xf32, #tpu.memory_space<vmem>>, %arg4: memref<1x128xf32, #tpu.memory_space<vmem>>, %arg5: memref<2048x128xf32, #tpu.memory_space<vmem>>) attributes {dimension_semantics = [#tpu.dimension_semantics<arbitrary>, #tpu.dimension_semantics<arbitrary>], iteration_bounds = array<i64: 200, 2>, scalar_prefetch = 0 : i64, scratch_operands = 0 : i64, tpu.core_type = #tpu.core_type<tc>, window_params = [{transform_indices = @transform_0, window_bounds = array<i64: 2048, 128>}, {transform_indices = @transform_1, window_bounds = array<i64: 1, 128, 128>}, {pipeline_mode = #tpu.pipeline_mode<synchronous>, transform_indices = @transform_2, window_bounds = array<i64: 1, 128>}, {transform_indices = @transform_3, window_bounds = array<i64: 2048, 128>}]} {
    %get3A = arith.constant 0 : index
    %get3A_0 = arith.constant 0 : index
    %get3A_1 = vector.load %arg2[%get3A, %get3A_0] : memref<2048x128xf32, #tpu.memory_space<vmem>>, vector<2048x128xf32>
    %get3A_2 = arith.constant 0 : index
    %get3A_3 = arith.constant 0 : index
    %get3A_4 = arith.constant 0 : index
    %get3A_5 = vector.load %arg3[%get3A_2, %get3A_3, %get3A_4] : memref<1x128x128xf32, #tpu.memory_space<vmem>>, vector<1x128x128xf32>
    %get3A_6 = vector.shape_cast %get3A_5 : vector<1x128x128xf32> to vector<128x128xf32>
    %dot_general3A = arith.constant dense<0.000000e+00> : vector<2048x128xf32>
    %dot_general3A_7 = tpu.matmul %get3A_1, %get3A_6, %dot_general3A {dimension_numbers = #tpu.dot_dimension_numbers<[1], [0], [0], [1], [0, 0, 1, 1], [], []>, transpose_lhs_hint = false} : vector<2048x128xf32>, vector<128x128xf32>, vector<2048x128xf32> -> vector<2048x128xf32>
    %get3A_8 = arith.constant 0 : index
    %get3A_9 = arith.constant 0 : index
    %get3A_10 = vector.load %arg4[%get3A_8, %get3A_9] : memref<1x128xf32, #tpu.memory_space<vmem>>, vector<1x128xf32>
    %add3A = vector.broadcast %get3A_10 : vector<1x128xf32> to vector<2048x128xf32>
    %add3A_11 = arith.addf %dot_general3A_7, %add3A : vector<2048x128xf32>
    %swap3A = arith.constant 0 : index
    %swap3A_12 = arith.constant 0 : index
    %swap3A_13 = vector.load %arg5[%swap3A, %swap3A_12] : memref<2048x128xf32, #tpu.memory_space<vmem>>, vector<2048x128xf32>
    tpu.vector_store %arg5[%swap3A, %swap3A_12], %add3A_11 {strides = array<i32>} : memref<2048x128xf32, #tpu.memory_space<vmem>>, vector<2048x128xf32>,
    return
  }
  func.func @transform_0(%arg0: i32, %arg1: i32) -> (i32, i32) {
    %c0_i32 = arith.constant 0 : i32
    %c0_i32_0 = arith.constant 0 : i32
    return %arg0, %c0_i32 : i32, i32
  }
  func.func @transform_1(%arg0: i32, %arg1: i32) -> (i32, i32, i32) {
    %c0_i32 = arith.constant 0 : i32
    %c0_i32_0 = arith.constant 0 : i32
    %c0_i32_1 = arith.constant 0 : i32
    return %arg1, %c0_i32, %c0_i32_0 : i32, i32, i32
  }
  func.func @transform_2(%arg0: i32, %arg1: i32) -> (i32, i32) {
    %c0_i32 = arith.constant 0 : i32
    %c0_i32_0 = arith.constant 0 : i32
    %c0_i32_1 = arith.constant 0 : i32
    return %c0_i32, %c0_i32_0 : i32, i32
  }
  func.func @transform_3(%arg0: i32, %arg1: i32) -> (i32, i32) {
    %mul3A = arith.constant 200 : i32
    %mul3A_0 = arith.muli %arg1, %mul3A : i32
    %add3A = arith.addi %mul3A_0, %arg0 : i32
    %c0_i32 = arith.constant 0 : i32
    %c0_i32_1 = arith.constant 0 : i32
    return %add3A, %c0_i32 : i32, i32
  }
}

</mosaic_0001>

<sc_bundles>
// kernel: kernel.4.cloned.1.call-start
scs
__scs_entry_jumppad:
0x0: {  	(pc) =	sbr.rel $0x88, $3  }
0x1: {  	(tag) =	ssettag $0x0;
	lr =	simm.s32 $0x1  }
0x2: {  	[smem:$0x3F9D] =	sst lr;
	_ =	strace $0xD0000000  }
0x3: {  	_ = 	snop  }
0x4: {  	_ = 	snop  }
0x5: {  	_ = 	snop  }
0x6: {  	_ = 	snop  }
0x7: {  	_ = 	snop  }
__scs_overlays_trampoline_lowered:
0x8: {  	[smem:$0x3FAC] =	sst s0  }
0x9: {  	[smem:$0x3FAD] =	sst s1  }
0xa: {  	[smem:$0x3FAE] =	sst s2  }
0xb: {  	[smem:$0x3FAF] =	sst s3  }
0xc: {  	[smem:$0x3FB0] =	sst s4  }
0xd: {  	[smem:$0x3FB1] =	sst s5  }
0xe: {  	[smem:$0x3FB2] =	sst s6  }
0xf: {  	[smem:$0x3FB3] =	sst s7  }
0x10: {  	[smem:$0x3FB4] =	sst s8  }
0x11: {  	[smem:$0x3FB5] =	sst s9;
	s0 =	simm.s32 @!p0 $0x0  }
0x12: {  	s1 =	sld [smem:$0x3F9B];
	s0 =	simm.s32 @p0 $0x1  }
0x13: {  	[smem:$0x3FB6] =	sst s0;
	s0 =	simm.s32 @!p1 $0x0  }
0x14: {  	s2 =	sld [smem:$0x3F9A];
	s0 =	simm.s32 @p1 $0x1  }
0x15: {  	[smem:$0x3FB7] =	sst s0;
	s0 =	simm.s32 @!p2 $0x0  }
0x16: {  	s3 =	sld [smem:$0x3FDB];
	s0 =	simm.s32 @p2 $0x1  }
0x17: {  	s4 =	simm.s32 $0x1BF5;
	[smem:$0x3FB9] =	sst s0  }
0x18: {  	s0 =	sld [smem:$0x3F9C];
	_ =	swait.ge [sflag:s4], $0x0  }
0x19: {  	s7 =	sld [smem:$0x3F9D]  }
0x1a: {  	s8 =	sadd.s32 $0xFFFFE003, lr  }
0x1b: {  	s9 =	sadd.s32 $0xFFFFFEF7, lr;
	s5 =	simm.s32 $0xFFFFFFFF;
	p2 =	slt.u32 s8, $0xFFFFF086  }
0x1c: {  	p1 =	slt.u32 s9, $0xF7A;
	s5 =	simm.s32 @!p2 $0x0  }
0x1d: {  	s5 =	simm.s32 @p1 $0x1;
	p0 =	seq.s32 s7, s2  }
0x1e: {  	s7 =	smul.u32 @!p0 $0xF7A, s2;
	p2 =	seq.s32 @!p0 s5, $0x0  }
0x1f: {  	s9 =	smul.u32 $0xF7A, s1;
	s8 =	simm.s32 @!p0 $0x1BF5;
	p2 =	por !p2, p0  }
0x20: {  	[sflag:s8] =	ssyncset.s32 @!p0 $0xFFFFF086;
	s6 =	sadd.s32 @!p0 s3, s7;
	s7 =	simm.s32 @!p0 $0x108  }
0x21: {  	s3 =	sadd.s32 s3, s9;
	s6 =	sadd.s32 @!p0 $0x88, s6;
	s7 =	simm.s32 @p2 $0x1082  }
0x22: {  	[simem:s7], [sflag:s8] =	dma.local @!p0 [hbm:s6], $0xF7A  }
0x23: {  	s9 =	sor.u32 $0xD0000000, s2;
	s6 =	simm.s32 $0x108;
	_ =	swait.ge @!p0 [sflag:s8], $0x0  }
0x24: {  	s3 =	sadd.s32 $0x88, s3;
	s6 =	simm.s32 @!p1 $0x1082;
	[sflag:s4] =	ssyncset.s32 $0xFFFFF086  }
0x25: {  	[simem:s6], [sflag:s4] =	dma.local [hbm:s3], $0xF7A  }
0x26: {  	[smem:$0x3F9D] =	sst s1;
	(tag) =	ssettag s2;
	_ =	strace s9  }
0x27: {  	s1 =	sld [smem:$0x3FAD]  }
0x28: {  	s2 =	sld [smem:$0x3FAE]  }
0x29: {  	s4 =	sld [smem:$0x3FB0]  }
0x2a: {  	p0 =	seq.s32 s5, $0x0;
	s5 =	sld [smem:$0x3FB1]  }
0x2b: {  	s6 =	sld [smem:$0x3FB2]  }
0x2c: {  	s7 =	sld [smem:$0x3FB3]  }
0x2d: {  	s3 =	simm.s32 $0x108;
	s8 =	sld [smem:$0x3FB4]  }
0x2e: {  	s3 =	simm.s32 @!p0 $0x1082;
	s9 =	sld [smem:$0x3FB5]  }
0x2f: {  	lr =	sadd.s32 s0, s3;
	s0 =	sld [smem:$0x3FAC]  }
0x30: {  	s3 =	sld [smem:$0x3FAF]  }
0x31: {  	[smem:$0x3FB8] =	sst s10  }
0x32: {  	s10 =	sld [smem:$0x3FB6];
	_ =	sdelay $0x3  }
0x33: {  	p0 =	seq.s32 s10, $0x1;
	s10 =	sld [smem:$0x3FB8];
	_ =	sdelay $0x3  }
0x34: {  	[smem:$0x3FB8] =	sst s10  }
0x35: {  	s10 =	sld [smem:$0x3FB7];
	_ =	sdelay $0x3  }
0x36: {  	p1 =	seq.s32 s10, $0x1;
	s10 =	sld [smem:$0x3FB8];
	_ =	sdelay $0x3  }
0x37: {  	[smem:$0x3FB8] =	sst s10  }
0x38: {  	s10 =	sld [smem:$0x3FB9]  }
0x39: {  	_ = 	snop;
	(pc) =	sbr.ind lr, $3  }
0x3a: {  	_ = 	snop  }
0x3b: {  	_ = 	snop  }
0x3c: {  	p2 =	seq.s32 s10, $0x1;
	s10 =	sld [smem:$0x3FB8]  }
0x3d: {  	_ =	shalt  }
0x3e: {  	_ =	shalt  }
0x3f: {  	_ =	shalt  }
0x40: {  	_ =	shalt  }
0x41: {  	_ =	shalt  }
0x42: {  	_ =	shalt  }
0x43: {  	_ =	shalt  }
0x44: {  	_ =	shalt  }
0x45: {  	_ =	shalt  }
0x46: {  	_ =	shalt  }
0x47: {  	_ =	shalt  }
0x48: {  	_ =	shalt  }
0x49: {  	_ =	shalt  }
0x4a: {  	_ =	shalt  }
0x4b: {  	_ =	shalt  }
0x4c: {  	_ =	shalt  }
0x4d: {  	_ =	shalt  }
0x4e: {  	_ =	shalt  }
0x4f: {  	_ =	shalt  }
0x50: {  	_ =	shalt  }
0x51: {  	_ =	shalt  }
0x52: {  	_ =	shalt  }
0x53: {  	_ =	shalt  }
0x54: {  	_ =	shalt  }
0x55: {  	_ =	shalt  }
0x56: {  	_ =	shalt  }
0x57: {  	_ =	shalt  }
0x58: {  	_ =	shalt  }
0x59: {  	_ =	shalt  }
0x5a: {  	_ =	shalt  }
0x5b: {  	_ =	shalt  }
0x5c: {  	_ =	shalt  }
0x5d: {  	_ =	shalt  }
0x5e: {  	_ =	shalt  }
0x5f: {  	_ =	shalt  }
0x60: {  	_ =	shalt  }
0x61: {  	_ =	shalt  }
0x62: {  	_ =	shalt  }
0x63: {  	_ =	shalt  }
0x64: {  	_ =	shalt  }
0x65: {  	_ =	shalt  }
0x66: {  	_ =	shalt  }
0x67: {  	_ =	shalt  }
0x68: {  	_ =	shalt  }
0x69: {  	_ =	shalt  }
0x6a: {  	_ =	shalt  }
0x6b: {  	_ =	shalt  }
0x6c: {  	_ =	shalt  }
0x6d: {  	_ =	shalt  }
0x6e: {  	_ =	shalt  }
0x6f: {  	_ =	shalt  }
0x70: {  	_ =	shalt  }
0x71: {  	_ =	shalt  }
0x72: {  	_ =	shalt  }
0x73: {  	_ =	shalt  }
0x74: {  	_ =	shalt  }
0x75: {  	_ =	shalt  }
0x76: {  	_ =	shalt  }
0x77: {  	_ =	shalt  }
0x78: {  	_ =	shalt  }
0x79: {  	_ =	shalt  }
0x7a: {  	_ =	shalt  }
0x7b: {  	_ =	shalt  }
0x7c: {  	_ =	shalt  }
0x7d: {  	_ =	shalt  }
0x7e: {  	_ =	shalt  }
0x7f: {  	_ =	shalt  }
0x80: {  	_ =	shalt  }
0x81: {  	_ =	shalt  }
0x82: {  	_ =	shalt  }
0x83: {  	_ =	shalt  }
0x84: {  	_ =	shalt  }
0x85: {  	_ =	shalt  }
0x86: {  	_ =	shalt  }
0x87: {  	_ =	shalt  }
.Lfunc_end0:
.L_simem_size_0:
called_computation.1_lowered:
.L_overlay_start_0:
0x88: {  	s2 =	sld [smem:$0x3FD9]  }
0x89: {  	s3 =	sld [smem:$0x3FFE];
	_ =	sdelay $0x1  }
0x8a: {  	s1 =	srdreg.scid  }
0x8b: {  	s0 =	sand.u32 $0x1, s1  }
0x8c: {  	s17 =	sshll.u32 s0, $0xA;
	s2 =	sadd.s32 s3, s2  }
0x8d: {  	s2 =	sadd.s32 s2, s17  }
0x8e: {  	[smem:$0x3FC4] =	sst s2  }
0x8f: {  	_ = 	snop  }
0x90: {  	s2 =	sld [smem:$0x3FD0];
	(tm) =	ssettm $0x1  }
0x91: {  	s18 =	sld [smem:$0x3FFB];
	_ =	sdelay $0x3  }
0x92: {  	_ =	strace s18  }
0x93: {  	s3 =	sld [smem:$0x3FFC];
	_ =	sdelay $0x3  }
0x94: {  	_ =	strace s3  }
0x95: {  	s3 =	sld [smem:$0x3FFD];
	_ =	sdelay $0x3  }
0x96: {  	_ =	strace s3  }
0x97: {  	_ =	strace $0x8FFFFFFF  }
0x98: {  	s19 =	sld [smem:$0x3FDB];
	_ =	sdelay $0x1  }
0x99: {  	s4 =	simm.s32 $_scs_section_size  }
0x9a: {  	s5 =	simm.s32 $_size__tile_overlayer_lowered;
	s6 =	simm.s32 $_tile_overlayer_lowered  }
0x9b: {  	s22 =	simm.s32 $0x1BFF;
	s21 =	sshll.u32 s6, $0x1;
	s3 =	sadd.s32 s4, s19  }
0x9c: {  	s7 =	simm.s32 $0x0;
	s20 =	sshll.u32 s5, $0x1;
	s5 =	sadd.s32 s21, s3  }
0x9d: {  	[timem:s7], [sflag:s22] =	dma.local [hbm:s5], s20  }
0x9e: {  	_ =	swait.ge [sflag:s22], s20  }
0x9f: {  	s4 =	ssub.s32 $0x0, s20;
	[sflag:s22] =	ssyncset.done $0x0  }
0xa0: {  	[sflag:s22] =	ssyncadd.s32 s4;
	_ =	sdelay $0x1  }
0xa1: {  	s23 =	simm.s32 $0x1B8B  }
0xa2: {  	_ =	swait.ge [sflag:s23], $0x1  }
0xa3: {  	[sflag:s23] =	ssyncset.done $0x0  }
0xa4: {  	s25 =	simm.s32 $0x1B8E;
	s24 =	sld [smem:$0x3FFE];
	[sflag:s23] =	ssyncadd.s32 $0xFFFFFFFF  }
0xa5: {  	s26 =	simm.s32 $execute0_lowered;
	[smem:$0x3FD2] =	sst s25  }
0xa6: {  	s5 =	sshll.u32 s26, $0x1;
	_ =	strace $0x80000046;
	[dreg:$0x1] =	wrdreg $0xFFFFFFFF  }
0xa7: {  	s28 =	simm.s32 $_size_execute0_lowered;
	s3 =	sadd.s32 s3, s5;
	[dreg:$0x0] =	wrdreg $0x0  }
0xa8: {  	s5 =	sshll.u32 s28, $0x1;
	[dreg:$0x2] =	wrdreg s3  }
0xa9: {  	[dreg:$0x3] =	wrdreg s5  }
0xaa: {  	[dreg:$0x4] =	wrdreg $0xC0  }
0xab: {  	_ =	task [dreg:s7], $0x5FFFF  }
0xac: {  	[dreg:$0x1] =	wrdreg $0xFFFFFFFF  }
0xad: {  	[dreg:$0x0] =	wrdreg $0x60  }
0xae: {  	[dreg:$0x2] =	wrdreg s24  }
0xaf: {  	[dreg:$0x3] =	wrdreg s2  }
0xb0: {  	[dreg:$0x4] =	wrdreg $0x9  }
0xb1: {  	_ =	task.clear_ibuf [dreg:s7], $0x5FFFF;
	_ =	strace $0x90000046  }
0xb2: {  	s29 =	simm.s32 $0x9;
	_ =	strace $0x80000048  }
0xb3: {  	_ =	swait.ge [sflag:s29], $0x1  }
0xb4: {  	[sflag:s29] =	ssyncadd.s32 $0xFFFFFFFF  }
0xb5: {  	_ =	strace $0x90000048  }
0xb6: {  	_ =	sfence  }
0xb7: {  	s30 =	sld [smem:$0x0];
	_ =	sdelay $0x2  }
0xb8: {  	s31 =	sshll.u32 s1, $0xD;
	s1 =	sshrl.u32 s1, $0x2  }
0xb9: {  	s3 =	sand.u32 $0x4000, s31;
	s1 =	sadd.s32 s1, s30  }
0xba: {  	s0 =	sor.u32 s3, s0;
	s1 =	sshll.u32 s1, $0x11  }
0xbb: {  	s0 =	sor.u32 s1, s0  }
0xbc: {  	s0 =	sadd.s32 $0x8F2B, s0  }
0xbd: {  	[sflag:s0] =	ssyncadd.remote.s32 $0x1  }
0xbe: {  	_ =	sfence.sel $0xFFFF  }
0xbf: {  	[dreg:$0x0] =	wrdreg $0xFFFFFFFF;
	(pc) =	sbr.abs _section_cstart, $3  }
0xc0: {  	[dreg:$0x1] =	wrdreg $0xFFFFFFFF  }
0xc1: {  	_ =	task.clear_ibuf [dreg:s7], $0x2FFFF;
	_ =	strace $0x9FFFFFFF  }
0xc2: {  	(tm) =	ssettm $0x7FFFFFFF  }
0xc3: {  	_ =	shalt  }
tec
execute0_lowered:
.L_overlay_start_1:
0x0: {  	(tag) =	ssettag $0x1  }
0x1: {  	s0 =	rddreg [dreg:$0x0]  }
0x2: {  	s2 =	rddreg [dreg:$0x1];
	s1 =	srdreg.scid  }
0x3: {  	s4 =	stileid.u32;
	s3 =	simm.s32 $0x0;
	s20 =	simm.s32 $0x80  }
0x4: {  	s21 =	simm.s32 $0x2800;
	s28 =	simm.s32 $0x3;
	s29 =	simm.s32 $0x12800  }
0x5: {  	s30 =	simm.s32 $0x2;
	s31 =	simm.s32 $0x4;
	s1 =	sand.u32 $0x1, s1  }
0x6: {  	s4 =	sshll.u32 s4, $0x1;
	[smem:$0x7FF] =	sst s3;
	s6 =	sadd.s32 $0x1A000, s0  }
0x7: {  	s7 =	sadd.s32 $0xD800, s0;
	s10 =	sor.u32 s1, s4;
	s1 =	ssub.s32 $0x2, s1  }
0x8: {  	s8 =	sadd.s32 $0x26800, s0;
	s5 =	smul.u32 $0x3200, s10;
	s11 =	sshrl.u32 s1, $0x1  }
0x9: {  	s9 =	sadd.s32 $0x33000, s0;
	_ =	strace $0x80000047;
	s22 =	ssub.s32 s1, s11  }
0xa: {  	s4 =	sadd.s32 $0x1000, s0;
	s12 =	sshrl.u32 s5, $0x3;
	s0 =	smax.u32 s22, $0x1  }
.Ltmp0:
0xb: {  	s23 =	sadd.s32 s4, s12;
	[dreg:$0x7] =	wrdreg s0;
	(pc) =	sbr.rel .LBB2_1-.Ltmp0, $4  }
0xc: {  	s14 =	smul.u32 $0x190000, s10;
	s24 =	sadd.s32 s6, s12;
	[dreg:$0x3] =	wrdreg s23  }
0xd: {  	s11 =	simm.s32 $0x0;
	s25 =	sadd.s32 s7, s12;
	[dreg:$0x4] =	wrdreg s24  }
0xe: {  	s22 =	simm.s32 $0xA800;
	s26 =	sadd.s32 s8, s12;
	[dreg:$0x5] =	wrdreg s25  }
0xf: {  	s0 =	simm.s32 $0x16800;
	[dreg:$0x6] =	wrdreg s26;
	s26 =	simm.s32 $0x1  }
.LBB2_11:
0x10: {  	s1 =	simm.s32 $0x5  }
0x11: {  	_ =	swait.ge [sflag:s1], $0x4000  }
0x12: {  	[sflag:s1] =	ssyncset.done $0x0  }
0x13: {  	s10 =	simm.s32 $0x6;
	[sflag:s1] =	ssyncadd.s32 $0xFFFFC000  }
0x14: {  	_ =	swait.ge [sflag:s10], $0x4000  }
0x15: {  	s11 =	rddreg [dreg:$0x8]  }
0x16: {  	s25 =	rddreg [dreg:$0x7];
	s11 =	sadd.s32 $0x1, s11  }
0x17: {  	p0 =	sne.s32 s11, s25  }
.Ltmp1:
0x18: {  	_ = 	snop;
	(pc) =	sbr.rel @!p0 .LBB2_12-.Ltmp1, $3  }
0x19: {  	_ =	sdelay $0x1  }
0x1a: {  	[sflag:s10] =	ssyncset.done $0x0  }
0x1b: {  	[sflag:s10] =	ssyncadd.s32 $0xFFFFC000  }
.LBB2_1:
0x1c: {  	[dreg:$0x8] =	wrdreg s11  }
0x1d: {  	s1 =	rddreg [dreg:$0x3]  }
0x1e: {  	[tilespmem:s3], [sflag:$0x7] =	stream.linear.gather [hbm4b:s1+s3], $0x500, $0x38;
	[tilespmem:$0x1A800] =	vst v63  }
0x1f: {  	s13 =	rddreg [dreg:$0x4];
	s10 =	simm.s32 $0xA00  }
0x20: {  	[tilespmem:s10], [sflag:$0x7] =	stream.linear.gather [hbm4b:s13+s3], $0x500, $0x38;
	[tilespmem:$0x1A800] =	vst v63  }
0x21: {  	s15 =	rddreg [dreg:$0x5];
	s16 =	simm.s32 $0x1400  }
0x22: {  	[tilespmem:s16], [sflag:$0x7] =	stream.linear.gather [hbm4b:s15+s3], $0x500, $0x38;
	[tilespmem:$0x1A800] =	vst v63  }
0x23: {  	s17 =	rddreg [dreg:$0x6];
	s18 =	simm.s32 $0x1E00;
	s19 =	simm.s32 $0x7  }
0x24: {  	[tilespmem:s18], [sflag:$0x7] =	stream.linear.gather [hbm4b:s17+s3], $0x500, $0x38;
	[tilespmem:$0x1A800] =	vst v63  }
0x25: {  	_ =	swait.ge [sflag:s19], $0x500  }
0x26: {  	[sflag:s19] =	ssyncset.done $0x0  }
0x27: {  	[sflag:s19] =	ssyncadd.s32 $0xFFFFFB00  }
0x28: {  	_ =	swait.ge [sflag:s19], $0x500  }
0x29: {  	[sflag:s19] =	ssyncset.done $0x0  }
0x2a: {  	[sflag:s19] =	ssyncadd.s32 $0xFFFFFB00  }
0x2b: {  	_ =	swait.ge [sflag:s19], $0x500  }
0x2c: {  	[sflag:s19] =	ssyncset.done $0x0  }
0x2d: {  	[sflag:s19] =	ssyncadd.s32 $0xFFFFFB00  }
0x2e: {  	_ =	swait.ge [sflag:s19], $0x500  }
0x2f: {  	[sflag:s19] =	ssyncset.done $0x0  }
0x30: {  	[sflag:s19] =	ssyncadd.s32 $0xFFFFFB00  }
0x31: {  	[tilespmem:s21], [sflag:$0x1] =	stream.indirect.gather [hbm4b:s2+s20], $0x80, s3, s20, $0xb8;
	[tilespmem:$0x1A800] =	vst v63  }
0x32: {  	_ = 	snop  }
0x33: {  	[tilespmem:s22], [sflag:$0x3] =	stream.indirect.gather [hbm4b:s2+s20], $0x80, s10, s20, $0xb8;
	[tilespmem:$0x1A800] =	vst v63  }
0x34: {  	s23 =	simm.s32 $0x6800  }
0x35: {  	[tilespmem:s23], [sflag:$0x2] =	stream.indirect.gather [hbm4b:s2+s20], $0x80, s20, s20, $0xb8;
	[tilespmem:$0x1A800] =	vst v63  }
0x36: {  	s24 =	simm.s32 $0xA80;
	s25 =	simm.s32 $0xE800;
	s23 =	simm.s32 $0x0  }
0x37: {  	[tilespmem:s25], [sflag:$0x4] =	stream.indirect.gather [hbm4b:s2+s20], $0x80, s24, s20, $0xb8;
	[tilespmem:$0x1A800] =	vst v63  }
.LBB2_2:
0x38: {  	s24 =	sshll.u32 s23, $0x1  }
0x39: {  	s10 =	smul.u32 $0xCD, s24;
	_ =	sdelay $0x1  }
0x3a: {  	s10 =	sshrl.u32 s10, $0xB  }
0x3b: {  	s11 =	smul.u32 $0xCD, s23;
	s10 =	sand.u32 $0x1F, s10  }
0x3c: {  	s10 =	smul.u32 $0xA, s10  }
0x3d: {  	_ =	swait.ge [sflag:s26], $0x4000;
	s25 =	simm.s32 $0x500;
	s11 =	sshrl.u32 s11, $0xA  }
0x3e: {  	[sflag:s26] =	ssyncset.done $0x0;
	s18 =	sand.u32 $0x1, s11;
	s16 =	ssub.s32 s24, s10  }
0x3f: {  	[sflag:s26] =	ssyncadd.s32 $0xFFFFC000;
	p1 =	seq.s32 s18, $0x1;
	s13 =	sand.u32 $0xFF, s16  }
0x40: {  	_ =	swait.ge [sflag:s28], $0x4000;
	s25 =	simm.s32 @!p1 $0x0;
	s19 =	sshll.u32 s13, $0x7  }
0x41: {  	p0 =	seq.s32 s23, $0x0;
	[sflag:s28] =	ssyncset.done $0x0;
	s13 =	sadd.s32 s25, s19  }
0x42: {  	s12 =	simm.s32 @!p0 $0x5;
	[sflag:s28] =	ssyncadd.s32 $0xFFFFC000;
	v0 =	vmov s13  }
0x43: {  	_ =	swait.ge @!p0 [sflag:s12], $0x4000  }
0x44: {  	[sflag:s12] =	ssyncset.done @!p0 $0x0  }
0x45: {  	s10 =	sand.u32 $0x3F, s11;
	s11 =	simm.s32 $0x0;
	[sflag:s12] =	ssyncadd.s32 @!p0 $0xFFFFC000  }
.LBB2_3:
0x46: {  	s12 =	sshll.u32 s11, $0x4  }
0x47: {  	v2 =	vld.idx.msk [tilespmem:v0+s12+$0x1400 ss:$0x1], $0xffff;
	_ =	sdelay $0x4  }
0x48: {  	(v2sf) =	vpush v2, $0x0  }
0x49: {  	v1 =	vld.idx.msk [tilespmem:v0+s12+$0x1E00 ss:$0x1], $0xffff;
	_ =	sdelay $0x4  }
0x4a: {  	(v2sf) =	vpush v1, $0x0;
	_ =	sdelay $0x8  }
0x4b: {  	s12 =	sshll.u32 s11, $0xB;
	s13 =	spop (v2sf)  }
0x4c: {  	s1 =	sadd.s32 $0x2800, s12;
	s15 =	sand.u32 $0xFFFFFF80, s13  }
0x4d: {  	s17 =	sand.u32 $0x7F, s13;
	s15 =	sadd.s32 s15, s1  }
0x4e: {  	s15 =	sor.u32 s17, s15  }
0x4f: {  	v3 =	vld [tilespmem:s15+$0x0];
	_ =	sdelay $0x1  }
0x50: {  	s15 =	spop (v2sf)  }
0x51: {  	s19 =	sadd.s32 $0xA800, s12;
	s17 =	sand.u32 $0xFFFFFF80, s15  }
0x52: {  	s18 =	sand.u32 $0x7F, s15;
	s17 =	sadd.s32 s17, s19  }
0x53: {  	s17 =	sor.u32 s18, s17;
	[tilespmem:s12+$0x12800] =	vst v3  }
0x54: {  	v3 =	vld [tilespmem:s17+$0x0];
	_ =	sdelay $0x1  }
0x55: {  	s17 =	sadd.s32 $0x10, s13  }
0x56: {  	s18 =	sand.u32 $0xFFFFFF80, s17  }
0x57: {  	s17 =	sand.u32 $0x7F, s17;
	s18 =	sadd.s32 s18, s1  }
0x58: {  	s17 =	sor.u32 s17, s18;
	[tilespmem:s12+$0x12840] =	vst v3  }
0x59: {  	v3 =	vld [tilespmem:s17+$0x0];
	_ =	sdelay $0x1  }
0x5a: {  	s17 =	sadd.s32 $0x10, s15  }
0x5b: {  	s18 =	sand.u32 $0xFFFFFF80, s17  }
0x5c: {  	s17 =	sand.u32 $0x7F, s17;
	s18 =	sadd.s32 s18, s19  }
0x5d: {  	s17 =	sor.u32 s17, s18;
	[tilespmem:s12+$0x12810] =	vst v3  }
0x5e: {  	v3 =	vld [tilespmem:s17+$0x0];
	_ =	sdelay $0x1  }
0x5f: {  	s17 =	sadd.s32 $0x20, s13  }
0x60: {  	s18 =	sand.u32 $0xFFFFFF80, s17  }
0x61: {  	s17 =	sand.u32 $0x7F, s17;
	s18 =	sadd.s32 s18, s1  }
0x62: {  	s17 =	sor.u32 s17, s18;
	[tilespmem:s12+$0x12850] =	vst v3  }
0x63: {  	v3 =	vld [tilespmem:s17+$0x0];
	_ =	sdelay $0x1  }
0x64: {  	s17 =	sadd.s32 $0x20, s15  }
0x65: {  	s18 =	sand.u32 $0xFFFFFF80, s17  }
0x66: {  	s17 =	sand.u32 $0x7F, s17;
	s18 =	sadd.s32 s18, s19  }
0x67: {  	(v2sf) =	vpush v2, $0x1;
	s17 =	sor.u32 s17, s18;
	[tilespmem:s12+$0x12820] =	vst v3  }
0x68: {  	v3 =	vld [tilespmem:s17+$0x0];
	_ =	sdelay $0x1  }
0x69: {  	s13 =	sadd.s32 $0x30, s13  }
0x6a: {  	s18 =	sand.u32 $0xFFFFFF80, s13  }
0x6b: {  	s13 =	sand.u32 $0x7F, s13;
	s1 =	sadd.s32 s18, s1  }
0x6c: {  	(v2sf) =	vpush v1, $0x1;
	s1 =	sor.u32 s13, s1;
	[tilespmem:s12+$0x12860] =	vst v3  }
0x6d: {  	v3 =	vld [tilespmem:s1+$0x0];
	_ =	sdelay $0x1  }
0x6e: {  	s13 =	sadd.s32 $0x30, s15  }
0x6f: {  	s15 =	sand.u32 $0xFFFFFF80, s13  }
0x70: {  	s1 =	sand.u32 $0x7F, s13;
	s13 =	sadd.s32 s15, s19  }
0x71: {  	s1 =	sor.u32 s1, s13;
	[tilespmem:s12+$0x12830] =	vst v3  }
0x72: {  	v3 =	vld [tilespmem:s1+$0x0];
	_ =	sdelay $0x1  }
0x73: {  	s1 =	spop (v2sf)  }
0x74: {  	s15 =	sadd.s32 $0x2880, s12;
	s17 =	sand.u32 $0xFFFFFF80, s1  }
0x75: {  	s18 =	sand.u32 $0x7F, s1;
	s13 =	sadd.s32 s17, s15  }
0x76: {  	s13 =	sor.u32 s18, s13;
	[tilespmem:s12+$0x12870] =	vst v3  }
0x77: {  	v3 =	vld [tilespmem:s13+$0x0];
	_ =	sdelay $0x1  }
0x78: {  	s13 =	spop (v2sf)  }
0x79: {  	s18 =	sadd.s32 $0xA880, s12;
	s17 =	sand.u32 $0xFFFFFF80, s13  }
0x7a: {  	s19 =	sand.u32 $0x7F, s13;
	s17 =	sadd.s32 s17, s18  }
0x7b: {  	s17 =	sor.u32 s19, s17;
	[tilespmem:s12+$0x12880] =	vst v3  }
0x7c: {  	v3 =	vld [tilespmem:s17+$0x0];
	_ =	sdelay $0x1  }
0x7d: {  	s17 =	sadd.s32 $0x10, s1  }
0x7e: {  	s19 =	sand.u32 $0xFFFFFF80, s17  }
0x7f: {  	s17 =	sand.u32 $0x7F, s17;
	s19 =	sadd.s32 s19, s15  }
0x80: {  	s17 =	sor.u32 s17, s19;
	[tilespmem:s12+$0x128C0] =	vst v3  }
0x81: {  	v3 =	vld [tilespmem:s17+$0x0];
	_ =	sdelay $0x1  }
0x82: {  	s17 =	sadd.s32 $0x10, s13  }
0x83: {  	s19 =	sand.u32 $0xFFFFFF80, s17  }
0x84: {  	s17 =	sand.u32 $0x7F, s17;
	s19 =	sadd.s32 s19, s18  }
0x85: {  	s17 =	sor.u32 s17, s19;
	[tilespmem:s12+$0x12890] =	vst v3  }
0x86: {  	v3 =	vld [tilespmem:s17+$0x0];
	_ =	sdelay $0x1  }
0x87: {  	s17 =	sadd.s32 $0x20, s1  }
0x88: {  	s19 =	sand.u32 $0xFFFFFF80, s17  }
0x89: {  	s17 =	sand.u32 $0x7F, s17;
	s19 =	sadd.s32 s19, s15  }
0x8a: {  	s17 =	sor.u32 s17, s19;
	[tilespmem:s12+$0x128D0] =	vst v3  }
0x8b: {  	v3 =	vld [tilespmem:s17+$0x0];
	_ =	sdelay $0x1  }
0x8c: {  	s17 =	sadd.s32 $0x20, s13  }
0x8d: {  	s19 =	sand.u32 $0xFFFFFF80, s17  }
0x8e: {  	s17 =	sand.u32 $0x7F, s17;
	s19 =	sadd.s32 s19, s18  }
0x8f: {  	(v2sf) =	vpush v2, $0x2;
	s17 =	sor.u32 s17, s19;
	[tilespmem:s12+$0x128A0] =	vst v3  }
0x90: {  	v3 =	vld [tilespmem:s17+$0x0];
	_ =	sdelay $0x1  }
0x91: {  	s1 =	sadd.s32 $0x30, s1  }
0x92: {  	s19 =	sand.u32 $0xFFFFFF80, s1  }
0x93: {  	s1 =	sand.u32 $0x7F, s1;
	s15 =	sadd.s32 s19, s15  }
0x94: {  	(v2sf) =	vpush v1, $0x2;
	s1 =	sor.u32 s1, s15;
	[tilespmem:s12+$0x128E0] =	vst v3  }
0x95: {  	v3 =	vld [tilespmem:s1+$0x0];
	_ =	sdelay $0x1  }
0x96: {  	s15 =	sadd.s32 $0x30, s13  }
0x97: {  	s13 =	sand.u32 $0xFFFFFF80, s15  }
0x98: {  	s13 =	sadd.s32 s13, s18;
	s1 =	sand.u32 $0x7F, s15  }
0x99: {  	s1 =	sor.u32 s1, s13;
	[tilespmem:s12+$0x128B0] =	vst v3  }
0x9a: {  	v3 =	vld [tilespmem:s1+$0x0];
	_ =	sdelay $0x1  }
0x9b: {  	s1 =	spop (v2sf)  }
0x9c: {  	s15 =	sadd.s32 $0x2900, s12;
	s17 =	sand.u32 $0xFFFFFF80, s1  }
0x9d: {  	s18 =	sand.u32 $0x7F, s1;
	s13 =	sadd.s32 s17, s15  }
0x9e: {  	s13 =	sor.u32 s18, s13;
	[tilespmem:s12+$0x128F0] =	vst v3  }
0x9f: {  	v3 =	vld [tilespmem:s13+$0x0];
	_ =	sdelay $0x1  }
0xa0: {  	s13 =	spop (v2sf)  }
0xa1: {  	s18 =	sadd.s32 $0xA900, s12;
	s17 =	sand.u32 $0xFFFFFF80, s13  }
0xa2: {  	s19 =	sand.u32 $0x7F, s13;
	s17 =	sadd.s32 s17, s18  }
0xa3: {  	s17 =	sor.u32 s19, s17;
	[tilespmem:s12+$0x12900] =	vst v3  }
0xa4: {  	v3 =	vld [tilespmem:s17+$0x0];
	_ =	sdelay $0x1  }
0xa5: {  	s17 =	sadd.s32 $0x10, s1  }
0xa6: {  	s19 =	sand.u32 $0xFFFFFF80, s17  }
0xa7: {  	s17 =	sand.u32 $0x7F, s17;
	s19 =	sadd.s32 s19, s15  }
0xa8: {  	s17 =	sor.u32 s17, s19;
	[tilespmem:s12+$0x12940] =	vst v3  }
0xa9: {  	v3 =	vld [tilespmem:s17+$0x0];
	_ =	sdelay $0x1  }
0xaa: {  	s17 =	sadd.s32 $0x10, s13  }
0xab: {  	s19 =	sand.u32 $0xFFFFFF80, s17  }
0xac: {  	s17 =	sand.u32 $0x7F, s17;
	s19 =	sadd.s32 s19, s18  }
0xad: {  	s17 =	sor.u32 s17, s19;
	[tilespmem:s12+$0x12910] =	vst v3  }
0xae: {  	v3 =	vld [tilespmem:s17+$0x0];
	_ =	sdelay $0x1  }
0xaf: {  	s17 =	sadd.s32 $0x20, s1  }
0xb0: {  	s19 =	sand.u32 $0xFFFFFF80, s17  }
0xb1: {  	s17 =	sand.u32 $0x7F, s17;
	s19 =	sadd.s32 s19, s15  }
0xb2: {  	s17 =	sor.u32 s17, s19;
	[tilespmem:s12+$0x12950] =	vst v3  }
0xb3: {  	v3 =	vld [tilespmem:s17+$0x0];
	_ =	sdelay $0x1  }
0xb4: {  	s17 =	sadd.s32 $0x20, s13  }
0xb5: {  	s19 =	sand.u32 $0xFFFFFF80, s17  }
0xb6: {  	s17 =	sand.u32 $0x7F, s17;
	s19 =	sadd.s32 s19, s18  }
0xb7: {  	(v2sf) =	vpush v2, $0x3;
	s17 =	sor.u32 s17, s19;
	[tilespmem:s12+$0x12920] =	vst v3  }
0xb8: {  	v3 =	vld [tilespmem:s17+$0x0];
	_ =	sdelay $0x1  }
0xb9: {  	s1 =	sadd.s32 $0x30, s1  }
0xba: {  	s19 =	sand.u32 $0xFFFFFF80, s1  }
0xbb: {  	s1 =	sand.u32 $0x7F, s1;
	s15 =	sadd.s32 s19, s15  }
0xbc: {  	(v2sf) =	vpush v1, $0x3;
	s1 =	sor.u32 s1, s15;
	[tilespmem:s12+$0x12960] =	vst v3  }
0xbd: {  	v3 =	vld [tilespmem:s1+$0x0];
	_ =	sdelay $0x1  }
0xbe: {  	s15 =	sadd.s32 $0x30, s13  }
0xbf: {  	s13 =	sand.u32 $0xFFFFFF80, s15  }
0xc0: {  	s13 =	sadd.s32 s13, s18;
	s1 =	sand.u32 $0x7F, s15  }
0xc1: {  	s1 =	sor.u32 s1, s13;
	[tilespmem:s12+$0x12930] =	vst v3  }
0xc2: {  	v3 =	vld [tilespmem:s1+$0x0];
	_ =	sdelay $0x1  }
0xc3: {  	s1 =	spop (v2sf)  }
0xc4: {  	s15 =	sadd.s32 $0x2980, s12;
	s17 =	sand.u32 $0xFFFFFF80, s1  }
0xc5: {  	s18 =	sand.u32 $0x7F, s1;
	s13 =	sadd.s32 s17, s15  }
0xc6: {  	s13 =	sor.u32 s18, s13;
	[tilespmem:s12+$0x12970] =	vst v3  }
0xc7: {  	v3 =	vld [tilespmem:s13+$0x0];
	_ =	sdelay $0x1  }
0xc8: {  	s13 =	spop (v2sf)  }
0xc9: {  	s18 =	sadd.s32 $0xA980, s12;
	s17 =	sand.u32 $0xFFFFFF80, s13  }
0xca: {  	s19 =	sand.u32 $0x7F, s13;
	s17 =	sadd.s32 s17, s18  }
0xcb: {  	s17 =	sor.u32 s19, s17;
	[tilespmem:s12+$0x12980] =	vst v3  }
0xcc: {  	v3 =	vld [tilespmem:s17+$0x0];
	_ =	sdelay $0x1  }
0xcd: {  	s17 =	sadd.s32 $0x10, s1  }
0xce: {  	s19 =	sand.u32 $0xFFFFFF80, s17  }
0xcf: {  	s17 =	sand.u32 $0x7F, s17;
	s19 =	sadd.s32 s19, s15  }
0xd0: {  	s17 =	sor.u32 s17, s19;
	[tilespmem:s12+$0x129C0] =	vst v3  }
0xd1: {  	v3 =	vld [tilespmem:s17+$0x0];
	_ =	sdelay $0x1  }
0xd2: {  	s17 =	sadd.s32 $0x10, s13  }
0xd3: {  	s19 =	sand.u32 $0xFFFFFF80, s17  }
0xd4: {  	s17 =	sand.u32 $0x7F, s17;
	s19 =	sadd.s32 s19, s18  }
0xd5: {  	s17 =	sor.u32 s17, s19;
	[tilespmem:s12+$0x12990] =	vst v3  }
0xd6: {  	v3 =	vld [tilespmem:s17+$0x0];
	_ =	sdelay $0x1  }
0xd7: {  	s17 =	sadd.s32 $0x20, s1  }
0xd8: {  	s19 =	sand.u32 $0xFFFFFF80, s17  }
0xd9: {  	s17 =	sand.u32 $0x7F, s17;
	s19 =	sadd.s32 s19, s15  }
0xda: {  	s17 =	sor.u32 s17, s19;
	[tilespmem:s12+$0x129D0] =	vst v3  }
0xdb: {  	v3 =	vld [tilespmem:s17+$0x0];
	_ =	sdelay $0x1  }
0xdc: {  	s17 =	sadd.s32 $0x20, s13  }
0xdd: {  	s19 =	sand.u32 $0xFFFFFF80, s17  }
0xde: {  	s17 =	sand.u32 $0x7F, s17;
	s19 =	sadd.s32 s19, s18  }
0xdf: {  	(v2sf) =	vpush v2, $0x4;
	s17 =	sor.u32 s17, s19;
	[tilespmem:s12+$0x129A0] =	vst v3  }
0xe0: {  	v3 =	vld [tilespmem:s17+$0x0];
	_ =	sdelay $0x1  }
0xe1: {  	s1 =	sadd.s32 $0x30, s1  }
0xe2: {  	s19 =	sand.u32 $0xFFFFFF80, s1  }
0xe3: {  	s1 =	sand.u32 $0x7F, s1;
	s15 =	sadd.s32 s19, s15  }
0xe4: {  	(v2sf) =	vpush v1, $0x4;
	s1 =	sor.u32 s1, s15;
	[tilespmem:s12+$0x129E0] =	vst v3  }
0xe5: {  	v3 =	vld [tilespmem:s1+$0x0];
	_ =	sdelay $0x1  }
0xe6: {  	s15 =	sadd.s32 $0x30, s13  }
0xe7: {  	s13 =	sand.u32 $0xFFFFFF80, s15  }
0xe8: {  	s13 =	sadd.s32 s13, s18;
	s1 =	sand.u32 $0x7F, s15  }
0xe9: {  	s1 =	sor.u32 s1, s13;
	[tilespmem:s12+$0x129B0] =	vst v3  }
0xea: {  	v3 =	vld [tilespmem:s1+$0x0];
	_ =	sdelay $0x1  }
0xeb: {  	s1 =	spop (v2sf)  }
0xec: {  	s15 =	sadd.s32 $0x2A00, s12;
	s17 =	sand.u32 $0xFFFFFF80, s1  }
0xed: {  	s18 =	sand.u32 $0x7F, s1;
	s13 =	sadd.s32 s17, s15  }
0xee: {  	s13 =	sor.u32 s18, s13;
	[tilespmem:s12+$0x129F0] =	vst v3  }
0xef: {  	v3 =	vld [tilespmem:s13+$0x0];
	_ =	sdelay $0x1  }
0xf0: {  	s13 =	spop (v2sf)  }
0xf1: {  	s18 =	sadd.s32 $0xAA00, s12;
	s17 =	sand.u32 $0xFFFFFF80, s13  }
0xf2: {  	s19 =	sand.u32 $0x7F, s13;
	s17 =	sadd.s32 s17, s18  }
0xf3: {  	s17 =	sor.u32 s19, s17;
	[tilespmem:s12+$0x12A00] =	vst v3  }
0xf4: {  	v3 =	vld [tilespmem:s17+$0x0];
	_ =	sdelay $0x1  }
0xf5: {  	s17 =	sadd.s32 $0x10, s1  }
0xf6: {  	s19 =	sand.u32 $0xFFFFFF80, s17  }
0xf7: {  	s17 =	sand.u32 $0x7F, s17;
	s19 =	sadd.s32 s19, s15  }
0xf8: {  	s17 =	sor.u32 s17, s19;
	[tilespmem:s12+$0x12A40] =	vst v3  }
0xf9: {  	v3 =	vld [tilespmem:s17+$0x0];
	_ =	sdelay $0x1  }
0xfa: {  	s17 =	sadd.s32 $0x10, s13  }
0xfb: {  	s19 =	sand.u32 $0xFFFFFF80, s17  }
0xfc: {  	s17 =	sand.u32 $0x7F, s17;
	s19 =	sadd.s32 s19, s18  }
0xfd: {  	s17 =	sor.u32 s17, s19;
	[tilespmem:s12+$0x12A10] =	vst v3  }
0xfe: {  	v3 =	vld [tilespmem:s17+$0x0];
	_ =	sdelay $0x1  }
0xff: {  	s17 =	sadd.s32 $0x20, s1  }
0x100: {  	s19 =	sand.u32 $0xFFFFFF80, s17  }
0x101: {  	s17 =	sand.u32 $0x7F, s17;
	s19 =	sadd.s32 s19, s15  }
0x102: {  	s17 =	sor.u32 s17, s19;
	[tilespmem:s12+$0x12A50] =	vst v3  }
0x103: {  	v3 =	vld [tilespmem:s17+$0x0];
	_ =	sdelay $0x1  }
0x104: {  	s17 =	sadd.s32 $0x20, s13  }
0x105: {  	s19 =	sand.u32 $0xFFFFFF80, s17  }
0x106: {  	s17 =	sand.u32 $0x7F, s17;
	s19 =	sadd.s32 s19, s18  }
0x107: {  	(v2sf) =	vpush v2, $0x5;
	s17 =	sor.u32 s17, s19;
	[tilespmem:s12+$0x12A20] =	vst v3  }
0x108: {  	v3 =	vld [tilespmem:s17+$0x0];
	_ =	sdelay $0x1  }
0x109: {  	s1 =	sadd.s32 $0x30, s1  }
0x10a: {  	s19 =	sand.u32 $0xFFFFFF80, s1  }
0x10b: {  	s1 =	sand.u32 $0x7F, s1;
	s15 =	sadd.s32 s19, s15  }
0x10c: {  	(v2sf) =	vpush v1, $0x5;
	s1 =	sor.u32 s1, s15;
	[tilespmem:s12+$0x12A60] =	vst v3  }
0x10d: {  	v3 =	vld [tilespmem:s1+$0x0];
	_ =	sdelay $0x1  }
0x10e: {  	s15 =	sadd.s32 $0x30, s13  }
0x10f: {  	s13 =	sand.u32 $0xFFFFFF80, s15  }
0x110: {  	s13 =	sadd.s32 s13, s18;
	s1 =	sand.u32 $0x7F, s15  }
0x111: {  	s1 =	sor.u32 s1, s13;
	[tilespmem:s12+$0x12A30] =	vst v3  }
0x112: {  	v3 =	vld [tilespmem:s1+$0x0];
	_ =	sdelay $0x1  }
0x113: {  	s1 =	spop (v2sf)  }
0x114: {  	s15 =	sadd.s32 $0x2A80, s12;
	s17 =	sand.u32 $0xFFFFFF80, s1  }
0x115: {  	s18 =	sand.u32 $0x7F, s1;
	s13 =	sadd.s32 s17, s15  }
0x116: {  	s13 =	sor.u32 s18, s13;
	[tilespmem:s12+$0x12A70] =	vst v3  }
0x117: {  	v3 =	vld [tilespmem:s13+$0x0];
	_ =	sdelay $0x1  }
0x118: {  	s13 =	spop (v2sf)  }
0x119: {  	s18 =	sadd.s32 $0xAA80, s12;
	s17 =	sand.u32 $0xFFFFFF80, s13  }
0x11a: {  	s19 =	sand.u32 $0x7F, s13;
	s17 =	sadd.s32 s17, s18  }
0x11b: {  	s17 =	sor.u32 s19, s17;
	[tilespmem:s12+$0x12A80] =	vst v3  }
0x11c: {  	v3 =	vld [tilespmem:s17+$0x0];
	_ =	sdelay $0x1  }
0x11d: {  	s17 =	sadd.s32 $0x10, s1  }
0x11e: {  	s19 =	sand.u32 $0xFFFFFF80, s17  }
0x11f: {  	s17 =	sand.u32 $0x7F, s17;
	s19 =	sadd.s32 s19, s15  }
0x120: {  	s17 =	sor.u32 s17, s19;
	[tilespmem:s12+$0x12AC0] =	vst v3  }
0x121: {  	v3 =	vld [tilespmem:s17+$0x0];
	_ =	sdelay $0x1  }
0x122: {  	s17 =	sadd.s32 $0x10, s13  }
0x123: {  	s19 =	sand.u32 $0xFFFFFF80, s17  }
0x124: {  	s17 =	sand.u32 $0x7F, s17;
	s19 =	sadd.s32 s19, s18  }
0x125: {  	s17 =	sor.u32 s17, s19;
	[tilespmem:s12+$0x12A90] =	vst v3  }
0x126: {  	v3 =	vld [tilespmem:s17+$0x0];
	_ =	sdelay $0x1  }
0x127: {  	s17 =	sadd.s32 $0x20, s1  }
0x128: {  	s19 =	sand.u32 $0xFFFFFF80, s17  }
0x129: {  	s17 =	sand.u32 $0x7F, s17;
	s19 =	sadd.s32 s19, s15  }
0x12a: {  	s17 =	sor.u32 s17, s19;
	[tilespmem:s12+$0x12AD0] =	vst v3  }
0x12b: {  	v3 =	vld [tilespmem:s17+$0x0];
	_ =	sdelay $0x1  }
0x12c: {  	s17 =	sadd.s32 $0x20, s13  }
0x12d: {  	s19 =	sand.u32 $0xFFFFFF80, s17  }
0x12e: {  	s17 =	sand.u32 $0x7F, s17;
	s19 =	sadd.s32 s19, s18  }
0x12f: {  	(v2sf) =	vpush v2, $0x6;
	s17 =	sor.u32 s17, s19;
	[tilespmem:s12+$0x12AA0] =	vst v3  }
0x130: {  	v3 =	vld [tilespmem:s17+$0x0];
	_ =	sdelay $0x1  }
0x131: {  	s1 =	sadd.s32 $0x30, s1  }
0x132: {  	s19 =	sand.u32 $0xFFFFFF80, s1  }
0x133: {  	s1 =	sand.u32 $0x7F, s1;
	s15 =	sadd.s32 s19, s15  }
0x134: {  	(v2sf) =	vpush v1, $0x6;
	s1 =	sor.u32 s1, s15;
	[tilespmem:s12+$0x12AE0] =	vst v3  }
0x135: {  	v3 =	vld [tilespmem:s1+$0x0];
	_ =	sdelay $0x1  }
0x136: {  	s15 =	sadd.s32 $0x30, s13  }
0x137: {  	s13 =	sand.u32 $0xFFFFFF80, s15  }
0x138: {  	s13 =	sadd.s32 s13, s18;
	s1 =	sand.u32 $0x7F, s15  }
0x139: {  	s1 =	sor.u32 s1, s13;
	[tilespmem:s12+$0x12AB0] =	vst v3  }
0x13a: {  	v3 =	vld [tilespmem:s1+$0x0];
	_ =	sdelay $0x1  }
0x13b: {  	s1 =	spop (v2sf)  }
0x13c: {  	s15 =	sadd.s32 $0x2B00, s12;
	s17 =	sand.u32 $0xFFFFFF80, s1  }
0x13d: {  	s18 =	sand.u32 $0x7F, s1;
	s13 =	sadd.s32 s17, s15  }
0x13e: {  	s13 =	sor.u32 s18, s13;
	[tilespmem:s12+$0x12AF0] =	vst v3  }
0x13f: {  	v3 =	vld [tilespmem:s13+$0x0];
	_ =	sdelay $0x1  }
0x140: {  	s13 =	spop (v2sf)  }
0x141: {  	s18 =	sadd.s32 $0xAB00, s12;
	s17 =	sand.u32 $0xFFFFFF80, s13  }
0x142: {  	s19 =	sand.u32 $0x7F, s13;
	s17 =	sadd.s32 s17, s18  }
0x143: {  	s17 =	sor.u32 s19, s17;
	[tilespmem:s12+$0x12B00] =	vst v3  }
0x144: {  	v3 =	vld [tilespmem:s17+$0x0];
	_ =	sdelay $0x1  }
0x145: {  	s17 =	sadd.s32 $0x10, s1  }
0x146: {  	s19 =	sand.u32 $0xFFFFFF80, s17  }
0x147: {  	s17 =	sand.u32 $0x7F, s17;
	s19 =	sadd.s32 s19, s15  }
0x148: {  	s17 =	sor.u32 s17, s19;
	[tilespmem:s12+$0x12B40] =	vst v3  }
0x149: {  	v3 =	vld [tilespmem:s17+$0x0];
	_ =	sdelay $0x1  }
0x14a: {  	s17 =	sadd.s32 $0x10, s13  }
0x14b: {  	s19 =	sand.u32 $0xFFFFFF80, s17  }
0x14c: {  	s17 =	sand.u32 $0x7F, s17;
	s19 =	sadd.s32 s19, s18  }
0x14d: {  	s17 =	sor.u32 s17, s19;
	[tilespmem:s12+$0x12B10] =	vst v3  }
0x14e: {  	v3 =	vld [tilespmem:s17+$0x0];
	_ =	sdelay $0x1  }
0x14f: {  	s17 =	sadd.s32 $0x20, s1  }
0x150: {  	s19 =	sand.u32 $0xFFFFFF80, s17  }
0x151: {  	s17 =	sand.u32 $0x7F, s17;
	s19 =	sadd.s32 s19, s15  }
0x152: {  	s17 =	sor.u32 s17, s19;
	[tilespmem:s12+$0x12B50] =	vst v3  }
0x153: {  	v3 =	vld [tilespmem:s17+$0x0];
	_ =	sdelay $0x1  }
0x154: {  	s17 =	sadd.s32 $0x20, s13  }
0x155: {  	s19 =	sand.u32 $0xFFFFFF80, s17  }
0x156: {  	s17 =	sand.u32 $0x7F, s17;
	s19 =	sadd.s32 s19, s18  }
0x157: {  	(v2sf) =	vpush v2, $0x7;
	s17 =	sor.u32 s17, s19;
	[tilespmem:s12+$0x12B20] =	vst v3  }
0x158: {  	v3 =	vld [tilespmem:s17+$0x0];
	_ =	sdelay $0x1  }
0x159: {  	s1 =	sadd.s32 $0x30, s1  }
0x15a: {  	s19 =	sand.u32 $0xFFFFFF80, s1  }
0x15b: {  	s1 =	sand.u32 $0x7F, s1;
	s15 =	sadd.s32 s19, s15  }
0x15c: {  	(v2sf) =	vpush v1, $0x7;
	s1 =	sor.u32 s1, s15;
	[tilespmem:s12+$0x12B60] =	vst v3  }
0x15d: {  	v3 =	vld [tilespmem:s1+$0x0];
	_ =	sdelay $0x1  }
0x15e: {  	s15 =	sadd.s32 $0x30, s13  }
0x15f: {  	s13 =	sand.u32 $0xFFFFFF80, s15  }
0x160: {  	s13 =	sadd.s32 s13, s18;
	s1 =	sand.u32 $0x7F, s15  }
0x161: {  	s1 =	sor.u32 s1, s13;
	[tilespmem:s12+$0x12B30] =	vst v3  }
0x162: {  	v3 =	vld [tilespmem:s1+$0x0];
	_ =	sdelay $0x1  }
0x163: {  	s1 =	spop (v2sf)  }
0x164: {  	s15 =	sadd.s32 $0x2B80, s12;
	s17 =	sand.u32 $0xFFFFFF80, s1  }
0x165: {  	s18 =	sand.u32 $0x7F, s1;
	s13 =	sadd.s32 s17, s15  }
0x166: {  	s13 =	sor.u32 s18, s13;
	[tilespmem:s12+$0x12B70] =	vst v3  }
0x167: {  	v3 =	vld [tilespmem:s13+$0x0];
	_ =	sdelay $0x1  }
0x168: {  	s13 =	spop (v2sf)  }
0x169: {  	s18 =	sadd.s32 $0xAB80, s12;
	s17 =	sand.u32 $0xFFFFFF80, s13  }
0x16a: {  	s19 =	sand.u32 $0x7F, s13;
	s17 =	sadd.s32 s17, s18  }
0x16b: {  	s17 =	sor.u32 s19, s17;
	[tilespmem:s12+$0x12B80] =	vst v3  }
0x16c: {  	v3 =	vld [tilespmem:s17+$0x0];
	_ =	sdelay $0x1  }
0x16d: {  	s17 =	sadd.s32 $0x10, s1  }
0x16e: {  	s19 =	sand.u32 $0xFFFFFF80, s17  }
0x16f: {  	s17 =	sand.u32 $0x7F, s17;
	s19 =	sadd.s32 s19, s15  }
0x170: {  	s17 =	sor.u32 s17, s19;
	[tilespmem:s12+$0x12BC0] =	vst v3  }
0x171: {  	v3 =	vld [tilespmem:s17+$0x0];
	_ =	sdelay $0x1  }
0x172: {  	s17 =	sadd.s32 $0x10, s13  }
0x173: {  	s19 =	sand.u32 $0xFFFFFF80, s17  }
0x174: {  	s17 =	sand.u32 $0x7F, s17;
	s19 =	sadd.s32 s19, s18  }
0x175: {  	s17 =	sor.u32 s17, s19;
	[tilespmem:s12+$0x12B90] =	vst v3  }
0x176: {  	v3 =	vld [tilespmem:s17+$0x0];
	_ =	sdelay $0x1  }
0x177: {  	s17 =	sadd.s32 $0x20, s1  }
0x178: {  	s19 =	sand.u32 $0xFFFFFF80, s17  }
0x179: {  	s17 =	sand.u32 $0x7F, s17;
	s19 =	sadd.s32 s19, s15  }
0x17a: {  	s17 =	sor.u32 s17, s19;
	[tilespmem:s12+$0x12BD0] =	vst v3  }
0x17b: {  	v3 =	vld [tilespmem:s17+$0x0];
	_ =	sdelay $0x1  }
0x17c: {  	s17 =	sadd.s32 $0x20, s13  }
0x17d: {  	s19 =	sand.u32 $0xFFFFFF80, s17  }
0x17e: {  	s17 =	sand.u32 $0x7F, s17;
	s19 =	sadd.s32 s19, s18  }
0x17f: {  	(v2sf) =	vpush v2, $0x8;
	s17 =	sor.u32 s17, s19;
	[tilespmem:s12+$0x12BA0] =	vst v3  }
0x180: {  	v3 =	vld [tilespmem:s17+$0x0];
	_ =	sdelay $0x1  }
0x181: {  	s1 =	sadd.s32 $0x30, s1  }
0x182: {  	s19 =	sand.u32 $0xFFFFFF80, s1  }
0x183: {  	s1 =	sand.u32 $0x7F, s1;
	s15 =	sadd.s32 s19, s15  }
0x184: {  	(v2sf) =	vpush v1, $0x8;
	s1 =	sor.u32 s1, s15;
	[tilespmem:s12+$0x12BE0] =	vst v3  }
0x185: {  	v3 =	vld [tilespmem:s1+$0x0];
	_ =	sdelay $0x1  }
0x186: {  	s15 =	sadd.s32 $0x30, s13  }
0x187: {  	s13 =	sand.u32 $0xFFFFFF80, s15  }
0x188: {  	s13 =	sadd.s32 s13, s18;
	s1 =	sand.u32 $0x7F, s15  }
0x189: {  	s1 =	sor.u32 s1, s13;
	[tilespmem:s12+$0x12BB0] =	vst v3  }
0x18a: {  	v3 =	vld [tilespmem:s1+$0x0];
	_ =	sdelay $0x1  }
0x18b: {  	s1 =	spop (v2sf)  }
0x18c: {  	s15 =	sadd.s32 $0x2C00, s12;
	s17 =	sand.u32 $0xFFFFFF80, s1  }
0x18d: {  	s18 =	sand.u32 $0x7F, s1;
	s13 =	sadd.s32 s17, s15  }
0x18e: {  	s13 =	sor.u32 s18, s13;
	[tilespmem:s12+$0x12BF0] =	vst v3  }
0x18f: {  	v3 =	vld [tilespmem:s13+$0x0];
	_ =	sdelay $0x1  }
0x190: {  	s13 =	spop (v2sf)  }
0x191: {  	s18 =	sadd.s32 $0xAC00, s12;
	s17 =	sand.u32 $0xFFFFFF80, s13  }
0x192: {  	s19 =	sand.u32 $0x7F, s13;
	s17 =	sadd.s32 s17, s18  }
0x193: {  	s17 =	sor.u32 s19, s17;
	[tilespmem:s12+$0x12C00] =	vst v3  }
0x194: {  	v3 =	vld [tilespmem:s17+$0x0];
	_ =	sdelay $0x1  }
0x195: {  	s17 =	sadd.s32 $0x10, s1  }
0x196: {  	s19 =	sand.u32 $0xFFFFFF80, s17  }
0x197: {  	s17 =	sand.u32 $0x7F, s17;
	s19 =	sadd.s32 s19, s15  }
0x198: {  	s17 =	sor.u32 s17, s19;
	[tilespmem:s12+$0x12C40] =	vst v3  }
0x199: {  	v3 =	vld [tilespmem:s17+$0x0];
	_ =	sdelay $0x1  }
0x19a: {  	s17 =	sadd.s32 $0x10, s13  }
0x19b: {  	s19 =	sand.u32 $0xFFFFFF80, s17  }
0x19c: {  	s17 =	sand.u32 $0x7F, s17;
	s19 =	sadd.s32 s19, s18  }
0x19d: {  	s17 =	sor.u32 s17, s19;
	[tilespmem:s12+$0x12C10] =	vst v3  }
0x19e: {  	v3 =	vld [tilespmem:s17+$0x0];
	_ =	sdelay $0x1  }
0x19f: {  	s17 =	sadd.s32 $0x20, s1  }
0x1a0: {  	s19 =	sand.u32 $0xFFFFFF80, s17  }
0x1a1: {  	s17 =	sand.u32 $0x7F, s17;
	s19 =	sadd.s32 s19, s15  }
0x1a2: {  	s17 =	sor.u32 s17, s19;
	[tilespmem:s12+$0x12C50] =	vst v3  }
0x1a3: {  	v3 =	vld [tilespmem:s17+$0x0];
	_ =	sdelay $0x1  }
0x1a4: {  	s17 =	sadd.s32 $0x20, s13  }
0x1a5: {  	s19 =	sand.u32 $0xFFFFFF80, s17  }
0x1a6: {  	s17 =	sand.u32 $0x7F, s17;
	s19 =	sadd.s32 s19, s18  }
0x1a7: {  	(v2sf) =	vpush v2, $0x9;
	s17 =	sor.u32 s17, s19;
	[tilespmem:s12+$0x12C20] =	vst v3  }
0x1a8: {  	v3 =	vld [tilespmem:s17+$0x0];
	_ =	sdelay $0x1  }
0x1a9: {  	s1 =	sadd.s32 $0x30, s1  }
0x1aa: {  	s19 =	sand.u32 $0xFFFFFF80, s1  }
0x1ab: {  	s1 =	sand.u32 $0x7F, s1;
	s15 =	sadd.s32 s19, s15  }
0x1ac: {  	(v2sf) =	vpush v1, $0x9;
	s1 =	sor.u32 s1, s15;
	[tilespmem:s12+$0x12C60] =	vst v3  }
0x1ad: {  	v3 =	vld [tilespmem:s1+$0x0];
	_ =	sdelay $0x1  }
0x1ae: {  	s15 =	sadd.s32 $0x30, s13  }
0x1af: {  	s13 =	sand.u32 $0xFFFFFF80, s15  }
0x1b0: {  	s13 =	sadd.s32 s13, s18;
	s1 =	sand.u32 $0x7F, s15  }
0x1b1: {  	s1 =	sor.u32 s1, s13;
	[tilespmem:s12+$0x12C30] =	vst v3  }
0x1b2: {  	v3 =	vld [tilespmem:s1+$0x0];
	_ =	sdelay $0x1  }
0x1b3: {  	s1 =	spop (v2sf)  }
0x1b4: {  	s15 =	sadd.s32 $0x2C80, s12;
	s17 =	sand.u32 $0xFFFFFF80, s1  }
0x1b5: {  	s18 =	sand.u32 $0x7F, s1;
	s13 =	sadd.s32 s17, s15  }
0x1b6: {  	s13 =	sor.u32 s18, s13;
	[tilespmem:s12+$0x12C70] =	vst v3  }
0x1b7: {  	v3 =	vld [tilespmem:s13+$0x0];
	_ =	sdelay $0x1  }
0x1b8: {  	s13 =	spop (v2sf)  }
0x1b9: {  	s18 =	sadd.s32 $0xAC80, s12;
	s17 =	sand.u32 $0xFFFFFF80, s13  }
0x1ba: {  	s19 =	sand.u32 $0x7F, s13;
	s17 =	sadd.s32 s17, s18  }
0x1bb: {  	s17 =	sor.u32 s19, s17;
	[tilespmem:s12+$0x12C80] =	vst v3  }
0x1bc: {  	v3 =	vld [tilespmem:s17+$0x0];
	_ =	sdelay $0x1  }
0x1bd: {  	s17 =	sadd.s32 $0x10, s1  }
0x1be: {  	s19 =	sand.u32 $0xFFFFFF80, s17  }
0x1bf: {  	s17 =	sand.u32 $0x7F, s17;
	s19 =	sadd.s32 s19, s15  }
0x1c0: {  	s17 =	sor.u32 s17, s19;
	[tilespmem:s12+$0x12CC0] =	vst v3  }
0x1c1: {  	v3 =	vld [tilespmem:s17+$0x0];
	_ =	sdelay $0x1  }
0x1c2: {  	s17 =	sadd.s32 $0x10, s13  }
0x1c3: {  	s19 =	sand.u32 $0xFFFFFF80, s17  }
0x1c4: {  	s17 =	sand.u32 $0x7F, s17;
	s19 =	sadd.s32 s19, s18  }
0x1c5: {  	s17 =	sor.u32 s17, s19;
	[tilespmem:s12+$0x12C90] =	vst v3  }
0x1c6: {  	v3 =	vld [tilespmem:s17+$0x0];
	_ =	sdelay $0x1  }
0x1c7: {  	s17 =	sadd.s32 $0x20, s1  }
0x1c8: {  	s19 =	sand.u32 $0xFFFFFF80, s17  }
0x1c9: {  	s17 =	sand.u32 $0x7F, s17;
	s19 =	sadd.s32 s19, s15  }
0x1ca: {  	s17 =	sor.u32 s17, s19;
	[tilespmem:s12+$0x12CD0] =	vst v3  }
0x1cb: {  	v3 =	vld [tilespmem:s17+$0x0];
	_ =	sdelay $0x1  }
0x1cc: {  	s17 =	sadd.s32 $0x20, s13  }
0x1cd: {  	s19 =	sand.u32 $0xFFFFFF80, s17  }
0x1ce: {  	s17 =	sand.u32 $0x7F, s17;
	s19 =	sadd.s32 s19, s18  }
0x1cf: {  	(v2sf) =	vpush v2, $0xA;
	s17 =	sor.u32 s17, s19;
	[tilespmem:s12+$0x12CA0] =	vst v3  }
0x1d0: {  	v3 =	vld [tilespmem:s17+$0x0];
	_ =	sdelay $0x1  }
0x1d1: {  	s1 =	sadd.s32 $0x30, s1  }
0x1d2: {  	s19 =	sand.u32 $0xFFFFFF80, s1  }
0x1d3: {  	s1 =	sand.u32 $0x7F, s1;
	s15 =	sadd.s32 s19, s15  }
0x1d4: {  	(v2sf) =	vpush v1, $0xA;
	s1 =	sor.u32 s1, s15;
	[tilespmem:s12+$0x12CE0] =	vst v3  }
0x1d5: {  	v3 =	vld [tilespmem:s1+$0x0];
	_ =	sdelay $0x1  }
0x1d6: {  	s15 =	sadd.s32 $0x30, s13  }
0x1d7: {  	s13 =	sand.u32 $0xFFFFFF80, s15  }
0x1d8: {  	s13 =	sadd.s32 s13, s18;
	s1 =	sand.u32 $0x7F, s15  }
0x1d9: {  	s1 =	sor.u32 s1, s13;
	[tilespmem:s12+$0x12CB0] =	vst v3  }
0x1da: {  	v3 =	vld [tilespmem:s1+$0x0];
	_ =	sdelay $0x1  }
0x1db: {  	s1 =	spop (v2sf)  }
0x1dc: {  	s15 =	sadd.s32 $0x2D00, s12;
	s17 =	sand.u32 $0xFFFFFF80, s1  }
0x1dd: {  	s18 =	sand.u32 $0x7F, s1;
	s13 =	sadd.s32 s17, s15  }
0x1de: {  	s13 =	sor.u32 s18, s13;
	[tilespmem:s12+$0x12CF0] =	vst v3  }
0x1df: {  	v3 =	vld [tilespmem:s13+$0x0];
	_ =	sdelay $0x1  }
0x1e0: {  	s13 =	spop (v2sf)  }
0x1e1: {  	s18 =	sadd.s32 $0xAD00, s12;
	s17 =	sand.u32 $0xFFFFFF80, s13  }
0x1e2: {  	s19 =	sand.u32 $0x7F, s13;
	s17 =	sadd.s32 s17, s18  }
0x1e3: {  	s17 =	sor.u32 s19, s17;
	[tilespmem:s12+$0x12D00] =	vst v3  }
0x1e4: {  	v3 =	vld [tilespmem:s17+$0x0];
	_ =	sdelay $0x1  }
0x1e5: {  	s17 =	sadd.s32 $0x10, s1  }
0x1e6: {  	s19 =	sand.u32 $0xFFFFFF80, s17  }
0x1e7: {  	s17 =	sand.u32 $0x7F, s17;
	s19 =	sadd.s32 s19, s15  }
0x1e8: {  	s17 =	sor.u32 s17, s19;
	[tilespmem:s12+$0x12D40] =	vst v3  }
0x1e9: {  	v3 =	vld [tilespmem:s17+$0x0];
	_ =	sdelay $0x1  }
0x1ea: {  	s17 =	sadd.s32 $0x10, s13  }
0x1eb: {  	s19 =	sand.u32 $0xFFFFFF80, s17  }
0x1ec: {  	s17 =	sand.u32 $0x7F, s17;
	s19 =	sadd.s32 s19, s18  }
0x1ed: {  	s17 =	sor.u32 s17, s19;
	[tilespmem:s12+$0x12D10] =	vst v3  }
0x1ee: {  	v3 =	vld [tilespmem:s17+$0x0];
	_ =	sdelay $0x1  }
0x1ef: {  	s17 =	sadd.s32 $0x20, s1  }
0x1f0: {  	s19 =	sand.u32 $0xFFFFFF80, s17  }
0x1f1: {  	s17 =	sand.u32 $0x7F, s17;
	s19 =	sadd.s32 s19, s15  }
0x1f2: {  	s17 =	sor.u32 s17, s19;
	[tilespmem:s12+$0x12D50] =	vst v3  }
0x1f3: {  	v3 =	vld [tilespmem:s17+$0x0];
	_ =	sdelay $0x1  }
0x1f4: {  	s17 =	sadd.s32 $0x20, s13  }
0x1f5: {  	s19 =	sand.u32 $0xFFFFFF80, s17  }
0x1f6: {  	s17 =	sand.u32 $0x7F, s17;
	s19 =	sadd.s32 s19, s18  }
0x1f7: {  	(v2sf) =	vpush v2, $0xB;
	s17 =	sor.u32 s17, s19;
	[tilespmem:s12+$0x12D20] =	vst v3  }
0x1f8: {  	v3 =	vld [tilespmem:s17+$0x0];
	_ =	sdelay $0x1  }
0x1f9: {  	s1 =	sadd.s32 $0x30, s1  }
0x1fa: {  	s19 =	sand.u32 $0xFFFFFF80, s1  }
0x1fb: {  	s1 =	sand.u32 $0x7F, s1;
	s15 =	sadd.s32 s19, s15  }
0x1fc: {  	(v2sf) =	vpush v1, $0xB;
	s1 =	sor.u32 s1, s15;
	[tilespmem:s12+$0x12D60] =	vst v3  }
0x1fd: {  	v3 =	vld [tilespmem:s1+$0x0];
	_ =	sdelay $0x1  }
0x1fe: {  	s15 =	sadd.s32 $0x30, s13  }
0x1ff: {  	s13 =	sand.u32 $0xFFFFFF80, s15  }
0x200: {  	s13 =	sadd.s32 s13, s18;
	s1 =	sand.u32 $0x7F, s15  }
0x201: {  	s1 =	sor.u32 s1, s13;
	[tilespmem:s12+$0x12D30] =	vst v3  }
0x202: {  	v3 =	vld [tilespmem:s1+$0x0];
	_ =	sdelay $0x1  }
0x203: {  	s1 =	spop (v2sf)  }
0x204: {  	s15 =	sadd.s32 $0x2D80, s12;
	s17 =	sand.u32 $0xFFFFFF80, s1  }
0x205: {  	s18 =	sand.u32 $0x7F, s1;
	s13 =	sadd.s32 s17, s15  }
0x206: {  	s13 =	sor.u32 s18, s13;
	[tilespmem:s12+$0x12D70] =	vst v3  }
0x207: {  	v3 =	vld [tilespmem:s13+$0x0];
	_ =	sdelay $0x1  }
0x208: {  	s13 =	spop (v2sf)  }
0x209: {  	s18 =	sadd.s32 $0xAD80, s12;
	s17 =	sand.u32 $0xFFFFFF80, s13  }
0x20a: {  	s19 =	sand.u32 $0x7F, s13;
	s17 =	sadd.s32 s17, s18  }
0x20b: {  	s17 =	sor.u32 s19, s17;
	[tilespmem:s12+$0x12D80] =	vst v3  }
0x20c: {  	v3 =	vld [tilespmem:s17+$0x0];
	_ =	sdelay $0x1  }
0x20d: {  	s17 =	sadd.s32 $0x10, s1  }
0x20e: {  	s19 =	sand.u32 $0xFFFFFF80, s17  }
0x20f: {  	s17 =	sand.u32 $0x7F, s17;
	s19 =	sadd.s32 s19, s15  }
0x210: {  	s17 =	sor.u32 s17, s19;
	[tilespmem:s12+$0x12DC0] =	vst v3  }
0x211: {  	v3 =	vld [tilespmem:s17+$0x0];
	_ =	sdelay $0x1  }
0x212: {  	s17 =	sadd.s32 $0x10, s13  }
0x213: {  	s19 =	sand.u32 $0xFFFFFF80, s17  }
0x214: {  	s17 =	sand.u32 $0x7F, s17;
	s19 =	sadd.s32 s19, s18  }
0x215: {  	s17 =	sor.u32 s17, s19;
	[tilespmem:s12+$0x12D90] =	vst v3  }
0x216: {  	v3 =	vld [tilespmem:s17+$0x0];
	_ =	sdelay $0x1  }
0x217: {  	s17 =	sadd.s32 $0x20, s1  }
0x218: {  	s19 =	sand.u32 $0xFFFFFF80, s17  }
0x219: {  	s17 =	sand.u32 $0x7F, s17;
	s19 =	sadd.s32 s19, s15  }
0x21a: {  	s17 =	sor.u32 s17, s19;
	[tilespmem:s12+$0x12DD0] =	vst v3  }
0x21b: {  	v3 =	vld [tilespmem:s17+$0x0];
	_ =	sdelay $0x1  }
0x21c: {  	s17 =	sadd.s32 $0x20, s13  }
0x21d: {  	s19 =	sand.u32 $0xFFFFFF80, s17  }
0x21e: {  	s17 =	sand.u32 $0x7F, s17;
	s19 =	sadd.s32 s19, s18  }
0x21f: {  	(v2sf) =	vpush v2, $0xC;
	s17 =	sor.u32 s17, s19;
	[tilespmem:s12+$0x12DA0] =	vst v3  }
0x220: {  	v3 =	vld [tilespmem:s17+$0x0];
	_ =	sdelay $0x1  }
0x221: {  	s1 =	sadd.s32 $0x30, s1  }
0x222: {  	s19 =	sand.u32 $0xFFFFFF80, s1  }
0x223: {  	s1 =	sand.u32 $0x7F, s1;
	s15 =	sadd.s32 s19, s15  }
0x224: {  	(v2sf) =	vpush v1, $0xC;
	s1 =	sor.u32 s1, s15;
	[tilespmem:s12+$0x12DE0] =	vst v3  }
0x225: {  	v3 =	vld [tilespmem:s1+$0x0];
	_ =	sdelay $0x1  }
0x226: {  	s15 =	sadd.s32 $0x30, s13  }
0x227: {  	s13 =	sand.u32 $0xFFFFFF80, s15  }
0x228: {  	s13 =	sadd.s32 s13, s18;
	s1 =	sand.u32 $0x7F, s15  }
0x229: {  	s1 =	sor.u32 s1, s13;
	[tilespmem:s12+$0x12DB0] =	vst v3  }
0x22a: {  	v3 =	vld [tilespmem:s1+$0x0];
	_ =	sdelay $0x1  }
0x22b: {  	s1 =	spop (v2sf)  }
0x22c: {  	s15 =	sadd.s32 $0x2E00, s12;
	s17 =	sand.u32 $0xFFFFFF80, s1  }
0x22d: {  	s18 =	sand.u32 $0x7F, s1;
	s13 =	sadd.s32 s17, s15  }
0x22e: {  	s13 =	sor.u32 s18, s13;
	[tilespmem:s12+$0x12DF0] =	vst v3  }
0x22f: {  	v3 =	vld [tilespmem:s13+$0x0];
	_ =	sdelay $0x1  }
0x230: {  	s13 =	spop (v2sf)  }
0x231: {  	s18 =	sadd.s32 $0xAE00, s12;
	s17 =	sand.u32 $0xFFFFFF80, s13  }
0x232: {  	s19 =	sand.u32 $0x7F, s13;
	s17 =	sadd.s32 s17, s18  }
0x233: {  	s17 =	sor.u32 s19, s17;
	[tilespmem:s12+$0x12E00] =	vst v3  }
0x234: {  	v3 =	vld [tilespmem:s17+$0x0];
	_ =	sdelay $0x1  }
0x235: {  	s17 =	sadd.s32 $0x10, s1  }
0x236: {  	s19 =	sand.u32 $0xFFFFFF80, s17  }
0x237: {  	s17 =	sand.u32 $0x7F, s17;
	s19 =	sadd.s32 s19, s15  }
0x238: {  	s17 =	sor.u32 s17, s19;
	[tilespmem:s12+$0x12E40] =	vst v3  }
0x239: {  	v3 =	vld [tilespmem:s17+$0x0];
	_ =	sdelay $0x1  }
0x23a: {  	s17 =	sadd.s32 $0x10, s13  }
0x23b: {  	s19 =	sand.u32 $0xFFFFFF80, s17  }
0x23c: {  	s17 =	sand.u32 $0x7F, s17;
	s19 =	sadd.s32 s19, s18  }
0x23d: {  	s17 =	sor.u32 s17, s19;
	[tilespmem:s12+$0x12E10] =	vst v3  }
0x23e: {  	v3 =	vld [tilespmem:s17+$0x0];
	_ =	sdelay $0x1  }
0x23f: {  	s17 =	sadd.s32 $0x20, s1  }
0x240: {  	s19 =	sand.u32 $0xFFFFFF80, s17  }
0x241: {  	s17 =	sand.u32 $0x7F, s17;
	s19 =	sadd.s32 s19, s15  }
0x242: {  	s17 =	sor.u32 s17, s19;
	[tilespmem:s12+$0x12E50] =	vst v3  }
0x243: {  	v3 =	vld [tilespmem:s17+$0x0];
	_ =	sdelay $0x1  }
0x244: {  	s17 =	sadd.s32 $0x20, s13  }
0x245: {  	s19 =	sand.u32 $0xFFFFFF80, s17  }
0x246: {  	s17 =	sand.u32 $0x7F, s17;
	s19 =	sadd.s32 s19, s18  }
0x247: {  	(v2sf) =	vpush v2, $0xD;
	s17 =	sor.u32 s17, s19;
	[tilespmem:s12+$0x12E20] =	vst v3  }
0x248: {  	v3 =	vld [tilespmem:s17+$0x0];
	_ =	sdelay $0x1  }
0x249: {  	s1 =	sadd.s32 $0x30, s1  }
0x24a: {  	s19 =	sand.u32 $0xFFFFFF80, s1  }
0x24b: {  	s1 =	sand.u32 $0x7F, s1;
	s15 =	sadd.s32 s19, s15  }
0x24c: {  	(v2sf) =	vpush v1, $0xD;
	s1 =	sor.u32 s1, s15;
	[tilespmem:s12+$0x12E60] =	vst v3  }
0x24d: {  	v3 =	vld [tilespmem:s1+$0x0];
	_ =	sdelay $0x1  }
0x24e: {  	s15 =	sadd.s32 $0x30, s13  }
0x24f: {  	s13 =	sand.u32 $0xFFFFFF80, s15  }
0x250: {  	s13 =	sadd.s32 s13, s18;
	s1 =	sand.u32 $0x7F, s15  }
0x251: {  	s1 =	sor.u32 s1, s13;
	[tilespmem:s12+$0x12E30] =	vst v3  }
0x252: {  	v3 =	vld [tilespmem:s1+$0x0];
	_ =	sdelay $0x1  }
0x253: {  	s1 =	spop (v2sf)  }
0x254: {  	s15 =	sadd.s32 $0x2E80, s12;
	s17 =	sand.u32 $0xFFFFFF80, s1  }
0x255: {  	s18 =	sand.u32 $0x7F, s1;
	s13 =	sadd.s32 s17, s15  }
0x256: {  	s13 =	sor.u32 s18, s13;
	[tilespmem:s12+$0x12E70] =	vst v3  }
0x257: {  	v3 =	vld [tilespmem:s13+$0x0];
	_ =	sdelay $0x1  }
0x258: {  	s13 =	spop (v2sf)  }
0x259: {  	s18 =	sadd.s32 $0xAE80, s12;
	s17 =	sand.u32 $0xFFFFFF80, s13  }
0x25a: {  	s19 =	sand.u32 $0x7F, s13;
	s17 =	sadd.s32 s17, s18  }
0x25b: {  	s17 =	sor.u32 s19, s17;
	[tilespmem:s12+$0x12E80] =	vst v3  }
0x25c: {  	v3 =	vld [tilespmem:s17+$0x0];
	_ =	sdelay $0x1  }
0x25d: {  	s17 =	sadd.s32 $0x10, s1  }
0x25e: {  	s19 =	sand.u32 $0xFFFFFF80, s17  }
0x25f: {  	s17 =	sand.u32 $0x7F, s17;
	s19 =	sadd.s32 s19, s15  }
0x260: {  	s17 =	sor.u32 s17, s19;
	[tilespmem:s12+$0x12EC0] =	vst v3  }
0x261: {  	v3 =	vld [tilespmem:s17+$0x0];
	_ =	sdelay $0x1  }
0x262: {  	s17 =	sadd.s32 $0x10, s13  }
0x263: {  	s19 =	sand.u32 $0xFFFFFF80, s17  }
0x264: {  	s17 =	sand.u32 $0x7F, s17;
	s19 =	sadd.s32 s19, s18  }
0x265: {  	s17 =	sor.u32 s17, s19;
	[tilespmem:s12+$0x12E90] =	vst v3  }
0x266: {  	v3 =	vld [tilespmem:s17+$0x0];
	_ =	sdelay $0x1  }
0x267: {  	s17 =	sadd.s32 $0x20, s1  }
0x268: {  	s19 =	sand.u32 $0xFFFFFF80, s17  }
0x269: {  	s17 =	sand.u32 $0x7F, s17;
	s19 =	sadd.s32 s19, s15  }
0x26a: {  	s17 =	sor.u32 s17, s19;
	[tilespmem:s12+$0x12ED0] =	vst v3  }
0x26b: {  	v3 =	vld [tilespmem:s17+$0x0];
	_ =	sdelay $0x1  }
0x26c: {  	s17 =	sadd.s32 $0x20, s13  }
0x26d: {  	s19 =	sand.u32 $0xFFFFFF80, s17  }
0x26e: {  	s17 =	sand.u32 $0x7F, s17;
	s19 =	sadd.s32 s19, s18  }
0x26f: {  	(v2sf) =	vpush v2, $0xE;
	s17 =	sor.u32 s17, s19;
	[tilespmem:s12+$0x12EA0] =	vst v3  }
0x270: {  	v3 =	vld [tilespmem:s17+$0x0];
	_ =	sdelay $0x1  }
0x271: {  	s1 =	sadd.s32 $0x30, s1  }
0x272: {  	s19 =	sand.u32 $0xFFFFFF80, s1  }
0x273: {  	s1 =	sand.u32 $0x7F, s1;
	s15 =	sadd.s32 s19, s15  }
0x274: {  	(v2sf) =	vpush v1, $0xE;
	s1 =	sor.u32 s1, s15;
	[tilespmem:s12+$0x12EE0] =	vst v3  }
0x275: {  	v3 =	vld [tilespmem:s1+$0x0];
	_ =	sdelay $0x1  }
0x276: {  	s15 =	sadd.s32 $0x30, s13  }
0x277: {  	s13 =	sand.u32 $0xFFFFFF80, s15  }
0x278: {  	s13 =	sadd.s32 s13, s18;
	s1 =	sand.u32 $0x7F, s15  }
0x279: {  	s1 =	sor.u32 s1, s13;
	[tilespmem:s12+$0x12EB0] =	vst v3  }
0x27a: {  	v3 =	vld [tilespmem:s1+$0x0];
	_ =	sdelay $0x1  }
0x27b: {  	s1 =	spop (v2sf)  }
0x27c: {  	s15 =	sadd.s32 $0x2F00, s12;
	s17 =	sand.u32 $0xFFFFFF80, s1  }
0x27d: {  	s18 =	sand.u32 $0x7F, s1;
	s13 =	sadd.s32 s17, s15  }
0x27e: {  	s13 =	sor.u32 s18, s13;
	[tilespmem:s12+$0x12EF0] =	vst v3  }
0x27f: {  	v3 =	vld [tilespmem:s13+$0x0];
	_ =	sdelay $0x1  }
0x280: {  	s13 =	spop (v2sf)  }
0x281: {  	s18 =	sadd.s32 $0xAF00, s12;
	s17 =	sand.u32 $0xFFFFFF80, s13  }
0x282: {  	s19 =	sand.u32 $0x7F, s13;
	s17 =	sadd.s32 s17, s18  }
0x283: {  	s17 =	sor.u32 s19, s17;
	[tilespmem:s12+$0x12F00] =	vst v3  }
0x284: {  	v3 =	vld [tilespmem:s17+$0x0];
	_ =	sdelay $0x1  }
0x285: {  	s17 =	sadd.s32 $0x10, s1  }
0x286: {  	s19 =	sand.u32 $0xFFFFFF80, s17  }
0x287: {  	s17 =	sand.u32 $0x7F, s17;
	s19 =	sadd.s32 s19, s15  }
0x288: {  	s17 =	sor.u32 s17, s19;
	[tilespmem:s12+$0x12F40] =	vst v3  }
0x289: {  	v3 =	vld [tilespmem:s17+$0x0];
	_ =	sdelay $0x1  }
0x28a: {  	s17 =	sadd.s32 $0x10, s13  }
0x28b: {  	s19 =	sand.u32 $0xFFFFFF80, s17  }
0x28c: {  	s17 =	sand.u32 $0x7F, s17;
	s19 =	sadd.s32 s19, s18  }
0x28d: {  	s17 =	sor.u32 s17, s19;
	[tilespmem:s12+$0x12F10] =	vst v3  }
0x28e: {  	v3 =	vld [tilespmem:s17+$0x0];
	_ =	sdelay $0x1  }
0x28f: {  	s17 =	sadd.s32 $0x20, s1  }
0x290: {  	s19 =	sand.u32 $0xFFFFFF80, s17  }
0x291: {  	s17 =	sand.u32 $0x7F, s17;
	s19 =	sadd.s32 s19, s15  }
0x292: {  	s17 =	sor.u32 s17, s19;
	[tilespmem:s12+$0x12F50] =	vst v3  }
0x293: {  	v3 =	vld [tilespmem:s17+$0x0];
	_ =	sdelay $0x1  }
0x294: {  	s17 =	sadd.s32 $0x20, s13  }
0x295: {  	s19 =	sand.u32 $0xFFFFFF80, s17  }
0x296: {  	s17 =	sand.u32 $0x7F, s17;
	s19 =	sadd.s32 s19, s18  }
0x297: {  	(v2sf) =	vpush v2, $0xF;
	s17 =	sor.u32 s17, s19;
	[tilespmem:s12+$0x12F20] =	vst v3  }
0x298: {  	v2 =	vld [tilespmem:s17+$0x0];
	_ =	sdelay $0x1  }
0x299: {  	s1 =	sadd.s32 $0x30, s1  }
0x29a: {  	s19 =	sand.u32 $0xFFFFFF80, s1  }
0x29b: {  	s1 =	sand.u32 $0x7F, s1;
	s15 =	sadd.s32 s19, s15  }
0x29c: {  	(v2sf) =	vpush v1, $0xF;
	s1 =	sor.u32 s1, s15;
	[tilespmem:s12+$0x12F60] =	vst v2  }
0x29d: {  	v1 =	vld [tilespmem:s1+$0x0];
	_ =	sdelay $0x1  }
0x29e: {  	s15 =	sadd.s32 $0x30, s13  }
0x29f: {  	s13 =	sand.u32 $0xFFFFFF80, s15  }
0x2a0: {  	s13 =	sadd.s32 s13, s18;
	s1 =	sand.u32 $0x7F, s15  }
0x2a1: {  	s1 =	sor.u32 s1, s13;
	[tilespmem:s12+$0x12F30] =	vst v1  }
0x2a2: {  	v1 =	vld [tilespmem:s1+$0x0];
	_ =	sdelay $0x1  }
0x2a3: {  	s1 =	spop (v2sf)  }
0x2a4: {  	s15 =	sadd.s32 $0x2F80, s12;
	s17 =	sand.u32 $0xFFFFFF80, s1  }
0x2a5: {  	s18 =	sand.u32 $0x7F, s1;
	s13 =	sadd.s32 s17, s15  }
0x2a6: {  	s13 =	sor.u32 s18, s13;
	[tilespmem:s12+$0x12F70] =	vst v1  }
0x2a7: {  	v1 =	vld [tilespmem:s13+$0x0];
	_ =	sdelay $0x1  }
0x2a8: {  	s13 =	spop (v2sf)  }
0x2a9: {  	s18 =	sadd.s32 $0xAF80, s12;
	s17 =	sand.u32 $0xFFFFFF80, s13  }
0x2aa: {  	s19 =	sand.u32 $0x7F, s13;
	s17 =	sadd.s32 s17, s18  }
0x2ab: {  	s17 =	sor.u32 s19, s17;
	[tilespmem:s12+$0x12F80] =	vst v1  }
0x2ac: {  	v1 =	vld [tilespmem:s17+$0x0];
	_ =	sdelay $0x1  }
0x2ad: {  	s17 =	sadd.s32 $0x10, s1  }
0x2ae: {  	s19 =	sand.u32 $0xFFFFFF80, s17  }
0x2af: {  	s17 =	sand.u32 $0x7F, s17;
	s19 =	sadd.s32 s19, s15  }
0x2b0: {  	s17 =	sor.u32 s17, s19;
	[tilespmem:s12+$0x12FC0] =	vst v1  }
0x2b1: {  	v1 =	vld [tilespmem:s17+$0x0];
	_ =	sdelay $0x1  }
0x2b2: {  	s17 =	sadd.s32 $0x10, s13  }
0x2b3: {  	s19 =	sand.u32 $0xFFFFFF80, s17  }
0x2b4: {  	s17 =	sand.u32 $0x7F, s17;
	s19 =	sadd.s32 s19, s18  }
0x2b5: {  	s17 =	sor.u32 s17, s19;
	[tilespmem:s12+$0x12F90] =	vst v1  }
0x2b6: {  	v1 =	vld [tilespmem:s17+$0x0];
	_ =	sdelay $0x1  }
0x2b7: {  	s17 =	sadd.s32 $0x20, s1  }
0x2b8: {  	s19 =	sand.u32 $0xFFFFFF80, s17  }
0x2b9: {  	s17 =	sand.u32 $0x7F, s17;
	s19 =	sadd.s32 s19, s15  }
0x2ba: {  	s17 =	sor.u32 s17, s19;
	[tilespmem:s12+$0x12FD0] =	vst v1  }
0x2bb: {  	v1 =	vld [tilespmem:s17+$0x0];
	_ =	sdelay $0x1  }
0x2bc: {  	s17 =	sadd.s32 $0x20, s13  }
0x2bd: {  	s19 =	sand.u32 $0xFFFFFF80, s17  }
0x2be: {  	s17 =	sand.u32 $0x7F, s17;
	s19 =	sadd.s32 s19, s18  }
0x2bf: {  	s17 =	sor.u32 s17, s19;
	[tilespmem:s12+$0x12FA0] =	vst v1  }
0x2c0: {  	v1 =	vld [tilespmem:s17+$0x0];
	_ =	sdelay $0x1  }
0x2c1: {  	s1 =	sadd.s32 $0x30, s1  }
0x2c2: {  	s19 =	sand.u32 $0xFFFFFF80, s1  }
0x2c3: {  	s1 =	sand.u32 $0x7F, s1;
	s15 =	sadd.s32 s19, s15  }
0x2c4: {  	s1 =	sor.u32 s1, s15;
	[tilespmem:s12+$0x12FE0] =	vst v1  }
0x2c5: {  	v1 =	vld [tilespmem:s1+$0x0];
	_ =	sdelay $0x1  }
0x2c6: {  	s19 =	sadd.s32 $0x30, s13  }
0x2c7: {  	s13 =	sand.u32 $0xFFFFFF80, s19  }
0x2c8: {  	s13 =	sadd.s32 s13, s18;
	s1 =	sand.u32 $0x7F, s19  }
0x2c9: {  	s1 =	sor.u32 s1, s13;
	[tilespmem:s12+$0x12FB0] =	vst v1  }
0x2ca: {  	p1 =	sne.s32 s11, $0x7;
	v1 =	vld [tilespmem:s1+$0x0]  }
.Ltmp2:
0x2cb: {  	_ = 	snop;
	(pc) =	sbr.rel @p1 .LBB2_3-.Ltmp2, $2  }
0x2cc: {  	_ =	sdelay $0x2  }
0x2cd: {  	s11 =	sadd.s32 $0x1, s11;
	[tilespmem:s12+$0x12FF0] =	vst v1  }
0x2ce: {  	s1 =	sshll.u32 s23, $0xF  }
0x2cf: {  	s1 =	sadd.s32 s14, s1  }
0x2d0: {  	s1 =	sshrl.u32 s1, $0x3  }
0x2d1: {  	p1 =	sgt.u32 s23, $0x2C;
	s1 =	sadd.s32 s9, s1  }
0x2d2: {  	[hbm4b:s1+s3] =	stream.linear.scatter [tilespmem:s29], [sflag:$0x5], $0x4000, $0x38;
	[tilespmem:$0x1A800] =	vst v63  }
0x2d3: {  	s1 =	sand.u32 @!p1 $0xFF, s16  }
0x2d4: {  	p2 =	sne.s32 @!p1 s1, $0x0  }
0x2d5: {  	p1 =	por p1, p2  }
.Ltmp3:
0x2d6: {  	_ = 	snop;
	(pc) =	sbr.rel @p1 .LBB2_6-.Ltmp3, $1  }
0x2d7: {  	_ =	sdelay $0x3  }
0x2d8: {  	s1 =	sadd.s32 $0x1, s10  }
0x2d9: {  	s10 =	smul.u32 $0x500, s1;
	_ =	sdelay $0x1  }
0x2da: {  	s1 =	sand.u32 $0x1, s1;
	s10 =	sadd.s32 s5, s10  }
0x2db: {  	p1 =	seq.s32 s1, $0x1;
	s1 =	simm.s32 $0x500;
	s10 =	sshrl.u32 s10, $0x3  }
0x2dc: {  	s1 =	simm.s32 @!p1 $0x0;
	s11 =	sadd.s32 s4, s10  }
0x2dd: {  	[tilespmem:s1], [sflag:$0x7] =	stream.linear.gather [hbm4b:s11+s3], $0x500, $0x38;
	[tilespmem:$0x1A800] =	vst v63  }
0x2de: {  	s17 =	sor.u32 $0xA00, s1;
	s12 =	sadd.s32 s6, s10  }
0x2df: {  	[tilespmem:s17], [sflag:$0x7] =	stream.linear.gather [hbm4b:s12+s3], $0x500, $0x38;
	[tilespmem:$0x1A800] =	vst v63  }
0x2e0: {  	s18 =	sadd.s32 $0x1400, s1;
	s19 =	sadd.s32 s7, s10  }
0x2e1: {  	[tilespmem:s18], [sflag:$0x7] =	stream.linear.gather [hbm4b:s19+s3], $0x500, $0x38;
	[tilespmem:$0x1A800] =	vst v63  }
0x2e2: {  	s10 =	sadd.s32 s8, s10;
	s1 =	sadd.s32 $0x1E00, s1  }
0x2e3: {  	[tilespmem:s1], [sflag:$0x7] =	stream.linear.gather [hbm4b:s10+s3], $0x500, $0x38;
	[tilespmem:$0x1A800] =	vst v63  }
.LBB2_7:
0x2e4: {  	s1 =	sadd.s32 $0x2, s24  }
0x2e5: {  	s10 =	smulhi.u32 $0x66666667, s1;
	_ =	sdelay $0x1  }
0x2e6: {  	s10 =	sshrl.u32 s10, $0x2  }
0x2e7: {  	s11 =	smul.u32 $0xA, s10;
	_ =	sdelay $0x1  }
0x2e8: {  	s1 =	ssub.s32 s1, s11  }
0x2e9: {  	p1 =	sne.s32 s1, $0x0  }
0x2ea: {  	s11 =	simm.s32 @!p1 $0x7  }
0x2eb: {  	_ =	swait.ge @!p1 [sflag:s11], $0x500  }
0x2ec: {  	[sflag:s11] =	ssyncset.done @!p1 $0x0  }
0x2ed: {  	[sflag:s11] =	ssyncadd.s32 @!p1 $0xFFFFFB00  }
0x2ee: {  	_ =	swait.ge @!p1 [sflag:s11], $0x500  }
0x2ef: {  	[sflag:s11] =	ssyncset.done @!p1 $0x0  }
0x2f0: {  	[sflag:s11] =	ssyncadd.s32 @!p1 $0xFFFFFB00  }
0x2f1: {  	_ =	swait.ge @!p1 [sflag:s11], $0x500  }
0x2f2: {  	s10 =	sand.u32 $0x1, s10;
	[sflag:s11] =	ssyncset.done @!p1 $0x0  }
0x2f3: {  	p2 =	seq.s32 s10, $0x1;
	s10 =	simm.s32 $0xA;
	[sflag:s11] =	ssyncadd.s32 @!p1 $0xFFFFFB00  }
0x2f4: {  	s10 =	simm.s32 @!p2 $0x0;
	_ =	swait.ge @!p1 [sflag:s11], $0x500  }
0x2f5: {  	s1 =	sadd.s32 s1, s10;
	[sflag:s11] =	ssyncset.done @!p1 $0x0  }
0x2f6: {  	s1 =	sshll.u32 s1, $0x7;
	[sflag:s11] =	ssyncadd.s32 @!p1 $0xFFFFFB00  }
0x2f7: {  	[tilespmem:s21], [sflag:$0x1] =	stream.indirect.gather [hbm4b:s2+s20], $0x80, s1, s20, $0xb8;
	[tilespmem:$0x1A800] =	vst v63  }
0x2f8: {  	p1 =	por $0x0, $0x0;
	s1 =	sadd.s32 $0xA00, s1  }
0x2f9: {  	[tilespmem:s22], [sflag:$0x3] =	stream.indirect.gather [hbm4b:s2+s20], $0x80, s1, s20, $0xb8;
	[tilespmem:$0x1A800] =	vst v63  }
.LBB2_8:
0x2fa: {  	s16 =	sor.u32 $0x1, s24  }
0x2fb: {  	s1 =	smulhi.u32 $0x66666667, s16;
	_ =	sdelay $0x1  }
0x2fc: {  	s1 =	sshrl.u32 s1, $0x2  }
0x2fd: {  	_ =	swait.ge [sflag:s30], $0x4000;
	s1 =	smul.u32 $0xA, s1  }
0x2fe: {  	[sflag:s30] =	ssyncset.done $0x0  }
0x2ff: {  	[sflag:s30] =	ssyncadd.s32 $0xFFFFC000;
	s1 =	ssub.s32 s16, s1  }
0x300: {  	_ =	swait.ge [sflag:s31], $0x4000;
	s1 =	sshll.u32 s1, $0x7  }
0x301: {  	[sflag:s31] =	ssyncset.done $0x0;
	s1 =	sadd.s32 s1, s25  }
0x302: {  	s10 =	simm.s32 @!p0 $0x6;
	[sflag:s31] =	ssyncadd.s32 $0xFFFFC000;
	v0 =	vmov s1  }
0x303: {  	_ =	swait.ge @!p0 [sflag:s10], $0x4000  }
0x304: {  	[sflag:s10] =	ssyncset.done @!p0 $0x0  }
0x305: {  	[sflag:s10] =	ssyncadd.s32 @!p0 $0xFFFFC000;
	s10 =	simm.s32 $0x0  }
.LBB2_9:
0x306: {  	s1 =	sshll.u32 s10, $0x4  }
0x307: {  	v2 =	vld.idx.msk [tilespmem:v0+s1+$0x1400 ss:$0x1], $0xffff;
	_ =	sdelay $0x4  }
0x308: {  	(v2sf) =	vpush v2, $0x0  }
0x309: {  	v1 =	vld.idx.msk [tilespmem:v0+s1+$0x1E00 ss:$0x1], $0xffff;
	_ =	sdelay $0x4  }
0x30a: {  	(v2sf) =	vpush v1, $0x0;
	_ =	sdelay $0x8  }
0x30b: {  	s11 =	sshll.u32 s10, $0xB;
	s1 =	spop (v2sf)  }
0x30c: {  	s13 =	sadd.s32 $0x6800, s11;
	s12 =	sand.u32 $0xFFFFFF80, s1  }
0x30d: {  	s15 =	sand.u32 $0x7F, s1;
	s12 =	sadd.s32 s12, s13  }
0x30e: {  	s12 =	sor.u32 s15, s12  }
0x30f: {  	v3 =	vld [tilespmem:s12+$0x0];
	_ =	sdelay $0x1  }
0x310: {  	s12 =	spop (v2sf)  }
0x311: {  	s17 =	sadd.s32 $0xE800, s11;
	s25 =	sand.u32 $0xFFFFFF80, s12  }
0x312: {  	s18 =	sand.u32 $0x7F, s12;
	s15 =	sadd.s32 s25, s17  }
0x313: {  	s15 =	sor.u32 s18, s15;
	[tilespmem:s11+$0x16800] =	vst v3  }
0x314: {  	v3 =	vld [tilespmem:s15+$0x0];
	_ =	sdelay $0x1  }
0x315: {  	s19 =	sadd.s32 $0x10, s1  }
0x316: {  	s25 =	sand.u32 $0xFFFFFF80, s19  }
0x317: {  	s18 =	sadd.s32 s25, s13;
	s15 =	sand.u32 $0x7F, s19  }
0x318: {  	s15 =	sor.u32 s15, s18;
	[tilespmem:s11+$0x16840] =	vst v3  }
0x319: {  	v3 =	vld [tilespmem:s15+$0x0];
	_ =	sdelay $0x1  }
0x31a: {  	s19 =	sadd.s32 $0x10, s12  }
0x31b: {  	s25 =	sand.u32 $0xFFFFFF80, s19  }
0x31c: {  	s18 =	sadd.s32 s25, s17;
	s15 =	sand.u32 $0x7F, s19  }
0x31d: {  	s15 =	sor.u32 s15, s18;
	[tilespmem:s11+$0x16810] =	vst v3  }
0x31e: {  	v3 =	vld [tilespmem:s15+$0x0];
	_ =	sdelay $0x1  }
0x31f: {  	s19 =	sadd.s32 $0x20, s1  }
0x320: {  	s25 =	sand.u32 $0xFFFFFF80, s19  }
0x321: {  	s18 =	sadd.s32 s25, s13;
	s15 =	sand.u32 $0x7F, s19  }
0x322: {  	s15 =	sor.u32 s15, s18;
	[tilespmem:s11+$0x16850] =	vst v3  }
0x323: {  	v3 =	vld [tilespmem:s15+$0x0];
	_ =	sdelay $0x1  }
0x324: {  	s18 =	sadd.s32 $0x20, s12  }
0x325: {  	s19 =	sand.u32 $0xFFFFFF80, s18  }
0x326: {  	s15 =	sand.u32 $0x7F, s18;
	s18 =	sadd.s32 s19, s17  }
0x327: {  	(v2sf) =	vpush v2, $0x1;
	s15 =	sor.u32 s15, s18;
	[tilespmem:s11+$0x16820] =	vst v3  }
0x328: {  	v3 =	vld [tilespmem:s15+$0x0];
	_ =	sdelay $0x1  }
0x329: {  	s1 =	sadd.s32 $0x30, s1  }
0x32a: {  	s25 =	sand.u32 $0xFFFFFF80, s1  }
0x32b: {  	s1 =	sand.u32 $0x7F, s1;
	s13 =	sadd.s32 s25, s13  }
0x32c: {  	(v2sf) =	vpush v1, $0x1;
	s1 =	sor.u32 s1, s13;
	[tilespmem:s11+$0x16860] =	vst v3  }
0x32d: {  	v3 =	vld [tilespmem:s1+$0x0];
	_ =	sdelay $0x1  }
0x32e: {  	s15 =	sadd.s32 $0x30, s12  }
0x32f: {  	s12 =	sand.u32 $0xFFFFFF80, s15  }
0x330: {  	s12 =	sadd.s32 s12, s17;
	s1 =	sand.u32 $0x7F, s15  }
0x331: {  	s1 =	sor.u32 s1, s12;
	[tilespmem:s11+$0x16830] =	vst v3  }
0x332: {  	v3 =	vld [tilespmem:s1+$0x0];
	_ =	sdelay $0x1  }
0x333: {  	s1 =	spop (v2sf)  }
0x334: {  	s13 =	sadd.s32 $0x6880, s11;
	s17 =	sand.u32 $0xFFFFFF80, s1  }
0x335: {  	s18 =	sand.u32 $0x7F, s1;
	s12 =	sadd.s32 s17, s13  }
0x336: {  	s12 =	sor.u32 s18, s12;
	[tilespmem:s11+$0x16870] =	vst v3  }
0x337: {  	v3 =	vld [tilespmem:s12+$0x0];
	_ =	sdelay $0x1  }
0x338: {  	s12 =	spop (v2sf)  }
0x339: {  	s17 =	sadd.s32 $0xE880, s11;
	s19 =	sand.u32 $0xFFFFFF80, s12  }
0x33a: {  	s25 =	sand.u32 $0x7F, s12;
	s15 =	sadd.s32 s19, s17  }
0x33b: {  	s15 =	sor.u32 s25, s15;
	[tilespmem:s11+$0x16880] =	vst v3  }
0x33c: {  	v3 =	vld [tilespmem:s15+$0x0];
	_ =	sdelay $0x1  }
0x33d: {  	s19 =	sadd.s32 $0x10, s1  }
0x33e: {  	s25 =	sand.u32 $0xFFFFFF80, s19  }
0x33f: {  	s18 =	sadd.s32 s25, s13;
	s15 =	sand.u32 $0x7F, s19  }
0x340: {  	s15 =	sor.u32 s15, s18;
	[tilespmem:s11+$0x168C0] =	vst v3  }
0x341: {  	v3 =	vld [tilespmem:s15+$0x0];
	_ =	sdelay $0x1  }
0x342: {  	s19 =	sadd.s32 $0x10, s12  }
0x343: {  	s25 =	sand.u32 $0xFFFFFF80, s19  }
0x344: {  	s18 =	sadd.s32 s25, s17;
	s15 =	sand.u32 $0x7F, s19  }
0x345: {  	s15 =	sor.u32 s15, s18;
	[tilespmem:s11+$0x16890] =	vst v3  }
0x346: {  	v3 =	vld [tilespmem:s15+$0x0];
	_ =	sdelay $0x1  }
0x347: {  	s19 =	sadd.s32 $0x20, s1  }
0x348: {  	s25 =	sand.u32 $0xFFFFFF80, s19  }
0x349: {  	s18 =	sadd.s32 s25, s13;
	s15 =	sand.u32 $0x7F, s19  }
0x34a: {  	s15 =	sor.u32 s15, s18;
	[tilespmem:s11+$0x168D0] =	vst v3  }
0x34b: {  	v3 =	vld [tilespmem:s15+$0x0];
	_ =	sdelay $0x1  }
0x34c: {  	s18 =	sadd.s32 $0x20, s12  }
0x34d: {  	s19 =	sand.u32 $0xFFFFFF80, s18  }
0x34e: {  	s15 =	sand.u32 $0x7F, s18;
	s18 =	sadd.s32 s19, s17  }
0x34f: {  	(v2sf) =	vpush v2, $0x2;
	s15 =	sor.u32 s15, s18;
	[tilespmem:s11+$0x168A0] =	vst v3  }
0x350: {  	v3 =	vld [tilespmem:s15+$0x0];
	_ =	sdelay $0x1  }
0x351: {  	s1 =	sadd.s32 $0x30, s1  }
0x352: {  	s25 =	sand.u32 $0xFFFFFF80, s1  }
0x353: {  	s1 =	sand.u32 $0x7F, s1;
	s13 =	sadd.s32 s25, s13  }
0x354: {  	(v2sf) =	vpush v1, $0x2;
	s1 =	sor.u32 s1, s13;
	[tilespmem:s11+$0x168E0] =	vst v3  }
0x355: {  	v3 =	vld [tilespmem:s1+$0x0];
	_ =	sdelay $0x1  }
0x356: {  	s15 =	sadd.s32 $0x30, s12  }
0x357: {  	s12 =	sand.u32 $0xFFFFFF80, s15  }
0x358: {  	s12 =	sadd.s32 s12, s17;
	s1 =	sand.u32 $0x7F, s15  }
0x359: {  	s1 =	sor.u32 s1, s12;
	[tilespmem:s11+$0x168B0] =	vst v3  }
0x35a: {  	v3 =	vld [tilespmem:s1+$0x0];
	_ =	sdelay $0x1  }
0x35b: {  	s1 =	spop (v2sf)  }
0x35c: {  	s13 =	sadd.s32 $0x6900, s11;
	s17 =	sand.u32 $0xFFFFFF80, s1  }
0x35d: {  	s18 =	sand.u32 $0x7F, s1;
	s12 =	sadd.s32 s17, s13  }
0x35e: {  	s12 =	sor.u32 s18, s12;
	[tilespmem:s11+$0x168F0] =	vst v3  }
0x35f: {  	v3 =	vld [tilespmem:s12+$0x0];
	_ =	sdelay $0x1  }
0x360: {  	s12 =	spop (v2sf)  }
0x361: {  	s17 =	sadd.s32 $0xE900, s11;
	s19 =	sand.u32 $0xFFFFFF80, s12  }
0x362: {  	s25 =	sand.u32 $0x7F, s12;
	s15 =	sadd.s32 s19, s17  }
0x363: {  	s15 =	sor.u32 s25, s15;
	[tilespmem:s11+$0x16900] =	vst v3  }
0x364: {  	v3 =	vld [tilespmem:s15+$0x0];
	_ =	sdelay $0x1  }
0x365: {  	s19 =	sadd.s32 $0x10, s1  }
0x366: {  	s25 =	sand.u32 $0xFFFFFF80, s19  }
0x367: {  	s18 =	sadd.s32 s25, s13;
	s15 =	sand.u32 $0x7F, s19  }
0x368: {  	s15 =	sor.u32 s15, s18;
	[tilespmem:s11+$0x16940] =	vst v3  }
0x369: {  	v3 =	vld [tilespmem:s15+$0x0];
	_ =	sdelay $0x1  }
0x36a: {  	s19 =	sadd.s32 $0x10, s12  }
0x36b: {  	s25 =	sand.u32 $0xFFFFFF80, s19  }
0x36c: {  	s18 =	sadd.s32 s25, s17;
	s15 =	sand.u32 $0x7F, s19  }
0x36d: {  	s15 =	sor.u32 s15, s18;
	[tilespmem:s11+$0x16910] =	vst v3  }
0x36e: {  	v3 =	vld [tilespmem:s15+$0x0];
	_ =	sdelay $0x1  }
0x36f: {  	s19 =	sadd.s32 $0x20, s1  }
0x370: {  	s25 =	sand.u32 $0xFFFFFF80, s19  }
0x371: {  	s18 =	sadd.s32 s25, s13;
	s15 =	sand.u32 $0x7F, s19  }
0x372: {  	s15 =	sor.u32 s15, s18;
	[tilespmem:s11+$0x16950] =	vst v3  }
0x373: {  	v3 =	vld [tilespmem:s15+$0x0];
	_ =	sdelay $0x1  }
0x374: {  	s18 =	sadd.s32 $0x20, s12  }
0x375: {  	s19 =	sand.u32 $0xFFFFFF80, s18  }
0x376: {  	s15 =	sand.u32 $0x7F, s18;
	s18 =	sadd.s32 s19, s17  }
0x377: {  	(v2sf) =	vpush v2, $0x3;
	s15 =	sor.u32 s15, s18;
	[tilespmem:s11+$0x16920] =	vst v3  }
0x378: {  	v3 =	vld [tilespmem:s15+$0x0];
	_ =	sdelay $0x1  }
0x379: {  	s1 =	sadd.s32 $0x30, s1  }
0x37a: {  	s25 =	sand.u32 $0xFFFFFF80, s1  }
0x37b: {  	s1 =	sand.u32 $0x7F, s1;
	s13 =	sadd.s32 s25, s13  }
0x37c: {  	(v2sf) =	vpush v1, $0x3;
	s1 =	sor.u32 s1, s13;
	[tilespmem:s11+$0x16960] =	vst v3  }
0x37d: {  	v3 =	vld [tilespmem:s1+$0x0];
	_ =	sdelay $0x1  }
0x37e: {  	s15 =	sadd.s32 $0x30, s12  }
0x37f: {  	s12 =	sand.u32 $0xFFFFFF80, s15  }
0x380: {  	s12 =	sadd.s32 s12, s17;
	s1 =	sand.u32 $0x7F, s15  }
0x381: {  	s1 =	sor.u32 s1, s12;
	[tilespmem:s11+$0x16930] =	vst v3  }
0x382: {  	v3 =	vld [tilespmem:s1+$0x0];
	_ =	sdelay $0x1  }
0x383: {  	s1 =	spop (v2sf)  }
0x384: {  	s13 =	sadd.s32 $0x6980, s11;
	s17 =	sand.u32 $0xFFFFFF80, s1  }
0x385: {  	s18 =	sand.u32 $0x7F, s1;
	s12 =	sadd.s32 s17, s13  }
0x386: {  	s12 =	sor.u32 s18, s12;
	[tilespmem:s11+$0x16970] =	vst v3  }
0x387: {  	v3 =	vld [tilespmem:s12+$0x0];
	_ =	sdelay $0x1  }
0x388: {  	s12 =	spop (v2sf)  }
0x389: {  	s17 =	sadd.s32 $0xE980, s11;
	s19 =	sand.u32 $0xFFFFFF80, s12  }
0x38a: {  	s25 =	sand.u32 $0x7F, s12;
	s15 =	sadd.s32 s19, s17  }
0x38b: {  	s15 =	sor.u32 s25, s15;
	[tilespmem:s11+$0x16980] =	vst v3  }
0x38c: {  	v3 =	vld [tilespmem:s15+$0x0];
	_ =	sdelay $0x1  }
0x38d: {  	s19 =	sadd.s32 $0x10, s1  }
0x38e: {  	s25 =	sand.u32 $0xFFFFFF80, s19  }
0x38f: {  	s18 =	sadd.s32 s25, s13;
	s15 =	sand.u32 $0x7F, s19  }
0x390: {  	s15 =	sor.u32 s15, s18;
	[tilespmem:s11+$0x169C0] =	vst v3  }
0x391: {  	v3 =	vld [tilespmem:s15+$0x0];
	_ =	sdelay $0x1  }
0x392: {  	s19 =	sadd.s32 $0x10, s12  }
0x393: {  	s25 =	sand.u32 $0xFFFFFF80, s19  }
0x394: {  	s18 =	sadd.s32 s25, s17;
	s15 =	sand.u32 $0x7F, s19  }
0x395: {  	s15 =	sor.u32 s15, s18;
	[tilespmem:s11+$0x16990] =	vst v3  }
0x396: {  	v3 =	vld [tilespmem:s15+$0x0];
	_ =	sdelay $0x1  }
0x397: {  	s19 =	sadd.s32 $0x20, s1  }
0x398: {  	s25 =	sand.u32 $0xFFFFFF80, s19  }
0x399: {  	s18 =	sadd.s32 s25, s13;
	s15 =	sand.u32 $0x7F, s19  }
0x39a: {  	s15 =	sor.u32 s15, s18;
	[tilespmem:s11+$0x169D0] =	vst v3  }
0x39b: {  	v3 =	vld [tilespmem:s15+$0x0];
	_ =	sdelay $0x1  }
0x39c: {  	s18 =	sadd.s32 $0x20, s12  }
0x39d: {  	s19 =	sand.u32 $0xFFFFFF80, s18  }
0x39e: {  	s15 =	sand.u32 $0x7F, s18;
	s18 =	sadd.s32 s19, s17  }
0x39f: {  	(v2sf) =	vpush v2, $0x4;
	s15 =	sor.u32 s15, s18;
	[tilespmem:s11+$0x169A0] =	vst v3  }
0x3a0: {  	v3 =	vld [tilespmem:s15+$0x0];
	_ =	sdelay $0x1  }
0x3a1: {  	s1 =	sadd.s32 $0x30, s1  }
0x3a2: {  	s25 =	sand.u32 $0xFFFFFF80, s1  }
0x3a3: {  	s1 =	sand.u32 $0x7F, s1;
	s13 =	sadd.s32 s25, s13  }
0x3a4: {  	(v2sf) =	vpush v1, $0x4;
	s1 =	sor.u32 s1, s13;
	[tilespmem:s11+$0x169E0] =	vst v3  }
0x3a5: {  	v3 =	vld [tilespmem:s1+$0x0];
	_ =	sdelay $0x1  }
0x3a6: {  	s15 =	sadd.s32 $0x30, s12  }
0x3a7: {  	s12 =	sand.u32 $0xFFFFFF80, s15  }
0x3a8: {  	s12 =	sadd.s32 s12, s17;
	s1 =	sand.u32 $0x7F, s15  }
0x3a9: {  	s1 =	sor.u32 s1, s12;
	[tilespmem:s11+$0x169B0] =	vst v3  }
0x3aa: {  	v3 =	vld [tilespmem:s1+$0x0];
	_ =	sdelay $0x1  }
0x3ab: {  	s1 =	spop (v2sf)  }
0x3ac: {  	s13 =	sadd.s32 $0x6A00, s11;
	s17 =	sand.u32 $0xFFFFFF80, s1  }
0x3ad: {  	s18 =	sand.u32 $0x7F, s1;
	s12 =	sadd.s32 s17, s13  }
0x3ae: {  	s12 =	sor.u32 s18, s12;
	[tilespmem:s11+$0x169F0] =	vst v3  }
0x3af: {  	v3 =	vld [tilespmem:s12+$0x0];
	_ =	sdelay $0x1  }
0x3b0: {  	s12 =	spop (v2sf)  }
0x3b1: {  	s17 =	sadd.s32 $0xEA00, s11;
	s19 =	sand.u32 $0xFFFFFF80, s12  }
0x3b2: {  	s25 =	sand.u32 $0x7F, s12;
	s15 =	sadd.s32 s19, s17  }
0x3b3: {  	s15 =	sor.u32 s25, s15;
	[tilespmem:s11+$0x16A00] =	vst v3  }
0x3b4: {  	v3 =	vld [tilespmem:s15+$0x0];
	_ =	sdelay $0x1  }
0x3b5: {  	s19 =	sadd.s32 $0x10, s1  }
0x3b6: {  	s25 =	sand.u32 $0xFFFFFF80, s19  }
0x3b7: {  	s18 =	sadd.s32 s25, s13;
	s15 =	sand.u32 $0x7F, s19  }
0x3b8: {  	s15 =	sor.u32 s15, s18;
	[tilespmem:s11+$0x16A40] =	vst v3  }
0x3b9: {  	v3 =	vld [tilespmem:s15+$0x0];
	_ =	sdelay $0x1  }
0x3ba: {  	s19 =	sadd.s32 $0x10, s12  }
0x3bb: {  	s25 =	sand.u32 $0xFFFFFF80, s19  }
0x3bc: {  	s18 =	sadd.s32 s25, s17;
	s15 =	sand.u32 $0x7F, s19  }
0x3bd: {  	s15 =	sor.u32 s15, s18;
	[tilespmem:s11+$0x16A10] =	vst v3  }
0x3be: {  	v3 =	vld [tilespmem:s15+$0x0];
	_ =	sdelay $0x1  }
0x3bf: {  	s19 =	sadd.s32 $0x20, s1  }
0x3c0: {  	s25 =	sand.u32 $0xFFFFFF80, s19  }
0x3c1: {  	s18 =	sadd.s32 s25, s13;
	s15 =	sand.u32 $0x7F, s19  }
0x3c2: {  	s15 =	sor.u32 s15, s18;
	[tilespmem:s11+$0x16A50] =	vst v3  }
0x3c3: {  	v3 =	vld [tilespmem:s15+$0x0];
	_ =	sdelay $0x1  }
0x3c4: {  	s18 =	sadd.s32 $0x20, s12  }
0x3c5: {  	s19 =	sand.u32 $0xFFFFFF80, s18  }
0x3c6: {  	s15 =	sand.u32 $0x7F, s18;
	s18 =	sadd.s32 s19, s17  }
0x3c7: {  	(v2sf) =	vpush v2, $0x5;
	s15 =	sor.u32 s15, s18;
	[tilespmem:s11+$0x16A20] =	vst v3  }
0x3c8: {  	v3 =	vld [tilespmem:s15+$0x0];
	_ =	sdelay $0x1  }
0x3c9: {  	s1 =	sadd.s32 $0x30, s1  }
0x3ca: {  	s25 =	sand.u32 $0xFFFFFF80, s1  }
0x3cb: {  	s1 =	sand.u32 $0x7F, s1;
	s13 =	sadd.s32 s25, s13  }
0x3cc: {  	(v2sf) =	vpush v1, $0x5;
	s1 =	sor.u32 s1, s13;
	[tilespmem:s11+$0x16A60] =	vst v3  }
0x3cd: {  	v3 =	vld [tilespmem:s1+$0x0];
	_ =	sdelay $0x1  }
0x3ce: {  	s15 =	sadd.s32 $0x30, s12  }
0x3cf: {  	s12 =	sand.u32 $0xFFFFFF80, s15  }
0x3d0: {  	s12 =	sadd.s32 s12, s17;
	s1 =	sand.u32 $0x7F, s15  }
0x3d1: {  	s1 =	sor.u32 s1, s12;
	[tilespmem:s11+$0x16A30] =	vst v3  }
0x3d2: {  	v3 =	vld [tilespmem:s1+$0x0];
	_ =	sdelay $0x1  }
0x3d3: {  	s1 =	spop (v2sf)  }
0x3d4: {  	s13 =	sadd.s32 $0x6A80, s11;
	s17 =	sand.u32 $0xFFFFFF80, s1  }
0x3d5: {  	s18 =	sand.u32 $0x7F, s1;
	s12 =	sadd.s32 s17, s13  }
0x3d6: {  	s12 =	sor.u32 s18, s12;
	[tilespmem:s11+$0x16A70] =	vst v3  }
0x3d7: {  	v3 =	vld [tilespmem:s12+$0x0];
	_ =	sdelay $0x1  }
0x3d8: {  	s12 =	spop (v2sf)  }
0x3d9: {  	s17 =	sadd.s32 $0xEA80, s11;
	s19 =	sand.u32 $0xFFFFFF80, s12  }
0x3da: {  	s25 =	sand.u32 $0x7F, s12;
	s15 =	sadd.s32 s19, s17  }
0x3db: {  	s15 =	sor.u32 s25, s15;
	[tilespmem:s11+$0x16A80] =	vst v3  }
0x3dc: {  	v3 =	vld [tilespmem:s15+$0x0];
	_ =	sdelay $0x1  }
0x3dd: {  	s19 =	sadd.s32 $0x10, s1  }
0x3de: {  	s25 =	sand.u32 $0xFFFFFF80, s19  }
0x3df: {  	s18 =	sadd.s32 s25, s13;
	s15 =	sand.u32 $0x7F, s19  }
0x3e0: {  	s15 =	sor.u32 s15, s18;
	[tilespmem:s11+$0x16AC0] =	vst v3  }
0x3e1: {  	v3 =	vld [tilespmem:s15+$0x0];
	_ =	sdelay $0x1  }
0x3e2: {  	s19 =	sadd.s32 $0x10, s12  }
0x3e3: {  	s25 =	sand.u32 $0xFFFFFF80, s19  }
0x3e4: {  	s18 =	sadd.s32 s25, s17;
	s15 =	sand.u32 $0x7F, s19  }
0x3e5: {  	s15 =	sor.u32 s15, s18;
	[tilespmem:s11+$0x16A90] =	vst v3  }
0x3e6: {  	v3 =	vld [tilespmem:s15+$0x0];
	_ =	sdelay $0x1  }
0x3e7: {  	s19 =	sadd.s32 $0x20, s1  }
0x3e8: {  	s25 =	sand.u32 $0xFFFFFF80, s19  }
0x3e9: {  	s18 =	sadd.s32 s25, s13;
	s15 =	sand.u32 $0x7F, s19  }
0x3ea: {  	s15 =	sor.u32 s15, s18;
	[tilespmem:s11+$0x16AD0] =	vst v3  }
0x3eb: {  	v3 =	vld [tilespmem:s15+$0x0];
	_ =	sdelay $0x1  }
0x3ec: {  	s18 =	sadd.s32 $0x20, s12  }
0x3ed: {  	s19 =	sand.u32 $0xFFFFFF80, s18  }
0x3ee: {  	s15 =	sand.u32 $0x7F, s18;
	s18 =	sadd.s32 s19, s17  }
0x3ef: {  	(v2sf) =	vpush v2, $0x6;
	s15 =	sor.u32 s15, s18;
	[tilespmem:s11+$0x16AA0] =	vst v3  }
0x3f0: {  	v3 =	vld [tilespmem:s15+$0x0];
	_ =	sdelay $0x1  }
0x3f1: {  	s1 =	sadd.s32 $0x30, s1  }
0x3f2: {  	s25 =	sand.u32 $0xFFFFFF80, s1  }
0x3f3: {  	s1 =	sand.u32 $0x7F, s1;
	s13 =	sadd.s32 s25, s13  }
0x3f4: {  	(v2sf) =	vpush v1, $0x6;
	s1 =	sor.u32 s1, s13;
	[tilespmem:s11+$0x16AE0] =	vst v3  }
0x3f5: {  	v3 =	vld [tilespmem:s1+$0x0];
	_ =	sdelay $0x1  }
0x3f6: {  	s15 =	sadd.s32 $0x30, s12  }
0x3f7: {  	s12 =	sand.u32 $0xFFFFFF80, s15  }
0x3f8: {  	s12 =	sadd.s32 s12, s17;
	s1 =	sand.u32 $0x7F, s15  }
0x3f9: {  	s1 =	sor.u32 s1, s12;
	[tilespmem:s11+$0x16AB0] =	vst v3  }
0x3fa: {  	v3 =	vld [tilespmem:s1+$0x0];
	_ =	sdelay $0x1  }
0x3fb: {  	s1 =	spop (v2sf)  }
0x3fc: {  	s13 =	sadd.s32 $0x6B00, s11;
	s17 =	sand.u32 $0xFFFFFF80, s1  }
0x3fd: {  	s18 =	sand.u32 $0x7F, s1;
	s12 =	sadd.s32 s17, s13  }
0x3fe: {  	s12 =	sor.u32 s18, s12;
	[tilespmem:s11+$0x16AF0] =	vst v3  }
0x3ff: {  	v3 =	vld [tilespmem:s12+$0x0];
	_ =	sdelay $0x1  }
0x400: {  	s12 =	spop (v2sf)  }
0x401: {  	s17 =	sadd.s32 $0xEB00, s11;
	s19 =	sand.u32 $0xFFFFFF80, s12  }
0x402: {  	s25 =	sand.u32 $0x7F, s12;
	s15 =	sadd.s32 s19, s17  }
0x403: {  	s15 =	sor.u32 s25, s15;
	[tilespmem:s11+$0x16B00] =	vst v3  }
0x404: {  	v3 =	vld [tilespmem:s15+$0x0];
	_ =	sdelay $0x1  }
0x405: {  	s19 =	sadd.s32 $0x10, s1  }
0x406: {  	s25 =	sand.u32 $0xFFFFFF80, s19  }
0x407: {  	s18 =	sadd.s32 s25, s13;
	s15 =	sand.u32 $0x7F, s19  }
0x408: {  	s15 =	sor.u32 s15, s18;
	[tilespmem:s11+$0x16B40] =	vst v3  }
0x409: {  	v3 =	vld [tilespmem:s15+$0x0];
	_ =	sdelay $0x1  }
0x40a: {  	s19 =	sadd.s32 $0x10, s12  }
0x40b: {  	s25 =	sand.u32 $0xFFFFFF80, s19  }
0x40c: {  	s18 =	sadd.s32 s25, s17;
	s15 =	sand.u32 $0x7F, s19  }
0x40d: {  	s15 =	sor.u32 s15, s18;
	[tilespmem:s11+$0x16B10] =	vst v3  }
0x40e: {  	v3 =	vld [tilespmem:s15+$0x0];
	_ =	sdelay $0x1  }
0x40f: {  	s19 =	sadd.s32 $0x20, s1  }
0x410: {  	s25 =	sand.u32 $0xFFFFFF80, s19  }
0x411: {  	s18 =	sadd.s32 s25, s13;
	s15 =	sand.u32 $0x7F, s19  }
0x412: {  	s15 =	sor.u32 s15, s18;
	[tilespmem:s11+$0x16B50] =	vst v3  }
0x413: {  	v3 =	vld [tilespmem:s15+$0x0];
	_ =	sdelay $0x1  }
0x414: {  	s18 =	sadd.s32 $0x20, s12  }
0x415: {  	s19 =	sand.u32 $0xFFFFFF80, s18  }
0x416: {  	s15 =	sand.u32 $0x7F, s18;
	s18 =	sadd.s32 s19, s17  }
0x417: {  	(v2sf) =	vpush v2, $0x7;
	s15 =	sor.u32 s15, s18;
	[tilespmem:s11+$0x16B20] =	vst v3  }
0x418: {  	v3 =	vld [tilespmem:s15+$0x0];
	_ =	sdelay $0x1  }
0x419: {  	s1 =	sadd.s32 $0x30, s1  }
0x41a: {  	s25 =	sand.u32 $0xFFFFFF80, s1  }
0x41b: {  	s1 =	sand.u32 $0x7F, s1;
	s13 =	sadd.s32 s25, s13  }
0x41c: {  	(v2sf) =	vpush v1, $0x7;
	s1 =	sor.u32 s1, s13;
	[tilespmem:s11+$0x16B60] =	vst v3  }
0x41d: {  	v3 =	vld [tilespmem:s1+$0x0];
	_ =	sdelay $0x1  }
0x41e: {  	s15 =	sadd.s32 $0x30, s12  }
0x41f: {  	s12 =	sand.u32 $0xFFFFFF80, s15  }
0x420: {  	s12 =	sadd.s32 s12, s17;
	s1 =	sand.u32 $0x7F, s15  }
0x421: {  	s1 =	sor.u32 s1, s12;
	[tilespmem:s11+$0x16B30] =	vst v3  }
0x422: {  	v3 =	vld [tilespmem:s1+$0x0];
	_ =	sdelay $0x1  }
0x423: {  	s1 =	spop (v2sf)  }
0x424: {  	s13 =	sadd.s32 $0x6B80, s11;
	s17 =	sand.u32 $0xFFFFFF80, s1  }
0x425: {  	s18 =	sand.u32 $0x7F, s1;
	s12 =	sadd.s32 s17, s13  }
0x426: {  	s12 =	sor.u32 s18, s12;
	[tilespmem:s11+$0x16B70] =	vst v3  }
0x427: {  	v3 =	vld [tilespmem:s12+$0x0];
	_ =	sdelay $0x1  }
0x428: {  	s12 =	spop (v2sf)  }
0x429: {  	s17 =	sadd.s32 $0xEB80, s11;
	s19 =	sand.u32 $0xFFFFFF80, s12  }
0x42a: {  	s25 =	sand.u32 $0x7F, s12;
	s15 =	sadd.s32 s19, s17  }
0x42b: {  	s15 =	sor.u32 s25, s15;
	[tilespmem:s11+$0x16B80] =	vst v3  }
0x42c: {  	v3 =	vld [tilespmem:s15+$0x0];
	_ =	sdelay $0x1  }
0x42d: {  	s19 =	sadd.s32 $0x10, s1  }
0x42e: {  	s25 =	sand.u32 $0xFFFFFF80, s19  }
0x42f: {  	s18 =	sadd.s32 s25, s13;
	s15 =	sand.u32 $0x7F, s19  }
0x430: {  	s15 =	sor.u32 s15, s18;
	[tilespmem:s11+$0x16BC0] =	vst v3  }
0x431: {  	v3 =	vld [tilespmem:s15+$0x0];
	_ =	sdelay $0x1  }
0x432: {  	s19 =	sadd.s32 $0x10, s12  }
0x433: {  	s25 =	sand.u32 $0xFFFFFF80, s19  }
0x434: {  	s18 =	sadd.s32 s25, s17;
	s15 =	sand.u32 $0x7F, s19  }
0x435: {  	s15 =	sor.u32 s15, s18;
	[tilespmem:s11+$0x16B90] =	vst v3  }
0x436: {  	v3 =	vld [tilespmem:s15+$0x0];
	_ =	sdelay $0x1  }
0x437: {  	s19 =	sadd.s32 $0x20, s1  }
0x438: {  	s25 =	sand.u32 $0xFFFFFF80, s19  }
0x439: {  	s18 =	sadd.s32 s25, s13;
	s15 =	sand.u32 $0x7F, s19  }
0x43a: {  	s15 =	sor.u32 s15, s18;
	[tilespmem:s11+$0x16BD0] =	vst v3  }
0x43b: {  	v3 =	vld [tilespmem:s15+$0x0];
	_ =	sdelay $0x1  }
0x43c: {  	s18 =	sadd.s32 $0x20, s12  }
0x43d: {  	s19 =	sand.u32 $0xFFFFFF80, s18  }
0x43e: {  	s15 =	sand.u32 $0x7F, s18;
	s18 =	sadd.s32 s19, s17  }
0x43f: {  	(v2sf) =	vpush v2, $0x8;
	s15 =	sor.u32 s15, s18;
	[tilespmem:s11+$0x16BA0] =	vst v3  }
0x440: {  	v3 =	vld [tilespmem:s15+$0x0];
	_ =	sdelay $0x1  }
0x441: {  	s1 =	sadd.s32 $0x30, s1  }
0x442: {  	s25 =	sand.u32 $0xFFFFFF80, s1  }
0x443: {  	s1 =	sand.u32 $0x7F, s1;
	s13 =	sadd.s32 s25, s13  }
0x444: {  	(v2sf) =	vpush v1, $0x8;
	s1 =	sor.u32 s1, s13;
	[tilespmem:s11+$0x16BE0] =	vst v3  }
0x445: {  	v3 =	vld [tilespmem:s1+$0x0];
	_ =	sdelay $0x1  }
0x446: {  	s15 =	sadd.s32 $0x30, s12  }
0x447: {  	s12 =	sand.u32 $0xFFFFFF80, s15  }
0x448: {  	s12 =	sadd.s32 s12, s17;
	s1 =	sand.u32 $0x7F, s15  }
0x449: {  	s1 =	sor.u32 s1, s12;
	[tilespmem:s11+$0x16BB0] =	vst v3  }
0x44a: {  	v3 =	vld [tilespmem:s1+$0x0];
	_ =	sdelay $0x1  }
0x44b: {  	s1 =	spop (v2sf)  }
0x44c: {  	s13 =	sadd.s32 $0x6C00, s11;
	s17 =	sand.u32 $0xFFFFFF80, s1  }
0x44d: {  	s18 =	sand.u32 $0x7F, s1;
	s12 =	sadd.s32 s17, s13  }
0x44e: {  	s12 =	sor.u32 s18, s12;
	[tilespmem:s11+$0x16BF0] =	vst v3  }
0x44f: {  	v3 =	vld [tilespmem:s12+$0x0];
	_ =	sdelay $0x1  }
0x450: {  	s12 =	spop (v2sf)  }
0x451: {  	s17 =	sadd.s32 $0xEC00, s11;
	s19 =	sand.u32 $0xFFFFFF80, s12  }
0x452: {  	s25 =	sand.u32 $0x7F, s12;
	s15 =	sadd.s32 s19, s17  }
0x453: {  	s15 =	sor.u32 s25, s15;
	[tilespmem:s11+$0x16C00] =	vst v3  }
0x454: {  	v3 =	vld [tilespmem:s15+$0x0];
	_ =	sdelay $0x1  }
0x455: {  	s19 =	sadd.s32 $0x10, s1  }
0x456: {  	s25 =	sand.u32 $0xFFFFFF80, s19  }
0x457: {  	s18 =	sadd.s32 s25, s13;
	s15 =	sand.u32 $0x7F, s19  }
0x458: {  	s15 =	sor.u32 s15, s18;
	[tilespmem:s11+$0x16C40] =	vst v3  }
0x459: {  	v3 =	vld [tilespmem:s15+$0x0];
	_ =	sdelay $0x1  }
0x45a: {  	s19 =	sadd.s32 $0x10, s12  }
0x45b: {  	s25 =	sand.u32 $0xFFFFFF80, s19  }
0x45c: {  	s18 =	sadd.s32 s25, s17;
	s15 =	sand.u32 $0x7F, s19  }
0x45d: {  	s15 =	sor.u32 s15, s18;
	[tilespmem:s11+$0x16C10] =	vst v3  }
0x45e: {  	v3 =	vld [tilespmem:s15+$0x0];
	_ =	sdelay $0x1  }
0x45f: {  	s19 =	sadd.s32 $0x20, s1  }
0x460: {  	s25 =	sand.u32 $0xFFFFFF80, s19  }
0x461: {  	s18 =	sadd.s32 s25, s13;
	s15 =	sand.u32 $0x7F, s19  }
0x462: {  	s15 =	sor.u32 s15, s18;
	[tilespmem:s11+$0x16C50] =	vst v3  }
0x463: {  	v3 =	vld [tilespmem:s15+$0x0];
	_ =	sdelay $0x1  }
0x464: {  	s18 =	sadd.s32 $0x20, s12  }
0x465: {  	s19 =	sand.u32 $0xFFFFFF80, s18  }
0x466: {  	s15 =	sand.u32 $0x7F, s18;
	s18 =	sadd.s32 s19, s17  }
0x467: {  	(v2sf) =	vpush v2, $0x9;
	s15 =	sor.u32 s15, s18;
	[tilespmem:s11+$0x16C20] =	vst v3  }
0x468: {  	v3 =	vld [tilespmem:s15+$0x0];
	_ =	sdelay $0x1  }
0x469: {  	s1 =	sadd.s32 $0x30, s1  }
0x46a: {  	s25 =	sand.u32 $0xFFFFFF80, s1  }
0x46b: {  	s1 =	sand.u32 $0x7F, s1;
	s13 =	sadd.s32 s25, s13  }
0x46c: {  	(v2sf) =	vpush v1, $0x9;
	s1 =	sor.u32 s1, s13;
	[tilespmem:s11+$0x16C60] =	vst v3  }
0x46d: {  	v3 =	vld [tilespmem:s1+$0x0];
	_ =	sdelay $0x1  }
0x46e: {  	s15 =	sadd.s32 $0x30, s12  }
0x46f: {  	s12 =	sand.u32 $0xFFFFFF80, s15  }
0x470: {  	s12 =	sadd.s32 s12, s17;
	s1 =	sand.u32 $0x7F, s15  }
0x471: {  	s1 =	sor.u32 s1, s12;
	[tilespmem:s11+$0x16C30] =	vst v3  }
0x472: {  	v3 =	vld [tilespmem:s1+$0x0];
	_ =	sdelay $0x1  }
0x473: {  	s1 =	spop (v2sf)  }
0x474: {  	s13 =	sadd.s32 $0x6C80, s11;
	s17 =	sand.u32 $0xFFFFFF80, s1  }
0x475: {  	s18 =	sand.u32 $0x7F, s1;
	s12 =	sadd.s32 s17, s13  }
0x476: {  	s12 =	sor.u32 s18, s12;
	[tilespmem:s11+$0x16C70] =	vst v3  }
0x477: {  	v3 =	vld [tilespmem:s12+$0x0];
	_ =	sdelay $0x1  }
0x478: {  	s12 =	spop (v2sf)  }
0x479: {  	s17 =	sadd.s32 $0xEC80, s11;
	s19 =	sand.u32 $0xFFFFFF80, s12  }
0x47a: {  	s25 =	sand.u32 $0x7F, s12;
	s15 =	sadd.s32 s19, s17  }
0x47b: {  	s15 =	sor.u32 s25, s15;
	[tilespmem:s11+$0x16C80] =	vst v3  }
0x47c: {  	v3 =	vld [tilespmem:s15+$0x0];
	_ =	sdelay $0x1  }
0x47d: {  	s19 =	sadd.s32 $0x10, s1  }
0x47e: {  	s25 =	sand.u32 $0xFFFFFF80, s19  }
0x47f: {  	s18 =	sadd.s32 s25, s13;
	s15 =	sand.u32 $0x7F, s19  }
0x480: {  	s15 =	sor.u32 s15, s18;
	[tilespmem:s11+$0x16CC0] =	vst v3  }
0x481: {  	v3 =	vld [tilespmem:s15+$0x0];
	_ =	sdelay $0x1  }
0x482: {  	s19 =	sadd.s32 $0x10, s12  }
0x483: {  	s25 =	sand.u32 $0xFFFFFF80, s19  }
0x484: {  	s18 =	sadd.s32 s25, s17;
	s15 =	sand.u32 $0x7F, s19  }
0x485: {  	s15 =	sor.u32 s15, s18;
	[tilespmem:s11+$0x16C90] =	vst v3  }
0x486: {  	v3 =	vld [tilespmem:s15+$0x0];
	_ =	sdelay $0x1  }
0x487: {  	s19 =	sadd.s32 $0x20, s1  }
0x488: {  	s25 =	sand.u32 $0xFFFFFF80, s19  }
0x489: {  	s18 =	sadd.s32 s25, s13;
	s15 =	sand.u32 $0x7F, s19  }
0x48a: {  	s15 =	sor.u32 s15, s18;
	[tilespmem:s11+$0x16CD0] =	vst v3  }
0x48b: {  	v3 =	vld [tilespmem:s15+$0x0];
	_ =	sdelay $0x1  }
0x48c: {  	s18 =	sadd.s32 $0x20, s12  }
0x48d: {  	s19 =	sand.u32 $0xFFFFFF80, s18  }
0x48e: {  	s15 =	sand.u32 $0x7F, s18;
	s18 =	sadd.s32 s19, s17  }
0x48f: {  	(v2sf) =	vpush v2, $0xA;
	s15 =	sor.u32 s15, s18;
	[tilespmem:s11+$0x16CA0] =	vst v3  }
0x490: {  	v3 =	vld [tilespmem:s15+$0x0];
	_ =	sdelay $0x1  }
0x491: {  	s1 =	sadd.s32 $0x30, s1  }
0x492: {  	s25 =	sand.u32 $0xFFFFFF80, s1  }
0x493: {  	s1 =	sand.u32 $0x7F, s1;
	s13 =	sadd.s32 s25, s13  }
0x494: {  	(v2sf) =	vpush v1, $0xA;
	s1 =	sor.u32 s1, s13;
	[tilespmem:s11+$0x16CE0] =	vst v3  }
0x495: {  	v3 =	vld [tilespmem:s1+$0x0];
	_ =	sdelay $0x1  }
0x496: {  	s15 =	sadd.s32 $0x30, s12  }
0x497: {  	s12 =	sand.u32 $0xFFFFFF80, s15  }
0x498: {  	s12 =	sadd.s32 s12, s17;
	s1 =	sand.u32 $0x7F, s15  }
0x499: {  	s1 =	sor.u32 s1, s12;
	[tilespmem:s11+$0x16CB0] =	vst v3  }
0x49a: {  	v3 =	vld [tilespmem:s1+$0x0];
	_ =	sdelay $0x1  }
0x49b: {  	s1 =	spop (v2sf)  }
0x49c: {  	s13 =	sadd.s32 $0x6D00, s11;
	s17 =	sand.u32 $0xFFFFFF80, s1  }
0x49d: {  	s18 =	sand.u32 $0x7F, s1;
	s12 =	sadd.s32 s17, s13  }
0x49e: {  	s12 =	sor.u32 s18, s12;
	[tilespmem:s11+$0x16CF0] =	vst v3  }
0x49f: {  	v3 =	vld [tilespmem:s12+$0x0];
	_ =	sdelay $0x1  }
0x4a0: {  	s12 =	spop (v2sf)  }
0x4a1: {  	s17 =	sadd.s32 $0xED00, s11;
	s19 =	sand.u32 $0xFFFFFF80, s12  }
0x4a2: {  	s25 =	sand.u32 $0x7F, s12;
	s15 =	sadd.s32 s19, s17  }
0x4a3: {  	s15 =	sor.u32 s25, s15;
	[tilespmem:s11+$0x16D00] =	vst v3  }
0x4a4: {  	v3 =	vld [tilespmem:s15+$0x0];
	_ =	sdelay $0x1  }
0x4a5: {  	s19 =	sadd.s32 $0x10, s1  }
0x4a6: {  	s25 =	sand.u32 $0xFFFFFF80, s19  }
0x4a7: {  	s18 =	sadd.s32 s25, s13;
	s15 =	sand.u32 $0x7F, s19  }
0x4a8: {  	s15 =	sor.u32 s15, s18;
	[tilespmem:s11+$0x16D40] =	vst v3  }
0x4a9: {  	v3 =	vld [tilespmem:s15+$0x0];
	_ =	sdelay $0x1  }
0x4aa: {  	s19 =	sadd.s32 $0x10, s12  }
0x4ab: {  	s25 =	sand.u32 $0xFFFFFF80, s19  }
0x4ac: {  	s18 =	sadd.s32 s25, s17;
	s15 =	sand.u32 $0x7F, s19  }
0x4ad: {  	s15 =	sor.u32 s15, s18;
	[tilespmem:s11+$0x16D10] =	vst v3  }
0x4ae: {  	v3 =	vld [tilespmem:s15+$0x0];
	_ =	sdelay $0x1  }
0x4af: {  	s19 =	sadd.s32 $0x20, s1  }
0x4b0: {  	s25 =	sand.u32 $0xFFFFFF80, s19  }
0x4b1: {  	s18 =	sadd.s32 s25, s13;
	s15 =	sand.u32 $0x7F, s19  }
0x4b2: {  	s15 =	sor.u32 s15, s18;
	[tilespmem:s11+$0x16D50] =	vst v3  }
0x4b3: {  	v3 =	vld [tilespmem:s15+$0x0];
	_ =	sdelay $0x1  }
0x4b4: {  	s18 =	sadd.s32 $0x20, s12  }
0x4b5: {  	s19 =	sand.u32 $0xFFFFFF80, s18  }
0x4b6: {  	s15 =	sand.u32 $0x7F, s18;
	s18 =	sadd.s32 s19, s17  }
0x4b7: {  	(v2sf) =	vpush v2, $0xB;
	s15 =	sor.u32 s15, s18;
	[tilespmem:s11+$0x16D20] =	vst v3  }
0x4b8: {  	v3 =	vld [tilespmem:s15+$0x0];
	_ =	sdelay $0x1  }
0x4b9: {  	s1 =	sadd.s32 $0x30, s1  }
0x4ba: {  	s25 =	sand.u32 $0xFFFFFF80, s1  }
0x4bb: {  	s1 =	sand.u32 $0x7F, s1;
	s13 =	sadd.s32 s25, s13  }
0x4bc: {  	(v2sf) =	vpush v1, $0xB;
	s1 =	sor.u32 s1, s13;
	[tilespmem:s11+$0x16D60] =	vst v3  }
0x4bd: {  	v3 =	vld [tilespmem:s1+$0x0];
	_ =	sdelay $0x1  }
0x4be: {  	s15 =	sadd.s32 $0x30, s12  }
0x4bf: {  	s12 =	sand.u32 $0xFFFFFF80, s15  }
0x4c0: {  	s12 =	sadd.s32 s12, s17;
	s1 =	sand.u32 $0x7F, s15  }
0x4c1: {  	s1 =	sor.u32 s1, s12;
	[tilespmem:s11+$0x16D30] =	vst v3  }
0x4c2: {  	v3 =	vld [tilespmem:s1+$0x0];
	_ =	sdelay $0x1  }
0x4c3: {  	s1 =	spop (v2sf)  }
0x4c4: {  	s13 =	sadd.s32 $0x6D80, s11;
	s17 =	sand.u32 $0xFFFFFF80, s1  }
0x4c5: {  	s18 =	sand.u32 $0x7F, s1;
	s12 =	sadd.s32 s17, s13  }
0x4c6: {  	s12 =	sor.u32 s18, s12;
	[tilespmem:s11+$0x16D70] =	vst v3  }
0x4c7: {  	v3 =	vld [tilespmem:s12+$0x0];
	_ =	sdelay $0x1  }
0x4c8: {  	s12 =	spop (v2sf)  }
0x4c9: {  	s17 =	sadd.s32 $0xED80, s11;
	s19 =	sand.u32 $0xFFFFFF80, s12  }
0x4ca: {  	s25 =	sand.u32 $0x7F, s12;
	s15 =	sadd.s32 s19, s17  }
0x4cb: {  	s15 =	sor.u32 s25, s15;
	[tilespmem:s11+$0x16D80] =	vst v3  }
0x4cc: {  	v3 =	vld [tilespmem:s15+$0x0];
	_ =	sdelay $0x1  }
0x4cd: {  	s19 =	sadd.s32 $0x10, s1  }
0x4ce: {  	s25 =	sand.u32 $0xFFFFFF80, s19  }
0x4cf: {  	s18 =	sadd.s32 s25, s13;
	s15 =	sand.u32 $0x7F, s19  }
0x4d0: {  	s15 =	sor.u32 s15, s18;
	[tilespmem:s11+$0x16DC0] =	vst v3  }
0x4d1: {  	v3 =	vld [tilespmem:s15+$0x0];
	_ =	sdelay $0x1  }
0x4d2: {  	s19 =	sadd.s32 $0x10, s12  }
0x4d3: {  	s25 =	sand.u32 $0xFFFFFF80, s19  }
0x4d4: {  	s18 =	sadd.s32 s25, s17;
	s15 =	sand.u32 $0x7F, s19  }
0x4d5: {  	s15 =	sor.u32 s15, s18;
	[tilespmem:s11+$0x16D90] =	vst v3  }
0x4d6: {  	v3 =	vld [tilespmem:s15+$0x0];
	_ =	sdelay $0x1  }
0x4d7: {  	s19 =	sadd.s32 $0x20, s1  }
0x4d8: {  	s25 =	sand.u32 $0xFFFFFF80, s19  }
0x4d9: {  	s18 =	sadd.s32 s25, s13;
	s15 =	sand.u32 $0x7F, s19  }
0x4da: {  	s15 =	sor.u32 s15, s18;
	[tilespmem:s11+$0x16DD0] =	vst v3  }
0x4db: {  	v3 =	vld [tilespmem:s15+$0x0];
	_ =	sdelay $0x1  }
0x4dc: {  	s18 =	sadd.s32 $0x20, s12  }
0x4dd: {  	s19 =	sand.u32 $0xFFFFFF80, s18  }
0x4de: {  	s15 =	sand.u32 $0x7F, s18;
	s18 =	sadd.s32 s19, s17  }
0x4df: {  	(v2sf) =	vpush v2, $0xC;
	s15 =	sor.u32 s15, s18;
	[tilespmem:s11+$0x16DA0] =	vst v3  }
0x4e0: {  	v3 =	vld [tilespmem:s15+$0x0];
	_ =	sdelay $0x1  }
0x4e1: {  	s1 =	sadd.s32 $0x30, s1  }
0x4e2: {  	s25 =	sand.u32 $0xFFFFFF80, s1  }
0x4e3: {  	s1 =	sand.u32 $0x7F, s1;
	s13 =	sadd.s32 s25, s13  }
0x4e4: {  	(v2sf) =	vpush v1, $0xC;
	s1 =	sor.u32 s1, s13;
	[tilespmem:s11+$0x16DE0] =	vst v3  }
0x4e5: {  	v3 =	vld [tilespmem:s1+$0x0];
	_ =	sdelay $0x1  }
0x4e6: {  	s15 =	sadd.s32 $0x30, s12  }
0x4e7: {  	s12 =	sand.u32 $0xFFFFFF80, s15  }
0x4e8: {  	s12 =	sadd.s32 s12, s17;
	s1 =	sand.u32 $0x7F, s15  }
0x4e9: {  	s1 =	sor.u32 s1, s12;
	[tilespmem:s11+$0x16DB0] =	vst v3  }
0x4ea: {  	v3 =	vld [tilespmem:s1+$0x0];
	_ =	sdelay $0x1  }
0x4eb: {  	s1 =	spop (v2sf)  }
0x4ec: {  	s13 =	sadd.s32 $0x6E00, s11;
	s17 =	sand.u32 $0xFFFFFF80, s1  }
0x4ed: {  	s18 =	sand.u32 $0x7F, s1;
	s12 =	sadd.s32 s17, s13  }
0x4ee: {  	s12 =	sor.u32 s18, s12;
	[tilespmem:s11+$0x16DF0] =	vst v3  }
0x4ef: {  	v3 =	vld [tilespmem:s12+$0x0];
	_ =	sdelay $0x1  }
0x4f0: {  	s12 =	spop (v2sf)  }
0x4f1: {  	s17 =	sadd.s32 $0xEE00, s11;
	s19 =	sand.u32 $0xFFFFFF80, s12  }
0x4f2: {  	s25 =	sand.u32 $0x7F, s12;
	s15 =	sadd.s32 s19, s17  }
0x4f3: {  	s15 =	sor.u32 s25, s15;
	[tilespmem:s11+$0x16E00] =	vst v3  }
0x4f4: {  	v3 =	vld [tilespmem:s15+$0x0];
	_ =	sdelay $0x1  }
0x4f5: {  	s19 =	sadd.s32 $0x10, s1  }
0x4f6: {  	s25 =	sand.u32 $0xFFFFFF80, s19  }
0x4f7: {  	s18 =	sadd.s32 s25, s13;
	s15 =	sand.u32 $0x7F, s19  }
0x4f8: {  	s15 =	sor.u32 s15, s18;
	[tilespmem:s11+$0x16E40] =	vst v3  }
0x4f9: {  	v3 =	vld [tilespmem:s15+$0x0];
	_ =	sdelay $0x1  }
0x4fa: {  	s19 =	sadd.s32 $0x10, s12  }
0x4fb: {  	s25 =	sand.u32 $0xFFFFFF80, s19  }
0x4fc: {  	s18 =	sadd.s32 s25, s17;
	s15 =	sand.u32 $0x7F, s19  }
0x4fd: {  	s15 =	sor.u32 s15, s18;
	[tilespmem:s11+$0x16E10] =	vst v3  }
0x4fe: {  	v3 =	vld [tilespmem:s15+$0x0];
	_ =	sdelay $0x1  }
0x4ff: {  	s19 =	sadd.s32 $0x20, s1  }
0x500: {  	s25 =	sand.u32 $0xFFFFFF80, s19  }
0x501: {  	s18 =	sadd.s32 s25, s13;
	s15 =	sand.u32 $0x7F, s19  }
0x502: {  	s15 =	sor.u32 s15, s18;
	[tilespmem:s11+$0x16E50] =	vst v3  }
0x503: {  	v3 =	vld [tilespmem:s15+$0x0];
	_ =	sdelay $0x1  }
0x504: {  	s18 =	sadd.s32 $0x20, s12  }
0x505: {  	s19 =	sand.u32 $0xFFFFFF80, s18  }
0x506: {  	s15 =	sand.u32 $0x7F, s18;
	s18 =	sadd.s32 s19, s17  }
0x507: {  	(v2sf) =	vpush v2, $0xD;
	s15 =	sor.u32 s15, s18;
	[tilespmem:s11+$0x16E20] =	vst v3  }
0x508: {  	v3 =	vld [tilespmem:s15+$0x0];
	_ =	sdelay $0x1  }
0x509: {  	s1 =	sadd.s32 $0x30, s1  }
0x50a: {  	s25 =	sand.u32 $0xFFFFFF80, s1  }
0x50b: {  	s1 =	sand.u32 $0x7F, s1;
	s13 =	sadd.s32 s25, s13  }
0x50c: {  	(v2sf) =	vpush v1, $0xD;
	s1 =	sor.u32 s1, s13;
	[tilespmem:s11+$0x16E60] =	vst v3  }
0x50d: {  	v3 =	vld [tilespmem:s1+$0x0];
	_ =	sdelay $0x1  }
0x50e: {  	s15 =	sadd.s32 $0x30, s12  }
0x50f: {  	s12 =	sand.u32 $0xFFFFFF80, s15  }
0x510: {  	s12 =	sadd.s32 s12, s17;
	s1 =	sand.u32 $0x7F, s15  }
0x511: {  	s1 =	sor.u32 s1, s12;
	[tilespmem:s11+$0x16E30] =	vst v3  }
0x512: {  	v3 =	vld [tilespmem:s1+$0x0];
	_ =	sdelay $0x1  }
0x513: {  	s1 =	spop (v2sf)  }
0x514: {  	s13 =	sadd.s32 $0x6E80, s11;
	s17 =	sand.u32 $0xFFFFFF80, s1  }
0x515: {  	s18 =	sand.u32 $0x7F, s1;
	s12 =	sadd.s32 s17, s13  }
0x516: {  	s12 =	sor.u32 s18, s12;
	[tilespmem:s11+$0x16E70] =	vst v3  }
0x517: {  	v3 =	vld [tilespmem:s12+$0x0];
	_ =	sdelay $0x1  }
0x518: {  	s12 =	spop (v2sf)  }
0x519: {  	s17 =	sadd.s32 $0xEE80, s11;
	s19 =	sand.u32 $0xFFFFFF80, s12  }
0x51a: {  	s25 =	sand.u32 $0x7F, s12;
	s15 =	sadd.s32 s19, s17  }
0x51b: {  	s15 =	sor.u32 s25, s15;
	[tilespmem:s11+$0x16E80] =	vst v3  }
0x51c: {  	v3 =	vld [tilespmem:s15+$0x0];
	_ =	sdelay $0x1  }
0x51d: {  	s19 =	sadd.s32 $0x10, s1  }
0x51e: {  	s25 =	sand.u32 $0xFFFFFF80, s19  }
0x51f: {  	s18 =	sadd.s32 s25, s13;
	s15 =	sand.u32 $0x7F, s19  }
0x520: {  	s15 =	sor.u32 s15, s18;
	[tilespmem:s11+$0x16EC0] =	vst v3  }
0x521: {  	v3 =	vld [tilespmem:s15+$0x0];
	_ =	sdelay $0x1  }
0x522: {  	s19 =	sadd.s32 $0x10, s12  }
0x523: {  	s25 =	sand.u32 $0xFFFFFF80, s19  }
0x524: {  	s18 =	sadd.s32 s25, s17;
	s15 =	sand.u32 $0x7F, s19  }
0x525: {  	s15 =	sor.u32 s15, s18;
	[tilespmem:s11+$0x16E90] =	vst v3  }
0x526: {  	v3 =	vld [tilespmem:s15+$0x0];
	_ =	sdelay $0x1  }
0x527: {  	s19 =	sadd.s32 $0x20, s1  }
0x528: {  	s25 =	sand.u32 $0xFFFFFF80, s19  }
0x529: {  	s18 =	sadd.s32 s25, s13;
	s15 =	sand.u32 $0x7F, s19  }
0x52a: {  	s15 =	sor.u32 s15, s18;
	[tilespmem:s11+$0x16ED0] =	vst v3  }
0x52b: {  	v3 =	vld [tilespmem:s15+$0x0];
	_ =	sdelay $0x1  }
0x52c: {  	s18 =	sadd.s32 $0x20, s12  }
0x52d: {  	s19 =	sand.u32 $0xFFFFFF80, s18  }
0x52e: {  	s15 =	sand.u32 $0x7F, s18;
	s18 =	sadd.s32 s19, s17  }
0x52f: {  	(v2sf) =	vpush v2, $0xE;
	s15 =	sor.u32 s15, s18;
	[tilespmem:s11+$0x16EA0] =	vst v3  }
0x530: {  	v3 =	vld [tilespmem:s15+$0x0];
	_ =	sdelay $0x1  }
0x531: {  	s1 =	sadd.s32 $0x30, s1  }
0x532: {  	s25 =	sand.u32 $0xFFFFFF80, s1  }
0x533: {  	s1 =	sand.u32 $0x7F, s1;
	s13 =	sadd.s32 s25, s13  }
0x534: {  	(v2sf) =	vpush v1, $0xE;
	s1 =	sor.u32 s1, s13;
	[tilespmem:s11+$0x16EE0] =	vst v3  }
0x535: {  	v3 =	vld [tilespmem:s1+$0x0];
	_ =	sdelay $0x1  }
0x536: {  	s15 =	sadd.s32 $0x30, s12  }
0x537: {  	s12 =	sand.u32 $0xFFFFFF80, s15  }
0x538: {  	s12 =	sadd.s32 s12, s17;
	s1 =	sand.u32 $0x7F, s15  }
0x539: {  	s1 =	sor.u32 s1, s12;
	[tilespmem:s11+$0x16EB0] =	vst v3  }
0x53a: {  	v3 =	vld [tilespmem:s1+$0x0];
	_ =	sdelay $0x1  }
0x53b: {  	s1 =	spop (v2sf)  }
0x53c: {  	s13 =	sadd.s32 $0x6F00, s11;
	s17 =	sand.u32 $0xFFFFFF80, s1  }
0x53d: {  	s18 =	sand.u32 $0x7F, s1;
	s12 =	sadd.s32 s17, s13  }
0x53e: {  	s12 =	sor.u32 s18, s12;
	[tilespmem:s11+$0x16EF0] =	vst v3  }
0x53f: {  	v3 =	vld [tilespmem:s12+$0x0];
	_ =	sdelay $0x1  }
0x540: {  	s12 =	spop (v2sf)  }
0x541: {  	s17 =	sadd.s32 $0xEF00, s11;
	s19 =	sand.u32 $0xFFFFFF80, s12  }
0x542: {  	s25 =	sand.u32 $0x7F, s12;
	s15 =	sadd.s32 s19, s17  }
0x543: {  	s15 =	sor.u32 s25, s15;
	[tilespmem:s11+$0x16F00] =	vst v3  }
0x544: {  	v3 =	vld [tilespmem:s15+$0x0];
	_ =	sdelay $0x1  }
0x545: {  	s19 =	sadd.s32 $0x10, s1  }
0x546: {  	s25 =	sand.u32 $0xFFFFFF80, s19  }
0x547: {  	s18 =	sadd.s32 s25, s13;
	s15 =	sand.u32 $0x7F, s19  }
0x548: {  	s15 =	sor.u32 s15, s18;
	[tilespmem:s11+$0x16F40] =	vst v3  }
0x549: {  	v3 =	vld [tilespmem:s15+$0x0];
	_ =	sdelay $0x1  }
0x54a: {  	s19 =	sadd.s32 $0x10, s12  }
0x54b: {  	s25 =	sand.u32 $0xFFFFFF80, s19  }
0x54c: {  	s18 =	sadd.s32 s25, s17;
	s15 =	sand.u32 $0x7F, s19  }
0x54d: {  	s15 =	sor.u32 s15, s18;
	[tilespmem:s11+$0x16F10] =	vst v3  }
0x54e: {  	v3 =	vld [tilespmem:s15+$0x0];
	_ =	sdelay $0x1  }
0x54f: {  	s19 =	sadd.s32 $0x20, s1  }
0x550: {  	s25 =	sand.u32 $0xFFFFFF80, s19  }
0x551: {  	s18 =	sadd.s32 s25, s13;
	s15 =	sand.u32 $0x7F, s19  }
0x552: {  	s15 =	sor.u32 s15, s18;
	[tilespmem:s11+$0x16F50] =	vst v3  }
0x553: {  	v3 =	vld [tilespmem:s15+$0x0];
	_ =	sdelay $0x1  }
0x554: {  	s18 =	sadd.s32 $0x20, s12  }
0x555: {  	s19 =	sand.u32 $0xFFFFFF80, s18  }
0x556: {  	s15 =	sand.u32 $0x7F, s18;
	s18 =	sadd.s32 s19, s17  }
0x557: {  	(v2sf) =	vpush v2, $0xF;
	s15 =	sor.u32 s15, s18;
	[tilespmem:s11+$0x16F20] =	vst v3  }
0x558: {  	v2 =	vld [tilespmem:s15+$0x0];
	_ =	sdelay $0x1  }
0x559: {  	s1 =	sadd.s32 $0x30, s1  }
0x55a: {  	s25 =	sand.u32 $0xFFFFFF80, s1  }
0x55b: {  	s1 =	sand.u32 $0x7F, s1;
	s13 =	sadd.s32 s25, s13  }
0x55c: {  	(v2sf) =	vpush v1, $0xF;
	s1 =	sor.u32 s1, s13;
	[tilespmem:s11+$0x16F60] =	vst v2  }
0x55d: {  	v1 =	vld [tilespmem:s1+$0x0];
	_ =	sdelay $0x1  }
0x55e: {  	s15 =	sadd.s32 $0x30, s12  }
0x55f: {  	s12 =	sand.u32 $0xFFFFFF80, s15  }
0x560: {  	s12 =	sadd.s32 s12, s17;
	s1 =	sand.u32 $0x7F, s15  }
0x561: {  	s1 =	sor.u32 s1, s12;
	[tilespmem:s11+$0x16F30] =	vst v1  }
0x562: {  	v1 =	vld [tilespmem:s1+$0x0];
	_ =	sdelay $0x1  }
0x563: {  	s1 =	spop (v2sf)  }
0x564: {  	s13 =	sadd.s32 $0x6F80, s11;
	s17 =	sand.u32 $0xFFFFFF80, s1  }
0x565: {  	s18 =	sand.u32 $0x7F, s1;
	s12 =	sadd.s32 s17, s13  }
0x566: {  	s12 =	sor.u32 s18, s12;
	[tilespmem:s11+$0x16F70] =	vst v1  }
0x567: {  	v1 =	vld [tilespmem:s12+$0x0];
	_ =	sdelay $0x1  }
0x568: {  	s12 =	spop (v2sf)  }
0x569: {  	s17 =	sadd.s32 $0xEF80, s11;
	s19 =	sand.u32 $0xFFFFFF80, s12  }
0x56a: {  	s25 =	sand.u32 $0x7F, s12;
	s15 =	sadd.s32 s19, s17  }
0x56b: {  	s15 =	sor.u32 s25, s15;
	[tilespmem:s11+$0x16F80] =	vst v1  }
0x56c: {  	v1 =	vld [tilespmem:s15+$0x0];
	_ =	sdelay $0x1  }
0x56d: {  	s19 =	sadd.s32 $0x10, s1  }
0x56e: {  	s25 =	sand.u32 $0xFFFFFF80, s19  }
0x56f: {  	s18 =	sadd.s32 s25, s13;
	s15 =	sand.u32 $0x7F, s19  }
0x570: {  	s15 =	sor.u32 s15, s18;
	[tilespmem:s11+$0x16FC0] =	vst v1  }
0x571: {  	v1 =	vld [tilespmem:s15+$0x0];
	_ =	sdelay $0x1  }
0x572: {  	s19 =	sadd.s32 $0x10, s12  }
0x573: {  	s25 =	sand.u32 $0xFFFFFF80, s19  }
0x574: {  	s18 =	sadd.s32 s25, s17;
	s15 =	sand.u32 $0x7F, s19  }
0x575: {  	s15 =	sor.u32 s15, s18;
	[tilespmem:s11+$0x16F90] =	vst v1  }
0x576: {  	v1 =	vld [tilespmem:s15+$0x0];
	_ =	sdelay $0x1  }
0x577: {  	s19 =	sadd.s32 $0x20, s1  }
0x578: {  	s25 =	sand.u32 $0xFFFFFF80, s19  }
0x579: {  	s18 =	sadd.s32 s25, s13;
	s15 =	sand.u32 $0x7F, s19  }
0x57a: {  	s15 =	sor.u32 s15, s18;
	[tilespmem:s11+$0x16FD0] =	vst v1  }
0x57b: {  	v1 =	vld [tilespmem:s15+$0x0];
	_ =	sdelay $0x1  }
0x57c: {  	s19 =	sadd.s32 $0x20, s12  }
0x57d: {  	s25 =	sand.u32 $0xFFFFFF80, s19  }
0x57e: {  	s18 =	sadd.s32 s25, s17;
	s15 =	sand.u32 $0x7F, s19  }
0x57f: {  	s15 =	sor.u32 s15, s18;
	[tilespmem:s11+$0x16FA0] =	vst v1  }
0x580: {  	v1 =	vld [tilespmem:s15+$0x0];
	_ =	sdelay $0x1  }
0x581: {  	s1 =	sadd.s32 $0x30, s1  }
0x582: {  	s19 =	sand.u32 $0xFFFFFF80, s1  }
0x583: {  	s1 =	sand.u32 $0x7F, s1;
	s13 =	sadd.s32 s19, s13  }
0x584: {  	s1 =	sor.u32 s1, s13;
	[tilespmem:s11+$0x16FE0] =	vst v1  }
0x585: {  	v1 =	vld [tilespmem:s1+$0x0];
	_ =	sdelay $0x1  }
0x586: {  	s25 =	sadd.s32 $0x30, s12  }
0x587: {  	s12 =	sand.u32 $0xFFFFFF80, s25  }
0x588: {  	s12 =	sadd.s32 s12, s17;
	s1 =	sand.u32 $0x7F, s25  }
0x589: {  	s1 =	sor.u32 s1, s12;
	[tilespmem:s11+$0x16FB0] =	vst v1  }
0x58a: {  	p0 =	sne.s32 s10, $0x7;
	v1 =	vld [tilespmem:s1+$0x0]  }
.Ltmp4:
0x58b: {  	_ = 	snop;
	(pc) =	sbr.rel @p0 .LBB2_9-.Ltmp4, $2  }
0x58c: {  	_ =	sdelay $0x2  }
0x58d: {  	s10 =	sadd.s32 $0x1, s10;
	[tilespmem:s11+$0x16FF0] =	vst v1  }
0x58e: {  	s1 =	sshll.u32 s16, $0xE  }
0x58f: {  	s1 =	sadd.s32 s14, s1  }
0x590: {  	s10 =	sadd.s32 @!p1 $0x3, s24;
	s1 =	sshrl.u32 s1, $0x3  }
0x591: {  	s11 =	smulhi.u32 @!p1 $0x66666667, s10;
	s1 =	sadd.s32 s9, s1  }
0x592: {  	[hbm4b:s1+s3] =	stream.linear.scatter [tilespmem:s0], [sflag:$0x6], $0x4000, $0x38;
	[tilespmem:$0x1A800] =	vst v63  }
0x593: {  	s1 =	sshrl.u32 @!p1 s11, $0x2  }
0x594: {  	s11 =	smul.u32 @!p1 $0xA, s1;
	s1 =	sand.u32 @!p1 $0x1, s1  }
0x595: {  	s23 =	sadd.s32 $0x1, s23;
	p0 =	seq.s32 @!p1 s1, $0x1  }
0x596: {  	s1 =	ssub.s32 @!p1 s10, s11;
	s10 =	simm.s32 @!p1 $0x500;
	p0 =	por !p0, p1  }
0x597: {  	s10 =	simm.s32 @p0 $0x0;
	p0 =	sne.s32 s23, $0x32  }
.Ltmp5:
0x598: {  	s11 =	simm.s32 @!p1 $0x6800;
	s1 =	sshll.u32 @!p1 s1, $0x7;
	(pc) =	sbr.rel @p0 .LBB2_2-.Ltmp5, $4  }
.Ltmp6:
0x599: {  	s1 =	sadd.s32 @!p1 s1, s10;
	s10 =	simm.s32 @!p1 $0x80;
	(pc) =	sbr.rel @!p0 .LBB2_11-.Ltmp6, $4  }
0x59a: {  	[tilespmem:s11], [sflag:$0x2] =	stream.indirect.gather @!p1 [hbm4b:s2+s10], $0x80, s1, s10, $0xb8;
	[tilespmem:$0x1A800] =	vst v63  }
0x59b: {  	s1 =	sadd.s32 @!p1 $0xA00, s1;
	s11 =	simm.s32 @!p1 $0xE800  }
0x59c: {  	[tilespmem:s11], [sflag:$0x4] =	stream.indirect.gather @!p1 [hbm4b:s2+s10], $0x80, s1, s10, $0xb8;
	[tilespmem:$0x1A800] =	vst v63  }
0x59d: {  	_ = 	snop  }
.LBB2_6:
0x59e: {  	p2 =	seq.s32 s23, $0x31  }
.Ltmp7:
0x59f: {  	_ = 	snop;
	(pc) =	sbr.rel @p2 .LBB2_8-.Ltmp7, $4  }
.Ltmp8:
0x5a0: {  	_ = 	snop;
	(pc) =	sbr.rel @!p2 .LBB2_7-.Ltmp8, $4  }
0x5a1: {  	_ = 	snop  }
0x5a2: {  	_ = 	snop  }
0x5a3: {  	p1 =	por $0x1, $0x1  }
0x5a4: {  	_ = 	snop  }
.LBB2_12:
0x5a5: {  	_ =	sfence.sel $0x180000  }
0x5a6: {  	[bflag:$0x0] =	sbarrier.arrive $0xFFFF  }
0x5a7: {  	_ =	strace $0x90000047  }
0x5a8: {  	s0 =	stileid.u32;
	[bflag:$0x2] =	sbarrier.arrive $0xFFFF  }
0x5a9: {  	p0 =	sne.s32 s0, $0x0;
	s0 =	rddreg [dreg:$0x2]  }
0x5aa: {  	s0 =	sadd.s32 @!p0 $0x100000, s0  }
0x5ab: {  	[sflag:s0] =	ssyncadd.tile.s32 @!p0 $0x1;
	_ =	shalt  }
.Lfunc_end2:
_tile_overlayer_lowered:
.L_overlay_start_2:
0x5ac: {  	(tag) =	ssettag $0x2  }
0x5ad: {  	s0 =	rddreg [dreg:$0x0];
	s2 =	stileid.u32  }
0x5ae: {  	s1 =	rddreg [dreg:$0x1];
	p0 =	sne.s32 s2, $0x0  }
0x5af: {  	s3 =	rddreg [dreg:$0x2];
	[bflag:$0x3] =	sbarrier.arrive $0xFFFF;
	s2 =	simm.s32 @!p0 $0x1C08  }
0x5b0: {  	[timem:s3], [sflag:s2] =	dma.local @!p0 [hbm:s0], s1  }
0x5b1: {  	s0 =	simm.s32 @!p0 $0x8  }
0x5b2: {  	_ =	swait.ge @!p0 [sflag:s0], s1  }
0x5b3: {  	s1 =	ssub.s32 @!p0 $0x0, s1;
	[sflag:s0] =	ssyncset.done @!p0 $0x0  }
0x5b4: {  	[sflag:s0] =	ssyncadd.s32 @!p0 s1  }
0x5b5: {  	[bflag:$0x3] =	sbarrier.arrive $0xFFFF  }
0x5b6: {  	_ =	shalt  }

// kernel: sparse-core-data-format-call.cloned.1.call-start
scs
called_computation_lowered:
.L_overlay_start_0:
0x0: {  	s2 =	sld [smem:$0x3FD9]  }
0x1: {  	s3 =	sld [smem:$0x3FFE];
	_ =	sdelay $0x1  }
0x2: {  	s1 =	srdreg.scid  }
0x3: {  	s0 =	sand.u32 $0x1, s1  }
0x4: {  	s18 =	sshll.u32 s0, $0xA;
	s2 =	sadd.s32 s3, s2  }
0x5: {  	s2 =	sadd.s32 s2, s18  }
0x6: {  	[smem:$0x3FC4] =	sst s2  }
0x7: {  	_ = 	snop  }
0x8: {  	s2 =	sld [smem:$0x3FD0];
	(tm) =	ssettm $0x1  }
0x9: {  	s19 =	sld [smem:$0x3FFB];
	_ =	sdelay $0x3  }
0xa: {  	_ =	strace s19  }
0xb: {  	s3 =	sld [smem:$0x3FFC];
	_ =	sdelay $0x3  }
0xc: {  	_ =	strace s3  }
0xd: {  	s3 =	sld [smem:$0x3FFD];
	_ =	sdelay $0x3  }
0xe: {  	_ =	strace s3  }
0xf: {  	_ =	strace $0x8FFFFFFF  }
0x10: {  	s20 =	sld [smem:$0x3FDB];
	_ =	sdelay $0x1  }
0x11: {  	s4 =	simm.s32 $_scs_section_size  }
0x12: {  	s5 =	simm.s32 $_size__tile_overlayer_lowered;
	s6 =	simm.s32 $_tile_overlayer_lowered  }
0x13: {  	s23 =	simm.s32 $0x1BFF;
	s22 =	sshll.u32 s6, $0x1;
	s3 =	sadd.s32 s4, s20  }
0x14: {  	s7 =	simm.s32 $0x0;
	s21 =	sshll.u32 s5, $0x1;
	s5 =	sadd.s32 s22, s3  }
0x15: {  	[timem:s7], [sflag:s23] =	dma.local [hbm:s5], s21  }
0x16: {  	_ =	swait.ge [sflag:s23], s21  }
0x17: {  	s4 =	ssub.s32 $0x0, s21;
	[sflag:s23] =	ssyncset.done $0x0  }
0x18: {  	[sflag:s23] =	ssyncadd.s32 s4;
	_ =	sdelay $0x1  }
0x19: {  	s24 =	simm.s32 $0x1B8B  }
0x1a: {  	_ =	swait.ge [sflag:s24], $0x1  }
0x1b: {  	[sflag:s24] =	ssyncset.done $0x0  }
0x1c: {  	s26 =	simm.s32 $0x1B8E;
	s25 =	sld [smem:$0x3FFE];
	[sflag:s24] =	ssyncadd.s32 $0xFFFFFFFF  }
0x1d: {  	s27 =	simm.s32 $execute0_lowered;
	[smem:$0x3FD2] =	sst s26  }
0x1e: {  	s5 =	sshll.u32 s27, $0x1;
	_ =	strace $0x80000049;
	[dreg:$0x1] =	wrdreg $0xFFFFFFFF  }
0x1f: {  	s28 =	simm.s32 $_size_execute0_lowered;
	s3 =	sadd.s32 s3, s5;
	[dreg:$0x0] =	wrdreg $0x0  }
0x20: {  	s5 =	sshll.u32 s28, $0x1;
	[dreg:$0x2] =	wrdreg s3  }
0x21: {  	[dreg:$0x3] =	wrdreg s5  }
0x22: {  	[dreg:$0x4] =	wrdreg $0xC0  }
0x23: {  	_ =	task [dreg:s7], $0x5FFFF  }
0x24: {  	[dreg:$0x1] =	wrdreg $0xFFFFFFFF  }
0x25: {  	[dreg:$0x0] =	wrdreg $0x60  }
0x26: {  	[dreg:$0x2] =	wrdreg s25  }
0x27: {  	[dreg:$0x3] =	wrdreg s2  }
0x28: {  	[dreg:$0x4] =	wrdreg $0x9  }
0x29: {  	_ =	task.clear_ibuf [dreg:s7], $0x5FFFF;
	_ =	strace $0x90000049  }
0x2a: {  	s29 =	simm.s32 $0x9;
	_ =	strace $0x8000004B  }
0x2b: {  	_ =	swait.ge [sflag:s29], $0x1  }
0x2c: {  	[sflag:s29] =	ssyncadd.s32 $0xFFFFFFFF  }
0x2d: {  	_ =	strace $0x9000004B  }
0x2e: {  	_ =	sfence  }
0x2f: {  	s30 =	sld [smem:$0x0];
	_ =	sdelay $0x2  }
0x30: {  	s31 =	sshll.u32 s1, $0xD;
	s1 =	sshrl.u32 s1, $0x2  }
0x31: {  	s3 =	sand.u32 $0x4000, s31;
	s1 =	sadd.s32 s1, s30  }
0x32: {  	s0 =	sor.u32 s3, s0;
	s1 =	sshll.u32 s1, $0x11  }
0x33: {  	s0 =	sor.u32 s1, s0  }
0x34: {  	s0 =	sadd.s32 $0x8F2B, s0  }
0x35: {  	[sflag:s0] =	ssyncadd.remote.s32 $0x1  }
0x36: {  	_ =	sfence.sel $0xFFFF  }
0x37: {  	[dreg:$0x0] =	wrdreg $0xFFFFFFFF;
	(pc) =	sbr.abs _section_cstart, $3  }
0x38: {  	[dreg:$0x1] =	wrdreg $0xFFFFFFFF  }
0x39: {  	_ =	task.clear_ibuf [dreg:s7], $0x2FFFF;
	_ =	strace $0x9FFFFFFF  }
0x3a: {  	(tm) =	ssettm $0x7FFFFFFF  }
0x3b: {  	_ =	shalt  }
tec
execute0_lowered:
.L_overlay_start_1:
0x0: {  	(tag) =	ssettag $0x1  }
0x1: {  	s0 =	srdreg.scid  }
0x2: {  	s1 =	sshll.u32 s0, $0x4  }
0x3: {  	s0 =	stileid.u32;
	s1 =	sand.u32 $0x10, s1  }
0x4: {  	s1 =	sor.u32 s0, s1  }
0x5: {  	s6 =	rddreg [dreg:$0x0];
	s4 =	simm.s32 $0x1;
	s2 =	sshll.u32 s1, $0x6  }
0x6: {  	s7 =	simm.s32 $0x2;
	s13 =	simm.s32 $0x0;
	s1 =	ssub.s32 $0x4000, s2  }
0x7: {  	s8 =	simm.s32 $0x2000;
	s9 =	simm.s32 $0x200000;
	s3 =	sand.u32 $0x7C0, s1  }
0x8: {  	s14 =	simm.s32 $0x0;
	s5 =	sshrl.u32 s1, $0xB;
	p0 =	sne.s32 s3, $0x0  }
.Ltmp0:
0x9: {  	s1 =	rddreg [dreg:$0x2];
	s4 =	simm.s32 @!p0 $0x0;
	(pc) =	sbr.rel .LBB1_1-.Ltmp0, $4  }
0xa: {  	s10 =	simm.s32 $0x0;
	s3 =	rddreg [dreg:$0x1];
	s5 =	sadd.s32 s4, s5  }
0xb: {  	_ =	strace $0x8000004A;
	s4 =	simm.s32 $0x1;
	s5 =	smul.u32 $0x19, s5  }
0xc: {  	s12 =	simm.s32 $0x0;
	s6 =	sadd.s32 $0x1000, s6;
	[sflag:s4] =	ssyncpa.u1 $0x0  }
0xd: {  	s11 =	smov.u32 s2;
	[sflag:s7] =	ssyncpa.u1 $0x0;
	s7 =	sadd.s32 $0x1, s5  }
.LBB1_7:
0xe: {  	s15 =	sadd.s32 $0x2, s10  }
0xf: {  	s13 =	sadd.s32 $0x800, s11;
	s17 =	smov.u32 s11;
	p1 =	sgt.s32 s15, $0x31  }
0x10: {  	s17 =	smov.u32 @p1 s13  }
0x11: {  	s15 =	simm.s32 @p1 $0x0;
	p1 =	sgt.s32 s17, $0x3FFF  }
0x12: {  	s17 =	smov.u32 @p1 s2;
	p1 =	sne.s32 s12, s7  }
.Ltmp1:
0x13: {  	p0 =	slt.u32 s12, $0x2;
	(pc) =	sbr.rel @!p1 .LBB1_8-.Ltmp1, $4  }
0x14: {  	s16 =	simm.s32 @!p0 $0x2  }
0x15: {  	s14 =	smov.u32 s11;
	_ =	swait.ge @!p0 [sflag:s16], $0x4000  }
0x16: {  	s13 =	smov.u32 s10;
	[sflag:s16] =	ssyncset.done @!p0 $0x0;
	s10 =	smov.u32 s15  }
0x17: {  	s12 =	sadd.s32 $0x1, s12;
	[sflag:s16] =	ssyncadd.s32 @!p0 $0xFFFFC000;
	s11 =	smov.u32 s17  }
.LBB1_1:
0x18: {  	p0 =	sge.u32 s12, s5  }
0x19: {  	s15 =	sand.u32 @!p0 $0x1FFFFFF, s10  }
0x1a: {  	s16 =	smulhi.u32 @!p0 $0x4924925, s15;
	_ =	sdelay $0x1  }
0x1b: {  	s16 =	smul.u32 @!p0 $0x38, s16  }
0x1c: {  	s17 =	sxor.u32 @!p0 $0xFFFFFFFF, s12;
	s18 =	smul.u32 @!p0 $0x380, s11  }
0x1d: {  	s31 =	sadd.s32 $0xFFFFFFFF, s12;
	s17 =	sshll.u32 @!p0 s17, $0xE;
	s15 =	ssub.s32 @!p0 s15, s16  }
0x1e: {  	s16 =	sand.u32 @!p0 $0x4000, s17;
	s17 =	sadd.s32 @!p0 s6, s18;
	s15 =	sshll.u32 @!p0 s15, $0x4  }
0x1f: {  	s18 =	simm.s32 @!p0 $0x1C00;
	s15 =	sadd.s32 @!p0 s15, s17;
	s17 =	simm.s32 @!p0 $0x100  }
0x20: {  	[tilespmem:s16], [sflag:$0x1] =	stream.strided.gather @!p0 [hbm4b:s15+s17], $0x4000, s18, s17, $0x38;
	[tilespmem:$0x10000] =	vst v63  }
0x21: {  	p0 =	sge.u32 s31, s5  }
.Ltmp2:
0x22: {  	_ = 	snop;
	(pc) =	sbr.rel @p0 .LBB1_7-.Ltmp2, $1  }
0x23: {  	_ =	sdelay $0x3  }
0x24: {  	_ =	swait.ge [sflag:s4], $0x4000;
	s15 =	sshll.u32 s12, $0xE  }
0x25: {  	[sflag:s4] =	ssyncset.done $0x0;
	s16 =	sand.u32 $0x4000, s15  }
0x26: {  	s17 =	simm.s32 $0x0;
	[sflag:s4] =	ssyncadd.s32 $0xFFFFC000;
	s15 =	sor.u32 $0x8000, s16  }
.LBB1_3:
0x27: {  	s18 =	sshll.u32 s17, $0x8  }
0x28: {  	s18 =	sand.u32 $0x3FFFFF00, s18  }
0x29: {  	s19 =	sshll.u32 s17, $0x7;
	s18 =	sadd.s32 s18, s16  }
0x2a: {  	s19 =	sand.u32 $0x3FFFFF80, s19;
	v0 =	vmov s18  }
0x2b: {  	s19 =	sadd.s32 s19, s15  }
0x2c: {  	p0 =	por $0x1, $0x1;
	v1 =	vmov s19;
	s18 =	simm.s32 $0x0  }
.LBB1_4:
0x2d: {  	s19 =	sshll.u32 s18, $0x7  }
0x2e: {  	s19 =	sand.u32 $0x3FFFFF80, s19  }
0x2f: {  	v2 =	vld.idx.msk [tilespmem:v0+s19+$0x0 ss:$0x1], $0xffff  }
0x30: {  	v3 =	vld.idx.msk [tilespmem:v0+s19+$0x10 ss:$0x1], $0xffff  }
0x31: {  	v4 =	vld.idx.msk [tilespmem:v0+s19+$0x20 ss:$0x1], $0xffff  }
0x32: {  	s31 =	sshll.u32 s18, $0xD;
	v5 =	vld.idx.msk [tilespmem:v0+s19+$0x30 ss:$0x1], $0xffff  }
0x33: {  	s18 =	sand.u32 $0x3FFFE000, s31;
	v6 =	vld.idx.msk [tilespmem:v0+s19+$0x40 ss:$0x1], $0xffff  }
0x34: {  	v63 =	vld.idx.msk [tilespmem:v0+s19+$0x70 ss:$0x1], $0xffff;
	[tilespmem:v1+s18+$0x0 ss:$0x1] =	vst.idx.msk $0xffff, v2  }
0x35: {  	v2 =	vld.idx.msk [tilespmem:v0+s19+$0x50 ss:$0x1], $0xffff;
	[tilespmem:v1+s18+$0x10 ss:$0x1] =	vst.idx.msk $0xffff, v3  }
0x36: {  	p1 =	por p0, p0;
	v3 =	vld.idx.msk [tilespmem:v0+s19+$0x60 ss:$0x1], $0xffff;
	[tilespmem:v1+s18+$0x20 ss:$0x1] =	vst.idx.msk $0xffff, v4  }
.Ltmp3:
0x37: {  	[tilespmem:v1+s18+$0x30 ss:$0x1] =	vst.idx.msk $0xffff, v5;
	(pc) =	sbr.rel @p1 .LBB1_4-.Ltmp3, $4  }
0x38: {  	[tilespmem:v1+s18+$0x40 ss:$0x1] =	vst.idx.msk $0xffff, v6  }
0x39: {  	[tilespmem:v1+s18+$0x70 ss:$0x1] =	vst.idx.msk $0xffff, v63  }
0x3a: {  	[tilespmem:v1+s18+$0x50 ss:$0x1] =	vst.idx.msk $0xffff, v2  }
0x3b: {  	p0 =	por $0x0, $0x0;
	[tilespmem:v1+s18+$0x60 ss:$0x1] =	vst.idx.msk $0xffff, v3;
	s18 =	simm.s32 $0x1  }
0x3c: {  	s17 =	sadd.s32 $0x1, s17  }
0x3d: {  	p0 =	sne.s32 s17, $0x40  }
.Ltmp4:
0x3e: {  	_ = 	snop;
	(pc) =	sbr.rel @p0 .LBB1_3-.Ltmp4, $1  }
0x3f: {  	_ =	sdelay $0x3  }
.Ltmp5:
0x40: {  	s14 =	sshll.u32 s14, $0x4;
	(pc) =	sbr.rel .LBB1_7-.Ltmp5, $4  }
0x41: {  	s14 =	sand.u32 $0x3FFF0, s14  }
0x42: {  	s13 =	sshll.u32 s13, $0x12;
	s14 =	sadd.s32 s3, s14  }
0x43: {  	s13 =	sadd.s32 s13, s14  }
0x44: {  	[hbm4b:s13+s8] =	stream.strided.scatter [tilespmem:s15], [sflag:$0x2], $0x4000, s9, s8, $0x38;
	[tilespmem:$0x10000] =	vst v63  }
.LBB1_8:
0x45: {  	_ =	sfence.sel $0x180000  }
0x46: {  	s2 =	simm.s32 $0x1;
	[bflag:$0x0] =	sbarrier.arrive $0xFFFF  }
0x47: {  	s31 =	simm.s32 $0x2;
	[sflag:s2] =	ssyncpa.u1 $0x1  }
0x48: {  	[sflag:s31] =	ssyncpa.u1 $0x1  }
0x49: {  	p0 =	sne.s32 s0, $0x0;
	_ =	strace $0x9000004A  }
0x4a: {  	s0 =	sadd.s32 @!p0 $0x100000, s1;
	[bflag:$0x2] =	sbarrier.arrive $0xFFFF  }
0x4b: {  	[sflag:s0] =	ssyncadd.tile.s32 @!p0 $0x1;
	_ =	shalt  }
.Lfunc_end1:
_tile_overlayer_lowered:
.L_overlay_start_2:
0x4c: {  	(tag) =	ssettag $0x2  }
0x4d: {  	s0 =	rddreg [dreg:$0x0];
	s2 =	stileid.u32  }
0x4e: {  	s1 =	rddreg [dreg:$0x1];
	p0 =	sne.s32 s2, $0x0  }
0x4f: {  	s3 =	rddreg [dreg:$0x2];
	[bflag:$0x3] =	sbarrier.arrive $0xFFFF;
	s2 =	simm.s32 @!p0 $0x1C01  }
0x50: {  	[timem:s3], [sflag:s2] =	dma.local @!p0 [hbm:s0], s1  }
0x51: {  	s0 =	simm.s32 @!p0 $0x1  }
0x52: {  	_ =	swait.ge @!p0 [sflag:s0], s1  }
0x53: {  	s1 =	ssub.s32 @!p0 $0x0, s1;
	[sflag:s0] =	ssyncset.done @!p0 $0x0  }
0x54: {  	[sflag:s0] =	ssyncadd.s32 @!p0 s1  }
0x55: {  	[bflag:$0x3] =	sbarrier.arrive $0xFFFF  }
0x56: {  	_ =	shalt  }

</sc_bundles>
